<compile_context>
chip_gen: v7x
topology: tpu7x:2x2x1
jax: 0.10.2.dev20260603
libtpu: 0.0.44.dev20260713+nightly
codegen_flags: <defaults>
</compile_context>

<pallas_src>
import jax
import jax.numpy as jnp
from jax import lax
from jax.experimental import pallas as pl
from jax.experimental.pallas import tpu as pltpu
from jax.experimental.pallas import tpu_sc as plsc

_B, _N, _NQ, _C, _NS = 16, 4096, 1024, 128, 32
_R2 = 0.25 * 0.25
_QPW = 512
_CO = _C + 3
_NP = _C // 2


def _qg_body(xyz_f, new_f, feats, out,
             px, py, pz, qx, qy, qz, tmp, idxb,
             fa0, fa1, fb0, fb1, oa0, oa1, ob0, ob1,
             semfa, semfb, semoa, semob):
    cid = lax.axis_index("c")
    sid = lax.axis_index("s")
    wid = sid * 2 + cid
    b = wid // 2
    half = wid % 2
    q0 = half * _QPW

    def frow_src(ch):
        return feats.at[pl.ds((b * _C + ch) * _N, _N)]

    def out_dst(ch):
        return out.at[b, ch, :, pl.ds(q0, _QPW)]

    pltpu.async_copy(frow_src(0), fa0, semfa)
    pltpu.async_copy(frow_src(1), fa1, semfa)
    pltpu.async_copy(frow_src(2), fb0, semfb)
    pltpu.async_copy(frow_src(3), fb1, semfb)

    pltpu.sync_copy(xyz_f.at[pl.ds((b * 3 + 0) * _N, _N)], px)
    pltpu.sync_copy(xyz_f.at[pl.ds((b * 3 + 1) * _N, _N)], py)
    pltpu.sync_copy(xyz_f.at[pl.ds((b * 3 + 2) * _N, _N)], pz)
    pltpu.sync_copy(new_f.at[pl.ds((b * 3 + 0) * _NQ + q0, _QPW)], qx)
    pltpu.sync_copy(new_f.at[pl.ds((b * 3 + 1) * _NQ + q0, _QPW)], qy)
    pltpu.sync_copy(new_f.at[pl.ds((b * 3 + 2) * _NQ + q0, _QPW)], qz)

    lanes = lax.iota(jnp.int32, 16)

    def per_query(q, _):
        qsplat = jnp.full((16,), q, jnp.int32)
        qxv = plsc.load_gather(qx, [qsplat])
        qyv = plsc.load_gather(qy, [qsplat])
        qzv = plsc.load_gather(qz, [qsplat])

        def cond(st):
            i, offv = st
            return jnp.logical_and(i < _N // 128, jnp.any(offv < _NS))

        def body(st):
            i, offv = st
            base = i * 128
            cs, ms, ts = [], [], []
            for k in range(8):
                pxv = px[pl.ds(base + k * 16, 16)]
                pyv = py[pl.ds(base + k * 16, 16)]
                pzv = pz[pl.ds(base + k * 16, 16)]
                dx = qxv - pxv
                dy = qyv - pyv
                dz = qzv - pzv
                d = dx * dx + dy * dy + dz * dz
                m = d < _R2
                cs.append(plsc.cumsum(m.astype(jnp.int32)))
                ts.append(plsc.all_reduce_population_count(m))
                ms.append(m)
            for k in range(8):
                pos = offv + cs[k] - 1
                wm = jnp.logical_and(ms[k], pos < _NS)
                plsc.store_scatter(tmp, [pos], lanes + (base + k * 16), mask=wm)
                offv = offv + ts[k]
            return i + 1, offv

        _, offv = lax.while_loop(
            cond, body, (jnp.int32(0), jnp.zeros((16,), jnp.int32)))
        cntv = jnp.minimum(offv, _NS)
        v0 = tmp[pl.ds(0, 16)]
        v1 = tmp[pl.ds(16, 16)]
        firstv = plsc.load_gather(tmp, [jnp.zeros((16,), jnp.int32)])
        padv = jnp.where(cntv > 0, firstv, 0)
        f0 = jnp.where(lanes < cntv, v0, padv)
        f1 = jnp.where(lanes + 16 < cntv, v1, padv)
        plsc.store_scatter(idxb, [lanes * _QPW + q], f0)
        plsc.store_scatter(idxb, [(lanes + 16) * _QPW + q], f1)
        return 0

    lax.fori_loop(0, _QPW, per_query, 0)

    def gather_quad(rs, os):
        def qb_body(qb, _):
            qbase = qb * 16
            for g in range(_NS // 16):
                ivs = [idxb[pl.ds((g * 16 + j) * _QPW + qbase, 16)]
                       for j in range(16)]
                for r, o in zip(rs, os):
                    vs = [plsc.load_gather(r, [iv]) for iv in ivs]
                    for j in range(16):
                        o[g * 16 + j, pl.ds(qbase, 16)] = vs[j]
            return 0

        lax.fori_loop(0, _QPW // 16, qb_body, 0)

    def wait_frow(f0, f1, sem, ch):
        pltpu.make_async_copy(frow_src(ch), f0, sem).wait()
        pltpu.make_async_copy(frow_src(ch + 1), f1, sem).wait()

    def wait_out(o0, o1, sem, ch):
        pltpu.make_async_copy(o0, out_dst(ch), sem).wait()
        pltpu.make_async_copy(o1, out_dst(ch + 1), sem).wait()

    def ring_body(i, _):
        cha = 4 * i
        wait_frow(fa0, fa1, semfa, cha)
        wait_frow(fb0, fb1, semfb, cha + 2)

        @pl.when(i > 0)
        def _():
            wait_out(oa0, oa1, semoa, cha - 4)
            wait_out(ob0, ob1, semob, cha - 2)

        gather_quad((fa0, fa1, fb0, fb1), (oa0, oa1, ob0, ob1))
        pltpu.async_copy(oa0, out_dst(cha), semoa)
        pltpu.async_copy(oa1, out_dst(cha + 1), semoa)
        pltpu.async_copy(ob0, out_dst(cha + 2), semob)
        pltpu.async_copy(ob1, out_dst(cha + 3), semob)

        @pl.when(i < _NP // 2 - 1)
        def _():
            pltpu.async_copy(frow_src(cha + 4), fa0, semfa)
            pltpu.async_copy(frow_src(cha + 5), fa1, semfa)
            pltpu.async_copy(frow_src(cha + 6), fb0, semfb)
            pltpu.async_copy(frow_src(cha + 7), fb1, semfb)
        return 0

    lax.fori_loop(0, _NP // 2, ring_body, 0)
    wait_out(oa0, oa1, semoa, _C - 4)
    wait_out(ob0, ob1, semob, _C - 2)

    def xyz_body(qb, _):
        qbase = qb * 16
        qsvs = [qrow[pl.ds(qbase, 16)] for qrow in (qx, qy, qz)]
        for g in range(_NS // 8):
            ivs = [idxb[pl.ds((g * 8 + j) * _QPW + qbase, 16)]
                   for j in range(8)]
            for prow, qsv, o in zip((px, py, pz), qsvs, (oa0, oa1, ob0)):
                vs = [plsc.load_gather(prow, [iv]) - qsv for iv in ivs]
                for j in range(8):
                    o[g * 8 + j, pl.ds(qbase, 16)] = vs[j]
        return 0

    lax.fori_loop(0, _QPW // 16, xyz_body, 0)
    pltpu.sync_copy(oa0, out_dst(_C + 0))
    pltpu.sync_copy(oa1, out_dst(_C + 1))
    pltpu.sync_copy(ob0, out_dst(_C + 2))


def kernel(xyz, new_xyz, features):
    xyz_f = jnp.transpose(xyz, (0, 2, 1)).reshape(-1)
    new_f = jnp.transpose(new_xyz, (0, 2, 1)).reshape(-1)
    feats_f = features.reshape(-1)
    mesh = plsc.VectorSubcoreMesh(core_axis_name="c", subcore_axis_name="s")
    out = pl.kernel(
        _qg_body,
        out_type=jax.ShapeDtypeStruct((_B, _CO, _NS, _NQ), jnp.float32),
        mesh=mesh,
        compiler_params=pltpu.CompilerParams(needs_layout_passes=False),
        scratch_types=[
            pltpu.VMEM((_N,), jnp.float32),
            pltpu.VMEM((_N,), jnp.float32),
            pltpu.VMEM((_N,), jnp.float32),
            pltpu.VMEM((_QPW,), jnp.float32),
            pltpu.VMEM((_QPW,), jnp.float32),
            pltpu.VMEM((_QPW,), jnp.float32),
            pltpu.VMEM((_NS,), jnp.int32),
            pltpu.VMEM((_QPW * _NS,), jnp.int32),
            pltpu.VMEM((_N,), jnp.float32),
            pltpu.VMEM((_N,), jnp.float32),
            pltpu.VMEM((_N,), jnp.float32),
            pltpu.VMEM((_N,), jnp.float32),
            pltpu.VMEM((_NS, _QPW), jnp.float32),
            pltpu.VMEM((_NS, _QPW), jnp.float32),
            pltpu.VMEM((_NS, _QPW), jnp.float32),
            pltpu.VMEM((_NS, _QPW), jnp.float32),
            pltpu.SemaphoreType.DMA,
            pltpu.SemaphoreType.DMA,
            pltpu.SemaphoreType.DMA,
            pltpu.SemaphoreType.DMA,
        ],
    )(xyz_f, new_f, feats_f)
    return jnp.swapaxes(out, 2, 3)

# --- scband reference (transcript-rebuilt; emitter-appended) ---
"""Pipeline reference for scband-query-and-group-6811818131732 (READ-ONLY COPY).

The authoritative reference and input builder live on the scoring server;
editing this copy changes nothing except your own understanding.
"""

import jax, jax.numpy as jnp
import numpy as np

RADIUS = 0.25
NSAMPLE = 32


def _ball_query(radius, nsample, xyz, new_xyz):
    # xyz: (B, N, 3), new_xyz: (B, npoint, 3)
    N = xyz.shape[1]
    diff = new_xyz[:, :, None, :] - xyz[:, None, :, :]
    dist2 = jnp.sum(diff * diff, axis=-1)  # (B, npoint, N)
    within = dist2 < (radius * radius)
    # first-come ordering like the CUDA ball_query: score = index if within else N
    score = jnp.where(within, jnp.arange(N, dtype=jnp.int32)[None, None, :], jnp.int32(N))
    _, idx = jax.lax.top_k(-score, nsample)  # indices of nsample smallest scores
    counts = jnp.sum(within.astype(jnp.int32), axis=-1)
    slot = jnp.arange(nsample, dtype=jnp.int32)
    valid = slot[None, None, :] < counts[..., None]
    first = idx[..., :1]
    idx = jnp.where(valid, idx, first)  # pad empty slots with first neighbor (CUDA semantics)
    counts = jnp.minimum(counts, nsample)
    return jax.lax.stop_gradient(idx), counts


def _group(features, idx):
    # features: (B, C, N), idx: (B, npoint, nsample) -> (B, C, npoint, nsample)
    return jax.vmap(lambda f, i: f[:, i])(features, idx)


def setup_inputs(seed: int = 0) -> dict:
    key = jax.random.key(seed)
    k1, k2, k3 = jax.random.split(key, 3)
    xyz = jax.random.uniform(k1, (16, 4096, 3), dtype=jnp.float32)
    new_xyz = jax.random.uniform(k2, (16, 1024, 3), dtype=jnp.float32)
    features = jax.random.normal(k3, (16, 128, 4096), dtype=jnp.float32)
    return {"xyz": xyz, "new_xyz": new_xyz, "features": features}


def reference(xyz, new_xyz, features):
    # QueryAndGroup.forward with neighbor_def='radius', subset=True,
    # use_xyz=True, include_abs_coordinate=False, include_center_coordinate=False
    idx, counts = _ball_query(RADIUS, NSAMPLE, xyz, new_xyz)
    xyz_trans = jnp.transpose(xyz, (0, 2, 1))  # (B, 3, N)
    abs_xyz = _group(xyz_trans, idx)  # (B, 3, npoint, nsample)
    new_xyz_trans = jnp.transpose(new_xyz, (0, 2, 1))[..., None]  # (B, 3, npoint, 1)
    relative_xyz = abs_xyz - new_xyz_trans
    grouped_xyz = relative_xyz
    grouped_features = _group(features, idx)  # (B, C, npoint, nsample)
    new_features = jnp.concatenate([grouped_features, grouped_xyz], axis=1)
    return new_features

if __name__ == "__main__":
    import jax
    _d = setup_inputs()
    print(jax.jit(kernel)(*tuple(_d.values())))

</pallas_src>

<mosaic_0001>
#map = affine_map<(d0, d1) -> (0)>
#map1 = affine_map<(d0, d1) -> (0, 0, 0, 0)>
module attributes {stable_mosaic.version = 14 : i64} {
  func.func @_qg_body(%arg0: i32, %arg1: i32, %arg2: memref<196608xf32, #tpu.memory_space<hbm>>, %arg3: memref<49152xf32, #tpu.memory_space<hbm>>, %arg4: memref<8388608xf32, #tpu.memory_space<hbm>>, %arg5: memref<16x131x32x1024xf32, #tpu.memory_space<hbm>>, %arg6: memref<4096xf32, #tpu.memory_space<vmem>>, %arg7: memref<4096xf32, #tpu.memory_space<vmem>>, %arg8: memref<4096xf32, #tpu.memory_space<vmem>>, %arg9: memref<512xf32, #tpu.memory_space<vmem>>, %arg10: memref<512xf32, #tpu.memory_space<vmem>>, %arg11: memref<512xf32, #tpu.memory_space<vmem>>, %arg12: memref<32xi32, #tpu.memory_space<vmem>>, %arg13: memref<16384xi32, #tpu.memory_space<vmem>>, %arg14: memref<4096xf32, #tpu.memory_space<vmem>>, %arg15: memref<4096xf32, #tpu.memory_space<vmem>>, %arg16: memref<4096xf32, #tpu.memory_space<vmem>>, %arg17: memref<4096xf32, #tpu.memory_space<vmem>>, %arg18: memref<32x512xf32, #tpu.memory_space<vmem>>, %arg19: memref<32x512xf32, #tpu.memory_space<vmem>>, %arg20: memref<32x512xf32, #tpu.memory_space<vmem>>, %arg21: memref<32x512xf32, #tpu.memory_space<vmem>>, %arg22: memref<!tpu.dma_semaphore, #tpu.memory_space<semaphore_mem>>, %arg23: memref<!tpu.dma_semaphore, #tpu.memory_space<semaphore_mem>>, %arg24: memref<!tpu.dma_semaphore, #tpu.memory_space<semaphore_mem>>, %arg25: memref<!tpu.dma_semaphore, #tpu.memory_space<semaphore_mem>>) attributes {dimension_semantics = [#tpu.dimension_semantics<core_parallel>, #tpu.dimension_semantics<subcore_parallel>], iteration_bounds = array<i64: 2, 16>, scalar_prefetch = 0 : i64, scratch_operands = 20 : i64, tpu.core_type = #tpu.core_type<sc_vector_subcore>, window_params = [{transform_indices = #map}, {transform_indices = #map}, {transform_indices = #map}, {transform_indices = #map1}]} {
    %mul3A = arith.constant 2 : i32
    %mul3A_0 = arith.muli %arg1, %mul3A : i32
    %add3A = arith.addi %mul3A_0, %arg0 : i32
    %jit3A = arith.constant 2 : i32
    %div3A = arith.divsi %add3A, %jit3A : i32
    %sign3A = arith.constant 0 : i32
    %sign3A_1 = arith.cmpi sgt, %add3A, %sign3A : i32
    %sign3A_2 = arith.extui %sign3A_1 : i1 to i32
    %sign3A_3 = arith.constant 0 : i32
    %sign3A_4 = arith.cmpi slt, %add3A, %sign3A_3 : i32
    %sign3A_5 = arith.extui %sign3A_4 : i1 to i32
    %sign3A_6 = arith.subi %sign3A_2, %sign3A_5 : i32
    %sign3A_7 = arith.constant 0 : i32
    %sign3A_8 = arith.cmpi sgt, %jit3A, %sign3A_7 : i32
    %sign3A_9 = arith.extui %sign3A_8 : i1 to i32
    %sign3A_10 = arith.constant 0 : i32
    %sign3A_11 = arith.cmpi slt, %jit3A, %sign3A_10 : i32
    %sign3A_12 = arith.extui %sign3A_11 : i1 to i32
    %sign3A_13 = arith.subi %sign3A_9, %sign3A_12 : i32
    %ne3A = arith.cmpi ne, %sign3A_6, %sign3A_13 : i32
    %rem3A = arith.remsi %add3A, %jit3A : i32
    %ne3A_14 = arith.constant 0 : i32
    %ne3A_15 = arith.cmpi ne, %rem3A, %ne3A_14 : i32
    %and3A = arith.andi %ne3A, %ne3A_15 : i1
    %sub3A = arith.constant 1 : i32
    %sub3A_16 = arith.subi %div3A, %sub3A : i32
    %select_n3A = arith.select %and3A, %sub3A_16, %div3A : i32
    %jit3A_17 = arith.constant 2 : i32
    %eq3A = arith.constant 0 : i32
    %eq3A_18 = arith.cmpi eq, %jit3A_17, %eq3A : i32
    %jit3A_19 = arith.constant 1 : i32
    %select_n3A_20 = arith.select %eq3A_18, %jit3A_19, %jit3A_17 : i32
    %rem3A_21 = arith.remsi %add3A, %select_n3A_20 : i32
    %ne3A_22 = arith.constant 0 : i32
    %ne3A_23 = arith.cmpi ne, %rem3A_21, %ne3A_22 : i32
    %lt3A = arith.constant 0 : i32
    %lt3A_24 = arith.cmpi slt, %rem3A_21, %lt3A : i32
    %lt3A_25 = arith.constant 0 : i32
    %lt3A_26 = arith.cmpi slt, %select_n3A_20, %lt3A_25 : i32
    %ne3A_27 = arith.xori %lt3A_24, %lt3A_26 : i1
    %and3A_28 = arith.andi %ne3A_27, %ne3A_23 : i1
    %add3A_29 = arith.addi %rem3A_21, %select_n3A_20 : i32
    %select_n3A_30 = arith.select %and3A_28, %add3A_29, %rem3A_21 : i32
    %mul3A_31 = arith.constant 512 : i32
    %mul3A_32 = arith.muli %select_n3A_30, %mul3A_31 : i32
    %mul3A_33 = arith.constant 128 : i32
    %mul3A_34 = arith.muli %select_n3A, %mul3A_33 : i32
    %add3A_35 = arith.constant 0 : i32
    %add3A_36 = arith.addi %mul3A_34, %add3A_35 : i32
    %mul3A_37 = arith.constant 4096 : i32
    %mul3A_38 = arith.muli %add3A_36, %mul3A_37 : i32
    %dma_start3A = tpu.memref_slice %arg4[%mul3A_38] : memref<8388608xf32, #tpu.memory_space<hbm>> -> memref<4096xf32, #tpu.memory_space<hbm>>
    %dma_start3A_39 = tpu.memref_slice %arg4[%mul3A_38] : memref<8388608xf32, #tpu.memory_space<hbm>> -> memref<4096xf32, #tpu.memory_space<hbm>>
    tpu.enqueue_dma source(%dma_start3A_39 : memref<4096xf32, #tpu.memory_space<hbm>>) target(%arg14 : memref<4096xf32, #tpu.memory_space<vmem>>) target_semaphore(%arg22 : memref<!tpu.dma_semaphore, #tpu.memory_space<semaphore_mem>>)
    %mul3A_40 = arith.constant 128 : i32
    %mul3A_41 = arith.muli %select_n3A, %mul3A_40 : i32
    %add3A_42 = arith.constant 1 : i32
    %add3A_43 = arith.addi %mul3A_41, %add3A_42 : i32
    %mul3A_44 = arith.constant 4096 : i32
    %mul3A_45 = arith.muli %add3A_43, %mul3A_44 : i32
    %dma_start3A_46 = tpu.memref_slice %arg4[%mul3A_45] : memref<8388608xf32, #tpu.memory_space<hbm>> -> memref<4096xf32, #tpu.memory_space<hbm>>
    %dma_start3A_47 = tpu.memref_slice %arg4[%mul3A_45] : memref<8388608xf32, #tpu.memory_space<hbm>> -> memref<4096xf32, #tpu.memory_space<hbm>>
    tpu.enqueue_dma source(%dma_start3A_47 : memref<4096xf32, #tpu.memory_space<hbm>>) target(%arg15 : memref<4096xf32, #tpu.memory_space<vmem>>) target_semaphore(%arg22 : memref<!tpu.dma_semaphore, #tpu.memory_space<semaphore_mem>>)
    %mul3A_48 = arith.constant 128 : i32
    %mul3A_49 = arith.muli %select_n3A, %mul3A_48 : i32
    %add3A_50 = arith.constant 2 : i32
    %add3A_51 = arith.addi %mul3A_49, %add3A_50 : i32
    %mul3A_52 = arith.constant 4096 : i32
    %mul3A_53 = arith.muli %add3A_51, %mul3A_52 : i32
    %dma_start3A_54 = tpu.memref_slice %arg4[%mul3A_53] : memref<8388608xf32, #tpu.memory_space<hbm>> -> memref<4096xf32, #tpu.memory_space<hbm>>
    %dma_start3A_55 = tpu.memref_slice %arg4[%mul3A_53] : memref<8388608xf32, #tpu.memory_space<hbm>> -> memref<4096xf32, #tpu.memory_space<hbm>>
    tpu.enqueue_dma source(%dma_start3A_55 : memref<4096xf32, #tpu.memory_space<hbm>>) target(%arg16 : memref<4096xf32, #tpu.memory_space<vmem>>) target_semaphore(%arg23 : memref<!tpu.dma_semaphore, #tpu.memory_space<semaphore_mem>>)
    %mul3A_56 = arith.constant 128 : i32
    %mul3A_57 = arith.muli %select_n3A, %mul3A_56 : i32
    %add3A_58 = arith.constant 3 : i32
    %add3A_59 = arith.addi %mul3A_57, %add3A_58 : i32
    %mul3A_60 = arith.constant 4096 : i32
    %mul3A_61 = arith.muli %add3A_59, %mul3A_60 : i32
    %dma_start3A_62 = tpu.memref_slice %arg4[%mul3A_61] : memref<8388608xf32, #tpu.memory_space<hbm>> -> memref<4096xf32, #tpu.memory_space<hbm>>
    %dma_start3A_63 = tpu.memref_slice %arg4[%mul3A_61] : memref<8388608xf32, #tpu.memory_space<hbm>> -> memref<4096xf32, #tpu.memory_space<hbm>>
    tpu.enqueue_dma source(%dma_start3A_63 : memref<4096xf32, #tpu.memory_space<hbm>>) target(%arg17 : memref<4096xf32, #tpu.memory_space<vmem>>) target_semaphore(%arg23 : memref<!tpu.dma_semaphore, #tpu.memory_space<semaphore_mem>>)
    %mul3A_64 = arith.constant 3 : i32
    %mul3A_65 = arith.muli %select_n3A, %mul3A_64 : i32
    %add3A_66 = arith.constant 0 : i32
    %add3A_67 = arith.addi %mul3A_65, %add3A_66 : i32
    %mul3A_68 = arith.constant 4096 : i32
    %mul3A_69 = arith.muli %add3A_67, %mul3A_68 : i32
    "tpu.region"() ({
      %run_scoped3A_152 = tpu.sem_alloc : memref<!tpu.dma_semaphore, #tpu.memory_space<semaphore_mem>>
      %dma_start3A_153 = tpu.memref_slice %arg2[%mul3A_69] : memref<196608xf32, #tpu.memory_space<hbm>> -> memref<4096xf32, #tpu.memory_space<hbm>>
      %dma_start3A_154 = tpu.memref_slice %arg2[%mul3A_69] : memref<196608xf32, #tpu.memory_space<hbm>> -> memref<4096xf32, #tpu.memory_space<hbm>>
      tpu.enqueue_dma source(%dma_start3A_154 : memref<4096xf32, #tpu.memory_space<hbm>>) target(%arg6 : memref<4096xf32, #tpu.memory_space<vmem>>) target_semaphore(%run_scoped3A_152 : memref<!tpu.dma_semaphore, #tpu.memory_space<semaphore_mem>>)
      %dma_wait3A_155 = tpu.memref_slice %arg2[%mul3A_69] : memref<196608xf32, #tpu.memory_space<hbm>> -> memref<4096xf32, #tpu.memory_space<hbm>>
      %dma_wait3A_156 = tpu.memref_slice %arg2[%mul3A_69] : memref<196608xf32, #tpu.memory_space<hbm>> -> memref<4096xf32, #tpu.memory_space<hbm>>
      tpu.wait_dma2 semaphore(%run_scoped3A_152 : memref<!tpu.dma_semaphore, #tpu.memory_space<semaphore_mem>>) src(%dma_wait3A_156 : memref<4096xf32, #tpu.memory_space<hbm>>) dst(%arg6 : memref<4096xf32, #tpu.memory_space<vmem>>)
      tpu.yield
    }) : () -> ()
    %mul3A_70 = arith.constant 3 : i32
    %mul3A_71 = arith.muli %select_n3A, %mul3A_70 : i32
    %add3A_72 = arith.constant 1 : i32
    %add3A_73 = arith.addi %mul3A_71, %add3A_72 : i32
    %mul3A_74 = arith.constant 4096 : i32
    %mul3A_75 = arith.muli %add3A_73, %mul3A_74 : i32
    "tpu.region"() ({
      %run_scoped3A_152 = tpu.sem_alloc : memref<!tpu.dma_semaphore, #tpu.memory_space<semaphore_mem>>
      %dma_start3A_153 = tpu.memref_slice %arg2[%mul3A_75] : memref<196608xf32, #tpu.memory_space<hbm>> -> memref<4096xf32, #tpu.memory_space<hbm>>
      %dma_start3A_154 = tpu.memref_slice %arg2[%mul3A_75] : memref<196608xf32, #tpu.memory_space<hbm>> -> memref<4096xf32, #tpu.memory_space<hbm>>
      tpu.enqueue_dma source(%dma_start3A_154 : memref<4096xf32, #tpu.memory_space<hbm>>) target(%arg7 : memref<4096xf32, #tpu.memory_space<vmem>>) target_semaphore(%run_scoped3A_152 : memref<!tpu.dma_semaphore, #tpu.memory_space<semaphore_mem>>)
      %dma_wait3A_155 = tpu.memref_slice %arg2[%mul3A_75] : memref<196608xf32, #tpu.memory_space<hbm>> -> memref<4096xf32, #tpu.memory_space<hbm>>
      %dma_wait3A_156 = tpu.memref_slice %arg2[%mul3A_75] : memref<196608xf32, #tpu.memory_space<hbm>> -> memref<4096xf32, #tpu.memory_space<hbm>>
      tpu.wait_dma2 semaphore(%run_scoped3A_152 : memref<!tpu.dma_semaphore, #tpu.memory_space<semaphore_mem>>) src(%dma_wait3A_156 : memref<4096xf32, #tpu.memory_space<hbm>>) dst(%arg7 : memref<4096xf32, #tpu.memory_space<vmem>>)
      tpu.yield
    }) : () -> ()
    %mul3A_76 = arith.constant 3 : i32
    %mul3A_77 = arith.muli %select_n3A, %mul3A_76 : i32
    %add3A_78 = arith.constant 2 : i32
    %add3A_79 = arith.addi %mul3A_77, %add3A_78 : i32
    %mul3A_80 = arith.constant 4096 : i32
    %mul3A_81 = arith.muli %add3A_79, %mul3A_80 : i32
    "tpu.region"() ({
      %run_scoped3A_152 = tpu.sem_alloc : memref<!tpu.dma_semaphore, #tpu.memory_space<semaphore_mem>>
      %dma_start3A_153 = tpu.memref_slice %arg2[%mul3A_81] : memref<196608xf32, #tpu.memory_space<hbm>> -> memref<4096xf32, #tpu.memory_space<hbm>>
      %dma_start3A_154 = tpu.memref_slice %arg2[%mul3A_81] : memref<196608xf32, #tpu.memory_space<hbm>> -> memref<4096xf32, #tpu.memory_space<hbm>>
      tpu.enqueue_dma source(%dma_start3A_154 : memref<4096xf32, #tpu.memory_space<hbm>>) target(%arg8 : memref<4096xf32, #tpu.memory_space<vmem>>) target_semaphore(%run_scoped3A_152 : memref<!tpu.dma_semaphore, #tpu.memory_space<semaphore_mem>>)
      %dma_wait3A_155 = tpu.memref_slice %arg2[%mul3A_81] : memref<196608xf32, #tpu.memory_space<hbm>> -> memref<4096xf32, #tpu.memory_space<hbm>>
      %dma_wait3A_156 = tpu.memref_slice %arg2[%mul3A_81] : memref<196608xf32, #tpu.memory_space<hbm>> -> memref<4096xf32, #tpu.memory_space<hbm>>
      tpu.wait_dma2 semaphore(%run_scoped3A_152 : memref<!tpu.dma_semaphore, #tpu.memory_space<semaphore_mem>>) src(%dma_wait3A_156 : memref<4096xf32, #tpu.memory_space<hbm>>) dst(%arg8 : memref<4096xf32, #tpu.memory_space<vmem>>)
      tpu.yield
    }) : () -> ()
    %mul3A_82 = arith.constant 3 : i32
    %mul3A_83 = arith.muli %select_n3A, %mul3A_82 : i32
    %add3A_84 = arith.constant 0 : i32
    %add3A_85 = arith.addi %mul3A_83, %add3A_84 : i32
    %mul3A_86 = arith.constant 1024 : i32
    %mul3A_87 = arith.muli %add3A_85, %mul3A_86 : i32
    %add3A_88 = arith.addi %mul3A_87, %mul3A_32 : i32
    "tpu.region"() ({
      %run_scoped3A_152 = tpu.sem_alloc : memref<!tpu.dma_semaphore, #tpu.memory_space<semaphore_mem>>
      %dma_start3A_153 = tpu.memref_slice %arg3[%add3A_88] : memref<49152xf32, #tpu.memory_space<hbm>> -> memref<512xf32, #tpu.memory_space<hbm>>
      %dma_start3A_154 = tpu.memref_slice %arg3[%add3A_88] : memref<49152xf32, #tpu.memory_space<hbm>> -> memref<512xf32, #tpu.memory_space<hbm>>
      tpu.enqueue_dma source(%dma_start3A_154 : memref<512xf32, #tpu.memory_space<hbm>>) target(%arg9 : memref<512xf32, #tpu.memory_space<vmem>>) target_semaphore(%run_scoped3A_152 : memref<!tpu.dma_semaphore, #tpu.memory_space<semaphore_mem>>)
      %dma_wait3A_155 = tpu.memref_slice %arg3[%add3A_88] : memref<49152xf32, #tpu.memory_space<hbm>> -> memref<512xf32, #tpu.memory_space<hbm>>
      %dma_wait3A_156 = tpu.memref_slice %arg3[%add3A_88] : memref<49152xf32, #tpu.memory_space<hbm>> -> memref<512xf32, #tpu.memory_space<hbm>>
      tpu.wait_dma2 semaphore(%run_scoped3A_152 : memref<!tpu.dma_semaphore, #tpu.memory_space<semaphore_mem>>) src(%dma_wait3A_156 : memref<512xf32, #tpu.memory_space<hbm>>) dst(%arg9 : memref<512xf32, #tpu.memory_space<vmem>>)
      tpu.yield
    }) : () -> ()
    %mul3A_89 = arith.constant 3 : i32
    %mul3A_90 = arith.muli %select_n3A, %mul3A_89 : i32
    %add3A_91 = arith.constant 1 : i32
    %add3A_92 = arith.addi %mul3A_90, %add3A_91 : i32
    %mul3A_93 = arith.constant 1024 : i32
    %mul3A_94 = arith.muli %add3A_92, %mul3A_93 : i32
    %add3A_95 = arith.addi %mul3A_94, %mul3A_32 : i32
    "tpu.region"() ({
      %run_scoped3A_152 = tpu.sem_alloc : memref<!tpu.dma_semaphore, #tpu.memory_space<semaphore_mem>>
      %dma_start3A_153 = tpu.memref_slice %arg3[%add3A_95] : memref<49152xf32, #tpu.memory_space<hbm>> -> memref<512xf32, #tpu.memory_space<hbm>>
      %dma_start3A_154 = tpu.memref_slice %arg3[%add3A_95] : memref<49152xf32, #tpu.memory_space<hbm>> -> memref<512xf32, #tpu.memory_space<hbm>>
      tpu.enqueue_dma source(%dma_start3A_154 : memref<512xf32, #tpu.memory_space<hbm>>) target(%arg10 : memref<512xf32, #tpu.memory_space<vmem>>) target_semaphore(%run_scoped3A_152 : memref<!tpu.dma_semaphore, #tpu.memory_space<semaphore_mem>>)
      %dma_wait3A_155 = tpu.memref_slice %arg3[%add3A_95] : memref<49152xf32, #tpu.memory_space<hbm>> -> memref<512xf32, #tpu.memory_space<hbm>>
      %dma_wait3A_156 = tpu.memref_slice %arg3[%add3A_95] : memref<49152xf32, #tpu.memory_space<hbm>> -> memref<512xf32, #tpu.memory_space<hbm>>
      tpu.wait_dma2 semaphore(%run_scoped3A_152 : memref<!tpu.dma_semaphore, #tpu.memory_space<semaphore_mem>>) src(%dma_wait3A_156 : memref<512xf32, #tpu.memory_space<hbm>>) dst(%arg10 : memref<512xf32, #tpu.memory_space<vmem>>)
      tpu.yield
    }) : () -> ()
    %mul3A_96 = arith.constant 3 : i32
    %mul3A_97 = arith.muli %select_n3A, %mul3A_96 : i32
    %add3A_98 = arith.constant 2 : i32
    %add3A_99 = arith.addi %mul3A_97, %add3A_98 : i32
    %mul3A_100 = arith.constant 1024 : i32
    %mul3A_101 = arith.muli %add3A_99, %mul3A_100 : i32
    %add3A_102 = arith.addi %mul3A_101, %mul3A_32 : i32
    "tpu.region"() ({
      %run_scoped3A_152 = tpu.sem_alloc : memref<!tpu.dma_semaphore, #tpu.memory_space<semaphore_mem>>
      %dma_start3A_153 = tpu.memref_slice %arg3[%add3A_102] : memref<49152xf32, #tpu.memory_space<hbm>> -> memref<512xf32, #tpu.memory_space<hbm>>
      %dma_start3A_154 = tpu.memref_slice %arg3[%add3A_102] : memref<49152xf32, #tpu.memory_space<hbm>> -> memref<512xf32, #tpu.memory_space<hbm>>
      tpu.enqueue_dma source(%dma_start3A_154 : memref<512xf32, #tpu.memory_space<hbm>>) target(%arg11 : memref<512xf32, #tpu.memory_space<vmem>>) target_semaphore(%run_scoped3A_152 : memref<!tpu.dma_semaphore, #tpu.memory_space<semaphore_mem>>)
      %dma_wait3A_155 = tpu.memref_slice %arg3[%add3A_102] : memref<49152xf32, #tpu.memory_space<hbm>> -> memref<512xf32, #tpu.memory_space<hbm>>
      %dma_wait3A_156 = tpu.memref_slice %arg3[%add3A_102] : memref<49152xf32, #tpu.memory_space<hbm>> -> memref<512xf32, #tpu.memory_space<hbm>>
      tpu.wait_dma2 semaphore(%run_scoped3A_152 : memref<!tpu.dma_semaphore, #tpu.memory_space<semaphore_mem>>) src(%dma_wait3A_156 : memref<512xf32, #tpu.memory_space<hbm>>) dst(%arg11 : memref<512xf32, #tpu.memory_space<vmem>>)
      tpu.yield
    }) : () -> ()
    %iota3A = tpu.iota {dimensions = array<i32: 0>} : vector<16xi32>
    %scan3A = arith.constant 0 : i32
    %scan3A_103 = arith.constant 0 : i32
    %scan3A_104 = arith.constant 512 : i32
    %scan3A_105 = arith.addi %scan3A_103, %scan3A_104 : i32
    %scan3A_106 = arith.constant 1 : i32
    %scan3A_107 = scf.for %scan3A_152 = %scan3A_103 to %scan3A_105 step %scan3A_106 iter_args(%scan3A_153 = %scan3A) -> (i32)  : i32 {
      %broadcast_in_dim3A = vector.broadcast %scan3A_152 : i32 to vector<16xi32>
      %gather3A = tpu.vector_load_idx %arg9[%broadcast_in_dim3A] : memref<512xf32, #tpu.memory_space<vmem>>[vector<16xi32>], vector<16xf32>,
      %gather3A_154 = tpu.vector_load_idx %arg10[%broadcast_in_dim3A] : memref<512xf32, #tpu.memory_space<vmem>>[vector<16xi32>], vector<16xf32>,
      %gather3A_155 = tpu.vector_load_idx %arg11[%broadcast_in_dim3A] : memref<512xf32, #tpu.memory_space<vmem>>[vector<16xi32>], vector<16xf32>,
      %broadcast_in_dim3A_156 = arith.constant 0 : i32
      %broadcast_in_dim3A_157 = vector.broadcast %broadcast_in_dim3A_156 : i32 to vector<16xi32>
      %while3A = arith.constant 0 : i32
      %while3A_158:2 = scf.while (%while3A_193 = %while3A, %while3A_194 = %broadcast_in_dim3A_157) : (i32, vector<16xi32>) -> (i32, vector<16xi32>) {
        %lt3A_195 = arith.constant 32 : i32
        %lt3A_196 = arith.cmpi slt, %while3A_193, %lt3A_195 : i32
        %lt3A_197 = arith.constant 32 : i32
        %lt3A_198 = vector.broadcast %lt3A_197 : i32 to vector<16xi32>
        %lt3A_199 = arith.cmpi slt, %while3A_194, %lt3A_198 : vector<16xi32>
        %reduce_or3A = arith.constant 1.000000e+00 : f32
        %reduce_or3A_200 = arith.constant 0.000000e+00 : f32
        %reduce_or3A_201 = vector.broadcast %reduce_or3A : f32 to vector<16xf32>
        %reduce_or3A_202 = vector.broadcast %reduce_or3A_200 : f32 to vector<16xf32>
        %reduce_or3A_203 = arith.select %lt3A_199, %reduce_or3A_201, %reduce_or3A_202 : vector<16xi1>, vector<16xf32>
        %reduce_or3A_204 = arith.constant true
        %reduce_or3A_205 = vector.broadcast %reduce_or3A_204 : i1 to vector<16xi1>
        %reduce_or3A_206 = tpu.scan <max>, %reduce_or3A_203 masked %reduce_or3A_205 : vector<16xf32>, vector<16xi1> -> vector<16xf32>
        %reduce_or3A_207 = vector.extract %reduce_or3A_206[15] : f32 from vector<16xf32>
        %reduce_or3A_208 = arith.constant 0.000000e+00 : f32
        %reduce_or3A_209 = arith.cmpf ogt, %reduce_or3A_207, %reduce_or3A_208 : f32
        %and3A_210 = arith.andi %lt3A_196, %reduce_or3A_209 : i1
        scf.condition(%and3A_210) %while3A_193, %while3A_194 : i32, vector<16xi32>
      } do {
      ^bb0(%while3A_193: i32, %while3A_194: vector<16xi32>):
        %mul3A_195 = arith.constant 128 : i32
        %mul3A_196 = arith.muli %while3A_193, %mul3A_195 : i32
        %add3A_197 = arith.constant 0 : i32
        %add3A_198 = arith.addi %mul3A_196, %add3A_197 : i32
        %get3A_199 = arith.index_cast %add3A_198 : i32 to index
        %get3A_200 = tpu.vector_load %arg6[%get3A_199] {strides = array<i32>} : memref<4096xf32, #tpu.memory_space<vmem>>, vector<16xf32>,
        %add3A_201 = arith.constant 0 : i32
        %add3A_202 = arith.addi %mul3A_196, %add3A_201 : i32
        %get3A_203 = arith.index_cast %add3A_202 : i32 to index
        %get3A_204 = tpu.vector_load %arg7[%get3A_203] {strides = array<i32>} : memref<4096xf32, #tpu.memory_space<vmem>>, vector<16xf32>,
        %add3A_205 = arith.constant 0 : i32
        %add3A_206 = arith.addi %mul3A_196, %add3A_205 : i32
        %get3A_207 = arith.index_cast %add3A_206 : i32 to index
        %get3A_208 = tpu.vector_load %arg8[%get3A_207] {strides = array<i32>} : memref<4096xf32, #tpu.memory_space<vmem>>, vector<16xf32>,
        %sub3A_209 = arith.subf %gather3A, %get3A_200 : vector<16xf32>
        %sub3A_210 = arith.subf %gather3A_154, %get3A_204 : vector<16xf32>
        %sub3A_211 = arith.subf %gather3A_155, %get3A_208 : vector<16xf32>
        %mul3A_212 = arith.mulf %sub3A_209, %sub3A_209 : vector<16xf32>
        %mul3A_213 = arith.mulf %sub3A_210, %sub3A_210 : vector<16xf32>
        %add3A_214 = arith.addf %mul3A_212, %mul3A_213 : vector<16xf32>
        %mul3A_215 = arith.mulf %sub3A_211, %sub3A_211 : vector<16xf32>
        %add3A_216 = arith.addf %add3A_214, %mul3A_215 : vector<16xf32>
        %lt3A_217 = arith.constant 6.250000e-02 : f32
        %lt3A_218 = vector.broadcast %lt3A_217 : f32 to vector<16xf32>
        %lt3A_219 = arith.cmpf olt, %add3A_216, %lt3A_218 : vector<16xf32>
        %convert_element_type3A = arith.extui %lt3A_219 : vector<16xi1> to vector<16xi32>
        %broadcast_in_dim3A_220 = arith.constant true
        %broadcast_in_dim3A_221 = vector.broadcast %broadcast_in_dim3A_220 : i1 to vector<16xi1>
        %masked_cumsum3A = tpu.scan <sum>, %convert_element_type3A masked %broadcast_in_dim3A_221 : vector<16xi32>, vector<16xi1> -> vector<16xi32>
        %all_reduce_population_count3A = tpu.all_reduce %lt3A_219 {dim = 0 : i64, kind = #tpu.reduction_kind<sum>} : vector<16xi1> -> vector<16xi32>
        %add3A_222 = arith.constant 16 : i32
        %add3A_223 = arith.addi %mul3A_196, %add3A_222 : i32
        %get3A_224 = arith.index_cast %add3A_223 : i32 to index
        %get3A_225 = tpu.vector_load %arg6[%get3A_224] {strides = array<i32>} : memref<4096xf32, #tpu.memory_space<vmem>>, vector<16xf32>,
        %add3A_226 = arith.constant 16 : i32
        %add3A_227 = arith.addi %mul3A_196, %add3A_226 : i32
        %get3A_228 = arith.index_cast %add3A_227 : i32 to index
        %get3A_229 = tpu.vector_load %arg7[%get3A_228] {strides = array<i32>} : memref<4096xf32, #tpu.memory_space<vmem>>, vector<16xf32>,
        %add3A_230 = arith.constant 16 : i32
        %add3A_231 = arith.addi %mul3A_196, %add3A_230 : i32
        %get3A_232 = arith.index_cast %add3A_231 : i32 to index
        %get3A_233 = tpu.vector_load %arg8[%get3A_232] {strides = array<i32>} : memref<4096xf32, #tpu.memory_space<vmem>>, vector<16xf32>,
        %sub3A_234 = arith.subf %gather3A, %get3A_225 : vector<16xf32>
        %sub3A_235 = arith.subf %gather3A_154, %get3A_229 : vector<16xf32>
        %sub3A_236 = arith.subf %gather3A_155, %get3A_233 : vector<16xf32>
        %mul3A_237 = arith.mulf %sub3A_234, %sub3A_234 : vector<16xf32>
        %mul3A_238 = arith.mulf %sub3A_235, %sub3A_235 : vector<16xf32>
        %add3A_239 = arith.addf %mul3A_237, %mul3A_238 : vector<16xf32>
        %mul3A_240 = arith.mulf %sub3A_236, %sub3A_236 : vector<16xf32>
        %add3A_241 = arith.addf %add3A_239, %mul3A_240 : vector<16xf32>
        %lt3A_242 = arith.constant 6.250000e-02 : f32
        %lt3A_243 = vector.broadcast %lt3A_242 : f32 to vector<16xf32>
        %lt3A_244 = arith.cmpf olt, %add3A_241, %lt3A_243 : vector<16xf32>
        %convert_element_type3A_245 = arith.extui %lt3A_244 : vector<16xi1> to vector<16xi32>
        %broadcast_in_dim3A_246 = arith.constant true
        %broadcast_in_dim3A_247 = vector.broadcast %broadcast_in_dim3A_246 : i1 to vector<16xi1>
        %masked_cumsum3A_248 = tpu.scan <sum>, %convert_element_type3A_245 masked %broadcast_in_dim3A_247 : vector<16xi32>, vector<16xi1> -> vector<16xi32>
        %all_reduce_population_count3A_249 = tpu.all_reduce %lt3A_244 {dim = 0 : i64, kind = #tpu.reduction_kind<sum>} : vector<16xi1> -> vector<16xi32>
        %add3A_250 = arith.constant 32 : i32
        %add3A_251 = arith.addi %mul3A_196, %add3A_250 : i32
        %get3A_252 = arith.index_cast %add3A_251 : i32 to index
        %get3A_253 = tpu.vector_load %arg6[%get3A_252] {strides = array<i32>} : memref<4096xf32, #tpu.memory_space<vmem>>, vector<16xf32>,
        %add3A_254 = arith.constant 32 : i32
        %add3A_255 = arith.addi %mul3A_196, %add3A_254 : i32
        %get3A_256 = arith.index_cast %add3A_255 : i32 to index
        %get3A_257 = tpu.vector_load %arg7[%get3A_256] {strides = array<i32>} : memref<4096xf32, #tpu.memory_space<vmem>>, vector<16xf32>,
        %add3A_258 = arith.constant 32 : i32
        %add3A_259 = arith.addi %mul3A_196, %add3A_258 : i32
        %get3A_260 = arith.index_cast %add3A_259 : i32 to index
        %get3A_261 = tpu.vector_load %arg8[%get3A_260] {strides = array<i32>} : memref<4096xf32, #tpu.memory_space<vmem>>, vector<16xf32>,
        %sub3A_262 = arith.subf %gather3A, %get3A_253 : vector<16xf32>
        %sub3A_263 = arith.subf %gather3A_154, %get3A_257 : vector<16xf32>
        %sub3A_264 = arith.subf %gather3A_155, %get3A_261 : vector<16xf32>
        %mul3A_265 = arith.mulf %sub3A_262, %sub3A_262 : vector<16xf32>
        %mul3A_266 = arith.mulf %sub3A_263, %sub3A_263 : vector<16xf32>
        %add3A_267 = arith.addf %mul3A_265, %mul3A_266 : vector<16xf32>
        %mul3A_268 = arith.mulf %sub3A_264, %sub3A_264 : vector<16xf32>
        %add3A_269 = arith.addf %add3A_267, %mul3A_268 : vector<16xf32>
        %lt3A_270 = arith.constant 6.250000e-02 : f32
        %lt3A_271 = vector.broadcast %lt3A_270 : f32 to vector<16xf32>
        %lt3A_272 = arith.cmpf olt, %add3A_269, %lt3A_271 : vector<16xf32>
        %convert_element_type3A_273 = arith.extui %lt3A_272 : vector<16xi1> to vector<16xi32>
        %broadcast_in_dim3A_274 = arith.constant true
        %broadcast_in_dim3A_275 = vector.broadcast %broadcast_in_dim3A_274 : i1 to vector<16xi1>
        %masked_cumsum3A_276 = tpu.scan <sum>, %convert_element_type3A_273 masked %broadcast_in_dim3A_275 : vector<16xi32>, vector<16xi1> -> vector<16xi32>
        %all_reduce_population_count3A_277 = tpu.all_reduce %lt3A_272 {dim = 0 : i64, kind = #tpu.reduction_kind<sum>} : vector<16xi1> -> vector<16xi32>
        %add3A_278 = arith.constant 48 : i32
        %add3A_279 = arith.addi %mul3A_196, %add3A_278 : i32
        %get3A_280 = arith.index_cast %add3A_279 : i32 to index
        %get3A_281 = tpu.vector_load %arg6[%get3A_280] {strides = array<i32>} : memref<4096xf32, #tpu.memory_space<vmem>>, vector<16xf32>,
        %add3A_282 = arith.constant 48 : i32
        %add3A_283 = arith.addi %mul3A_196, %add3A_282 : i32
        %get3A_284 = arith.index_cast %add3A_283 : i32 to index
        %get3A_285 = tpu.vector_load %arg7[%get3A_284] {strides = array<i32>} : memref<4096xf32, #tpu.memory_space<vmem>>, vector<16xf32>,
        %add3A_286 = arith.constant 48 : i32
        %add3A_287 = arith.addi %mul3A_196, %add3A_286 : i32
        %get3A_288 = arith.index_cast %add3A_287 : i32 to index
        %get3A_289 = tpu.vector_load %arg8[%get3A_288] {strides = array<i32>} : memref<4096xf32, #tpu.memory_space<vmem>>, vector<16xf32>,
        %sub3A_290 = arith.subf %gather3A, %get3A_281 : vector<16xf32>
        %sub3A_291 = arith.subf %gather3A_154, %get3A_285 : vector<16xf32>
        %sub3A_292 = arith.subf %gather3A_155, %get3A_289 : vector<16xf32>
        %mul3A_293 = arith.mulf %sub3A_290, %sub3A_290 : vector<16xf32>
        %mul3A_294 = arith.mulf %sub3A_291, %sub3A_291 : vector<16xf32>
        %add3A_295 = arith.addf %mul3A_293, %mul3A_294 : vector<16xf32>
        %mul3A_296 = arith.mulf %sub3A_292, %sub3A_292 : vector<16xf32>
        %add3A_297 = arith.addf %add3A_295, %mul3A_296 : vector<16xf32>
        %lt3A_298 = arith.constant 6.250000e-02 : f32
        %lt3A_299 = vector.broadcast %lt3A_298 : f32 to vector<16xf32>
        %lt3A_300 = arith.cmpf olt, %add3A_297, %lt3A_299 : vector<16xf32>
        %convert_element_type3A_301 = arith.extui %lt3A_300 : vector<16xi1> to vector<16xi32>
        %broadcast_in_dim3A_302 = arith.constant true
        %broadcast_in_dim3A_303 = vector.broadcast %broadcast_in_dim3A_302 : i1 to vector<16xi1>
        %masked_cumsum3A_304 = tpu.scan <sum>, %convert_element_type3A_301 masked %broadcast_in_dim3A_303 : vector<16xi32>, vector<16xi1> -> vector<16xi32>
        %all_reduce_population_count3A_305 = tpu.all_reduce %lt3A_300 {dim = 0 : i64, kind = #tpu.reduction_kind<sum>} : vector<16xi1> -> vector<16xi32>
        %add3A_306 = arith.constant 64 : i32
        %add3A_307 = arith.addi %mul3A_196, %add3A_306 : i32
        %get3A_308 = arith.index_cast %add3A_307 : i32 to index
        %get3A_309 = tpu.vector_load %arg6[%get3A_308] {strides = array<i32>} : memref<4096xf32, #tpu.memory_space<vmem>>, vector<16xf32>,
        %add3A_310 = arith.constant 64 : i32
        %add3A_311 = arith.addi %mul3A_196, %add3A_310 : i32
        %get3A_312 = arith.index_cast %add3A_311 : i32 to index
        %get3A_313 = tpu.vector_load %arg7[%get3A_312] {strides = array<i32>} : memref<4096xf32, #tpu.memory_space<vmem>>, vector<16xf32>,
        %add3A_314 = arith.constant 64 : i32
        %add3A_315 = arith.addi %mul3A_196, %add3A_314 : i32
        %get3A_316 = arith.index_cast %add3A_315 : i32 to index
        %get3A_317 = tpu.vector_load %arg8[%get3A_316] {strides = array<i32>} : memref<4096xf32, #tpu.memory_space<vmem>>, vector<16xf32>,
        %sub3A_318 = arith.subf %gather3A, %get3A_309 : vector<16xf32>
        %sub3A_319 = arith.subf %gather3A_154, %get3A_313 : vector<16xf32>
        %sub3A_320 = arith.subf %gather3A_155, %get3A_317 : vector<16xf32>
        %mul3A_321 = arith.mulf %sub3A_318, %sub3A_318 : vector<16xf32>
        %mul3A_322 = arith.mulf %sub3A_319, %sub3A_319 : vector<16xf32>
        %add3A_323 = arith.addf %mul3A_321, %mul3A_322 : vector<16xf32>
        %mul3A_324 = arith.mulf %sub3A_320, %sub3A_320 : vector<16xf32>
        %add3A_325 = arith.addf %add3A_323, %mul3A_324 : vector<16xf32>
        %lt3A_326 = arith.constant 6.250000e-02 : f32
        %lt3A_327 = vector.broadcast %lt3A_326 : f32 to vector<16xf32>
        %lt3A_328 = arith.cmpf olt, %add3A_325, %lt3A_327 : vector<16xf32>
        %convert_element_type3A_329 = arith.extui %lt3A_328 : vector<16xi1> to vector<16xi32>
        %broadcast_in_dim3A_330 = arith.constant true
        %broadcast_in_dim3A_331 = vector.broadcast %broadcast_in_dim3A_330 : i1 to vector<16xi1>
        %masked_cumsum3A_332 = tpu.scan <sum>, %convert_element_type3A_329 masked %broadcast_in_dim3A_331 : vector<16xi32>, vector<16xi1> -> vector<16xi32>
        %all_reduce_population_count3A_333 = tpu.all_reduce %lt3A_328 {dim = 0 : i64, kind = #tpu.reduction_kind<sum>} : vector<16xi1> -> vector<16xi32>
        %add3A_334 = arith.constant 80 : i32
        %add3A_335 = arith.addi %mul3A_196, %add3A_334 : i32
        %get3A_336 = arith.index_cast %add3A_335 : i32 to index
        %get3A_337 = tpu.vector_load %arg6[%get3A_336] {strides = array<i32>} : memref<4096xf32, #tpu.memory_space<vmem>>, vector<16xf32>,
        %add3A_338 = arith.constant 80 : i32
        %add3A_339 = arith.addi %mul3A_196, %add3A_338 : i32
        %get3A_340 = arith.index_cast %add3A_339 : i32 to index
        %get3A_341 = tpu.vector_load %arg7[%get3A_340] {strides = array<i32>} : memref<4096xf32, #tpu.memory_space<vmem>>, vector<16xf32>,
        %add3A_342 = arith.constant 80 : i32
        %add3A_343 = arith.addi %mul3A_196, %add3A_342 : i32
        %get3A_344 = arith.index_cast %add3A_343 : i32 to index
        %get3A_345 = tpu.vector_load %arg8[%get3A_344] {strides = array<i32>} : memref<4096xf32, #tpu.memory_space<vmem>>, vector<16xf32>,
        %sub3A_346 = arith.subf %gather3A, %get3A_337 : vector<16xf32>
        %sub3A_347 = arith.subf %gather3A_154, %get3A_341 : vector<16xf32>
        %sub3A_348 = arith.subf %gather3A_155, %get3A_345 : vector<16xf32>
        %mul3A_349 = arith.mulf %sub3A_346, %sub3A_346 : vector<16xf32>
        %mul3A_350 = arith.mulf %sub3A_347, %sub3A_347 : vector<16xf32>
        %add3A_351 = arith.addf %mul3A_349, %mul3A_350 : vector<16xf32>
        %mul3A_352 = arith.mulf %sub3A_348, %sub3A_348 : vector<16xf32>
        %add3A_353 = arith.addf %add3A_351, %mul3A_352 : vector<16xf32>
        %lt3A_354 = arith.constant 6.250000e-02 : f32
        %lt3A_355 = vector.broadcast %lt3A_354 : f32 to vector<16xf32>
        %lt3A_356 = arith.cmpf olt, %add3A_353, %lt3A_355 : vector<16xf32>
        %convert_element_type3A_357 = arith.extui %lt3A_356 : vector<16xi1> to vector<16xi32>
        %broadcast_in_dim3A_358 = arith.constant true
        %broadcast_in_dim3A_359 = vector.broadcast %broadcast_in_dim3A_358 : i1 to vector<16xi1>
        %masked_cumsum3A_360 = tpu.scan <sum>, %convert_element_type3A_357 masked %broadcast_in_dim3A_359 : vector<16xi32>, vector<16xi1> -> vector<16xi32>
        %all_reduce_population_count3A_361 = tpu.all_reduce %lt3A_356 {dim = 0 : i64, kind = #tpu.reduction_kind<sum>} : vector<16xi1> -> vector<16xi32>
        %add3A_362 = arith.constant 96 : i32
        %add3A_363 = arith.addi %mul3A_196, %add3A_362 : i32
        %get3A_364 = arith.index_cast %add3A_363 : i32 to index
        %get3A_365 = tpu.vector_load %arg6[%get3A_364] {strides = array<i32>} : memref<4096xf32, #tpu.memory_space<vmem>>, vector<16xf32>,
        %add3A_366 = arith.constant 96 : i32
        %add3A_367 = arith.addi %mul3A_196, %add3A_366 : i32
        %get3A_368 = arith.index_cast %add3A_367 : i32 to index
        %get3A_369 = tpu.vector_load %arg7[%get3A_368] {strides = array<i32>} : memref<4096xf32, #tpu.memory_space<vmem>>, vector<16xf32>,
        %add3A_370 = arith.constant 96 : i32
        %add3A_371 = arith.addi %mul3A_196, %add3A_370 : i32
        %get3A_372 = arith.index_cast %add3A_371 : i32 to index
        %get3A_373 = tpu.vector_load %arg8[%get3A_372] {strides = array<i32>} : memref<4096xf32, #tpu.memory_space<vmem>>, vector<16xf32>,
        %sub3A_374 = arith.subf %gather3A, %get3A_365 : vector<16xf32>
        %sub3A_375 = arith.subf %gather3A_154, %get3A_369 : vector<16xf32>
        %sub3A_376 = arith.subf %gather3A_155, %get3A_373 : vector<16xf32>
        %mul3A_377 = arith.mulf %sub3A_374, %sub3A_374 : vector<16xf32>
        %mul3A_378 = arith.mulf %sub3A_375, %sub3A_375 : vector<16xf32>
        %add3A_379 = arith.addf %mul3A_377, %mul3A_378 : vector<16xf32>
        %mul3A_380 = arith.mulf %sub3A_376, %sub3A_376 : vector<16xf32>
        %add3A_381 = arith.addf %add3A_379, %mul3A_380 : vector<16xf32>
        %lt3A_382 = arith.constant 6.250000e-02 : f32
        %lt3A_383 = vector.broadcast %lt3A_382 : f32 to vector<16xf32>
        %lt3A_384 = arith.cmpf olt, %add3A_381, %lt3A_383 : vector<16xf32>
        %convert_element_type3A_385 = arith.extui %lt3A_384 : vector<16xi1> to vector<16xi32>
        %broadcast_in_dim3A_386 = arith.constant true
        %broadcast_in_dim3A_387 = vector.broadcast %broadcast_in_dim3A_386 : i1 to vector<16xi1>
        %masked_cumsum3A_388 = tpu.scan <sum>, %convert_element_type3A_385 masked %broadcast_in_dim3A_387 : vector<16xi32>, vector<16xi1> -> vector<16xi32>
        %all_reduce_population_count3A_389 = tpu.all_reduce %lt3A_384 {dim = 0 : i64, kind = #tpu.reduction_kind<sum>} : vector<16xi1> -> vector<16xi32>
        %add3A_390 = arith.constant 112 : i32
        %add3A_391 = arith.addi %mul3A_196, %add3A_390 : i32
        %get3A_392 = arith.index_cast %add3A_391 : i32 to index
        %get3A_393 = tpu.vector_load %arg6[%get3A_392] {strides = array<i32>} : memref<4096xf32, #tpu.memory_space<vmem>>, vector<16xf32>,
        %add3A_394 = arith.constant 112 : i32
        %add3A_395 = arith.addi %mul3A_196, %add3A_394 : i32
        %get3A_396 = arith.index_cast %add3A_395 : i32 to index
        %get3A_397 = tpu.vector_load %arg7[%get3A_396] {strides = array<i32>} : memref<4096xf32, #tpu.memory_space<vmem>>, vector<16xf32>,
        %add3A_398 = arith.constant 112 : i32
        %add3A_399 = arith.addi %mul3A_196, %add3A_398 : i32
        %get3A_400 = arith.index_cast %add3A_399 : i32 to index
        %get3A_401 = tpu.vector_load %arg8[%get3A_400] {strides = array<i32>} : memref<4096xf32, #tpu.memory_space<vmem>>, vector<16xf32>,
        %sub3A_402 = arith.subf %gather3A, %get3A_393 : vector<16xf32>
        %sub3A_403 = arith.subf %gather3A_154, %get3A_397 : vector<16xf32>
        %sub3A_404 = arith.subf %gather3A_155, %get3A_401 : vector<16xf32>
        %mul3A_405 = arith.mulf %sub3A_402, %sub3A_402 : vector<16xf32>
        %mul3A_406 = arith.mulf %sub3A_403, %sub3A_403 : vector<16xf32>
        %add3A_407 = arith.addf %mul3A_405, %mul3A_406 : vector<16xf32>
        %mul3A_408 = arith.mulf %sub3A_404, %sub3A_404 : vector<16xf32>
        %add3A_409 = arith.addf %add3A_407, %mul3A_408 : vector<16xf32>
        %lt3A_410 = arith.constant 6.250000e-02 : f32
        %lt3A_411 = vector.broadcast %lt3A_410 : f32 to vector<16xf32>
        %lt3A_412 = arith.cmpf olt, %add3A_409, %lt3A_411 : vector<16xf32>
        %convert_element_type3A_413 = arith.extui %lt3A_412 : vector<16xi1> to vector<16xi32>
        %broadcast_in_dim3A_414 = arith.constant true
        %broadcast_in_dim3A_415 = vector.broadcast %broadcast_in_dim3A_414 : i1 to vector<16xi1>
        %masked_cumsum3A_416 = tpu.scan <sum>, %convert_element_type3A_413 masked %broadcast_in_dim3A_415 : vector<16xi32>, vector<16xi1> -> vector<16xi32>
        %all_reduce_population_count3A_417 = tpu.all_reduce %lt3A_412 {dim = 0 : i64, kind = #tpu.reduction_kind<sum>} : vector<16xi1> -> vector<16xi32>
        %add3A_418 = arith.addi %while3A_194, %masked_cumsum3A : vector<16xi32>
        %sub3A_419 = arith.constant 1 : i32
        %sub3A_420 = vector.broadcast %sub3A_419 : i32 to vector<16xi32>
        %sub3A_421 = arith.subi %add3A_418, %sub3A_420 : vector<16xi32>
        %lt3A_422 = arith.constant 32 : i32
        %lt3A_423 = vector.broadcast %lt3A_422 : i32 to vector<16xi32>
        %lt3A_424 = arith.cmpi slt, %sub3A_421, %lt3A_423 : vector<16xi32>
        %and3A_425 = arith.andi %lt3A_219, %lt3A_424 : vector<16xi1>
        %add3A_426 = arith.constant 0 : i32
        %add3A_427 = arith.addi %mul3A_196, %add3A_426 : i32
        %add3A_428 = vector.broadcast %add3A_427 : i32 to vector<16xi32>
        %add3A_429 = arith.addi %iota3A, %add3A_428 : vector<16xi32>
        tpu.vector_store_idx %arg12[%sub3A_421], %add3A_429 masked %and3A_425 : memref<32xi32, #tpu.memory_space<vmem>>[vector<16xi32>], vector<16xi32>, vector<16xi1>
        %add3A_430 = arith.addi %while3A_194, %all_reduce_population_count3A : vector<16xi32>
        %add3A_431 = arith.addi %add3A_430, %masked_cumsum3A_248 : vector<16xi32>
        %sub3A_432 = arith.constant 1 : i32
        %sub3A_433 = vector.broadcast %sub3A_432 : i32 to vector<16xi32>
        %sub3A_434 = arith.subi %add3A_431, %sub3A_433 : vector<16xi32>
        %lt3A_435 = arith.constant 32 : i32
        %lt3A_436 = vector.broadcast %lt3A_435 : i32 to vector<16xi32>
        %lt3A_437 = arith.cmpi slt, %sub3A_434, %lt3A_436 : vector<16xi32>
        %and3A_438 = arith.andi %lt3A_244, %lt3A_437 : vector<16xi1>
        %add3A_439 = arith.constant 16 : i32
        %add3A_440 = arith.addi %mul3A_196, %add3A_439 : i32
        %add3A_441 = vector.broadcast %add3A_440 : i32 to vector<16xi32>
        %add3A_442 = arith.addi %iota3A, %add3A_441 : vector<16xi32>
        tpu.vector_store_idx %arg12[%sub3A_434], %add3A_442 masked %and3A_438 : memref<32xi32, #tpu.memory_space<vmem>>[vector<16xi32>], vector<16xi32>, vector<16xi1>
        %add3A_443 = arith.addi %add3A_430, %all_reduce_population_count3A_249 : vector<16xi32>
        %add3A_444 = arith.addi %add3A_443, %masked_cumsum3A_276 : vector<16xi32>
        %sub3A_445 = arith.constant 1 : i32
        %sub3A_446 = vector.broadcast %sub3A_445 : i32 to vector<16xi32>
        %sub3A_447 = arith.subi %add3A_444, %sub3A_446 : vector<16xi32>
        %lt3A_448 = arith.constant 32 : i32
        %lt3A_449 = vector.broadcast %lt3A_448 : i32 to vector<16xi32>
        %lt3A_450 = arith.cmpi slt, %sub3A_447, %lt3A_449 : vector<16xi32>
        %and3A_451 = arith.andi %lt3A_272, %lt3A_450 : vector<16xi1>
        %add3A_452 = arith.constant 32 : i32
        %add3A_453 = arith.addi %mul3A_196, %add3A_452 : i32
        %add3A_454 = vector.broadcast %add3A_453 : i32 to vector<16xi32>
        %add3A_455 = arith.addi %iota3A, %add3A_454 : vector<16xi32>
        tpu.vector_store_idx %arg12[%sub3A_447], %add3A_455 masked %and3A_451 : memref<32xi32, #tpu.memory_space<vmem>>[vector<16xi32>], vector<16xi32>, vector<16xi1>
        %add3A_456 = arith.addi %add3A_443, %all_reduce_population_count3A_277 : vector<16xi32>
        %add3A_457 = arith.addi %add3A_456, %masked_cumsum3A_304 : vector<16xi32>
        %sub3A_458 = arith.constant 1 : i32
        %sub3A_459 = vector.broadcast %sub3A_458 : i32 to vector<16xi32>
        %sub3A_460 = arith.subi %add3A_457, %sub3A_459 : vector<16xi32>
        %lt3A_461 = arith.constant 32 : i32
        %lt3A_462 = vector.broadcast %lt3A_461 : i32 to vector<16xi32>
        %lt3A_463 = arith.cmpi slt, %sub3A_460, %lt3A_462 : vector<16xi32>
        %and3A_464 = arith.andi %lt3A_300, %lt3A_463 : vector<16xi1>
        %add3A_465 = arith.constant 48 : i32
        %add3A_466 = arith.addi %mul3A_196, %add3A_465 : i32
        %add3A_467 = vector.broadcast %add3A_466 : i32 to vector<16xi32>
        %add3A_468 = arith.addi %iota3A, %add3A_467 : vector<16xi32>
        tpu.vector_store_idx %arg12[%sub3A_460], %add3A_468 masked %and3A_464 : memref<32xi32, #tpu.memory_space<vmem>>[vector<16xi32>], vector<16xi32>, vector<16xi1>
        %add3A_469 = arith.addi %add3A_456, %all_reduce_population_count3A_305 : vector<16xi32>
        %add3A_470 = arith.addi %add3A_469, %masked_cumsum3A_332 : vector<16xi32>
        %sub3A_471 = arith.constant 1 : i32
        %sub3A_472 = vector.broadcast %sub3A_471 : i32 to vector<16xi32>
        %sub3A_473 = arith.subi %add3A_470, %sub3A_472 : vector<16xi32>
        %lt3A_474 = arith.constant 32 : i32
        %lt3A_475 = vector.broadcast %lt3A_474 : i32 to vector<16xi32>
        %lt3A_476 = arith.cmpi slt, %sub3A_473, %lt3A_475 : vector<16xi32>
        %and3A_477 = arith.andi %lt3A_328, %lt3A_476 : vector<16xi1>
        %add3A_478 = arith.constant 64 : i32
        %add3A_479 = arith.addi %mul3A_196, %add3A_478 : i32
        %add3A_480 = vector.broadcast %add3A_479 : i32 to vector<16xi32>
        %add3A_481 = arith.addi %iota3A, %add3A_480 : vector<16xi32>
        tpu.vector_store_idx %arg12[%sub3A_473], %add3A_481 masked %and3A_477 : memref<32xi32, #tpu.memory_space<vmem>>[vector<16xi32>], vector<16xi32>, vector<16xi1>
        %add3A_482 = arith.addi %add3A_469, %all_reduce_population_count3A_333 : vector<16xi32>
        %add3A_483 = arith.addi %add3A_482, %masked_cumsum3A_360 : vector<16xi32>
        %sub3A_484 = arith.constant 1 : i32
        %sub3A_485 = vector.broadcast %sub3A_484 : i32 to vector<16xi32>
        %sub3A_486 = arith.subi %add3A_483, %sub3A_485 : vector<16xi32>
        %lt3A_487 = arith.constant 32 : i32
        %lt3A_488 = vector.broadcast %lt3A_487 : i32 to vector<16xi32>
        %lt3A_489 = arith.cmpi slt, %sub3A_486, %lt3A_488 : vector<16xi32>
        %and3A_490 = arith.andi %lt3A_356, %lt3A_489 : vector<16xi1>
        %add3A_491 = arith.constant 80 : i32
        %add3A_492 = arith.addi %mul3A_196, %add3A_491 : i32
        %add3A_493 = vector.broadcast %add3A_492 : i32 to vector<16xi32>
        %add3A_494 = arith.addi %iota3A, %add3A_493 : vector<16xi32>
        tpu.vector_store_idx %arg12[%sub3A_486], %add3A_494 masked %and3A_490 : memref<32xi32, #tpu.memory_space<vmem>>[vector<16xi32>], vector<16xi32>, vector<16xi1>
        %add3A_495 = arith.addi %add3A_482, %all_reduce_population_count3A_361 : vector<16xi32>
        %add3A_496 = arith.addi %add3A_495, %masked_cumsum3A_388 : vector<16xi32>
        %sub3A_497 = arith.constant 1 : i32
        %sub3A_498 = vector.broadcast %sub3A_497 : i32 to vector<16xi32>
        %sub3A_499 = arith.subi %add3A_496, %sub3A_498 : vector<16xi32>
        %lt3A_500 = arith.constant 32 : i32
        %lt3A_501 = vector.broadcast %lt3A_500 : i32 to vector<16xi32>
        %lt3A_502 = arith.cmpi slt, %sub3A_499, %lt3A_501 : vector<16xi32>
        %and3A_503 = arith.andi %lt3A_384, %lt3A_502 : vector<16xi1>
        %add3A_504 = arith.constant 96 : i32
        %add3A_505 = arith.addi %mul3A_196, %add3A_504 : i32
        %add3A_506 = vector.broadcast %add3A_505 : i32 to vector<16xi32>
        %add3A_507 = arith.addi %iota3A, %add3A_506 : vector<16xi32>
        tpu.vector_store_idx %arg12[%sub3A_499], %add3A_507 masked %and3A_503 : memref<32xi32, #tpu.memory_space<vmem>>[vector<16xi32>], vector<16xi32>, vector<16xi1>
        %add3A_508 = arith.addi %add3A_495, %all_reduce_population_count3A_389 : vector<16xi32>
        %add3A_509 = arith.addi %add3A_508, %masked_cumsum3A_416 : vector<16xi32>
        %sub3A_510 = arith.constant 1 : i32
        %sub3A_511 = vector.broadcast %sub3A_510 : i32 to vector<16xi32>
        %sub3A_512 = arith.subi %add3A_509, %sub3A_511 : vector<16xi32>
        %lt3A_513 = arith.constant 32 : i32
        %lt3A_514 = vector.broadcast %lt3A_513 : i32 to vector<16xi32>
        %lt3A_515 = arith.cmpi slt, %sub3A_512, %lt3A_514 : vector<16xi32>
        %and3A_516 = arith.andi %lt3A_412, %lt3A_515 : vector<16xi1>
        %add3A_517 = arith.constant 112 : i32
        %add3A_518 = arith.addi %mul3A_196, %add3A_517 : i32
        %add3A_519 = vector.broadcast %add3A_518 : i32 to vector<16xi32>
        %add3A_520 = arith.addi %iota3A, %add3A_519 : vector<16xi32>
        tpu.vector_store_idx %arg12[%sub3A_512], %add3A_520 masked %and3A_516 : memref<32xi32, #tpu.memory_space<vmem>>[vector<16xi32>], vector<16xi32>, vector<16xi1>
        %add3A_521 = arith.addi %add3A_508, %all_reduce_population_count3A_417 : vector<16xi32>
        %add3A_522 = arith.constant 1 : i32
        %add3A_523 = arith.addi %while3A_193, %add3A_522 : i32
        scf.yield %add3A_523, %add3A_521 : i32, vector<16xi32>
      }
      %min3A = arith.constant 32 : i32
      %min3A_159 = vector.broadcast %min3A : i32 to vector<16xi32>
      %min3A_160 = arith.minsi %while3A_158#1, %min3A_159 : vector<16xi32>
      %get3A = arith.constant 0 : index
      %get3A_161 = tpu.vector_load %arg12[%get3A] {strides = array<i32>} : memref<32xi32, #tpu.memory_space<vmem>>, vector<16xi32>,
      %get3A_162 = arith.constant 16 : index
      %get3A_163 = tpu.vector_load %arg12[%get3A_162] {strides = array<i32>} : memref<32xi32, #tpu.memory_space<vmem>>, vector<16xi32>,
      %broadcast_in_dim3A_164 = arith.constant 0 : i32
      %broadcast_in_dim3A_165 = vector.broadcast %broadcast_in_dim3A_164 : i32 to vector<16xi32>
      %gather3A_166 = tpu.vector_load_idx %arg12[%broadcast_in_dim3A_165] : memref<32xi32, #tpu.memory_space<vmem>>[vector<16xi32>], vector<16xi32>,
      %gt3A = arith.constant 0 : i32
      %gt3A_167 = vector.broadcast %gt3A : i32 to vector<16xi32>
      %gt3A_168 = arith.cmpi sgt, %min3A_160, %gt3A_167 : vector<16xi32>
      %jit3A_169 = arith.constant 0 : i32
      %broadcast_in_dim3A_170 = vector.broadcast %jit3A_169 : i32 to vector<16xi32>
      %select_n3A_171 = arith.select %gt3A_168, %gather3A_166, %broadcast_in_dim3A_170 : vector<16xi1>, vector<16xi32>
      %lt3A_172 = arith.cmpi slt, %iota3A, %min3A_160 : vector<16xi32>
      %select_n3A_173 = arith.select %lt3A_172, %get3A_161, %select_n3A_171 : vector<16xi1>, vector<16xi32>
      %add3A_174 = arith.constant 16 : i32
      %add3A_175 = vector.broadcast %add3A_174 : i32 to vector<16xi32>
      %add3A_176 = arith.addi %iota3A, %add3A_175 : vector<16xi32>
      %lt3A_177 = arith.cmpi slt, %add3A_176, %min3A_160 : vector<16xi32>
      %select_n3A_178 = arith.select %lt3A_177, %get3A_163, %select_n3A_171 : vector<16xi1>, vector<16xi32>
      %mul3A_179 = arith.constant 512 : i32
      %mul3A_180 = vector.broadcast %mul3A_179 : i32 to vector<16xi32>
      %mul3A_181 = arith.muli %iota3A, %mul3A_180 : vector<16xi32>
      %add3A_182 = vector.broadcast %scan3A_152 : i32 to vector<16xi32>
      %add3A_183 = arith.addi %mul3A_181, %add3A_182 : vector<16xi32>
      tpu.vector_store_idx %arg13[%add3A_183], %select_n3A_173 : memref<16384xi32, #tpu.memory_space<vmem>>[vector<16xi32>], vector<16xi32>,
      %add3A_184 = arith.constant 16 : i32
      %add3A_185 = vector.broadcast %add3A_184 : i32 to vector<16xi32>
      %add3A_186 = arith.addi %iota3A, %add3A_185 : vector<16xi32>
      %mul3A_187 = arith.constant 512 : i32
      %mul3A_188 = vector.broadcast %mul3A_187 : i32 to vector<16xi32>
      %mul3A_189 = arith.muli %add3A_186, %mul3A_188 : vector<16xi32>
      %add3A_190 = vector.broadcast %scan3A_152 : i32 to vector<16xi32>
      %add3A_191 = arith.addi %mul3A_189, %add3A_190 : vector<16xi32>
      tpu.vector_store_idx %arg13[%add3A_191], %select_n3A_178 : memref<16384xi32, #tpu.memory_space<vmem>>[vector<16xi32>], vector<16xi32>,
      %scan3A_192 = arith.constant 0 : i32
      scf.yield %scan3A_192 : i32
    }
    %scan3A_108 = arith.constant 512 : i32
    %scan3A_109 = arith.constant 0 : i32
    %scan3A_110 = arith.constant 0 : i32
    %scan3A_111 = arith.constant 32 : i32
    %scan3A_112 = arith.addi %scan3A_110, %scan3A_111 : i32
    %scan3A_113 = arith.constant 1 : i32
    %scan3A_114 = scf.for %scan3A_152 = %scan3A_110 to %scan3A_112 step %scan3A_113 iter_args(%scan3A_153 = %scan3A_109) -> (i32)  : i32 {
      %mul3A_154 = arith.constant 4 : i32
      %mul3A_155 = arith.muli %mul3A_154, %scan3A_152 : i32
      %mul3A_156 = arith.constant 128 : i32
      %mul3A_157 = arith.muli %select_n3A, %mul3A_156 : i32
      %add3A_158 = arith.addi %mul3A_157, %mul3A_155 : i32
      %mul3A_159 = arith.constant 4096 : i32
      %mul3A_160 = arith.muli %add3A_158, %mul3A_159 : i32
      %dma_wait3A_161 = tpu.memref_slice %arg4[%mul3A_160] : memref<8388608xf32, #tpu.memory_space<hbm>> -> memref<4096xf32, #tpu.memory_space<hbm>>
      %dma_wait3A_162 = tpu.memref_slice %arg4[%mul3A_160] : memref<8388608xf32, #tpu.memory_space<hbm>> -> memref<4096xf32, #tpu.memory_space<hbm>>
      tpu.wait_dma2 semaphore(%arg22 : memref<!tpu.dma_semaphore, #tpu.memory_space<semaphore_mem>>) src(%dma_wait3A_162 : memref<4096xf32, #tpu.memory_space<hbm>>) dst(%arg14 : memref<4096xf32, #tpu.memory_space<vmem>>)
      %add3A_163 = arith.constant 1 : i32
      %add3A_164 = arith.addi %mul3A_155, %add3A_163 : i32
      %mul3A_165 = arith.constant 128 : i32
      %mul3A_166 = arith.muli %select_n3A, %mul3A_165 : i32
      %add3A_167 = arith.addi %mul3A_166, %add3A_164 : i32
      %mul3A_168 = arith.constant 4096 : i32
      %mul3A_169 = arith.muli %add3A_167, %mul3A_168 : i32
      %dma_wait3A_170 = tpu.memref_slice %arg4[%mul3A_169] : memref<8388608xf32, #tpu.memory_space<hbm>> -> memref<4096xf32, #tpu.memory_space<hbm>>
      %dma_wait3A_171 = tpu.memref_slice %arg4[%mul3A_169] : memref<8388608xf32, #tpu.memory_space<hbm>> -> memref<4096xf32, #tpu.memory_space<hbm>>
      tpu.wait_dma2 semaphore(%arg22 : memref<!tpu.dma_semaphore, #tpu.memory_space<semaphore_mem>>) src(%dma_wait3A_171 : memref<4096xf32, #tpu.memory_space<hbm>>) dst(%arg15 : memref<4096xf32, #tpu.memory_space<vmem>>)
      %add3A_172 = arith.constant 2 : i32
      %add3A_173 = arith.addi %mul3A_155, %add3A_172 : i32
      %mul3A_174 = arith.constant 128 : i32
      %mul3A_175 = arith.muli %select_n3A, %mul3A_174 : i32
      %add3A_176 = arith.addi %mul3A_175, %add3A_173 : i32
      %mul3A_177 = arith.constant 4096 : i32
      %mul3A_178 = arith.muli %add3A_176, %mul3A_177 : i32
      %dma_wait3A_179 = tpu.memref_slice %arg4[%mul3A_178] : memref<8388608xf32, #tpu.memory_space<hbm>> -> memref<4096xf32, #tpu.memory_space<hbm>>
      %dma_wait3A_180 = tpu.memref_slice %arg4[%mul3A_178] : memref<8388608xf32, #tpu.memory_space<hbm>> -> memref<4096xf32, #tpu.memory_space<hbm>>
      tpu.wait_dma2 semaphore(%arg23 : memref<!tpu.dma_semaphore, #tpu.memory_space<semaphore_mem>>) src(%dma_wait3A_180 : memref<4096xf32, #tpu.memory_space<hbm>>) dst(%arg16 : memref<4096xf32, #tpu.memory_space<vmem>>)
      %add3A_181 = arith.constant 1 : i32
      %add3A_182 = arith.addi %add3A_173, %add3A_181 : i32
      %mul3A_183 = arith.constant 128 : i32
      %mul3A_184 = arith.muli %select_n3A, %mul3A_183 : i32
      %add3A_185 = arith.addi %mul3A_184, %add3A_182 : i32
      %mul3A_186 = arith.constant 4096 : i32
      %mul3A_187 = arith.muli %add3A_185, %mul3A_186 : i32
      %dma_wait3A_188 = tpu.memref_slice %arg4[%mul3A_187] : memref<8388608xf32, #tpu.memory_space<hbm>> -> memref<4096xf32, #tpu.memory_space<hbm>>
      %dma_wait3A_189 = tpu.memref_slice %arg4[%mul3A_187] : memref<8388608xf32, #tpu.memory_space<hbm>> -> memref<4096xf32, #tpu.memory_space<hbm>>
      tpu.wait_dma2 semaphore(%arg23 : memref<!tpu.dma_semaphore, #tpu.memory_space<semaphore_mem>>) src(%dma_wait3A_189 : memref<4096xf32, #tpu.memory_space<hbm>>) dst(%arg17 : memref<4096xf32, #tpu.memory_space<vmem>>)
      %gt3A = arith.constant 0 : i32
      %gt3A_190 = arith.cmpi sgt, %scan3A_152, %gt3A : i32
      %convert_element_type3A = arith.extui %gt3A_190 : i1 to i32
      %cond3A = arith.constant 0 : i32
      %cond3A_191 = arith.cmpi ne, %convert_element_type3A, %cond3A : i32
      scf.if %cond3A_191 {
        %sub3A_235 = arith.constant 4 : i32
        %sub3A_236 = arith.subi %mul3A_155, %sub3A_235 : i32
        %dma_wait3A_237 = arith.constant 0 : i32
        %dma_wait3A_238 = tpu.memref_slice %arg5[%select_n3A, %sub3A_236, %dma_wait3A_237, %mul3A_32] : memref<16x131x32x1024xf32, #tpu.memory_space<hbm>> -> memref<1x1x32x512xf32, #tpu.memory_space<hbm>>
        %dma_wait3A_239 = tpu.memref_squeeze %dma_wait3A_238 : memref<1x1x32x512xf32, #tpu.memory_space<hbm>> -> memref<32x512xf32, #tpu.memory_space<hbm>>
        %dma_wait3A_240 = arith.constant 0 : i32
        %dma_wait3A_241 = tpu.memref_slice %arg5[%select_n3A, %sub3A_236, %dma_wait3A_240, %mul3A_32] : memref<16x131x32x1024xf32, #tpu.memory_space<hbm>> -> memref<1x1x32x512xf32, #tpu.memory_space<hbm>>
        %dma_wait3A_242 = tpu.memref_squeeze %dma_wait3A_241 : memref<1x1x32x512xf32, #tpu.memory_space<hbm>> -> memref<32x512xf32, #tpu.memory_space<hbm>>
        tpu.wait_dma2 semaphore(%arg24 : memref<!tpu.dma_semaphore, #tpu.memory_space<semaphore_mem>>) src(%arg18 : memref<32x512xf32, #tpu.memory_space<vmem>>) dst(%dma_wait3A_242 : memref<32x512xf32, #tpu.memory_space<hbm>>)
        %add3A_243 = arith.constant 1 : i32
        %add3A_244 = arith.addi %sub3A_236, %add3A_243 : i32
        %dma_wait3A_245 = arith.constant 0 : i32
        %dma_wait3A_246 = tpu.memref_slice %arg5[%select_n3A, %add3A_244, %dma_wait3A_245, %mul3A_32] : memref<16x131x32x1024xf32, #tpu.memory_space<hbm>> -> memref<1x1x32x512xf32, #tpu.memory_space<hbm>>
        %dma_wait3A_247 = tpu.memref_squeeze %dma_wait3A_246 : memref<1x1x32x512xf32, #tpu.memory_space<hbm>> -> memref<32x512xf32, #tpu.memory_space<hbm>>
        %dma_wait3A_248 = arith.constant 0 : i32
        %dma_wait3A_249 = tpu.memref_slice %arg5[%select_n3A, %add3A_244, %dma_wait3A_248, %mul3A_32] : memref<16x131x32x1024xf32, #tpu.memory_space<hbm>> -> memref<1x1x32x512xf32, #tpu.memory_space<hbm>>
        %dma_wait3A_250 = tpu.memref_squeeze %dma_wait3A_249 : memref<1x1x32x512xf32, #tpu.memory_space<hbm>> -> memref<32x512xf32, #tpu.memory_space<hbm>>
        tpu.wait_dma2 semaphore(%arg24 : memref<!tpu.dma_semaphore, #tpu.memory_space<semaphore_mem>>) src(%arg19 : memref<32x512xf32, #tpu.memory_space<vmem>>) dst(%dma_wait3A_250 : memref<32x512xf32, #tpu.memory_space<hbm>>)
        %sub3A_251 = arith.constant 2 : i32
        %sub3A_252 = arith.subi %mul3A_155, %sub3A_251 : i32
        %dma_wait3A_253 = arith.constant 0 : i32
        %dma_wait3A_254 = tpu.memref_slice %arg5[%select_n3A, %sub3A_252, %dma_wait3A_253, %mul3A_32] : memref<16x131x32x1024xf32, #tpu.memory_space<hbm>> -> memref<1x1x32x512xf32, #tpu.memory_space<hbm>>
        %dma_wait3A_255 = tpu.memref_squeeze %dma_wait3A_254 : memref<1x1x32x512xf32, #tpu.memory_space<hbm>> -> memref<32x512xf32, #tpu.memory_space<hbm>>
        %dma_wait3A_256 = arith.constant 0 : i32
        %dma_wait3A_257 = tpu.memref_slice %arg5[%select_n3A, %sub3A_252, %dma_wait3A_256, %mul3A_32] : memref<16x131x32x1024xf32, #tpu.memory_space<hbm>> -> memref<1x1x32x512xf32, #tpu.memory_space<hbm>>
        %dma_wait3A_258 = tpu.memref_squeeze %dma_wait3A_257 : memref<1x1x32x512xf32, #tpu.memory_space<hbm>> -> memref<32x512xf32, #tpu.memory_space<hbm>>
        tpu.wait_dma2 semaphore(%arg25 : memref<!tpu.dma_semaphore, #tpu.memory_space<semaphore_mem>>) src(%arg20 : memref<32x512xf32, #tpu.memory_space<vmem>>) dst(%dma_wait3A_258 : memref<32x512xf32, #tpu.memory_space<hbm>>)
        %add3A_259 = arith.constant 1 : i32
        %add3A_260 = arith.addi %sub3A_252, %add3A_259 : i32
        %dma_wait3A_261 = arith.constant 0 : i32
        %dma_wait3A_262 = tpu.memref_slice %arg5[%select_n3A, %add3A_260, %dma_wait3A_261, %mul3A_32] : memref<16x131x32x1024xf32, #tpu.memory_space<hbm>> -> memref<1x1x32x512xf32, #tpu.memory_space<hbm>>
        %dma_wait3A_263 = tpu.memref_squeeze %dma_wait3A_262 : memref<1x1x32x512xf32, #tpu.memory_space<hbm>> -> memref<32x512xf32, #tpu.memory_space<hbm>>
        %dma_wait3A_264 = arith.constant 0 : i32
        %dma_wait3A_265 = tpu.memref_slice %arg5[%select_n3A, %add3A_260, %dma_wait3A_264, %mul3A_32] : memref<16x131x32x1024xf32, #tpu.memory_space<hbm>> -> memref<1x1x32x512xf32, #tpu.memory_space<hbm>>
        %dma_wait3A_266 = tpu.memref_squeeze %dma_wait3A_265 : memref<1x1x32x512xf32, #tpu.memory_space<hbm>> -> memref<32x512xf32, #tpu.memory_space<hbm>>
        tpu.wait_dma2 semaphore(%arg25 : memref<!tpu.dma_semaphore, #tpu.memory_space<semaphore_mem>>) src(%arg21 : memref<32x512xf32, #tpu.memory_space<vmem>>) dst(%dma_wait3A_266 : memref<32x512xf32, #tpu.memory_space<hbm>>)
      } else {
      }
      %scan3A_192 = arith.constant 0 : i32
      %scan3A_193 = arith.constant 0 : i32
      %scan3A_194 = arith.constant 32 : i32
      %scan3A_195 = arith.addi %scan3A_193, %scan3A_194 : i32
      %scan3A_196 = arith.constant 1 : i32
      %scan3A_197 = scf.for %scan3A_235 = %scan3A_193 to %scan3A_195 step %scan3A_196 iter_args(%scan3A_236 = %scan3A_192) -> (i32)  : i32 {
        %mul3A_237 = arith.constant 16 : i32
        %mul3A_238 = arith.muli %scan3A_235, %mul3A_237 : i32
        %add3A_239 = arith.constant 0 : i32
        %add3A_240 = arith.addi %add3A_239, %mul3A_238 : i32
        %get3A = arith.index_cast %add3A_240 : i32 to index
        %get3A_241 = tpu.vector_load %arg13[%get3A] {strides = array<i32>} : memref<16384xi32, #tpu.memory_space<vmem>>, vector<16xi32>,
        %add3A_242 = arith.constant 512 : i32
        %add3A_243 = arith.addi %add3A_242, %mul3A_238 : i32
        %get3A_244 = arith.index_cast %add3A_243 : i32 to index
        %get3A_245 = tpu.vector_load %arg13[%get3A_244] {strides = array<i32>} : memref<16384xi32, #tpu.memory_space<vmem>>, vector<16xi32>,
        %add3A_246 = arith.constant 1024 : i32
        %add3A_247 = arith.addi %add3A_246, %mul3A_238 : i32
        %get3A_248 = arith.index_cast %add3A_247 : i32 to index
        %get3A_249 = tpu.vector_load %arg13[%get3A_248] {strides = array<i32>} : memref<16384xi32, #tpu.memory_space<vmem>>, vector<16xi32>,
        %add3A_250 = arith.constant 1536 : i32
        %add3A_251 = arith.addi %add3A_250, %mul3A_238 : i32
        %get3A_252 = arith.index_cast %add3A_251 : i32 to index
        %get3A_253 = tpu.vector_load %arg13[%get3A_252] {strides = array<i32>} : memref<16384xi32, #tpu.memory_space<vmem>>, vector<16xi32>,
        %add3A_254 = arith.constant 2048 : i32
        %add3A_255 = arith.addi %add3A_254, %mul3A_238 : i32
        %get3A_256 = arith.index_cast %add3A_255 : i32 to index
        %get3A_257 = tpu.vector_load %arg13[%get3A_256] {strides = array<i32>} : memref<16384xi32, #tpu.memory_space<vmem>>, vector<16xi32>,
        %add3A_258 = arith.constant 2560 : i32
        %add3A_259 = arith.addi %add3A_258, %mul3A_238 : i32
        %get3A_260 = arith.index_cast %add3A_259 : i32 to index
        %get3A_261 = tpu.vector_load %arg13[%get3A_260] {strides = array<i32>} : memref<16384xi32, #tpu.memory_space<vmem>>, vector<16xi32>,
        %add3A_262 = arith.constant 3072 : i32
        %add3A_263 = arith.addi %add3A_262, %mul3A_238 : i32
        %get3A_264 = arith.index_cast %add3A_263 : i32 to index
        %get3A_265 = tpu.vector_load %arg13[%get3A_264] {strides = array<i32>} : memref<16384xi32, #tpu.memory_space<vmem>>, vector<16xi32>,
        %add3A_266 = arith.constant 3584 : i32
        %add3A_267 = arith.addi %add3A_266, %mul3A_238 : i32
        %get3A_268 = arith.index_cast %add3A_267 : i32 to index
        %get3A_269 = tpu.vector_load %arg13[%get3A_268] {strides = array<i32>} : memref<16384xi32, #tpu.memory_space<vmem>>, vector<16xi32>,
        %add3A_270 = arith.constant 4096 : i32
        %add3A_271 = arith.addi %add3A_270, %mul3A_238 : i32
        %get3A_272 = arith.index_cast %add3A_271 : i32 to index
        %get3A_273 = tpu.vector_load %arg13[%get3A_272] {strides = array<i32>} : memref<16384xi32, #tpu.memory_space<vmem>>, vector<16xi32>,
        %add3A_274 = arith.constant 4608 : i32
        %add3A_275 = arith.addi %add3A_274, %mul3A_238 : i32
        %get3A_276 = arith.index_cast %add3A_275 : i32 to index
        %get3A_277 = tpu.vector_load %arg13[%get3A_276] {strides = array<i32>} : memref<16384xi32, #tpu.memory_space<vmem>>, vector<16xi32>,
        %add3A_278 = arith.constant 5120 : i32
        %add3A_279 = arith.addi %add3A_278, %mul3A_238 : i32
        %get3A_280 = arith.index_cast %add3A_279 : i32 to index
        %get3A_281 = tpu.vector_load %arg13[%get3A_280] {strides = array<i32>} : memref<16384xi32, #tpu.memory_space<vmem>>, vector<16xi32>,
        %add3A_282 = arith.constant 5632 : i32
        %add3A_283 = arith.addi %add3A_282, %mul3A_238 : i32
        %get3A_284 = arith.index_cast %add3A_283 : i32 to index
        %get3A_285 = tpu.vector_load %arg13[%get3A_284] {strides = array<i32>} : memref<16384xi32, #tpu.memory_space<vmem>>, vector<16xi32>,
        %add3A_286 = arith.constant 6144 : i32
        %add3A_287 = arith.addi %add3A_286, %mul3A_238 : i32
        %get3A_288 = arith.index_cast %add3A_287 : i32 to index
        %get3A_289 = tpu.vector_load %arg13[%get3A_288] {strides = array<i32>} : memref<16384xi32, #tpu.memory_space<vmem>>, vector<16xi32>,
        %add3A_290 = arith.constant 6656 : i32
        %add3A_291 = arith.addi %add3A_290, %mul3A_238 : i32
        %get3A_292 = arith.index_cast %add3A_291 : i32 to index
        %get3A_293 = tpu.vector_load %arg13[%get3A_292] {strides = array<i32>} : memref<16384xi32, #tpu.memory_space<vmem>>, vector<16xi32>,
        %add3A_294 = arith.constant 7168 : i32
        %add3A_295 = arith.addi %add3A_294, %mul3A_238 : i32
        %get3A_296 = arith.index_cast %add3A_295 : i32 to index
        %get3A_297 = tpu.vector_load %arg13[%get3A_296] {strides = array<i32>} : memref<16384xi32, #tpu.memory_space<vmem>>, vector<16xi32>,
        %add3A_298 = arith.constant 7680 : i32
        %add3A_299 = arith.addi %add3A_298, %mul3A_238 : i32
        %get3A_300 = arith.index_cast %add3A_299 : i32 to index
        %get3A_301 = tpu.vector_load %arg13[%get3A_300] {strides = array<i32>} : memref<16384xi32, #tpu.memory_space<vmem>>, vector<16xi32>,
        %gather3A = tpu.vector_load_idx %arg14[%get3A_241] : memref<4096xf32, #tpu.memory_space<vmem>>[vector<16xi32>], vector<16xf32>,
        %gather3A_302 = tpu.vector_load_idx %arg14[%get3A_245] : memref<4096xf32, #tpu.memory_space<vmem>>[vector<16xi32>], vector<16xf32>,
        %gather3A_303 = tpu.vector_load_idx %arg14[%get3A_249] : memref<4096xf32, #tpu.memory_space<vmem>>[vector<16xi32>], vector<16xf32>,
        %gather3A_304 = tpu.vector_load_idx %arg14[%get3A_253] : memref<4096xf32, #tpu.memory_space<vmem>>[vector<16xi32>], vector<16xf32>,
        %gather3A_305 = tpu.vector_load_idx %arg14[%get3A_257] : memref<4096xf32, #tpu.memory_space<vmem>>[vector<16xi32>], vector<16xf32>,
        %gather3A_306 = tpu.vector_load_idx %arg14[%get3A_261] : memref<4096xf32, #tpu.memory_space<vmem>>[vector<16xi32>], vector<16xf32>,
        %gather3A_307 = tpu.vector_load_idx %arg14[%get3A_265] : memref<4096xf32, #tpu.memory_space<vmem>>[vector<16xi32>], vector<16xf32>,
        %gather3A_308 = tpu.vector_load_idx %arg14[%get3A_269] : memref<4096xf32, #tpu.memory_space<vmem>>[vector<16xi32>], vector<16xf32>,
        %gather3A_309 = tpu.vector_load_idx %arg14[%get3A_273] : memref<4096xf32, #tpu.memory_space<vmem>>[vector<16xi32>], vector<16xf32>,
        %gather3A_310 = tpu.vector_load_idx %arg14[%get3A_277] : memref<4096xf32, #tpu.memory_space<vmem>>[vector<16xi32>], vector<16xf32>,
        %gather3A_311 = tpu.vector_load_idx %arg14[%get3A_281] : memref<4096xf32, #tpu.memory_space<vmem>>[vector<16xi32>], vector<16xf32>,
        %gather3A_312 = tpu.vector_load_idx %arg14[%get3A_285] : memref<4096xf32, #tpu.memory_space<vmem>>[vector<16xi32>], vector<16xf32>,
        %gather3A_313 = tpu.vector_load_idx %arg14[%get3A_289] : memref<4096xf32, #tpu.memory_space<vmem>>[vector<16xi32>], vector<16xf32>,
        %gather3A_314 = tpu.vector_load_idx %arg14[%get3A_293] : memref<4096xf32, #tpu.memory_space<vmem>>[vector<16xi32>], vector<16xf32>,
        %gather3A_315 = tpu.vector_load_idx %arg14[%get3A_297] : memref<4096xf32, #tpu.memory_space<vmem>>[vector<16xi32>], vector<16xf32>,
        %gather3A_316 = tpu.vector_load_idx %arg14[%get3A_301] : memref<4096xf32, #tpu.memory_space<vmem>>[vector<16xi32>], vector<16xf32>,
        %swap3A = arith.constant 0 : i32
        %swap3A_317 = arith.index_cast %swap3A : i32 to index
        %swap3A_318 = arith.index_cast %mul3A_238 : i32 to index
        %swap3A_319 = tpu.vector_load %arg18[%swap3A_317, %swap3A_318] {strides = array<i32>} : memref<32x512xf32, #tpu.memory_space<vmem>>, vector<16xf32>,
        tpu.vector_store %arg18[%swap3A_317, %swap3A_318], %gather3A {strides = array<i32>} : memref<32x512xf32, #tpu.memory_space<vmem>>, vector<16xf32>,
        %swap3A_320 = arith.constant 1 : i32
        %swap3A_321 = arith.index_cast %swap3A_320 : i32 to index
        %swap3A_322 = arith.index_cast %mul3A_238 : i32 to index
        %swap3A_323 = tpu.vector_load %arg18[%swap3A_321, %swap3A_322] {strides = array<i32>} : memref<32x512xf32, #tpu.memory_space<vmem>>, vector<16xf32>,
        tpu.vector_store %arg18[%swap3A_321, %swap3A_322], %gather3A_302 {strides = array<i32>} : memref<32x512xf32, #tpu.memory_space<vmem>>, vector<16xf32>,
        %swap3A_324 = arith.constant 2 : i32
        %swap3A_325 = arith.index_cast %swap3A_324 : i32 to index
        %swap3A_326 = arith.index_cast %mul3A_238 : i32 to index
        %swap3A_327 = tpu.vector_load %arg18[%swap3A_325, %swap3A_326] {strides = array<i32>} : memref<32x512xf32, #tpu.memory_space<vmem>>, vector<16xf32>,
        tpu.vector_store %arg18[%swap3A_325, %swap3A_326], %gather3A_303 {strides = array<i32>} : memref<32x512xf32, #tpu.memory_space<vmem>>, vector<16xf32>,
        %swap3A_328 = arith.constant 3 : i32
        %swap3A_329 = arith.index_cast %swap3A_328 : i32 to index
        %swap3A_330 = arith.index_cast %mul3A_238 : i32 to index
        %swap3A_331 = tpu.vector_load %arg18[%swap3A_329, %swap3A_330] {strides = array<i32>} : memref<32x512xf32, #tpu.memory_space<vmem>>, vector<16xf32>,
        tpu.vector_store %arg18[%swap3A_329, %swap3A_330], %gather3A_304 {strides = array<i32>} : memref<32x512xf32, #tpu.memory_space<vmem>>, vector<16xf32>,
        %swap3A_332 = arith.constant 4 : i32
        %swap3A_333 = arith.index_cast %swap3A_332 : i32 to index
        %swap3A_334 = arith.index_cast %mul3A_238 : i32 to index
        %swap3A_335 = tpu.vector_load %arg18[%swap3A_333, %swap3A_334] {strides = array<i32>} : memref<32x512xf32, #tpu.memory_space<vmem>>, vector<16xf32>,
        tpu.vector_store %arg18[%swap3A_333, %swap3A_334], %gather3A_305 {strides = array<i32>} : memref<32x512xf32, #tpu.memory_space<vmem>>, vector<16xf32>,
        %swap3A_336 = arith.constant 5 : i32
        %swap3A_337 = arith.index_cast %swap3A_336 : i32 to index
        %swap3A_338 = arith.index_cast %mul3A_238 : i32 to index
        %swap3A_339 = tpu.vector_load %arg18[%swap3A_337, %swap3A_338] {strides = array<i32>} : memref<32x512xf32, #tpu.memory_space<vmem>>, vector<16xf32>,
        tpu.vector_store %arg18[%swap3A_337, %swap3A_338], %gather3A_306 {strides = array<i32>} : memref<32x512xf32, #tpu.memory_space<vmem>>, vector<16xf32>,
        %swap3A_340 = arith.constant 6 : i32
        %swap3A_341 = arith.index_cast %swap3A_340 : i32 to index
        %swap3A_342 = arith.index_cast %mul3A_238 : i32 to index
        %swap3A_343 = tpu.vector_load %arg18[%swap3A_341, %swap3A_342] {strides = array<i32>} : memref<32x512xf32, #tpu.memory_space<vmem>>, vector<16xf32>,
        tpu.vector_store %arg18[%swap3A_341, %swap3A_342], %gather3A_307 {strides = array<i32>} : memref<32x512xf32, #tpu.memory_space<vmem>>, vector<16xf32>,
        %swap3A_344 = arith.constant 7 : i32
        %swap3A_345 = arith.index_cast %swap3A_344 : i32 to index
        %swap3A_346 = arith.index_cast %mul3A_238 : i32 to index
        %swap3A_347 = tpu.vector_load %arg18[%swap3A_345, %swap3A_346] {strides = array<i32>} : memref<32x512xf32, #tpu.memory_space<vmem>>, vector<16xf32>,
        tpu.vector_store %arg18[%swap3A_345, %swap3A_346], %gather3A_308 {strides = array<i32>} : memref<32x512xf32, #tpu.memory_space<vmem>>, vector<16xf32>,
        %swap3A_348 = arith.constant 8 : i32
        %swap3A_349 = arith.index_cast %swap3A_348 : i32 to index
        %swap3A_350 = arith.index_cast %mul3A_238 : i32 to index
        %swap3A_351 = tpu.vector_load %arg18[%swap3A_349, %swap3A_350] {strides = array<i32>} : memref<32x512xf32, #tpu.memory_space<vmem>>, vector<16xf32>,
        tpu.vector_store %arg18[%swap3A_349, %swap3A_350], %gather3A_309 {strides = array<i32>} : memref<32x512xf32, #tpu.memory_space<vmem>>, vector<16xf32>,
        %swap3A_352 = arith.constant 9 : i32
        %swap3A_353 = arith.index_cast %swap3A_352 : i32 to index
        %swap3A_354 = arith.index_cast %mul3A_238 : i32 to index
        %swap3A_355 = tpu.vector_load %arg18[%swap3A_353, %swap3A_354] {strides = array<i32>} : memref<32x512xf32, #tpu.memory_space<vmem>>, vector<16xf32>,
        tpu.vector_store %arg18[%swap3A_353, %swap3A_354], %gather3A_310 {strides = array<i32>} : memref<32x512xf32, #tpu.memory_space<vmem>>, vector<16xf32>,
        %swap3A_356 = arith.constant 10 : i32
        %swap3A_357 = arith.index_cast %swap3A_356 : i32 to index
        %swap3A_358 = arith.index_cast %mul3A_238 : i32 to index
        %swap3A_359 = tpu.vector_load %arg18[%swap3A_357, %swap3A_358] {strides = array<i32>} : memref<32x512xf32, #tpu.memory_space<vmem>>, vector<16xf32>,
        tpu.vector_store %arg18[%swap3A_357, %swap3A_358], %gather3A_311 {strides = array<i32>} : memref<32x512xf32, #tpu.memory_space<vmem>>, vector<16xf32>,
        %swap3A_360 = arith.constant 11 : i32
        %swap3A_361 = arith.index_cast %swap3A_360 : i32 to index
        %swap3A_362 = arith.index_cast %mul3A_238 : i32 to index
        %swap3A_363 = tpu.vector_load %arg18[%swap3A_361, %swap3A_362] {strides = array<i32>} : memref<32x512xf32, #tpu.memory_space<vmem>>, vector<16xf32>,
        tpu.vector_store %arg18[%swap3A_361, %swap3A_362], %gather3A_312 {strides = array<i32>} : memref<32x512xf32, #tpu.memory_space<vmem>>, vector<16xf32>,
        %swap3A_364 = arith.constant 12 : i32
        %swap3A_365 = arith.index_cast %swap3A_364 : i32 to index
        %swap3A_366 = arith.index_cast %mul3A_238 : i32 to index
        %swap3A_367 = tpu.vector_load %arg18[%swap3A_365, %swap3A_366] {strides = array<i32>} : memref<32x512xf32, #tpu.memory_space<vmem>>, vector<16xf32>,
        tpu.vector_store %arg18[%swap3A_365, %swap3A_366], %gather3A_313 {strides = array<i32>} : memref<32x512xf32, #tpu.memory_space<vmem>>, vector<16xf32>,
        %swap3A_368 = arith.constant 13 : i32
        %swap3A_369 = arith.index_cast %swap3A_368 : i32 to index
        %swap3A_370 = arith.index_cast %mul3A_238 : i32 to index
        %swap3A_371 = tpu.vector_load %arg18[%swap3A_369, %swap3A_370] {strides = array<i32>} : memref<32x512xf32, #tpu.memory_space<vmem>>, vector<16xf32>,
        tpu.vector_store %arg18[%swap3A_369, %swap3A_370], %gather3A_314 {strides = array<i32>} : memref<32x512xf32, #tpu.memory_space<vmem>>, vector<16xf32>,
        %swap3A_372 = arith.constant 14 : i32
        %swap3A_373 = arith.index_cast %swap3A_372 : i32 to index
        %swap3A_374 = arith.index_cast %mul3A_238 : i32 to index
        %swap3A_375 = tpu.vector_load %arg18[%swap3A_373, %swap3A_374] {strides = array<i32>} : memref<32x512xf32, #tpu.memory_space<vmem>>, vector<16xf32>,
        tpu.vector_store %arg18[%swap3A_373, %swap3A_374], %gather3A_315 {strides = array<i32>} : memref<32x512xf32, #tpu.memory_space<vmem>>, vector<16xf32>,
        %swap3A_376 = arith.constant 15 : i32
        %swap3A_377 = arith.index_cast %swap3A_376 : i32 to index
        %swap3A_378 = arith.index_cast %mul3A_238 : i32 to index
        %swap3A_379 = tpu.vector_load %arg18[%swap3A_377, %swap3A_378] {strides = array<i32>} : memref<32x512xf32, #tpu.memory_space<vmem>>, vector<16xf32>,
        tpu.vector_store %arg18[%swap3A_377, %swap3A_378], %gather3A_316 {strides = array<i32>} : memref<32x512xf32, #tpu.memory_space<vmem>>, vector<16xf32>,
        %gather3A_380 = tpu.vector_load_idx %arg15[%get3A_241] : memref<4096xf32, #tpu.memory_space<vmem>>[vector<16xi32>], vector<16xf32>,
        %gather3A_381 = tpu.vector_load_idx %arg15[%get3A_245] : memref<4096xf32, #tpu.memory_space<vmem>>[vector<16xi32>], vector<16xf32>,
        %gather3A_382 = tpu.vector_load_idx %arg15[%get3A_249] : memref<4096xf32, #tpu.memory_space<vmem>>[vector<16xi32>], vector<16xf32>,
        %gather3A_383 = tpu.vector_load_idx %arg15[%get3A_253] : memref<4096xf32, #tpu.memory_space<vmem>>[vector<16xi32>], vector<16xf32>,
        %gather3A_384 = tpu.vector_load_idx %arg15[%get3A_257] : memref<4096xf32, #tpu.memory_space<vmem>>[vector<16xi32>], vector<16xf32>,
        %gather3A_385 = tpu.vector_load_idx %arg15[%get3A_261] : memref<4096xf32, #tpu.memory_space<vmem>>[vector<16xi32>], vector<16xf32>,
        %gather3A_386 = tpu.vector_load_idx %arg15[%get3A_265] : memref<4096xf32, #tpu.memory_space<vmem>>[vector<16xi32>], vector<16xf32>,
        %gather3A_387 = tpu.vector_load_idx %arg15[%get3A_269] : memref<4096xf32, #tpu.memory_space<vmem>>[vector<16xi32>], vector<16xf32>,
        %gather3A_388 = tpu.vector_load_idx %arg15[%get3A_273] : memref<4096xf32, #tpu.memory_space<vmem>>[vector<16xi32>], vector<16xf32>,
        %gather3A_389 = tpu.vector_load_idx %arg15[%get3A_277] : memref<4096xf32, #tpu.memory_space<vmem>>[vector<16xi32>], vector<16xf32>,
        %gather3A_390 = tpu.vector_load_idx %arg15[%get3A_281] : memref<4096xf32, #tpu.memory_space<vmem>>[vector<16xi32>], vector<16xf32>,
        %gather3A_391 = tpu.vector_load_idx %arg15[%get3A_285] : memref<4096xf32, #tpu.memory_space<vmem>>[vector<16xi32>], vector<16xf32>,
        %gather3A_392 = tpu.vector_load_idx %arg15[%get3A_289] : memref<4096xf32, #tpu.memory_space<vmem>>[vector<16xi32>], vector<16xf32>,
        %gather3A_393 = tpu.vector_load_idx %arg15[%get3A_293] : memref<4096xf32, #tpu.memory_space<vmem>>[vector<16xi32>], vector<16xf32>,
        %gather3A_394 = tpu.vector_load_idx %arg15[%get3A_297] : memref<4096xf32, #tpu.memory_space<vmem>>[vector<16xi32>], vector<16xf32>,
        %gather3A_395 = tpu.vector_load_idx %arg15[%get3A_301] : memref<4096xf32, #tpu.memory_space<vmem>>[vector<16xi32>], vector<16xf32>,
        %swap3A_396 = arith.constant 0 : i32
        %swap3A_397 = arith.index_cast %swap3A_396 : i32 to index
        %swap3A_398 = arith.index_cast %mul3A_238 : i32 to index
        %swap3A_399 = tpu.vector_load %arg19[%swap3A_397, %swap3A_398] {strides = array<i32>} : memref<32x512xf32, #tpu.memory_space<vmem>>, vector<16xf32>,
        tpu.vector_store %arg19[%swap3A_397, %swap3A_398], %gather3A_380 {strides = array<i32>} : memref<32x512xf32, #tpu.memory_space<vmem>>, vector<16xf32>,
        %swap3A_400 = arith.constant 1 : i32
        %swap3A_401 = arith.index_cast %swap3A_400 : i32 to index
        %swap3A_402 = arith.index_cast %mul3A_238 : i32 to index
        %swap3A_403 = tpu.vector_load %arg19[%swap3A_401, %swap3A_402] {strides = array<i32>} : memref<32x512xf32, #tpu.memory_space<vmem>>, vector<16xf32>,
        tpu.vector_store %arg19[%swap3A_401, %swap3A_402], %gather3A_381 {strides = array<i32>} : memref<32x512xf32, #tpu.memory_space<vmem>>, vector<16xf32>,
        %swap3A_404 = arith.constant 2 : i32
        %swap3A_405 = arith.index_cast %swap3A_404 : i32 to index
        %swap3A_406 = arith.index_cast %mul3A_238 : i32 to index
        %swap3A_407 = tpu.vector_load %arg19[%swap3A_405, %swap3A_406] {strides = array<i32>} : memref<32x512xf32, #tpu.memory_space<vmem>>, vector<16xf32>,
        tpu.vector_store %arg19[%swap3A_405, %swap3A_406], %gather3A_382 {strides = array<i32>} : memref<32x512xf32, #tpu.memory_space<vmem>>, vector<16xf32>,
        %swap3A_408 = arith.constant 3 : i32
        %swap3A_409 = arith.index_cast %swap3A_408 : i32 to index
        %swap3A_410 = arith.index_cast %mul3A_238 : i32 to index
        %swap3A_411 = tpu.vector_load %arg19[%swap3A_409, %swap3A_410] {strides = array<i32>} : memref<32x512xf32, #tpu.memory_space<vmem>>, vector<16xf32>,
        tpu.vector_store %arg19[%swap3A_409, %swap3A_410], %gather3A_383 {strides = array<i32>} : memref<32x512xf32, #tpu.memory_space<vmem>>, vector<16xf32>,
        %swap3A_412 = arith.constant 4 : i32
        %swap3A_413 = arith.index_cast %swap3A_412 : i32 to index
        %swap3A_414 = arith.index_cast %mul3A_238 : i32 to index
        %swap3A_415 = tpu.vector_load %arg19[%swap3A_413, %swap3A_414] {strides = array<i32>} : memref<32x512xf32, #tpu.memory_space<vmem>>, vector<16xf32>,
        tpu.vector_store %arg19[%swap3A_413, %swap3A_414], %gather3A_384 {strides = array<i32>} : memref<32x512xf32, #tpu.memory_space<vmem>>, vector<16xf32>,
        %swap3A_416 = arith.constant 5 : i32
        %swap3A_417 = arith.index_cast %swap3A_416 : i32 to index
        %swap3A_418 = arith.index_cast %mul3A_238 : i32 to index
        %swap3A_419 = tpu.vector_load %arg19[%swap3A_417, %swap3A_418] {strides = array<i32>} : memref<32x512xf32, #tpu.memory_space<vmem>>, vector<16xf32>,
        tpu.vector_store %arg19[%swap3A_417, %swap3A_418], %gather3A_385 {strides = array<i32>} : memref<32x512xf32, #tpu.memory_space<vmem>>, vector<16xf32>,
        %swap3A_420 = arith.constant 6 : i32
        %swap3A_421 = arith.index_cast %swap3A_420 : i32 to index
        %swap3A_422 = arith.index_cast %mul3A_238 : i32 to index
        %swap3A_423 = tpu.vector_load %arg19[%swap3A_421, %swap3A_422] {strides = array<i32>} : memref<32x512xf32, #tpu.memory_space<vmem>>, vector<16xf32>,
        tpu.vector_store %arg19[%swap3A_421, %swap3A_422], %gather3A_386 {strides = array<i32>} : memref<32x512xf32, #tpu.memory_space<vmem>>, vector<16xf32>,
        %swap3A_424 = arith.constant 7 : i32
        %swap3A_425 = arith.index_cast %swap3A_424 : i32 to index
        %swap3A_426 = arith.index_cast %mul3A_238 : i32 to index
        %swap3A_427 = tpu.vector_load %arg19[%swap3A_425, %swap3A_426] {strides = array<i32>} : memref<32x512xf32, #tpu.memory_space<vmem>>, vector<16xf32>,
        tpu.vector_store %arg19[%swap3A_425, %swap3A_426], %gather3A_387 {strides = array<i32>} : memref<32x512xf32, #tpu.memory_space<vmem>>, vector<16xf32>,
        %swap3A_428 = arith.constant 8 : i32
        %swap3A_429 = arith.index_cast %swap3A_428 : i32 to index
        %swap3A_430 = arith.index_cast %mul3A_238 : i32 to index
        %swap3A_431 = tpu.vector_load %arg19[%swap3A_429, %swap3A_430] {strides = array<i32>} : memref<32x512xf32, #tpu.memory_space<vmem>>, vector<16xf32>,
        tpu.vector_store %arg19[%swap3A_429, %swap3A_430], %gather3A_388 {strides = array<i32>} : memref<32x512xf32, #tpu.memory_space<vmem>>, vector<16xf32>,
        %swap3A_432 = arith.constant 9 : i32
        %swap3A_433 = arith.index_cast %swap3A_432 : i32 to index
        %swap3A_434 = arith.index_cast %mul3A_238 : i32 to index
        %swap3A_435 = tpu.vector_load %arg19[%swap3A_433, %swap3A_434] {strides = array<i32>} : memref<32x512xf32, #tpu.memory_space<vmem>>, vector<16xf32>,
        tpu.vector_store %arg19[%swap3A_433, %swap3A_434], %gather3A_389 {strides = array<i32>} : memref<32x512xf32, #tpu.memory_space<vmem>>, vector<16xf32>,
        %swap3A_436 = arith.constant 10 : i32
        %swap3A_437 = arith.index_cast %swap3A_436 : i32 to index
        %swap3A_438 = arith.index_cast %mul3A_238 : i32 to index
        %swap3A_439 = tpu.vector_load %arg19[%swap3A_437, %swap3A_438] {strides = array<i32>} : memref<32x512xf32, #tpu.memory_space<vmem>>, vector<16xf32>,
        tpu.vector_store %arg19[%swap3A_437, %swap3A_438], %gather3A_390 {strides = array<i32>} : memref<32x512xf32, #tpu.memory_space<vmem>>, vector<16xf32>,
        %swap3A_440 = arith.constant 11 : i32
        %swap3A_441 = arith.index_cast %swap3A_440 : i32 to index
        %swap3A_442 = arith.index_cast %mul3A_238 : i32 to index
        %swap3A_443 = tpu.vector_load %arg19[%swap3A_441, %swap3A_442] {strides = array<i32>} : memref<32x512xf32, #tpu.memory_space<vmem>>, vector<16xf32>,
        tpu.vector_store %arg19[%swap3A_441, %swap3A_442], %gather3A_391 {strides = array<i32>} : memref<32x512xf32, #tpu.memory_space<vmem>>, vector<16xf32>,
        %swap3A_444 = arith.constant 12 : i32
        %swap3A_445 = arith.index_cast %swap3A_444 : i32 to index
        %swap3A_446 = arith.index_cast %mul3A_238 : i32 to index
        %swap3A_447 = tpu.vector_load %arg19[%swap3A_445, %swap3A_446] {strides = array<i32>} : memref<32x512xf32, #tpu.memory_space<vmem>>, vector<16xf32>,
        tpu.vector_store %arg19[%swap3A_445, %swap3A_446], %gather3A_392 {strides = array<i32>} : memref<32x512xf32, #tpu.memory_space<vmem>>, vector<16xf32>,
        %swap3A_448 = arith.constant 13 : i32
        %swap3A_449 = arith.index_cast %swap3A_448 : i32 to index
        %swap3A_450 = arith.index_cast %mul3A_238 : i32 to index
        %swap3A_451 = tpu.vector_load %arg19[%swap3A_449, %swap3A_450] {strides = array<i32>} : memref<32x512xf32, #tpu.memory_space<vmem>>, vector<16xf32>,
        tpu.vector_store %arg19[%swap3A_449, %swap3A_450], %gather3A_393 {strides = array<i32>} : memref<32x512xf32, #tpu.memory_space<vmem>>, vector<16xf32>,
        %swap3A_452 = arith.constant 14 : i32
        %swap3A_453 = arith.index_cast %swap3A_452 : i32 to index
        %swap3A_454 = arith.index_cast %mul3A_238 : i32 to index
        %swap3A_455 = tpu.vector_load %arg19[%swap3A_453, %swap3A_454] {strides = array<i32>} : memref<32x512xf32, #tpu.memory_space<vmem>>, vector<16xf32>,
        tpu.vector_store %arg19[%swap3A_453, %swap3A_454], %gather3A_394 {strides = array<i32>} : memref<32x512xf32, #tpu.memory_space<vmem>>, vector<16xf32>,
        %swap3A_456 = arith.constant 15 : i32
        %swap3A_457 = arith.index_cast %swap3A_456 : i32 to index
        %swap3A_458 = arith.index_cast %mul3A_238 : i32 to index
        %swap3A_459 = tpu.vector_load %arg19[%swap3A_457, %swap3A_458] {strides = array<i32>} : memref<32x512xf32, #tpu.memory_space<vmem>>, vector<16xf32>,
        tpu.vector_store %arg19[%swap3A_457, %swap3A_458], %gather3A_395 {strides = array<i32>} : memref<32x512xf32, #tpu.memory_space<vmem>>, vector<16xf32>,
        %gather3A_460 = tpu.vector_load_idx %arg16[%get3A_241] : memref<4096xf32, #tpu.memory_space<vmem>>[vector<16xi32>], vector<16xf32>,
        %gather3A_461 = tpu.vector_load_idx %arg16[%get3A_245] : memref<4096xf32, #tpu.memory_space<vmem>>[vector<16xi32>], vector<16xf32>,
        %gather3A_462 = tpu.vector_load_idx %arg16[%get3A_249] : memref<4096xf32, #tpu.memory_space<vmem>>[vector<16xi32>], vector<16xf32>,
        %gather3A_463 = tpu.vector_load_idx %arg16[%get3A_253] : memref<4096xf32, #tpu.memory_space<vmem>>[vector<16xi32>], vector<16xf32>,
        %gather3A_464 = tpu.vector_load_idx %arg16[%get3A_257] : memref<4096xf32, #tpu.memory_space<vmem>>[vector<16xi32>], vector<16xf32>,
        %gather3A_465 = tpu.vector_load_idx %arg16[%get3A_261] : memref<4096xf32, #tpu.memory_space<vmem>>[vector<16xi32>], vector<16xf32>,
        %gather3A_466 = tpu.vector_load_idx %arg16[%get3A_265] : memref<4096xf32, #tpu.memory_space<vmem>>[vector<16xi32>], vector<16xf32>,
        %gather3A_467 = tpu.vector_load_idx %arg16[%get3A_269] : memref<4096xf32, #tpu.memory_space<vmem>>[vector<16xi32>], vector<16xf32>,
        %gather3A_468 = tpu.vector_load_idx %arg16[%get3A_273] : memref<4096xf32, #tpu.memory_space<vmem>>[vector<16xi32>], vector<16xf32>,
        %gather3A_469 = tpu.vector_load_idx %arg16[%get3A_277] : memref<4096xf32, #tpu.memory_space<vmem>>[vector<16xi32>], vector<16xf32>,
        %gather3A_470 = tpu.vector_load_idx %arg16[%get3A_281] : memref<4096xf32, #tpu.memory_space<vmem>>[vector<16xi32>], vector<16xf32>,
        %gather3A_471 = tpu.vector_load_idx %arg16[%get3A_285] : memref<4096xf32, #tpu.memory_space<vmem>>[vector<16xi32>], vector<16xf32>,
        %gather3A_472 = tpu.vector_load_idx %arg16[%get3A_289] : memref<4096xf32, #tpu.memory_space<vmem>>[vector<16xi32>], vector<16xf32>,
        %gather3A_473 = tpu.vector_load_idx %arg16[%get3A_293] : memref<4096xf32, #tpu.memory_space<vmem>>[vector<16xi32>], vector<16xf32>,
        %gather3A_474 = tpu.vector_load_idx %arg16[%get3A_297] : memref<4096xf32, #tpu.memory_space<vmem>>[vector<16xi32>], vector<16xf32>,
        %gather3A_475 = tpu.vector_load_idx %arg16[%get3A_301] : memref<4096xf32, #tpu.memory_space<vmem>>[vector<16xi32>], vector<16xf32>,
        %swap3A_476 = arith.constant 0 : i32
        %swap3A_477 = arith.index_cast %swap3A_476 : i32 to index
        %swap3A_478 = arith.index_cast %mul3A_238 : i32 to index
        %swap3A_479 = tpu.vector_load %arg20[%swap3A_477, %swap3A_478] {strides = array<i32>} : memref<32x512xf32, #tpu.memory_space<vmem>>, vector<16xf32>,
        tpu.vector_store %arg20[%swap3A_477, %swap3A_478], %gather3A_460 {strides = array<i32>} : memref<32x512xf32, #tpu.memory_space<vmem>>, vector<16xf32>,
        %swap3A_480 = arith.constant 1 : i32
        %swap3A_481 = arith.index_cast %swap3A_480 : i32 to index
        %swap3A_482 = arith.index_cast %mul3A_238 : i32 to index
        %swap3A_483 = tpu.vector_load %arg20[%swap3A_481, %swap3A_482] {strides = array<i32>} : memref<32x512xf32, #tpu.memory_space<vmem>>, vector<16xf32>,
        tpu.vector_store %arg20[%swap3A_481, %swap3A_482], %gather3A_461 {strides = array<i32>} : memref<32x512xf32, #tpu.memory_space<vmem>>, vector<16xf32>,
        %swap3A_484 = arith.constant 2 : i32
        %swap3A_485 = arith.index_cast %swap3A_484 : i32 to index
        %swap3A_486 = arith.index_cast %mul3A_238 : i32 to index
        %swap3A_487 = tpu.vector_load %arg20[%swap3A_485, %swap3A_486] {strides = array<i32>} : memref<32x512xf32, #tpu.memory_space<vmem>>, vector<16xf32>,
        tpu.vector_store %arg20[%swap3A_485, %swap3A_486], %gather3A_462 {strides = array<i32>} : memref<32x512xf32, #tpu.memory_space<vmem>>, vector<16xf32>,
        %swap3A_488 = arith.constant 3 : i32
        %swap3A_489 = arith.index_cast %swap3A_488 : i32 to index
        %swap3A_490 = arith.index_cast %mul3A_238 : i32 to index
        %swap3A_491 = tpu.vector_load %arg20[%swap3A_489, %swap3A_490] {strides = array<i32>} : memref<32x512xf32, #tpu.memory_space<vmem>>, vector<16xf32>,
        tpu.vector_store %arg20[%swap3A_489, %swap3A_490], %gather3A_463 {strides = array<i32>} : memref<32x512xf32, #tpu.memory_space<vmem>>, vector<16xf32>,
        %swap3A_492 = arith.constant 4 : i32
        %swap3A_493 = arith.index_cast %swap3A_492 : i32 to index
        %swap3A_494 = arith.index_cast %mul3A_238 : i32 to index
        %swap3A_495 = tpu.vector_load %arg20[%swap3A_493, %swap3A_494] {strides = array<i32>} : memref<32x512xf32, #tpu.memory_space<vmem>>, vector<16xf32>,
        tpu.vector_store %arg20[%swap3A_493, %swap3A_494], %gather3A_464 {strides = array<i32>} : memref<32x512xf32, #tpu.memory_space<vmem>>, vector<16xf32>,
        %swap3A_496 = arith.constant 5 : i32
        %swap3A_497 = arith.index_cast %swap3A_496 : i32 to index
        %swap3A_498 = arith.index_cast %mul3A_238 : i32 to index
        %swap3A_499 = tpu.vector_load %arg20[%swap3A_497, %swap3A_498] {strides = array<i32>} : memref<32x512xf32, #tpu.memory_space<vmem>>, vector<16xf32>,
        tpu.vector_store %arg20[%swap3A_497, %swap3A_498], %gather3A_465 {strides = array<i32>} : memref<32x512xf32, #tpu.memory_space<vmem>>, vector<16xf32>,
        %swap3A_500 = arith.constant 6 : i32
        %swap3A_501 = arith.index_cast %swap3A_500 : i32 to index
        %swap3A_502 = arith.index_cast %mul3A_238 : i32 to index
        %swap3A_503 = tpu.vector_load %arg20[%swap3A_501, %swap3A_502] {strides = array<i32>} : memref<32x512xf32, #tpu.memory_space<vmem>>, vector<16xf32>,
        tpu.vector_store %arg20[%swap3A_501, %swap3A_502], %gather3A_466 {strides = array<i32>} : memref<32x512xf32, #tpu.memory_space<vmem>>, vector<16xf32>,
        %swap3A_504 = arith.constant 7 : i32
        %swap3A_505 = arith.index_cast %swap3A_504 : i32 to index
        %swap3A_506 = arith.index_cast %mul3A_238 : i32 to index
        %swap3A_507 = tpu.vector_load %arg20[%swap3A_505, %swap3A_506] {strides = array<i32>} : memref<32x512xf32, #tpu.memory_space<vmem>>, vector<16xf32>,
        tpu.vector_store %arg20[%swap3A_505, %swap3A_506], %gather3A_467 {strides = array<i32>} : memref<32x512xf32, #tpu.memory_space<vmem>>, vector<16xf32>,
        %swap3A_508 = arith.constant 8 : i32
        %swap3A_509 = arith.index_cast %swap3A_508 : i32 to index
        %swap3A_510 = arith.index_cast %mul3A_238 : i32 to index
        %swap3A_511 = tpu.vector_load %arg20[%swap3A_509, %swap3A_510] {strides = array<i32>} : memref<32x512xf32, #tpu.memory_space<vmem>>, vector<16xf32>,
        tpu.vector_store %arg20[%swap3A_509, %swap3A_510], %gather3A_468 {strides = array<i32>} : memref<32x512xf32, #tpu.memory_space<vmem>>, vector<16xf32>,
        %swap3A_512 = arith.constant 9 : i32
        %swap3A_513 = arith.index_cast %swap3A_512 : i32 to index
        %swap3A_514 = arith.index_cast %mul3A_238 : i32 to index
        %swap3A_515 = tpu.vector_load %arg20[%swap3A_513, %swap3A_514] {strides = array<i32>} : memref<32x512xf32, #tpu.memory_space<vmem>>, vector<16xf32>,
        tpu.vector_store %arg20[%swap3A_513, %swap3A_514], %gather3A_469 {strides = array<i32>} : memref<32x512xf32, #tpu.memory_space<vmem>>, vector<16xf32>,
        %swap3A_516 = arith.constant 10 : i32
        %swap3A_517 = arith.index_cast %swap3A_516 : i32 to index
        %swap3A_518 = arith.index_cast %mul3A_238 : i32 to index
        %swap3A_519 = tpu.vector_load %arg20[%swap3A_517, %swap3A_518] {strides = array<i32>} : memref<32x512xf32, #tpu.memory_space<vmem>>, vector<16xf32>,
        tpu.vector_store %arg20[%swap3A_517, %swap3A_518], %gather3A_470 {strides = array<i32>} : memref<32x512xf32, #tpu.memory_space<vmem>>, vector<16xf32>,
        %swap3A_520 = arith.constant 11 : i32
        %swap3A_521 = arith.index_cast %swap3A_520 : i32 to index
        %swap3A_522 = arith.index_cast %mul3A_238 : i32 to index
        %swap3A_523 = tpu.vector_load %arg20[%swap3A_521, %swap3A_522] {strides = array<i32>} : memref<32x512xf32, #tpu.memory_space<vmem>>, vector<16xf32>,
        tpu.vector_store %arg20[%swap3A_521, %swap3A_522], %gather3A_471 {strides = array<i32>} : memref<32x512xf32, #tpu.memory_space<vmem>>, vector<16xf32>,
        %swap3A_524 = arith.constant 12 : i32
        %swap3A_525 = arith.index_cast %swap3A_524 : i32 to index
        %swap3A_526 = arith.index_cast %mul3A_238 : i32 to index
        %swap3A_527 = tpu.vector_load %arg20[%swap3A_525, %swap3A_526] {strides = array<i32>} : memref<32x512xf32, #tpu.memory_space<vmem>>, vector<16xf32>,
        tpu.vector_store %arg20[%swap3A_525, %swap3A_526], %gather3A_472 {strides = array<i32>} : memref<32x512xf32, #tpu.memory_space<vmem>>, vector<16xf32>,
        %swap3A_528 = arith.constant 13 : i32
        %swap3A_529 = arith.index_cast %swap3A_528 : i32 to index
        %swap3A_530 = arith.index_cast %mul3A_238 : i32 to index
        %swap3A_531 = tpu.vector_load %arg20[%swap3A_529, %swap3A_530] {strides = array<i32>} : memref<32x512xf32, #tpu.memory_space<vmem>>, vector<16xf32>,
        tpu.vector_store %arg20[%swap3A_529, %swap3A_530], %gather3A_473 {strides = array<i32>} : memref<32x512xf32, #tpu.memory_space<vmem>>, vector<16xf32>,
        %swap3A_532 = arith.constant 14 : i32
        %swap3A_533 = arith.index_cast %swap3A_532 : i32 to index
        %swap3A_534 = arith.index_cast %mul3A_238 : i32 to index
        %swap3A_535 = tpu.vector_load %arg20[%swap3A_533, %swap3A_534] {strides = array<i32>} : memref<32x512xf32, #tpu.memory_space<vmem>>, vector<16xf32>,
        tpu.vector_store %arg20[%swap3A_533, %swap3A_534], %gather3A_474 {strides = array<i32>} : memref<32x512xf32, #tpu.memory_space<vmem>>, vector<16xf32>,
        %swap3A_536 = arith.constant 15 : i32
        %swap3A_537 = arith.index_cast %swap3A_536 : i32 to index
        %swap3A_538 = arith.index_cast %mul3A_238 : i32 to index
        %swap3A_539 = tpu.vector_load %arg20[%swap3A_537, %swap3A_538] {strides = array<i32>} : memref<32x512xf32, #tpu.memory_space<vmem>>, vector<16xf32>,
        tpu.vector_store %arg20[%swap3A_537, %swap3A_538], %gather3A_475 {strides = array<i32>} : memref<32x512xf32, #tpu.memory_space<vmem>>, vector<16xf32>,
        %gather3A_540 = tpu.vector_load_idx %arg17[%get3A_241] : memref<4096xf32, #tpu.memory_space<vmem>>[vector<16xi32>], vector<16xf32>,
        %gather3A_541 = tpu.vector_load_idx %arg17[%get3A_245] : memref<4096xf32, #tpu.memory_space<vmem>>[vector<16xi32>], vector<16xf32>,
        %gather3A_542 = tpu.vector_load_idx %arg17[%get3A_249] : memref<4096xf32, #tpu.memory_space<vmem>>[vector<16xi32>], vector<16xf32>,
        %gather3A_543 = tpu.vector_load_idx %arg17[%get3A_253] : memref<4096xf32, #tpu.memory_space<vmem>>[vector<16xi32>], vector<16xf32>,
        %gather3A_544 = tpu.vector_load_idx %arg17[%get3A_257] : memref<4096xf32, #tpu.memory_space<vmem>>[vector<16xi32>], vector<16xf32>,
        %gather3A_545 = tpu.vector_load_idx %arg17[%get3A_261] : memref<4096xf32, #tpu.memory_space<vmem>>[vector<16xi32>], vector<16xf32>,
        %gather3A_546 = tpu.vector_load_idx %arg17[%get3A_265] : memref<4096xf32, #tpu.memory_space<vmem>>[vector<16xi32>], vector<16xf32>,
        %gather3A_547 = tpu.vector_load_idx %arg17[%get3A_269] : memref<4096xf32, #tpu.memory_space<vmem>>[vector<16xi32>], vector<16xf32>,
        %gather3A_548 = tpu.vector_load_idx %arg17[%get3A_273] : memref<4096xf32, #tpu.memory_space<vmem>>[vector<16xi32>], vector<16xf32>,
        %gather3A_549 = tpu.vector_load_idx %arg17[%get3A_277] : memref<4096xf32, #tpu.memory_space<vmem>>[vector<16xi32>], vector<16xf32>,
        %gather3A_550 = tpu.vector_load_idx %arg17[%get3A_281] : memref<4096xf32, #tpu.memory_space<vmem>>[vector<16xi32>], vector<16xf32>,
        %gather3A_551 = tpu.vector_load_idx %arg17[%get3A_285] : memref<4096xf32, #tpu.memory_space<vmem>>[vector<16xi32>], vector<16xf32>,
        %gather3A_552 = tpu.vector_load_idx %arg17[%get3A_289] : memref<4096xf32, #tpu.memory_space<vmem>>[vector<16xi32>], vector<16xf32>,
        %gather3A_553 = tpu.vector_load_idx %arg17[%get3A_293] : memref<4096xf32, #tpu.memory_space<vmem>>[vector<16xi32>], vector<16xf32>,
        %gather3A_554 = tpu.vector_load_idx %arg17[%get3A_297] : memref<4096xf32, #tpu.memory_space<vmem>>[vector<16xi32>], vector<16xf32>,
        %gather3A_555 = tpu.vector_load_idx %arg17[%get3A_301] : memref<4096xf32, #tpu.memory_space<vmem>>[vector<16xi32>], vector<16xf32>,
        %swap3A_556 = arith.constant 0 : i32
        %swap3A_557 = arith.index_cast %swap3A_556 : i32 to index
        %swap3A_558 = arith.index_cast %mul3A_238 : i32 to index
        %swap3A_559 = tpu.vector_load %arg21[%swap3A_557, %swap3A_558] {strides = array<i32>} : memref<32x512xf32, #tpu.memory_space<vmem>>, vector<16xf32>,
        tpu.vector_store %arg21[%swap3A_557, %swap3A_558], %gather3A_540 {strides = array<i32>} : memref<32x512xf32, #tpu.memory_space<vmem>>, vector<16xf32>,
        %swap3A_560 = arith.constant 1 : i32
        %swap3A_561 = arith.index_cast %swap3A_560 : i32 to index
        %swap3A_562 = arith.index_cast %mul3A_238 : i32 to index
        %swap3A_563 = tpu.vector_load %arg21[%swap3A_561, %swap3A_562] {strides = array<i32>} : memref<32x512xf32, #tpu.memory_space<vmem>>, vector<16xf32>,
        tpu.vector_store %arg21[%swap3A_561, %swap3A_562], %gather3A_541 {strides = array<i32>} : memref<32x512xf32, #tpu.memory_space<vmem>>, vector<16xf32>,
        %swap3A_564 = arith.constant 2 : i32
        %swap3A_565 = arith.index_cast %swap3A_564 : i32 to index
        %swap3A_566 = arith.index_cast %mul3A_238 : i32 to index
        %swap3A_567 = tpu.vector_load %arg21[%swap3A_565, %swap3A_566] {strides = array<i32>} : memref<32x512xf32, #tpu.memory_space<vmem>>, vector<16xf32>,
        tpu.vector_store %arg21[%swap3A_565, %swap3A_566], %gather3A_542 {strides = array<i32>} : memref<32x512xf32, #tpu.memory_space<vmem>>, vector<16xf32>,
        %swap3A_568 = arith.constant 3 : i32
        %swap3A_569 = arith.index_cast %swap3A_568 : i32 to index
        %swap3A_570 = arith.index_cast %mul3A_238 : i32 to index
        %swap3A_571 = tpu.vector_load %arg21[%swap3A_569, %swap3A_570] {strides = array<i32>} : memref<32x512xf32, #tpu.memory_space<vmem>>, vector<16xf32>,
        tpu.vector_store %arg21[%swap3A_569, %swap3A_570], %gather3A_543 {strides = array<i32>} : memref<32x512xf32, #tpu.memory_space<vmem>>, vector<16xf32>,
        %swap3A_572 = arith.constant 4 : i32
        %swap3A_573 = arith.index_cast %swap3A_572 : i32 to index
        %swap3A_574 = arith.index_cast %mul3A_238 : i32 to index
        %swap3A_575 = tpu.vector_load %arg21[%swap3A_573, %swap3A_574] {strides = array<i32>} : memref<32x512xf32, #tpu.memory_space<vmem>>, vector<16xf32>,
        tpu.vector_store %arg21[%swap3A_573, %swap3A_574], %gather3A_544 {strides = array<i32>} : memref<32x512xf32, #tpu.memory_space<vmem>>, vector<16xf32>,
        %swap3A_576 = arith.constant 5 : i32
        %swap3A_577 = arith.index_cast %swap3A_576 : i32 to index
        %swap3A_578 = arith.index_cast %mul3A_238 : i32 to index
        %swap3A_579 = tpu.vector_load %arg21[%swap3A_577, %swap3A_578] {strides = array<i32>} : memref<32x512xf32, #tpu.memory_space<vmem>>, vector<16xf32>,
        tpu.vector_store %arg21[%swap3A_577, %swap3A_578], %gather3A_545 {strides = array<i32>} : memref<32x512xf32, #tpu.memory_space<vmem>>, vector<16xf32>,
        %swap3A_580 = arith.constant 6 : i32
        %swap3A_581 = arith.index_cast %swap3A_580 : i32 to index
        %swap3A_582 = arith.index_cast %mul3A_238 : i32 to index
        %swap3A_583 = tpu.vector_load %arg21[%swap3A_581, %swap3A_582] {strides = array<i32>} : memref<32x512xf32, #tpu.memory_space<vmem>>, vector<16xf32>,
        tpu.vector_store %arg21[%swap3A_581, %swap3A_582], %gather3A_546 {strides = array<i32>} : memref<32x512xf32, #tpu.memory_space<vmem>>, vector<16xf32>,
        %swap3A_584 = arith.constant 7 : i32
        %swap3A_585 = arith.index_cast %swap3A_584 : i32 to index
        %swap3A_586 = arith.index_cast %mul3A_238 : i32 to index
        %swap3A_587 = tpu.vector_load %arg21[%swap3A_585, %swap3A_586] {strides = array<i32>} : memref<32x512xf32, #tpu.memory_space<vmem>>, vector<16xf32>,
        tpu.vector_store %arg21[%swap3A_585, %swap3A_586], %gather3A_547 {strides = array<i32>} : memref<32x512xf32, #tpu.memory_space<vmem>>, vector<16xf32>,
        %swap3A_588 = arith.constant 8 : i32
        %swap3A_589 = arith.index_cast %swap3A_588 : i32 to index
        %swap3A_590 = arith.index_cast %mul3A_238 : i32 to index
        %swap3A_591 = tpu.vector_load %arg21[%swap3A_589, %swap3A_590] {strides = array<i32>} : memref<32x512xf32, #tpu.memory_space<vmem>>, vector<16xf32>,
        tpu.vector_store %arg21[%swap3A_589, %swap3A_590], %gather3A_548 {strides = array<i32>} : memref<32x512xf32, #tpu.memory_space<vmem>>, vector<16xf32>,
        %swap3A_592 = arith.constant 9 : i32
        %swap3A_593 = arith.index_cast %swap3A_592 : i32 to index
        %swap3A_594 = arith.index_cast %mul3A_238 : i32 to index
        %swap3A_595 = tpu.vector_load %arg21[%swap3A_593, %swap3A_594] {strides = array<i32>} : memref<32x512xf32, #tpu.memory_space<vmem>>, vector<16xf32>,
        tpu.vector_store %arg21[%swap3A_593, %swap3A_594], %gather3A_549 {strides = array<i32>} : memref<32x512xf32, #tpu.memory_space<vmem>>, vector<16xf32>,
        %swap3A_596 = arith.constant 10 : i32
        %swap3A_597 = arith.index_cast %swap3A_596 : i32 to index
        %swap3A_598 = arith.index_cast %mul3A_238 : i32 to index
        %swap3A_599 = tpu.vector_load %arg21[%swap3A_597, %swap3A_598] {strides = array<i32>} : memref<32x512xf32, #tpu.memory_space<vmem>>, vector<16xf32>,
        tpu.vector_store %arg21[%swap3A_597, %swap3A_598], %gather3A_550 {strides = array<i32>} : memref<32x512xf32, #tpu.memory_space<vmem>>, vector<16xf32>,
        %swap3A_600 = arith.constant 11 : i32
        %swap3A_601 = arith.index_cast %swap3A_600 : i32 to index
        %swap3A_602 = arith.index_cast %mul3A_238 : i32 to index
        %swap3A_603 = tpu.vector_load %arg21[%swap3A_601, %swap3A_602] {strides = array<i32>} : memref<32x512xf32, #tpu.memory_space<vmem>>, vector<16xf32>,
        tpu.vector_store %arg21[%swap3A_601, %swap3A_602], %gather3A_551 {strides = array<i32>} : memref<32x512xf32, #tpu.memory_space<vmem>>, vector<16xf32>,
        %swap3A_604 = arith.constant 12 : i32
        %swap3A_605 = arith.index_cast %swap3A_604 : i32 to index
        %swap3A_606 = arith.index_cast %mul3A_238 : i32 to index
        %swap3A_607 = tpu.vector_load %arg21[%swap3A_605, %swap3A_606] {strides = array<i32>} : memref<32x512xf32, #tpu.memory_space<vmem>>, vector<16xf32>,
        tpu.vector_store %arg21[%swap3A_605, %swap3A_606], %gather3A_552 {strides = array<i32>} : memref<32x512xf32, #tpu.memory_space<vmem>>, vector<16xf32>,
        %swap3A_608 = arith.constant 13 : i32
        %swap3A_609 = arith.index_cast %swap3A_608 : i32 to index
        %swap3A_610 = arith.index_cast %mul3A_238 : i32 to index
        %swap3A_611 = tpu.vector_load %arg21[%swap3A_609, %swap3A_610] {strides = array<i32>} : memref<32x512xf32, #tpu.memory_space<vmem>>, vector<16xf32>,
        tpu.vector_store %arg21[%swap3A_609, %swap3A_610], %gather3A_553 {strides = array<i32>} : memref<32x512xf32, #tpu.memory_space<vmem>>, vector<16xf32>,
        %swap3A_612 = arith.constant 14 : i32
        %swap3A_613 = arith.index_cast %swap3A_612 : i32 to index
        %swap3A_614 = arith.index_cast %mul3A_238 : i32 to index
        %swap3A_615 = tpu.vector_load %arg21[%swap3A_613, %swap3A_614] {strides = array<i32>} : memref<32x512xf32, #tpu.memory_space<vmem>>, vector<16xf32>,
        tpu.vector_store %arg21[%swap3A_613, %swap3A_614], %gather3A_554 {strides = array<i32>} : memref<32x512xf32, #tpu.memory_space<vmem>>, vector<16xf32>,
        %swap3A_616 = arith.constant 15 : i32
        %swap3A_617 = arith.index_cast %swap3A_616 : i32 to index
        %swap3A_618 = arith.index_cast %mul3A_238 : i32 to index
        %swap3A_619 = tpu.vector_load %arg21[%swap3A_617, %swap3A_618] {strides = array<i32>} : memref<32x512xf32, #tpu.memory_space<vmem>>, vector<16xf32>,
        tpu.vector_store %arg21[%swap3A_617, %swap3A_618], %gather3A_555 {strides = array<i32>} : memref<32x512xf32, #tpu.memory_space<vmem>>, vector<16xf32>,
        %add3A_620 = arith.constant 8192 : i32
        %add3A_621 = arith.addi %add3A_620, %mul3A_238 : i32
        %get3A_622 = arith.index_cast %add3A_621 : i32 to index
        %get3A_623 = tpu.vector_load %arg13[%get3A_622] {strides = array<i32>} : memref<16384xi32, #tpu.memory_space<vmem>>, vector<16xi32>,
        %add3A_624 = arith.constant 8704 : i32
        %add3A_625 = arith.addi %add3A_624, %mul3A_238 : i32
        %get3A_626 = arith.index_cast %add3A_625 : i32 to index
        %get3A_627 = tpu.vector_load %arg13[%get3A_626] {strides = array<i32>} : memref<16384xi32, #tpu.memory_space<vmem>>, vector<16xi32>,
        %add3A_628 = arith.constant 9216 : i32
        %add3A_629 = arith.addi %add3A_628, %mul3A_238 : i32
        %get3A_630 = arith.index_cast %add3A_629 : i32 to index
        %get3A_631 = tpu.vector_load %arg13[%get3A_630] {strides = array<i32>} : memref<16384xi32, #tpu.memory_space<vmem>>, vector<16xi32>,
        %add3A_632 = arith.constant 9728 : i32
        %add3A_633 = arith.addi %add3A_632, %mul3A_238 : i32
        %get3A_634 = arith.index_cast %add3A_633 : i32 to index
        %get3A_635 = tpu.vector_load %arg13[%get3A_634] {strides = array<i32>} : memref<16384xi32, #tpu.memory_space<vmem>>, vector<16xi32>,
        %add3A_636 = arith.constant 10240 : i32
        %add3A_637 = arith.addi %add3A_636, %mul3A_238 : i32
        %get3A_638 = arith.index_cast %add3A_637 : i32 to index
        %get3A_639 = tpu.vector_load %arg13[%get3A_638] {strides = array<i32>} : memref<16384xi32, #tpu.memory_space<vmem>>, vector<16xi32>,
        %add3A_640 = arith.constant 10752 : i32
        %add3A_641 = arith.addi %add3A_640, %mul3A_238 : i32
        %get3A_642 = arith.index_cast %add3A_641 : i32 to index
        %get3A_643 = tpu.vector_load %arg13[%get3A_642] {strides = array<i32>} : memref<16384xi32, #tpu.memory_space<vmem>>, vector<16xi32>,
        %add3A_644 = arith.constant 11264 : i32
        %add3A_645 = arith.addi %add3A_644, %mul3A_238 : i32
        %get3A_646 = arith.index_cast %add3A_645 : i32 to index
        %get3A_647 = tpu.vector_load %arg13[%get3A_646] {strides = array<i32>} : memref<16384xi32, #tpu.memory_space<vmem>>, vector<16xi32>,
        %add3A_648 = arith.constant 11776 : i32
        %add3A_649 = arith.addi %add3A_648, %mul3A_238 : i32
        %get3A_650 = arith.index_cast %add3A_649 : i32 to index
        %get3A_651 = tpu.vector_load %arg13[%get3A_650] {strides = array<i32>} : memref<16384xi32, #tpu.memory_space<vmem>>, vector<16xi32>,
        %add3A_652 = arith.constant 12288 : i32
        %add3A_653 = arith.addi %add3A_652, %mul3A_238 : i32
        %get3A_654 = arith.index_cast %add3A_653 : i32 to index
        %get3A_655 = tpu.vector_load %arg13[%get3A_654] {strides = array<i32>} : memref<16384xi32, #tpu.memory_space<vmem>>, vector<16xi32>,
        %add3A_656 = arith.constant 12800 : i32
        %add3A_657 = arith.addi %add3A_656, %mul3A_238 : i32
        %get3A_658 = arith.index_cast %add3A_657 : i32 to index
        %get3A_659 = tpu.vector_load %arg13[%get3A_658] {strides = array<i32>} : memref<16384xi32, #tpu.memory_space<vmem>>, vector<16xi32>,
        %add3A_660 = arith.constant 13312 : i32
        %add3A_661 = arith.addi %add3A_660, %mul3A_238 : i32
        %get3A_662 = arith.index_cast %add3A_661 : i32 to index
        %get3A_663 = tpu.vector_load %arg13[%get3A_662] {strides = array<i32>} : memref<16384xi32, #tpu.memory_space<vmem>>, vector<16xi32>,
        %add3A_664 = arith.constant 13824 : i32
        %add3A_665 = arith.addi %add3A_664, %mul3A_238 : i32
        %get3A_666 = arith.index_cast %add3A_665 : i32 to index
        %get3A_667 = tpu.vector_load %arg13[%get3A_666] {strides = array<i32>} : memref<16384xi32, #tpu.memory_space<vmem>>, vector<16xi32>,
        %add3A_668 = arith.constant 14336 : i32
        %add3A_669 = arith.addi %add3A_668, %mul3A_238 : i32
        %get3A_670 = arith.index_cast %add3A_669 : i32 to index
        %get3A_671 = tpu.vector_load %arg13[%get3A_670] {strides = array<i32>} : memref<16384xi32, #tpu.memory_space<vmem>>, vector<16xi32>,
        %add3A_672 = arith.constant 14848 : i32
        %add3A_673 = arith.addi %add3A_672, %mul3A_238 : i32
        %get3A_674 = arith.index_cast %add3A_673 : i32 to index
        %get3A_675 = tpu.vector_load %arg13[%get3A_674] {strides = array<i32>} : memref<16384xi32, #tpu.memory_space<vmem>>, vector<16xi32>,
        %add3A_676 = arith.constant 15360 : i32
        %add3A_677 = arith.addi %add3A_676, %mul3A_238 : i32
        %get3A_678 = arith.index_cast %add3A_677 : i32 to index
        %get3A_679 = tpu.vector_load %arg13[%get3A_678] {strides = array<i32>} : memref<16384xi32, #tpu.memory_space<vmem>>, vector<16xi32>,
        %add3A_680 = arith.constant 15872 : i32
        %add3A_681 = arith.addi %add3A_680, %mul3A_238 : i32
        %get3A_682 = arith.index_cast %add3A_681 : i32 to index
        %get3A_683 = tpu.vector_load %arg13[%get3A_682] {strides = array<i32>} : memref<16384xi32, #tpu.memory_space<vmem>>, vector<16xi32>,
        %gather3A_684 = tpu.vector_load_idx %arg14[%get3A_623] : memref<4096xf32, #tpu.memory_space<vmem>>[vector<16xi32>], vector<16xf32>,
        %gather3A_685 = tpu.vector_load_idx %arg14[%get3A_627] : memref<4096xf32, #tpu.memory_space<vmem>>[vector<16xi32>], vector<16xf32>,
        %gather3A_686 = tpu.vector_load_idx %arg14[%get3A_631] : memref<4096xf32, #tpu.memory_space<vmem>>[vector<16xi32>], vector<16xf32>,
        %gather3A_687 = tpu.vector_load_idx %arg14[%get3A_635] : memref<4096xf32, #tpu.memory_space<vmem>>[vector<16xi32>], vector<16xf32>,
        %gather3A_688 = tpu.vector_load_idx %arg14[%get3A_639] : memref<4096xf32, #tpu.memory_space<vmem>>[vector<16xi32>], vector<16xf32>,
        %gather3A_689 = tpu.vector_load_idx %arg14[%get3A_643] : memref<4096xf32, #tpu.memory_space<vmem>>[vector<16xi32>], vector<16xf32>,
        %gather3A_690 = tpu.vector_load_idx %arg14[%get3A_647] : memref<4096xf32, #tpu.memory_space<vmem>>[vector<16xi32>], vector<16xf32>,
        %gather3A_691 = tpu.vector_load_idx %arg14[%get3A_651] : memref<4096xf32, #tpu.memory_space<vmem>>[vector<16xi32>], vector<16xf32>,
        %gather3A_692 = tpu.vector_load_idx %arg14[%get3A_655] : memref<4096xf32, #tpu.memory_space<vmem>>[vector<16xi32>], vector<16xf32>,
        %gather3A_693 = tpu.vector_load_idx %arg14[%get3A_659] : memref<4096xf32, #tpu.memory_space<vmem>>[vector<16xi32>], vector<16xf32>,
        %gather3A_694 = tpu.vector_load_idx %arg14[%get3A_663] : memref<4096xf32, #tpu.memory_space<vmem>>[vector<16xi32>], vector<16xf32>,
        %gather3A_695 = tpu.vector_load_idx %arg14[%get3A_667] : memref<4096xf32, #tpu.memory_space<vmem>>[vector<16xi32>], vector<16xf32>,
        %gather3A_696 = tpu.vector_load_idx %arg14[%get3A_671] : memref<4096xf32, #tpu.memory_space<vmem>>[vector<16xi32>], vector<16xf32>,
        %gather3A_697 = tpu.vector_load_idx %arg14[%get3A_675] : memref<4096xf32, #tpu.memory_space<vmem>>[vector<16xi32>], vector<16xf32>,
        %gather3A_698 = tpu.vector_load_idx %arg14[%get3A_679] : memref<4096xf32, #tpu.memory_space<vmem>>[vector<16xi32>], vector<16xf32>,
        %gather3A_699 = tpu.vector_load_idx %arg14[%get3A_683] : memref<4096xf32, #tpu.memory_space<vmem>>[vector<16xi32>], vector<16xf32>,
        %swap3A_700 = arith.constant 16 : i32
        %swap3A_701 = arith.index_cast %swap3A_700 : i32 to index
        %swap3A_702 = arith.index_cast %mul3A_238 : i32 to index
        %swap3A_703 = tpu.vector_load %arg18[%swap3A_701, %swap3A_702] {strides = array<i32>} : memref<32x512xf32, #tpu.memory_space<vmem>>, vector<16xf32>,
        tpu.vector_store %arg18[%swap3A_701, %swap3A_702], %gather3A_684 {strides = array<i32>} : memref<32x512xf32, #tpu.memory_space<vmem>>, vector<16xf32>,
        %swap3A_704 = arith.constant 17 : i32
        %swap3A_705 = arith.index_cast %swap3A_704 : i32 to index
        %swap3A_706 = arith.index_cast %mul3A_238 : i32 to index
        %swap3A_707 = tpu.vector_load %arg18[%swap3A_705, %swap3A_706] {strides = array<i32>} : memref<32x512xf32, #tpu.memory_space<vmem>>, vector<16xf32>,
        tpu.vector_store %arg18[%swap3A_705, %swap3A_706], %gather3A_685 {strides = array<i32>} : memref<32x512xf32, #tpu.memory_space<vmem>>, vector<16xf32>,
        %swap3A_708 = arith.constant 18 : i32
        %swap3A_709 = arith.index_cast %swap3A_708 : i32 to index
        %swap3A_710 = arith.index_cast %mul3A_238 : i32 to index
        %swap3A_711 = tpu.vector_load %arg18[%swap3A_709, %swap3A_710] {strides = array<i32>} : memref<32x512xf32, #tpu.memory_space<vmem>>, vector<16xf32>,
        tpu.vector_store %arg18[%swap3A_709, %swap3A_710], %gather3A_686 {strides = array<i32>} : memref<32x512xf32, #tpu.memory_space<vmem>>, vector<16xf32>,
        %swap3A_712 = arith.constant 19 : i32
        %swap3A_713 = arith.index_cast %swap3A_712 : i32 to index
        %swap3A_714 = arith.index_cast %mul3A_238 : i32 to index
        %swap3A_715 = tpu.vector_load %arg18[%swap3A_713, %swap3A_714] {strides = array<i32>} : memref<32x512xf32, #tpu.memory_space<vmem>>, vector<16xf32>,
        tpu.vector_store %arg18[%swap3A_713, %swap3A_714], %gather3A_687 {strides = array<i32>} : memref<32x512xf32, #tpu.memory_space<vmem>>, vector<16xf32>,
        %swap3A_716 = arith.constant 20 : i32
        %swap3A_717 = arith.index_cast %swap3A_716 : i32 to index
        %swap3A_718 = arith.index_cast %mul3A_238 : i32 to index
        %swap3A_719 = tpu.vector_load %arg18[%swap3A_717, %swap3A_718] {strides = array<i32>} : memref<32x512xf32, #tpu.memory_space<vmem>>, vector<16xf32>,
        tpu.vector_store %arg18[%swap3A_717, %swap3A_718], %gather3A_688 {strides = array<i32>} : memref<32x512xf32, #tpu.memory_space<vmem>>, vector<16xf32>,
        %swap3A_720 = arith.constant 21 : i32
        %swap3A_721 = arith.index_cast %swap3A_720 : i32 to index
        %swap3A_722 = arith.index_cast %mul3A_238 : i32 to index
        %swap3A_723 = tpu.vector_load %arg18[%swap3A_721, %swap3A_722] {strides = array<i32>} : memref<32x512xf32, #tpu.memory_space<vmem>>, vector<16xf32>,
        tpu.vector_store %arg18[%swap3A_721, %swap3A_722], %gather3A_689 {strides = array<i32>} : memref<32x512xf32, #tpu.memory_space<vmem>>, vector<16xf32>,
        %swap3A_724 = arith.constant 22 : i32
        %swap3A_725 = arith.index_cast %swap3A_724 : i32 to index
        %swap3A_726 = arith.index_cast %mul3A_238 : i32 to index
        %swap3A_727 = tpu.vector_load %arg18[%swap3A_725, %swap3A_726] {strides = array<i32>} : memref<32x512xf32, #tpu.memory_space<vmem>>, vector<16xf32>,
        tpu.vector_store %arg18[%swap3A_725, %swap3A_726], %gather3A_690 {strides = array<i32>} : memref<32x512xf32, #tpu.memory_space<vmem>>, vector<16xf32>,
        %swap3A_728 = arith.constant 23 : i32
        %swap3A_729 = arith.index_cast %swap3A_728 : i32 to index
        %swap3A_730 = arith.index_cast %mul3A_238 : i32 to index
        %swap3A_731 = tpu.vector_load %arg18[%swap3A_729, %swap3A_730] {strides = array<i32>} : memref<32x512xf32, #tpu.memory_space<vmem>>, vector<16xf32>,
        tpu.vector_store %arg18[%swap3A_729, %swap3A_730], %gather3A_691 {strides = array<i32>} : memref<32x512xf32, #tpu.memory_space<vmem>>, vector<16xf32>,
        %swap3A_732 = arith.constant 24 : i32
        %swap3A_733 = arith.index_cast %swap3A_732 : i32 to index
        %swap3A_734 = arith.index_cast %mul3A_238 : i32 to index
        %swap3A_735 = tpu.vector_load %arg18[%swap3A_733, %swap3A_734] {strides = array<i32>} : memref<32x512xf32, #tpu.memory_space<vmem>>, vector<16xf32>,
        tpu.vector_store %arg18[%swap3A_733, %swap3A_734], %gather3A_692 {strides = array<i32>} : memref<32x512xf32, #tpu.memory_space<vmem>>, vector<16xf32>,
        %swap3A_736 = arith.constant 25 : i32
        %swap3A_737 = arith.index_cast %swap3A_736 : i32 to index
        %swap3A_738 = arith.index_cast %mul3A_238 : i32 to index
        %swap3A_739 = tpu.vector_load %arg18[%swap3A_737, %swap3A_738] {strides = array<i32>} : memref<32x512xf32, #tpu.memory_space<vmem>>, vector<16xf32>,
        tpu.vector_store %arg18[%swap3A_737, %swap3A_738], %gather3A_693 {strides = array<i32>} : memref<32x512xf32, #tpu.memory_space<vmem>>, vector<16xf32>,
        %swap3A_740 = arith.constant 26 : i32
        %swap3A_741 = arith.index_cast %swap3A_740 : i32 to index
        %swap3A_742 = arith.index_cast %mul3A_238 : i32 to index
        %swap3A_743 = tpu.vector_load %arg18[%swap3A_741, %swap3A_742] {strides = array<i32>} : memref<32x512xf32, #tpu.memory_space<vmem>>, vector<16xf32>,
        tpu.vector_store %arg18[%swap3A_741, %swap3A_742], %gather3A_694 {strides = array<i32>} : memref<32x512xf32, #tpu.memory_space<vmem>>, vector<16xf32>,
        %swap3A_744 = arith.constant 27 : i32
        %swap3A_745 = arith.index_cast %swap3A_744 : i32 to index
        %swap3A_746 = arith.index_cast %mul3A_238 : i32 to index
        %swap3A_747 = tpu.vector_load %arg18[%swap3A_745, %swap3A_746] {strides = array<i32>} : memref<32x512xf32, #tpu.memory_space<vmem>>, vector<16xf32>,
        tpu.vector_store %arg18[%swap3A_745, %swap3A_746], %gather3A_695 {strides = array<i32>} : memref<32x512xf32, #tpu.memory_space<vmem>>, vector<16xf32>,
        %swap3A_748 = arith.constant 28 : i32
        %swap3A_749 = arith.index_cast %swap3A_748 : i32 to index
        %swap3A_750 = arith.index_cast %mul3A_238 : i32 to index
        %swap3A_751 = tpu.vector_load %arg18[%swap3A_749, %swap3A_750] {strides = array<i32>} : memref<32x512xf32, #tpu.memory_space<vmem>>, vector<16xf32>,
        tpu.vector_store %arg18[%swap3A_749, %swap3A_750], %gather3A_696 {strides = array<i32>} : memref<32x512xf32, #tpu.memory_space<vmem>>, vector<16xf32>,
        %swap3A_752 = arith.constant 29 : i32
        %swap3A_753 = arith.index_cast %swap3A_752 : i32 to index
        %swap3A_754 = arith.index_cast %mul3A_238 : i32 to index
        %swap3A_755 = tpu.vector_load %arg18[%swap3A_753, %swap3A_754] {strides = array<i32>} : memref<32x512xf32, #tpu.memory_space<vmem>>, vector<16xf32>,
        tpu.vector_store %arg18[%swap3A_753, %swap3A_754], %gather3A_697 {strides = array<i32>} : memref<32x512xf32, #tpu.memory_space<vmem>>, vector<16xf32>,
        %swap3A_756 = arith.constant 30 : i32
        %swap3A_757 = arith.index_cast %swap3A_756 : i32 to index
        %swap3A_758 = arith.index_cast %mul3A_238 : i32 to index
        %swap3A_759 = tpu.vector_load %arg18[%swap3A_757, %swap3A_758] {strides = array<i32>} : memref<32x512xf32, #tpu.memory_space<vmem>>, vector<16xf32>,
        tpu.vector_store %arg18[%swap3A_757, %swap3A_758], %gather3A_698 {strides = array<i32>} : memref<32x512xf32, #tpu.memory_space<vmem>>, vector<16xf32>,
        %swap3A_760 = arith.constant 31 : i32
        %swap3A_761 = arith.index_cast %swap3A_760 : i32 to index
        %swap3A_762 = arith.index_cast %mul3A_238 : i32 to index
        %swap3A_763 = tpu.vector_load %arg18[%swap3A_761, %swap3A_762] {strides = array<i32>} : memref<32x512xf32, #tpu.memory_space<vmem>>, vector<16xf32>,
        tpu.vector_store %arg18[%swap3A_761, %swap3A_762], %gather3A_699 {strides = array<i32>} : memref<32x512xf32, #tpu.memory_space<vmem>>, vector<16xf32>,
        %gather3A_764 = tpu.vector_load_idx %arg15[%get3A_623] : memref<4096xf32, #tpu.memory_space<vmem>>[vector<16xi32>], vector<16xf32>,
        %gather3A_765 = tpu.vector_load_idx %arg15[%get3A_627] : memref<4096xf32, #tpu.memory_space<vmem>>[vector<16xi32>], vector<16xf32>,
        %gather3A_766 = tpu.vector_load_idx %arg15[%get3A_631] : memref<4096xf32, #tpu.memory_space<vmem>>[vector<16xi32>], vector<16xf32>,
        %gather3A_767 = tpu.vector_load_idx %arg15[%get3A_635] : memref<4096xf32, #tpu.memory_space<vmem>>[vector<16xi32>], vector<16xf32>,
        %gather3A_768 = tpu.vector_load_idx %arg15[%get3A_639] : memref<4096xf32, #tpu.memory_space<vmem>>[vector<16xi32>], vector<16xf32>,
        %gather3A_769 = tpu.vector_load_idx %arg15[%get3A_643] : memref<4096xf32, #tpu.memory_space<vmem>>[vector<16xi32>], vector<16xf32>,
        %gather3A_770 = tpu.vector_load_idx %arg15[%get3A_647] : memref<4096xf32, #tpu.memory_space<vmem>>[vector<16xi32>], vector<16xf32>,
        %gather3A_771 = tpu.vector_load_idx %arg15[%get3A_651] : memref<4096xf32, #tpu.memory_space<vmem>>[vector<16xi32>], vector<16xf32>,
        %gather3A_772 = tpu.vector_load_idx %arg15[%get3A_655] : memref<4096xf32, #tpu.memory_space<vmem>>[vector<16xi32>], vector<16xf32>,
        %gather3A_773 = tpu.vector_load_idx %arg15[%get3A_659] : memref<4096xf32, #tpu.memory_space<vmem>>[vector<16xi32>], vector<16xf32>,
        %gather3A_774 = tpu.vector_load_idx %arg15[%get3A_663] : memref<4096xf32, #tpu.memory_space<vmem>>[vector<16xi32>], vector<16xf32>,
        %gather3A_775 = tpu.vector_load_idx %arg15[%get3A_667] : memref<4096xf32, #tpu.memory_space<vmem>>[vector<16xi32>], vector<16xf32>,
        %gather3A_776 = tpu.vector_load_idx %arg15[%get3A_671] : memref<4096xf32, #tpu.memory_space<vmem>>[vector<16xi32>], vector<16xf32>,
        %gather3A_777 = tpu.vector_load_idx %arg15[%get3A_675] : memref<4096xf32, #tpu.memory_space<vmem>>[vector<16xi32>], vector<16xf32>,
        %gather3A_778 = tpu.vector_load_idx %arg15[%get3A_679] : memref<4096xf32, #tpu.memory_space<vmem>>[vector<16xi32>], vector<16xf32>,
        %gather3A_779 = tpu.vector_load_idx %arg15[%get3A_683] : memref<4096xf32, #tpu.memory_space<vmem>>[vector<16xi32>], vector<16xf32>,
        %swap3A_780 = arith.constant 16 : i32
        %swap3A_781 = arith.index_cast %swap3A_780 : i32 to index
        %swap3A_782 = arith.index_cast %mul3A_238 : i32 to index
        %swap3A_783 = tpu.vector_load %arg19[%swap3A_781, %swap3A_782] {strides = array<i32>} : memref<32x512xf32, #tpu.memory_space<vmem>>, vector<16xf32>,
        tpu.vector_store %arg19[%swap3A_781, %swap3A_782], %gather3A_764 {strides = array<i32>} : memref<32x512xf32, #tpu.memory_space<vmem>>, vector<16xf32>,
        %swap3A_784 = arith.constant 17 : i32
        %swap3A_785 = arith.index_cast %swap3A_784 : i32 to index
        %swap3A_786 = arith.index_cast %mul3A_238 : i32 to index
        %swap3A_787 = tpu.vector_load %arg19[%swap3A_785, %swap3A_786] {strides = array<i32>} : memref<32x512xf32, #tpu.memory_space<vmem>>, vector<16xf32>,
        tpu.vector_store %arg19[%swap3A_785, %swap3A_786], %gather3A_765 {strides = array<i32>} : memref<32x512xf32, #tpu.memory_space<vmem>>, vector<16xf32>,
        %swap3A_788 = arith.constant 18 : i32
        %swap3A_789 = arith.index_cast %swap3A_788 : i32 to index
        %swap3A_790 = arith.index_cast %mul3A_238 : i32 to index
        %swap3A_791 = tpu.vector_load %arg19[%swap3A_789, %swap3A_790] {strides = array<i32>} : memref<32x512xf32, #tpu.memory_space<vmem>>, vector<16xf32>,
        tpu.vector_store %arg19[%swap3A_789, %swap3A_790], %gather3A_766 {strides = array<i32>} : memref<32x512xf32, #tpu.memory_space<vmem>>, vector<16xf32>,
        %swap3A_792 = arith.constant 19 : i32
        %swap3A_793 = arith.index_cast %swap3A_792 : i32 to index
        %swap3A_794 = arith.index_cast %mul3A_238 : i32 to index
        %swap3A_795 = tpu.vector_load %arg19[%swap3A_793, %swap3A_794] {strides = array<i32>} : memref<32x512xf32, #tpu.memory_space<vmem>>, vector<16xf32>,
        tpu.vector_store %arg19[%swap3A_793, %swap3A_794], %gather3A_767 {strides = array<i32>} : memref<32x512xf32, #tpu.memory_space<vmem>>, vector<16xf32>,
        %swap3A_796 = arith.constant 20 : i32
        %swap3A_797 = arith.index_cast %swap3A_796 : i32 to index
        %swap3A_798 = arith.index_cast %mul3A_238 : i32 to index
        %swap3A_799 = tpu.vector_load %arg19[%swap3A_797, %swap3A_798] {strides = array<i32>} : memref<32x512xf32, #tpu.memory_space<vmem>>, vector<16xf32>,
        tpu.vector_store %arg19[%swap3A_797, %swap3A_798], %gather3A_768 {strides = array<i32>} : memref<32x512xf32, #tpu.memory_space<vmem>>, vector<16xf32>,
        %swap3A_800 = arith.constant 21 : i32
        %swap3A_801 = arith.index_cast %swap3A_800 : i32 to index
        %swap3A_802 = arith.index_cast %mul3A_238 : i32 to index
        %swap3A_803 = tpu.vector_load %arg19[%swap3A_801, %swap3A_802] {strides = array<i32>} : memref<32x512xf32, #tpu.memory_space<vmem>>, vector<16xf32>,
        tpu.vector_store %arg19[%swap3A_801, %swap3A_802], %gather3A_769 {strides = array<i32>} : memref<32x512xf32, #tpu.memory_space<vmem>>, vector<16xf32>,
        %swap3A_804 = arith.constant 22 : i32
        %swap3A_805 = arith.index_cast %swap3A_804 : i32 to index
        %swap3A_806 = arith.index_cast %mul3A_238 : i32 to index
        %swap3A_807 = tpu.vector_load %arg19[%swap3A_805, %swap3A_806] {strides = array<i32>} : memref<32x512xf32, #tpu.memory_space<vmem>>, vector<16xf32>,
        tpu.vector_store %arg19[%swap3A_805, %swap3A_806], %gather3A_770 {strides = array<i32>} : memref<32x512xf32, #tpu.memory_space<vmem>>, vector<16xf32>,
        %swap3A_808 = arith.constant 23 : i32
        %swap3A_809 = arith.index_cast %swap3A_808 : i32 to index
        %swap3A_810 = arith.index_cast %mul3A_238 : i32 to index
        %swap3A_811 = tpu.vector_load %arg19[%swap3A_809, %swap3A_810] {strides = array<i32>} : memref<32x512xf32, #tpu.memory_space<vmem>>, vector<16xf32>,
        tpu.vector_store %arg19[%swap3A_809, %swap3A_810], %gather3A_771 {strides = array<i32>} : memref<32x512xf32, #tpu.memory_space<vmem>>, vector<16xf32>,
        %swap3A_812 = arith.constant 24 : i32
        %swap3A_813 = arith.index_cast %swap3A_812 : i32 to index
        %swap3A_814 = arith.index_cast %mul3A_238 : i32 to index
        %swap3A_815 = tpu.vector_load %arg19[%swap3A_813, %swap3A_814] {strides = array<i32>} : memref<32x512xf32, #tpu.memory_space<vmem>>, vector<16xf32>,
        tpu.vector_store %arg19[%swap3A_813, %swap3A_814], %gather3A_772 {strides = array<i32>} : memref<32x512xf32, #tpu.memory_space<vmem>>, vector<16xf32>,
        %swap3A_816 = arith.constant 25 : i32
        %swap3A_817 = arith.index_cast %swap3A_816 : i32 to index
        %swap3A_818 = arith.index_cast %mul3A_238 : i32 to index
        %swap3A_819 = tpu.vector_load %arg19[%swap3A_817, %swap3A_818] {strides = array<i32>} : memref<32x512xf32, #tpu.memory_space<vmem>>, vector<16xf32>,
        tpu.vector_store %arg19[%swap3A_817, %swap3A_818], %gather3A_773 {strides = array<i32>} : memref<32x512xf32, #tpu.memory_space<vmem>>, vector<16xf32>,
        %swap3A_820 = arith.constant 26 : i32
        %swap3A_821 = arith.index_cast %swap3A_820 : i32 to index
        %swap3A_822 = arith.index_cast %mul3A_238 : i32 to index
        %swap3A_823 = tpu.vector_load %arg19[%swap3A_821, %swap3A_822] {strides = array<i32>} : memref<32x512xf32, #tpu.memory_space<vmem>>, vector<16xf32>,
        tpu.vector_store %arg19[%swap3A_821, %swap3A_822], %gather3A_774 {strides = array<i32>} : memref<32x512xf32, #tpu.memory_space<vmem>>, vector<16xf32>,
        %swap3A_824 = arith.constant 27 : i32
        %swap3A_825 = arith.index_cast %swap3A_824 : i32 to index
        %swap3A_826 = arith.index_cast %mul3A_238 : i32 to index
        %swap3A_827 = tpu.vector_load %arg19[%swap3A_825, %swap3A_826] {strides = array<i32>} : memref<32x512xf32, #tpu.memory_space<vmem>>, vector<16xf32>,
        tpu.vector_store %arg19[%swap3A_825, %swap3A_826], %gather3A_775 {strides = array<i32>} : memref<32x512xf32, #tpu.memory_space<vmem>>, vector<16xf32>,
        %swap3A_828 = arith.constant 28 : i32
        %swap3A_829 = arith.index_cast %swap3A_828 : i32 to index
        %swap3A_830 = arith.index_cast %mul3A_238 : i32 to index
        %swap3A_831 = tpu.vector_load %arg19[%swap3A_829, %swap3A_830] {strides = array<i32>} : memref<32x512xf32, #tpu.memory_space<vmem>>, vector<16xf32>,
        tpu.vector_store %arg19[%swap3A_829, %swap3A_830], %gather3A_776 {strides = array<i32>} : memref<32x512xf32, #tpu.memory_space<vmem>>, vector<16xf32>,
        %swap3A_832 = arith.constant 29 : i32
        %swap3A_833 = arith.index_cast %swap3A_832 : i32 to index
        %swap3A_834 = arith.index_cast %mul3A_238 : i32 to index
        %swap3A_835 = tpu.vector_load %arg19[%swap3A_833, %swap3A_834] {strides = array<i32>} : memref<32x512xf32, #tpu.memory_space<vmem>>, vector<16xf32>,
        tpu.vector_store %arg19[%swap3A_833, %swap3A_834], %gather3A_777 {strides = array<i32>} : memref<32x512xf32, #tpu.memory_space<vmem>>, vector<16xf32>,
        %swap3A_836 = arith.constant 30 : i32
        %swap3A_837 = arith.index_cast %swap3A_836 : i32 to index
        %swap3A_838 = arith.index_cast %mul3A_238 : i32 to index
        %swap3A_839 = tpu.vector_load %arg19[%swap3A_837, %swap3A_838] {strides = array<i32>} : memref<32x512xf32, #tpu.memory_space<vmem>>, vector<16xf32>,
        tpu.vector_store %arg19[%swap3A_837, %swap3A_838], %gather3A_778 {strides = array<i32>} : memref<32x512xf32, #tpu.memory_space<vmem>>, vector<16xf32>,
        %swap3A_840 = arith.constant 31 : i32
        %swap3A_841 = arith.index_cast %swap3A_840 : i32 to index
        %swap3A_842 = arith.index_cast %mul3A_238 : i32 to index
        %swap3A_843 = tpu.vector_load %arg19[%swap3A_841, %swap3A_842] {strides = array<i32>} : memref<32x512xf32, #tpu.memory_space<vmem>>, vector<16xf32>,
        tpu.vector_store %arg19[%swap3A_841, %swap3A_842], %gather3A_779 {strides = array<i32>} : memref<32x512xf32, #tpu.memory_space<vmem>>, vector<16xf32>,
        %gather3A_844 = tpu.vector_load_idx %arg16[%get3A_623] : memref<4096xf32, #tpu.memory_space<vmem>>[vector<16xi32>], vector<16xf32>,
        %gather3A_845 = tpu.vector_load_idx %arg16[%get3A_627] : memref<4096xf32, #tpu.memory_space<vmem>>[vector<16xi32>], vector<16xf32>,
        %gather3A_846 = tpu.vector_load_idx %arg16[%get3A_631] : memref<4096xf32, #tpu.memory_space<vmem>>[vector<16xi32>], vector<16xf32>,
        %gather3A_847 = tpu.vector_load_idx %arg16[%get3A_635] : memref<4096xf32, #tpu.memory_space<vmem>>[vector<16xi32>], vector<16xf32>,
        %gather3A_848 = tpu.vector_load_idx %arg16[%get3A_639] : memref<4096xf32, #tpu.memory_space<vmem>>[vector<16xi32>], vector<16xf32>,
        %gather3A_849 = tpu.vector_load_idx %arg16[%get3A_643] : memref<4096xf32, #tpu.memory_space<vmem>>[vector<16xi32>], vector<16xf32>,
        %gather3A_850 = tpu.vector_load_idx %arg16[%get3A_647] : memref<4096xf32, #tpu.memory_space<vmem>>[vector<16xi32>], vector<16xf32>,
        %gather3A_851 = tpu.vector_load_idx %arg16[%get3A_651] : memref<4096xf32, #tpu.memory_space<vmem>>[vector<16xi32>], vector<16xf32>,
        %gather3A_852 = tpu.vector_load_idx %arg16[%get3A_655] : memref<4096xf32, #tpu.memory_space<vmem>>[vector<16xi32>], vector<16xf32>,
        %gather3A_853 = tpu.vector_load_idx %arg16[%get3A_659] : memref<4096xf32, #tpu.memory_space<vmem>>[vector<16xi32>], vector<16xf32>,
        %gather3A_854 = tpu.vector_load_idx %arg16[%get3A_663] : memref<4096xf32, #tpu.memory_space<vmem>>[vector<16xi32>], vector<16xf32>,
        %gather3A_855 = tpu.vector_load_idx %arg16[%get3A_667] : memref<4096xf32, #tpu.memory_space<vmem>>[vector<16xi32>], vector<16xf32>,
        %gather3A_856 = tpu.vector_load_idx %arg16[%get3A_671] : memref<4096xf32, #tpu.memory_space<vmem>>[vector<16xi32>], vector<16xf32>,
        %gather3A_857 = tpu.vector_load_idx %arg16[%get3A_675] : memref<4096xf32, #tpu.memory_space<vmem>>[vector<16xi32>], vector<16xf32>,
        %gather3A_858 = tpu.vector_load_idx %arg16[%get3A_679] : memref<4096xf32, #tpu.memory_space<vmem>>[vector<16xi32>], vector<16xf32>,
        %gather3A_859 = tpu.vector_load_idx %arg16[%get3A_683] : memref<4096xf32, #tpu.memory_space<vmem>>[vector<16xi32>], vector<16xf32>,
        %swap3A_860 = arith.constant 16 : i32
        %swap3A_861 = arith.index_cast %swap3A_860 : i32 to index
        %swap3A_862 = arith.index_cast %mul3A_238 : i32 to index
        %swap3A_863 = tpu.vector_load %arg20[%swap3A_861, %swap3A_862] {strides = array<i32>} : memref<32x512xf32, #tpu.memory_space<vmem>>, vector<16xf32>,
        tpu.vector_store %arg20[%swap3A_861, %swap3A_862], %gather3A_844 {strides = array<i32>} : memref<32x512xf32, #tpu.memory_space<vmem>>, vector<16xf32>,
        %swap3A_864 = arith.constant 17 : i32
        %swap3A_865 = arith.index_cast %swap3A_864 : i32 to index
        %swap3A_866 = arith.index_cast %mul3A_238 : i32 to index
        %swap3A_867 = tpu.vector_load %arg20[%swap3A_865, %swap3A_866] {strides = array<i32>} : memref<32x512xf32, #tpu.memory_space<vmem>>, vector<16xf32>,
        tpu.vector_store %arg20[%swap3A_865, %swap3A_866], %gather3A_845 {strides = array<i32>} : memref<32x512xf32, #tpu.memory_space<vmem>>, vector<16xf32>,
        %swap3A_868 = arith.constant 18 : i32
        %swap3A_869 = arith.index_cast %swap3A_868 : i32 to index
        %swap3A_870 = arith.index_cast %mul3A_238 : i32 to index
        %swap3A_871 = tpu.vector_load %arg20[%swap3A_869, %swap3A_870] {strides = array<i32>} : memref<32x512xf32, #tpu.memory_space<vmem>>, vector<16xf32>,
        tpu.vector_store %arg20[%swap3A_869, %swap3A_870], %gather3A_846 {strides = array<i32>} : memref<32x512xf32, #tpu.memory_space<vmem>>, vector<16xf32>,
        %swap3A_872 = arith.constant 19 : i32
        %swap3A_873 = arith.index_cast %swap3A_872 : i32 to index
        %swap3A_874 = arith.index_cast %mul3A_238 : i32 to index
        %swap3A_875 = tpu.vector_load %arg20[%swap3A_873, %swap3A_874] {strides = array<i32>} : memref<32x512xf32, #tpu.memory_space<vmem>>, vector<16xf32>,
        tpu.vector_store %arg20[%swap3A_873, %swap3A_874], %gather3A_847 {strides = array<i32>} : memref<32x512xf32, #tpu.memory_space<vmem>>, vector<16xf32>,
        %swap3A_876 = arith.constant 20 : i32
        %swap3A_877 = arith.index_cast %swap3A_876 : i32 to index
        %swap3A_878 = arith.index_cast %mul3A_238 : i32 to index
        %swap3A_879 = tpu.vector_load %arg20[%swap3A_877, %swap3A_878] {strides = array<i32>} : memref<32x512xf32, #tpu.memory_space<vmem>>, vector<16xf32>,
        tpu.vector_store %arg20[%swap3A_877, %swap3A_878], %gather3A_848 {strides = array<i32>} : memref<32x512xf32, #tpu.memory_space<vmem>>, vector<16xf32>,
        %swap3A_880 = arith.constant 21 : i32
        %swap3A_881 = arith.index_cast %swap3A_880 : i32 to index
        %swap3A_882 = arith.index_cast %mul3A_238 : i32 to index
        %swap3A_883 = tpu.vector_load %arg20[%swap3A_881, %swap3A_882] {strides = array<i32>} : memref<32x512xf32, #tpu.memory_space<vmem>>, vector<16xf32>,
        tpu.vector_store %arg20[%swap3A_881, %swap3A_882], %gather3A_849 {strides = array<i32>} : memref<32x512xf32, #tpu.memory_space<vmem>>, vector<16xf32>,
        %swap3A_884 = arith.constant 22 : i32
        %swap3A_885 = arith.index_cast %swap3A_884 : i32 to index
        %swap3A_886 = arith.index_cast %mul3A_238 : i32 to index
        %swap3A_887 = tpu.vector_load %arg20[%swap3A_885, %swap3A_886] {strides = array<i32>} : memref<32x512xf32, #tpu.memory_space<vmem>>, vector<16xf32>,
        tpu.vector_store %arg20[%swap3A_885, %swap3A_886], %gather3A_850 {strides = array<i32>} : memref<32x512xf32, #tpu.memory_space<vmem>>, vector<16xf32>,
        %swap3A_888 = arith.constant 23 : i32
        %swap3A_889 = arith.index_cast %swap3A_888 : i32 to index
        %swap3A_890 = arith.index_cast %mul3A_238 : i32 to index
        %swap3A_891 = tpu.vector_load %arg20[%swap3A_889, %swap3A_890] {strides = array<i32>} : memref<32x512xf32, #tpu.memory_space<vmem>>, vector<16xf32>,
        tpu.vector_store %arg20[%swap3A_889, %swap3A_890], %gather3A_851 {strides = array<i32>} : memref<32x512xf32, #tpu.memory_space<vmem>>, vector<16xf32>,
        %swap3A_892 = arith.constant 24 : i32
        %swap3A_893 = arith.index_cast %swap3A_892 : i32 to index
        %swap3A_894 = arith.index_cast %mul3A_238 : i32 to index
        %swap3A_895 = tpu.vector_load %arg20[%swap3A_893, %swap3A_894] {strides = array<i32>} : memref<32x512xf32, #tpu.memory_space<vmem>>, vector<16xf32>,
        tpu.vector_store %arg20[%swap3A_893, %swap3A_894], %gather3A_852 {strides = array<i32>} : memref<32x512xf32, #tpu.memory_space<vmem>>, vector<16xf32>,
        %swap3A_896 = arith.constant 25 : i32
        %swap3A_897 = arith.index_cast %swap3A_896 : i32 to index
        %swap3A_898 = arith.index_cast %mul3A_238 : i32 to index
        %swap3A_899 = tpu.vector_load %arg20[%swap3A_897, %swap3A_898] {strides = array<i32>} : memref<32x512xf32, #tpu.memory_space<vmem>>, vector<16xf32>,
        tpu.vector_store %arg20[%swap3A_897, %swap3A_898], %gather3A_853 {strides = array<i32>} : memref<32x512xf32, #tpu.memory_space<vmem>>, vector<16xf32>,
        %swap3A_900 = arith.constant 26 : i32
        %swap3A_901 = arith.index_cast %swap3A_900 : i32 to index
        %swap3A_902 = arith.index_cast %mul3A_238 : i32 to index
        %swap3A_903 = tpu.vector_load %arg20[%swap3A_901, %swap3A_902] {strides = array<i32>} : memref<32x512xf32, #tpu.memory_space<vmem>>, vector<16xf32>,
        tpu.vector_store %arg20[%swap3A_901, %swap3A_902], %gather3A_854 {strides = array<i32>} : memref<32x512xf32, #tpu.memory_space<vmem>>, vector<16xf32>,
        %swap3A_904 = arith.constant 27 : i32
        %swap3A_905 = arith.index_cast %swap3A_904 : i32 to index
        %swap3A_906 = arith.index_cast %mul3A_238 : i32 to index
        %swap3A_907 = tpu.vector_load %arg20[%swap3A_905, %swap3A_906] {strides = array<i32>} : memref<32x512xf32, #tpu.memory_space<vmem>>, vector<16xf32>,
        tpu.vector_store %arg20[%swap3A_905, %swap3A_906], %gather3A_855 {strides = array<i32>} : memref<32x512xf32, #tpu.memory_space<vmem>>, vector<16xf32>,
        %swap3A_908 = arith.constant 28 : i32
        %swap3A_909 = arith.index_cast %swap3A_908 : i32 to index
        %swap3A_910 = arith.index_cast %mul3A_238 : i32 to index
        %swap3A_911 = tpu.vector_load %arg20[%swap3A_909, %swap3A_910] {strides = array<i32>} : memref<32x512xf32, #tpu.memory_space<vmem>>, vector<16xf32>,
        tpu.vector_store %arg20[%swap3A_909, %swap3A_910], %gather3A_856 {strides = array<i32>} : memref<32x512xf32, #tpu.memory_space<vmem>>, vector<16xf32>,
        %swap3A_912 = arith.constant 29 : i32
        %swap3A_913 = arith.index_cast %swap3A_912 : i32 to index
        %swap3A_914 = arith.index_cast %mul3A_238 : i32 to index
        %swap3A_915 = tpu.vector_load %arg20[%swap3A_913, %swap3A_914] {strides = array<i32>} : memref<32x512xf32, #tpu.memory_space<vmem>>, vector<16xf32>,
        tpu.vector_store %arg20[%swap3A_913, %swap3A_914], %gather3A_857 {strides = array<i32>} : memref<32x512xf32, #tpu.memory_space<vmem>>, vector<16xf32>,
        %swap3A_916 = arith.constant 30 : i32
        %swap3A_917 = arith.index_cast %swap3A_916 : i32 to index
        %swap3A_918 = arith.index_cast %mul3A_238 : i32 to index
        %swap3A_919 = tpu.vector_load %arg20[%swap3A_917, %swap3A_918] {strides = array<i32>} : memref<32x512xf32, #tpu.memory_space<vmem>>, vector<16xf32>,
        tpu.vector_store %arg20[%swap3A_917, %swap3A_918], %gather3A_858 {strides = array<i32>} : memref<32x512xf32, #tpu.memory_space<vmem>>, vector<16xf32>,
        %swap3A_920 = arith.constant 31 : i32
        %swap3A_921 = arith.index_cast %swap3A_920 : i32 to index
        %swap3A_922 = arith.index_cast %mul3A_238 : i32 to index
        %swap3A_923 = tpu.vector_load %arg20[%swap3A_921, %swap3A_922] {strides = array<i32>} : memref<32x512xf32, #tpu.memory_space<vmem>>, vector<16xf32>,
        tpu.vector_store %arg20[%swap3A_921, %swap3A_922], %gather3A_859 {strides = array<i32>} : memref<32x512xf32, #tpu.memory_space<vmem>>, vector<16xf32>,
        %gather3A_924 = tpu.vector_load_idx %arg17[%get3A_623] : memref<4096xf32, #tpu.memory_space<vmem>>[vector<16xi32>], vector<16xf32>,
        %gather3A_925 = tpu.vector_load_idx %arg17[%get3A_627] : memref<4096xf32, #tpu.memory_space<vmem>>[vector<16xi32>], vector<16xf32>,
        %gather3A_926 = tpu.vector_load_idx %arg17[%get3A_631] : memref<4096xf32, #tpu.memory_space<vmem>>[vector<16xi32>], vector<16xf32>,
        %gather3A_927 = tpu.vector_load_idx %arg17[%get3A_635] : memref<4096xf32, #tpu.memory_space<vmem>>[vector<16xi32>], vector<16xf32>,
        %gather3A_928 = tpu.vector_load_idx %arg17[%get3A_639] : memref<4096xf32, #tpu.memory_space<vmem>>[vector<16xi32>], vector<16xf32>,
        %gather3A_929 = tpu.vector_load_idx %arg17[%get3A_643] : memref<4096xf32, #tpu.memory_space<vmem>>[vector<16xi32>], vector<16xf32>,
        %gather3A_930 = tpu.vector_load_idx %arg17[%get3A_647] : memref<4096xf32, #tpu.memory_space<vmem>>[vector<16xi32>], vector<16xf32>,
        %gather3A_931 = tpu.vector_load_idx %arg17[%get3A_651] : memref<4096xf32, #tpu.memory_space<vmem>>[vector<16xi32>], vector<16xf32>,
        %gather3A_932 = tpu.vector_load_idx %arg17[%get3A_655] : memref<4096xf32, #tpu.memory_space<vmem>>[vector<16xi32>], vector<16xf32>,
        %gather3A_933 = tpu.vector_load_idx %arg17[%get3A_659] : memref<4096xf32, #tpu.memory_space<vmem>>[vector<16xi32>], vector<16xf32>,
        %gather3A_934 = tpu.vector_load_idx %arg17[%get3A_663] : memref<4096xf32, #tpu.memory_space<vmem>>[vector<16xi32>], vector<16xf32>,
        %gather3A_935 = tpu.vector_load_idx %arg17[%get3A_667] : memref<4096xf32, #tpu.memory_space<vmem>>[vector<16xi32>], vector<16xf32>,
        %gather3A_936 = tpu.vector_load_idx %arg17[%get3A_671] : memref<4096xf32, #tpu.memory_space<vmem>>[vector<16xi32>], vector<16xf32>,
        %gather3A_937 = tpu.vector_load_idx %arg17[%get3A_675] : memref<4096xf32, #tpu.memory_space<vmem>>[vector<16xi32>], vector<16xf32>,
        %gather3A_938 = tpu.vector_load_idx %arg17[%get3A_679] : memref<4096xf32, #tpu.memory_space<vmem>>[vector<16xi32>], vector<16xf32>,
        %gather3A_939 = tpu.vector_load_idx %arg17[%get3A_683] : memref<4096xf32, #tpu.memory_space<vmem>>[vector<16xi32>], vector<16xf32>,
        %swap3A_940 = arith.constant 16 : i32
        %swap3A_941 = arith.index_cast %swap3A_940 : i32 to index
        %swap3A_942 = arith.index_cast %mul3A_238 : i32 to index
        %swap3A_943 = tpu.vector_load %arg21[%swap3A_941, %swap3A_942] {strides = array<i32>} : memref<32x512xf32, #tpu.memory_space<vmem>>, vector<16xf32>,
        tpu.vector_store %arg21[%swap3A_941, %swap3A_942], %gather3A_924 {strides = array<i32>} : memref<32x512xf32, #tpu.memory_space<vmem>>, vector<16xf32>,
        %swap3A_944 = arith.constant 17 : i32
        %swap3A_945 = arith.index_cast %swap3A_944 : i32 to index
        %swap3A_946 = arith.index_cast %mul3A_238 : i32 to index
        %swap3A_947 = tpu.vector_load %arg21[%swap3A_945, %swap3A_946] {strides = array<i32>} : memref<32x512xf32, #tpu.memory_space<vmem>>, vector<16xf32>,
        tpu.vector_store %arg21[%swap3A_945, %swap3A_946], %gather3A_925 {strides = array<i32>} : memref<32x512xf32, #tpu.memory_space<vmem>>, vector<16xf32>,
        %swap3A_948 = arith.constant 18 : i32
        %swap3A_949 = arith.index_cast %swap3A_948 : i32 to index
        %swap3A_950 = arith.index_cast %mul3A_238 : i32 to index
        %swap3A_951 = tpu.vector_load %arg21[%swap3A_949, %swap3A_950] {strides = array<i32>} : memref<32x512xf32, #tpu.memory_space<vmem>>, vector<16xf32>,
        tpu.vector_store %arg21[%swap3A_949, %swap3A_950], %gather3A_926 {strides = array<i32>} : memref<32x512xf32, #tpu.memory_space<vmem>>, vector<16xf32>,
        %swap3A_952 = arith.constant 19 : i32
        %swap3A_953 = arith.index_cast %swap3A_952 : i32 to index
        %swap3A_954 = arith.index_cast %mul3A_238 : i32 to index
        %swap3A_955 = tpu.vector_load %arg21[%swap3A_953, %swap3A_954] {strides = array<i32>} : memref<32x512xf32, #tpu.memory_space<vmem>>, vector<16xf32>,
        tpu.vector_store %arg21[%swap3A_953, %swap3A_954], %gather3A_927 {strides = array<i32>} : memref<32x512xf32, #tpu.memory_space<vmem>>, vector<16xf32>,
        %swap3A_956 = arith.constant 20 : i32
        %swap3A_957 = arith.index_cast %swap3A_956 : i32 to index
        %swap3A_958 = arith.index_cast %mul3A_238 : i32 to index
        %swap3A_959 = tpu.vector_load %arg21[%swap3A_957, %swap3A_958] {strides = array<i32>} : memref<32x512xf32, #tpu.memory_space<vmem>>, vector<16xf32>,
        tpu.vector_store %arg21[%swap3A_957, %swap3A_958], %gather3A_928 {strides = array<i32>} : memref<32x512xf32, #tpu.memory_space<vmem>>, vector<16xf32>,
        %swap3A_960 = arith.constant 21 : i32
        %swap3A_961 = arith.index_cast %swap3A_960 : i32 to index
        %swap3A_962 = arith.index_cast %mul3A_238 : i32 to index
        %swap3A_963 = tpu.vector_load %arg21[%swap3A_961, %swap3A_962] {strides = array<i32>} : memref<32x512xf32, #tpu.memory_space<vmem>>, vector<16xf32>,
        tpu.vector_store %arg21[%swap3A_961, %swap3A_962], %gather3A_929 {strides = array<i32>} : memref<32x512xf32, #tpu.memory_space<vmem>>, vector<16xf32>,
        %swap3A_964 = arith.constant 22 : i32
        %swap3A_965 = arith.index_cast %swap3A_964 : i32 to index
        %swap3A_966 = arith.index_cast %mul3A_238 : i32 to index
        %swap3A_967 = tpu.vector_load %arg21[%swap3A_965, %swap3A_966] {strides = array<i32>} : memref<32x512xf32, #tpu.memory_space<vmem>>, vector<16xf32>,
        tpu.vector_store %arg21[%swap3A_965, %swap3A_966], %gather3A_930 {strides = array<i32>} : memref<32x512xf32, #tpu.memory_space<vmem>>, vector<16xf32>,
        %swap3A_968 = arith.constant 23 : i32
        %swap3A_969 = arith.index_cast %swap3A_968 : i32 to index
        %swap3A_970 = arith.index_cast %mul3A_238 : i32 to index
        %swap3A_971 = tpu.vector_load %arg21[%swap3A_969, %swap3A_970] {strides = array<i32>} : memref<32x512xf32, #tpu.memory_space<vmem>>, vector<16xf32>,
        tpu.vector_store %arg21[%swap3A_969, %swap3A_970], %gather3A_931 {strides = array<i32>} : memref<32x512xf32, #tpu.memory_space<vmem>>, vector<16xf32>,
        %swap3A_972 = arith.constant 24 : i32
        %swap3A_973 = arith.index_cast %swap3A_972 : i32 to index
        %swap3A_974 = arith.index_cast %mul3A_238 : i32 to index
        %swap3A_975 = tpu.vector_load %arg21[%swap3A_973, %swap3A_974] {strides = array<i32>} : memref<32x512xf32, #tpu.memory_space<vmem>>, vector<16xf32>,
        tpu.vector_store %arg21[%swap3A_973, %swap3A_974], %gather3A_932 {strides = array<i32>} : memref<32x512xf32, #tpu.memory_space<vmem>>, vector<16xf32>,
        %swap3A_976 = arith.constant 25 : i32
        %swap3A_977 = arith.index_cast %swap3A_976 : i32 to index
        %swap3A_978 = arith.index_cast %mul3A_238 : i32 to index
        %swap3A_979 = tpu.vector_load %arg21[%swap3A_977, %swap3A_978] {strides = array<i32>} : memref<32x512xf32, #tpu.memory_space<vmem>>, vector<16xf32>,
        tpu.vector_store %arg21[%swap3A_977, %swap3A_978], %gather3A_933 {strides = array<i32>} : memref<32x512xf32, #tpu.memory_space<vmem>>, vector<16xf32>,
        %swap3A_980 = arith.constant 26 : i32
        %swap3A_981 = arith.index_cast %swap3A_980 : i32 to index
        %swap3A_982 = arith.index_cast %mul3A_238 : i32 to index
        %swap3A_983 = tpu.vector_load %arg21[%swap3A_981, %swap3A_982] {strides = array<i32>} : memref<32x512xf32, #tpu.memory_space<vmem>>, vector<16xf32>,
        tpu.vector_store %arg21[%swap3A_981, %swap3A_982], %gather3A_934 {strides = array<i32>} : memref<32x512xf32, #tpu.memory_space<vmem>>, vector<16xf32>,
        %swap3A_984 = arith.constant 27 : i32
        %swap3A_985 = arith.index_cast %swap3A_984 : i32 to index
        %swap3A_986 = arith.index_cast %mul3A_238 : i32 to index
        %swap3A_987 = tpu.vector_load %arg21[%swap3A_985, %swap3A_986] {strides = array<i32>} : memref<32x512xf32, #tpu.memory_space<vmem>>, vector<16xf32>,
        tpu.vector_store %arg21[%swap3A_985, %swap3A_986], %gather3A_935 {strides = array<i32>} : memref<32x512xf32, #tpu.memory_space<vmem>>, vector<16xf32>,
        %swap3A_988 = arith.constant 28 : i32
        %swap3A_989 = arith.index_cast %swap3A_988 : i32 to index
        %swap3A_990 = arith.index_cast %mul3A_238 : i32 to index
        %swap3A_991 = tpu.vector_load %arg21[%swap3A_989, %swap3A_990] {strides = array<i32>} : memref<32x512xf32, #tpu.memory_space<vmem>>, vector<16xf32>,
        tpu.vector_store %arg21[%swap3A_989, %swap3A_990], %gather3A_936 {strides = array<i32>} : memref<32x512xf32, #tpu.memory_space<vmem>>, vector<16xf32>,
        %swap3A_992 = arith.constant 29 : i32
        %swap3A_993 = arith.index_cast %swap3A_992 : i32 to index
        %swap3A_994 = arith.index_cast %mul3A_238 : i32 to index
        %swap3A_995 = tpu.vector_load %arg21[%swap3A_993, %swap3A_994] {strides = array<i32>} : memref<32x512xf32, #tpu.memory_space<vmem>>, vector<16xf32>,
        tpu.vector_store %arg21[%swap3A_993, %swap3A_994], %gather3A_937 {strides = array<i32>} : memref<32x512xf32, #tpu.memory_space<vmem>>, vector<16xf32>,
        %swap3A_996 = arith.constant 30 : i32
        %swap3A_997 = arith.index_cast %swap3A_996 : i32 to index
        %swap3A_998 = arith.index_cast %mul3A_238 : i32 to index
        %swap3A_999 = tpu.vector_load %arg21[%swap3A_997, %swap3A_998] {strides = array<i32>} : memref<32x512xf32, #tpu.memory_space<vmem>>, vector<16xf32>,
        tpu.vector_store %arg21[%swap3A_997, %swap3A_998], %gather3A_938 {strides = array<i32>} : memref<32x512xf32, #tpu.memory_space<vmem>>, vector<16xf32>,
        %swap3A_1000 = arith.constant 31 : i32
        %swap3A_1001 = arith.index_cast %swap3A_1000 : i32 to index
        %swap3A_1002 = arith.index_cast %mul3A_238 : i32 to index
        %swap3A_1003 = tpu.vector_load %arg21[%swap3A_1001, %swap3A_1002] {strides = array<i32>} : memref<32x512xf32, #tpu.memory_space<vmem>>, vector<16xf32>,
        tpu.vector_store %arg21[%swap3A_1001, %swap3A_1002], %gather3A_939 {strides = array<i32>} : memref<32x512xf32, #tpu.memory_space<vmem>>, vector<16xf32>,
        %scan3A_1004 = arith.constant 0 : i32
        scf.yield %scan3A_1004 : i32
      }
      %scan3A_198 = arith.constant 32 : i32
      %dma_start3A_199 = arith.constant 0 : i32
      %dma_start3A_200 = tpu.memref_slice %arg5[%select_n3A, %mul3A_155, %dma_start3A_199, %mul3A_32] : memref<16x131x32x1024xf32, #tpu.memory_space<hbm>> -> memref<1x1x32x512xf32, #tpu.memory_space<hbm>>
      %dma_start3A_201 = tpu.memref_squeeze %dma_start3A_200 : memref<1x1x32x512xf32, #tpu.memory_space<hbm>> -> memref<32x512xf32, #tpu.memory_space<hbm>>
      %dma_start3A_202 = arith.constant 0 : i32
      %dma_start3A_203 = tpu.memref_slice %arg5[%select_n3A, %mul3A_155, %dma_start3A_202, %mul3A_32] : memref<16x131x32x1024xf32, #tpu.memory_space<hbm>> -> memref<1x1x32x512xf32, #tpu.memory_space<hbm>>
      %dma_start3A_204 = tpu.memref_squeeze %dma_start3A_203 : memref<1x1x32x512xf32, #tpu.memory_space<hbm>> -> memref<32x512xf32, #tpu.memory_space<hbm>>
      tpu.enqueue_dma source(%arg18 : memref<32x512xf32, #tpu.memory_space<vmem>>) target(%dma_start3A_204 : memref<32x512xf32, #tpu.memory_space<hbm>>) target_semaphore(%arg24 : memref<!tpu.dma_semaphore, #tpu.memory_space<semaphore_mem>>)
      %add3A_205 = arith.constant 1 : i32
      %add3A_206 = arith.addi %mul3A_155, %add3A_205 : i32
      %dma_start3A_207 = arith.constant 0 : i32
      %dma_start3A_208 = tpu.memref_slice %arg5[%select_n3A, %add3A_206, %dma_start3A_207, %mul3A_32] : memref<16x131x32x1024xf32, #tpu.memory_space<hbm>> -> memref<1x1x32x512xf32, #tpu.memory_space<hbm>>
      %dma_start3A_209 = tpu.memref_squeeze %dma_start3A_208 : memref<1x1x32x512xf32, #tpu.memory_space<hbm>> -> memref<32x512xf32, #tpu.memory_space<hbm>>
      %dma_start3A_210 = arith.constant 0 : i32
      %dma_start3A_211 = tpu.memref_slice %arg5[%select_n3A, %add3A_206, %dma_start3A_210, %mul3A_32] : memref<16x131x32x1024xf32, #tpu.memory_space<hbm>> -> memref<1x1x32x512xf32, #tpu.memory_space<hbm>>
      %dma_start3A_212 = tpu.memref_squeeze %dma_start3A_211 : memref<1x1x32x512xf32, #tpu.memory_space<hbm>> -> memref<32x512xf32, #tpu.memory_space<hbm>>
      tpu.enqueue_dma source(%arg19 : memref<32x512xf32, #tpu.memory_space<vmem>>) target(%dma_start3A_212 : memref<32x512xf32, #tpu.memory_space<hbm>>) target_semaphore(%arg24 : memref<!tpu.dma_semaphore, #tpu.memory_space<semaphore_mem>>)
      %add3A_213 = arith.constant 2 : i32
      %add3A_214 = arith.addi %mul3A_155, %add3A_213 : i32
      %dma_start3A_215 = arith.constant 0 : i32
      %dma_start3A_216 = tpu.memref_slice %arg5[%select_n3A, %add3A_214, %dma_start3A_215, %mul3A_32] : memref<16x131x32x1024xf32, #tpu.memory_space<hbm>> -> memref<1x1x32x512xf32, #tpu.memory_space<hbm>>
      %dma_start3A_217 = tpu.memref_squeeze %dma_start3A_216 : memref<1x1x32x512xf32, #tpu.memory_space<hbm>> -> memref<32x512xf32, #tpu.memory_space<hbm>>
      %dma_start3A_218 = arith.constant 0 : i32
      %dma_start3A_219 = tpu.memref_slice %arg5[%select_n3A, %add3A_214, %dma_start3A_218, %mul3A_32] : memref<16x131x32x1024xf32, #tpu.memory_space<hbm>> -> memref<1x1x32x512xf32, #tpu.memory_space<hbm>>
      %dma_start3A_220 = tpu.memref_squeeze %dma_start3A_219 : memref<1x1x32x512xf32, #tpu.memory_space<hbm>> -> memref<32x512xf32, #tpu.memory_space<hbm>>
      tpu.enqueue_dma source(%arg20 : memref<32x512xf32, #tpu.memory_space<vmem>>) target(%dma_start3A_220 : memref<32x512xf32, #tpu.memory_space<hbm>>) target_semaphore(%arg25 : memref<!tpu.dma_semaphore, #tpu.memory_space<semaphore_mem>>)
      %add3A_221 = arith.constant 3 : i32
      %add3A_222 = arith.addi %mul3A_155, %add3A_221 : i32
      %dma_start3A_223 = arith.constant 0 : i32
      %dma_start3A_224 = tpu.memref_slice %arg5[%select_n3A, %add3A_222, %dma_start3A_223, %mul3A_32] : memref<16x131x32x1024xf32, #tpu.memory_space<hbm>> -> memref<1x1x32x512xf32, #tpu.memory_space<hbm>>
      %dma_start3A_225 = tpu.memref_squeeze %dma_start3A_224 : memref<1x1x32x512xf32, #tpu.memory_space<hbm>> -> memref<32x512xf32, #tpu.memory_space<hbm>>
      %dma_start3A_226 = arith.constant 0 : i32
      %dma_start3A_227 = tpu.memref_slice %arg5[%select_n3A, %add3A_222, %dma_start3A_226, %mul3A_32] : memref<16x131x32x1024xf32, #tpu.memory_space<hbm>> -> memref<1x1x32x512xf32, #tpu.memory_space<hbm>>
      %dma_start3A_228 = tpu.memref_squeeze %dma_start3A_227 : memref<1x1x32x512xf32, #tpu.memory_space<hbm>> -> memref<32x512xf32, #tpu.memory_space<hbm>>
      tpu.enqueue_dma source(%arg21 : memref<32x512xf32, #tpu.memory_space<vmem>>) target(%dma_start3A_228 : memref<32x512xf32, #tpu.memory_space<hbm>>) target_semaphore(%arg25 : memref<!tpu.dma_semaphore, #tpu.memory_space<semaphore_mem>>)
      %lt3A_229 = arith.constant 31 : i32
      %lt3A_230 = arith.cmpi slt, %scan3A_152, %lt3A_229 : i32
      %convert_element_type3A_231 = arith.extui %lt3A_230 : i1 to i32
      %cond3A_232 = arith.constant 0 : i32
      %cond3A_233 = arith.cmpi ne, %convert_element_type3A_231, %cond3A_232 : i32
      scf.if %cond3A_233 {
        %add3A_235 = arith.constant 4 : i32
        %add3A_236 = arith.addi %mul3A_155, %add3A_235 : i32
        %mul3A_237 = arith.constant 128 : i32
        %mul3A_238 = arith.muli %select_n3A, %mul3A_237 : i32
        %add3A_239 = arith.addi %mul3A_238, %add3A_236 : i32
        %mul3A_240 = arith.constant 4096 : i32
        %mul3A_241 = arith.muli %add3A_239, %mul3A_240 : i32
        %dma_start3A_242 = tpu.memref_slice %arg4[%mul3A_241] : memref<8388608xf32, #tpu.memory_space<hbm>> -> memref<4096xf32, #tpu.memory_space<hbm>>
        %dma_start3A_243 = tpu.memref_slice %arg4[%mul3A_241] : memref<8388608xf32, #tpu.memory_space<hbm>> -> memref<4096xf32, #tpu.memory_space<hbm>>
        tpu.enqueue_dma source(%dma_start3A_243 : memref<4096xf32, #tpu.memory_space<hbm>>) target(%arg14 : memref<4096xf32, #tpu.memory_space<vmem>>) target_semaphore(%arg22 : memref<!tpu.dma_semaphore, #tpu.memory_space<semaphore_mem>>)
        %add3A_244 = arith.constant 5 : i32
        %add3A_245 = arith.addi %mul3A_155, %add3A_244 : i32
        %mul3A_246 = arith.constant 128 : i32
        %mul3A_247 = arith.muli %select_n3A, %mul3A_246 : i32
        %add3A_248 = arith.addi %mul3A_247, %add3A_245 : i32
        %mul3A_249 = arith.constant 4096 : i32
        %mul3A_250 = arith.muli %add3A_248, %mul3A_249 : i32
        %dma_start3A_251 = tpu.memref_slice %arg4[%mul3A_250] : memref<8388608xf32, #tpu.memory_space<hbm>> -> memref<4096xf32, #tpu.memory_space<hbm>>
        %dma_start3A_252 = tpu.memref_slice %arg4[%mul3A_250] : memref<8388608xf32, #tpu.memory_space<hbm>> -> memref<4096xf32, #tpu.memory_space<hbm>>
        tpu.enqueue_dma source(%dma_start3A_252 : memref<4096xf32, #tpu.memory_space<hbm>>) target(%arg15 : memref<4096xf32, #tpu.memory_space<vmem>>) target_semaphore(%arg22 : memref<!tpu.dma_semaphore, #tpu.memory_space<semaphore_mem>>)
        %add3A_253 = arith.constant 6 : i32
        %add3A_254 = arith.addi %mul3A_155, %add3A_253 : i32
        %mul3A_255 = arith.constant 128 : i32
        %mul3A_256 = arith.muli %select_n3A, %mul3A_255 : i32
        %add3A_257 = arith.addi %mul3A_256, %add3A_254 : i32
        %mul3A_258 = arith.constant 4096 : i32
        %mul3A_259 = arith.muli %add3A_257, %mul3A_258 : i32
        %dma_start3A_260 = tpu.memref_slice %arg4[%mul3A_259] : memref<8388608xf32, #tpu.memory_space<hbm>> -> memref<4096xf32, #tpu.memory_space<hbm>>
        %dma_start3A_261 = tpu.memref_slice %arg4[%mul3A_259] : memref<8388608xf32, #tpu.memory_space<hbm>> -> memref<4096xf32, #tpu.memory_space<hbm>>
        tpu.enqueue_dma source(%dma_start3A_261 : memref<4096xf32, #tpu.memory_space<hbm>>) target(%arg16 : memref<4096xf32, #tpu.memory_space<vmem>>) target_semaphore(%arg23 : memref<!tpu.dma_semaphore, #tpu.memory_space<semaphore_mem>>)
        %add3A_262 = arith.constant 7 : i32
        %add3A_263 = arith.addi %mul3A_155, %add3A_262 : i32
        %mul3A_264 = arith.constant 128 : i32
        %mul3A_265 = arith.muli %select_n3A, %mul3A_264 : i32
        %add3A_266 = arith.addi %mul3A_265, %add3A_263 : i32
        %mul3A_267 = arith.constant 4096 : i32
        %mul3A_268 = arith.muli %add3A_266, %mul3A_267 : i32
        %dma_start3A_269 = tpu.memref_slice %arg4[%mul3A_268] : memref<8388608xf32, #tpu.memory_space<hbm>> -> memref<4096xf32, #tpu.memory_space<hbm>>
        %dma_start3A_270 = tpu.memref_slice %arg4[%mul3A_268] : memref<8388608xf32, #tpu.memory_space<hbm>> -> memref<4096xf32, #tpu.memory_space<hbm>>
        tpu.enqueue_dma source(%dma_start3A_270 : memref<4096xf32, #tpu.memory_space<hbm>>) target(%arg17 : memref<4096xf32, #tpu.memory_space<vmem>>) target_semaphore(%arg23 : memref<!tpu.dma_semaphore, #tpu.memory_space<semaphore_mem>>)
      } else {
      }
      %scan3A_234 = arith.constant 0 : i32
      scf.yield %scan3A_234 : i32
    }
    %scan3A_115 = arith.constant 32 : i32
    %dma_wait3A = arith.constant 124 : i32
    %dma_wait3A_116 = arith.constant 0 : i32
    %dma_wait3A_117 = tpu.memref_slice %arg5[%select_n3A, %dma_wait3A, %dma_wait3A_116, %mul3A_32] : memref<16x131x32x1024xf32, #tpu.memory_space<hbm>> -> memref<1x1x32x512xf32, #tpu.memory_space<hbm>>
    %dma_wait3A_118 = tpu.memref_squeeze %dma_wait3A_117 : memref<1x1x32x512xf32, #tpu.memory_space<hbm>> -> memref<32x512xf32, #tpu.memory_space<hbm>>
    %dma_wait3A_119 = arith.constant 0 : i32
    %dma_wait3A_120 = tpu.memref_slice %arg5[%select_n3A, %dma_wait3A, %dma_wait3A_119, %mul3A_32] : memref<16x131x32x1024xf32, #tpu.memory_space<hbm>> -> memref<1x1x32x512xf32, #tpu.memory_space<hbm>>
    %dma_wait3A_121 = tpu.memref_squeeze %dma_wait3A_120 : memref<1x1x32x512xf32, #tpu.memory_space<hbm>> -> memref<32x512xf32, #tpu.memory_space<hbm>>
    tpu.wait_dma2 semaphore(%arg24 : memref<!tpu.dma_semaphore, #tpu.memory_space<semaphore_mem>>) src(%arg18 : memref<32x512xf32, #tpu.memory_space<vmem>>) dst(%dma_wait3A_121 : memref<32x512xf32, #tpu.memory_space<hbm>>)
    %dma_wait3A_122 = arith.constant 125 : i32
    %dma_wait3A_123 = arith.constant 0 : i32
    %dma_wait3A_124 = tpu.memref_slice %arg5[%select_n3A, %dma_wait3A_122, %dma_wait3A_123, %mul3A_32] : memref<16x131x32x1024xf32, #tpu.memory_space<hbm>> -> memref<1x1x32x512xf32, #tpu.memory_space<hbm>>
    %dma_wait3A_125 = tpu.memref_squeeze %dma_wait3A_124 : memref<1x1x32x512xf32, #tpu.memory_space<hbm>> -> memref<32x512xf32, #tpu.memory_space<hbm>>
    %dma_wait3A_126 = arith.constant 0 : i32
    %dma_wait3A_127 = tpu.memref_slice %arg5[%select_n3A, %dma_wait3A_122, %dma_wait3A_126, %mul3A_32] : memref<16x131x32x1024xf32, #tpu.memory_space<hbm>> -> memref<1x1x32x512xf32, #tpu.memory_space<hbm>>
    %dma_wait3A_128 = tpu.memref_squeeze %dma_wait3A_127 : memref<1x1x32x512xf32, #tpu.memory_space<hbm>> -> memref<32x512xf32, #tpu.memory_space<hbm>>
    tpu.wait_dma2 semaphore(%arg24 : memref<!tpu.dma_semaphore, #tpu.memory_space<semaphore_mem>>) src(%arg19 : memref<32x512xf32, #tpu.memory_space<vmem>>) dst(%dma_wait3A_128 : memref<32x512xf32, #tpu.memory_space<hbm>>)
    %dma_wait3A_129 = arith.constant 126 : i32
    %dma_wait3A_130 = arith.constant 0 : i32
    %dma_wait3A_131 = tpu.memref_slice %arg5[%select_n3A, %dma_wait3A_129, %dma_wait3A_130, %mul3A_32] : memref<16x131x32x1024xf32, #tpu.memory_space<hbm>> -> memref<1x1x32x512xf32, #tpu.memory_space<hbm>>
    %dma_wait3A_132 = tpu.memref_squeeze %dma_wait3A_131 : memref<1x1x32x512xf32, #tpu.memory_space<hbm>> -> memref<32x512xf32, #tpu.memory_space<hbm>>
    %dma_wait3A_133 = arith.constant 0 : i32
    %dma_wait3A_134 = tpu.memref_slice %arg5[%select_n3A, %dma_wait3A_129, %dma_wait3A_133, %mul3A_32] : memref<16x131x32x1024xf32, #tpu.memory_space<hbm>> -> memref<1x1x32x512xf32, #tpu.memory_space<hbm>>
    %dma_wait3A_135 = tpu.memref_squeeze %dma_wait3A_134 : memref<1x1x32x512xf32, #tpu.memory_space<hbm>> -> memref<32x512xf32, #tpu.memory_space<hbm>>
    tpu.wait_dma2 semaphore(%arg25 : memref<!tpu.dma_semaphore, #tpu.memory_space<semaphore_mem>>) src(%arg20 : memref<32x512xf32, #tpu.memory_space<vmem>>) dst(%dma_wait3A_135 : memref<32x512xf32, #tpu.memory_space<hbm>>)
    %dma_wait3A_136 = arith.constant 127 : i32
    %dma_wait3A_137 = arith.constant 0 : i32
    %dma_wait3A_138 = tpu.memref_slice %arg5[%select_n3A, %dma_wait3A_136, %dma_wait3A_137, %mul3A_32] : memref<16x131x32x1024xf32, #tpu.memory_space<hbm>> -> memref<1x1x32x512xf32, #tpu.memory_space<hbm>>
    %dma_wait3A_139 = tpu.memref_squeeze %dma_wait3A_138 : memref<1x1x32x512xf32, #tpu.memory_space<hbm>> -> memref<32x512xf32, #tpu.memory_space<hbm>>
    %dma_wait3A_140 = arith.constant 0 : i32
    %dma_wait3A_141 = tpu.memref_slice %arg5[%select_n3A, %dma_wait3A_136, %dma_wait3A_140, %mul3A_32] : memref<16x131x32x1024xf32, #tpu.memory_space<hbm>> -> memref<1x1x32x512xf32, #tpu.memory_space<hbm>>
    %dma_wait3A_142 = tpu.memref_squeeze %dma_wait3A_141 : memref<1x1x32x512xf32, #tpu.memory_space<hbm>> -> memref<32x512xf32, #tpu.memory_space<hbm>>
    tpu.wait_dma2 semaphore(%arg25 : memref<!tpu.dma_semaphore, #tpu.memory_space<semaphore_mem>>) src(%arg21 : memref<32x512xf32, #tpu.memory_space<vmem>>) dst(%dma_wait3A_142 : memref<32x512xf32, #tpu.memory_space<hbm>>)
    %scan3A_143 = arith.constant 0 : i32
    %scan3A_144 = arith.constant 0 : i32
    %scan3A_145 = arith.constant 32 : i32
    %scan3A_146 = arith.addi %scan3A_144, %scan3A_145 : i32
    %scan3A_147 = arith.constant 1 : i32
    %scan3A_148 = scf.for %scan3A_152 = %scan3A_144 to %scan3A_146 step %scan3A_147 iter_args(%scan3A_153 = %scan3A_143) -> (i32)  : i32 {
      %mul3A_154 = arith.constant 16 : i32
      %mul3A_155 = arith.muli %scan3A_152, %mul3A_154 : i32
      %get3A = arith.index_cast %mul3A_155 : i32 to index
      %get3A_156 = tpu.vector_load %arg9[%get3A] {strides = array<i32>} : memref<512xf32, #tpu.memory_space<vmem>>, vector<16xf32>,
      %get3A_157 = arith.index_cast %mul3A_155 : i32 to index
      %get3A_158 = tpu.vector_load %arg10[%get3A_157] {strides = array<i32>} : memref<512xf32, #tpu.memory_space<vmem>>, vector<16xf32>,
      %get3A_159 = arith.index_cast %mul3A_155 : i32 to index
      %get3A_160 = tpu.vector_load %arg11[%get3A_159] {strides = array<i32>} : memref<512xf32, #tpu.memory_space<vmem>>, vector<16xf32>,
      %add3A_161 = arith.constant 0 : i32
      %add3A_162 = arith.addi %add3A_161, %mul3A_155 : i32
      %get3A_163 = arith.index_cast %add3A_162 : i32 to index
      %get3A_164 = tpu.vector_load %arg13[%get3A_163] {strides = array<i32>} : memref<16384xi32, #tpu.memory_space<vmem>>, vector<16xi32>,
      %add3A_165 = arith.constant 512 : i32
      %add3A_166 = arith.addi %add3A_165, %mul3A_155 : i32
      %get3A_167 = arith.index_cast %add3A_166 : i32 to index
      %get3A_168 = tpu.vector_load %arg13[%get3A_167] {strides = array<i32>} : memref<16384xi32, #tpu.memory_space<vmem>>, vector<16xi32>,
      %add3A_169 = arith.constant 1024 : i32
      %add3A_170 = arith.addi %add3A_169, %mul3A_155 : i32
      %get3A_171 = arith.index_cast %add3A_170 : i32 to index
      %get3A_172 = tpu.vector_load %arg13[%get3A_171] {strides = array<i32>} : memref<16384xi32, #tpu.memory_space<vmem>>, vector<16xi32>,
      %add3A_173 = arith.constant 1536 : i32
      %add3A_174 = arith.addi %add3A_173, %mul3A_155 : i32
      %get3A_175 = arith.index_cast %add3A_174 : i32 to index
      %get3A_176 = tpu.vector_load %arg13[%get3A_175] {strides = array<i32>} : memref<16384xi32, #tpu.memory_space<vmem>>, vector<16xi32>,
      %add3A_177 = arith.constant 2048 : i32
      %add3A_178 = arith.addi %add3A_177, %mul3A_155 : i32
      %get3A_179 = arith.index_cast %add3A_178 : i32 to index
      %get3A_180 = tpu.vector_load %arg13[%get3A_179] {strides = array<i32>} : memref<16384xi32, #tpu.memory_space<vmem>>, vector<16xi32>,
      %add3A_181 = arith.constant 2560 : i32
      %add3A_182 = arith.addi %add3A_181, %mul3A_155 : i32
      %get3A_183 = arith.index_cast %add3A_182 : i32 to index
      %get3A_184 = tpu.vector_load %arg13[%get3A_183] {strides = array<i32>} : memref<16384xi32, #tpu.memory_space<vmem>>, vector<16xi32>,
      %add3A_185 = arith.constant 3072 : i32
      %add3A_186 = arith.addi %add3A_185, %mul3A_155 : i32
      %get3A_187 = arith.index_cast %add3A_186 : i32 to index
      %get3A_188 = tpu.vector_load %arg13[%get3A_187] {strides = array<i32>} : memref<16384xi32, #tpu.memory_space<vmem>>, vector<16xi32>,
      %add3A_189 = arith.constant 3584 : i32
      %add3A_190 = arith.addi %add3A_189, %mul3A_155 : i32
      %get3A_191 = arith.index_cast %add3A_190 : i32 to index
      %get3A_192 = tpu.vector_load %arg13[%get3A_191] {strides = array<i32>} : memref<16384xi32, #tpu.memory_space<vmem>>, vector<16xi32>,
      %gather3A = tpu.vector_load_idx %arg6[%get3A_164] : memref<4096xf32, #tpu.memory_space<vmem>>[vector<16xi32>], vector<16xf32>,
      %sub3A_193 = arith.subf %gather3A, %get3A_156 : vector<16xf32>
      %gather3A_194 = tpu.vector_load_idx %arg6[%get3A_168] : memref<4096xf32, #tpu.memory_space<vmem>>[vector<16xi32>], vector<16xf32>,
      %sub3A_195 = arith.subf %gather3A_194, %get3A_156 : vector<16xf32>
      %gather3A_196 = tpu.vector_load_idx %arg6[%get3A_172] : memref<4096xf32, #tpu.memory_space<vmem>>[vector<16xi32>], vector<16xf32>,
      %sub3A_197 = arith.subf %gather3A_196, %get3A_156 : vector<16xf32>
      %gather3A_198 = tpu.vector_load_idx %arg6[%get3A_176] : memref<4096xf32, #tpu.memory_space<vmem>>[vector<16xi32>], vector<16xf32>,
      %sub3A_199 = arith.subf %gather3A_198, %get3A_156 : vector<16xf32>
      %gather3A_200 = tpu.vector_load_idx %arg6[%get3A_180] : memref<4096xf32, #tpu.memory_space<vmem>>[vector<16xi32>], vector<16xf32>,
      %sub3A_201 = arith.subf %gather3A_200, %get3A_156 : vector<16xf32>
      %gather3A_202 = tpu.vector_load_idx %arg6[%get3A_184] : memref<4096xf32, #tpu.memory_space<vmem>>[vector<16xi32>], vector<16xf32>,
      %sub3A_203 = arith.subf %gather3A_202, %get3A_156 : vector<16xf32>
      %gather3A_204 = tpu.vector_load_idx %arg6[%get3A_188] : memref<4096xf32, #tpu.memory_space<vmem>>[vector<16xi32>], vector<16xf32>,
      %sub3A_205 = arith.subf %gather3A_204, %get3A_156 : vector<16xf32>
      %gather3A_206 = tpu.vector_load_idx %arg6[%get3A_192] : memref<4096xf32, #tpu.memory_space<vmem>>[vector<16xi32>], vector<16xf32>,
      %sub3A_207 = arith.subf %gather3A_206, %get3A_156 : vector<16xf32>
      %swap3A = arith.constant 0 : i32
      %swap3A_208 = arith.index_cast %swap3A : i32 to index
      %swap3A_209 = arith.index_cast %mul3A_155 : i32 to index
      %swap3A_210 = tpu.vector_load %arg18[%swap3A_208, %swap3A_209] {strides = array<i32>} : memref<32x512xf32, #tpu.memory_space<vmem>>, vector<16xf32>,
      tpu.vector_store %arg18[%swap3A_208, %swap3A_209], %sub3A_193 {strides = array<i32>} : memref<32x512xf32, #tpu.memory_space<vmem>>, vector<16xf32>,
      %swap3A_211 = arith.constant 1 : i32
      %swap3A_212 = arith.index_cast %swap3A_211 : i32 to index
      %swap3A_213 = arith.index_cast %mul3A_155 : i32 to index
      %swap3A_214 = tpu.vector_load %arg18[%swap3A_212, %swap3A_213] {strides = array<i32>} : memref<32x512xf32, #tpu.memory_space<vmem>>, vector<16xf32>,
      tpu.vector_store %arg18[%swap3A_212, %swap3A_213], %sub3A_195 {strides = array<i32>} : memref<32x512xf32, #tpu.memory_space<vmem>>, vector<16xf32>,
      %swap3A_215 = arith.constant 2 : i32
      %swap3A_216 = arith.index_cast %swap3A_215 : i32 to index
      %swap3A_217 = arith.index_cast %mul3A_155 : i32 to index
      %swap3A_218 = tpu.vector_load %arg18[%swap3A_216, %swap3A_217] {strides = array<i32>} : memref<32x512xf32, #tpu.memory_space<vmem>>, vector<16xf32>,
      tpu.vector_store %arg18[%swap3A_216, %swap3A_217], %sub3A_197 {strides = array<i32>} : memref<32x512xf32, #tpu.memory_space<vmem>>, vector<16xf32>,
      %swap3A_219 = arith.constant 3 : i32
      %swap3A_220 = arith.index_cast %swap3A_219 : i32 to index
      %swap3A_221 = arith.index_cast %mul3A_155 : i32 to index
      %swap3A_222 = tpu.vector_load %arg18[%swap3A_220, %swap3A_221] {strides = array<i32>} : memref<32x512xf32, #tpu.memory_space<vmem>>, vector<16xf32>,
      tpu.vector_store %arg18[%swap3A_220, %swap3A_221], %sub3A_199 {strides = array<i32>} : memref<32x512xf32, #tpu.memory_space<vmem>>, vector<16xf32>,
      %swap3A_223 = arith.constant 4 : i32
      %swap3A_224 = arith.index_cast %swap3A_223 : i32 to index
      %swap3A_225 = arith.index_cast %mul3A_155 : i32 to index
      %swap3A_226 = tpu.vector_load %arg18[%swap3A_224, %swap3A_225] {strides = array<i32>} : memref<32x512xf32, #tpu.memory_space<vmem>>, vector<16xf32>,
      tpu.vector_store %arg18[%swap3A_224, %swap3A_225], %sub3A_201 {strides = array<i32>} : memref<32x512xf32, #tpu.memory_space<vmem>>, vector<16xf32>,
      %swap3A_227 = arith.constant 5 : i32
      %swap3A_228 = arith.index_cast %swap3A_227 : i32 to index
      %swap3A_229 = arith.index_cast %mul3A_155 : i32 to index
      %swap3A_230 = tpu.vector_load %arg18[%swap3A_228, %swap3A_229] {strides = array<i32>} : memref<32x512xf32, #tpu.memory_space<vmem>>, vector<16xf32>,
      tpu.vector_store %arg18[%swap3A_228, %swap3A_229], %sub3A_203 {strides = array<i32>} : memref<32x512xf32, #tpu.memory_space<vmem>>, vector<16xf32>,
      %swap3A_231 = arith.constant 6 : i32
      %swap3A_232 = arith.index_cast %swap3A_231 : i32 to index
      %swap3A_233 = arith.index_cast %mul3A_155 : i32 to index
      %swap3A_234 = tpu.vector_load %arg18[%swap3A_232, %swap3A_233] {strides = array<i32>} : memref<32x512xf32, #tpu.memory_space<vmem>>, vector<16xf32>,
      tpu.vector_store %arg18[%swap3A_232, %swap3A_233], %sub3A_205 {strides = array<i32>} : memref<32x512xf32, #tpu.memory_space<vmem>>, vector<16xf32>,
      %swap3A_235 = arith.constant 7 : i32
      %swap3A_236 = arith.index_cast %swap3A_235 : i32 to index
      %swap3A_237 = arith.index_cast %mul3A_155 : i32 to index
      %swap3A_238 = tpu.vector_load %arg18[%swap3A_236, %swap3A_237] {strides = array<i32>} : memref<32x512xf32, #tpu.memory_space<vmem>>, vector<16xf32>,
      tpu.vector_store %arg18[%swap3A_236, %swap3A_237], %sub3A_207 {strides = array<i32>} : memref<32x512xf32, #tpu.memory_space<vmem>>, vector<16xf32>,
      %gather3A_239 = tpu.vector_load_idx %arg7[%get3A_164] : memref<4096xf32, #tpu.memory_space<vmem>>[vector<16xi32>], vector<16xf32>,
      %sub3A_240 = arith.subf %gather3A_239, %get3A_158 : vector<16xf32>
      %gather3A_241 = tpu.vector_load_idx %arg7[%get3A_168] : memref<4096xf32, #tpu.memory_space<vmem>>[vector<16xi32>], vector<16xf32>,
      %sub3A_242 = arith.subf %gather3A_241, %get3A_158 : vector<16xf32>
      %gather3A_243 = tpu.vector_load_idx %arg7[%get3A_172] : memref<4096xf32, #tpu.memory_space<vmem>>[vector<16xi32>], vector<16xf32>,
      %sub3A_244 = arith.subf %gather3A_243, %get3A_158 : vector<16xf32>
      %gather3A_245 = tpu.vector_load_idx %arg7[%get3A_176] : memref<4096xf32, #tpu.memory_space<vmem>>[vector<16xi32>], vector<16xf32>,
      %sub3A_246 = arith.subf %gather3A_245, %get3A_158 : vector<16xf32>
      %gather3A_247 = tpu.vector_load_idx %arg7[%get3A_180] : memref<4096xf32, #tpu.memory_space<vmem>>[vector<16xi32>], vector<16xf32>,
      %sub3A_248 = arith.subf %gather3A_247, %get3A_158 : vector<16xf32>
      %gather3A_249 = tpu.vector_load_idx %arg7[%get3A_184] : memref<4096xf32, #tpu.memory_space<vmem>>[vector<16xi32>], vector<16xf32>,
      %sub3A_250 = arith.subf %gather3A_249, %get3A_158 : vector<16xf32>
      %gather3A_251 = tpu.vector_load_idx %arg7[%get3A_188] : memref<4096xf32, #tpu.memory_space<vmem>>[vector<16xi32>], vector<16xf32>,
      %sub3A_252 = arith.subf %gather3A_251, %get3A_158 : vector<16xf32>
      %gather3A_253 = tpu.vector_load_idx %arg7[%get3A_192] : memref<4096xf32, #tpu.memory_space<vmem>>[vector<16xi32>], vector<16xf32>,
      %sub3A_254 = arith.subf %gather3A_253, %get3A_158 : vector<16xf32>
      %swap3A_255 = arith.constant 0 : i32
      %swap3A_256 = arith.index_cast %swap3A_255 : i32 to index
      %swap3A_257 = arith.index_cast %mul3A_155 : i32 to index
      %swap3A_258 = tpu.vector_load %arg19[%swap3A_256, %swap3A_257] {strides = array<i32>} : memref<32x512xf32, #tpu.memory_space<vmem>>, vector<16xf32>,
      tpu.vector_store %arg19[%swap3A_256, %swap3A_257], %sub3A_240 {strides = array<i32>} : memref<32x512xf32, #tpu.memory_space<vmem>>, vector<16xf32>,
      %swap3A_259 = arith.constant 1 : i32
      %swap3A_260 = arith.index_cast %swap3A_259 : i32 to index
      %swap3A_261 = arith.index_cast %mul3A_155 : i32 to index
      %swap3A_262 = tpu.vector_load %arg19[%swap3A_260, %swap3A_261] {strides = array<i32>} : memref<32x512xf32, #tpu.memory_space<vmem>>, vector<16xf32>,
      tpu.vector_store %arg19[%swap3A_260, %swap3A_261], %sub3A_242 {strides = array<i32>} : memref<32x512xf32, #tpu.memory_space<vmem>>, vector<16xf32>,
      %swap3A_263 = arith.constant 2 : i32
      %swap3A_264 = arith.index_cast %swap3A_263 : i32 to index
      %swap3A_265 = arith.index_cast %mul3A_155 : i32 to index
      %swap3A_266 = tpu.vector_load %arg19[%swap3A_264, %swap3A_265] {strides = array<i32>} : memref<32x512xf32, #tpu.memory_space<vmem>>, vector<16xf32>,
      tpu.vector_store %arg19[%swap3A_264, %swap3A_265], %sub3A_244 {strides = array<i32>} : memref<32x512xf32, #tpu.memory_space<vmem>>, vector<16xf32>,
      %swap3A_267 = arith.constant 3 : i32
      %swap3A_268 = arith.index_cast %swap3A_267 : i32 to index
      %swap3A_269 = arith.index_cast %mul3A_155 : i32 to index
      %swap3A_270 = tpu.vector_load %arg19[%swap3A_268, %swap3A_269] {strides = array<i32>} : memref<32x512xf32, #tpu.memory_space<vmem>>, vector<16xf32>,
      tpu.vector_store %arg19[%swap3A_268, %swap3A_269], %sub3A_246 {strides = array<i32>} : memref<32x512xf32, #tpu.memory_space<vmem>>, vector<16xf32>,
      %swap3A_271 = arith.constant 4 : i32
      %swap3A_272 = arith.index_cast %swap3A_271 : i32 to index
      %swap3A_273 = arith.index_cast %mul3A_155 : i32 to index
      %swap3A_274 = tpu.vector_load %arg19[%swap3A_272, %swap3A_273] {strides = array<i32>} : memref<32x512xf32, #tpu.memory_space<vmem>>, vector<16xf32>,
      tpu.vector_store %arg19[%swap3A_272, %swap3A_273], %sub3A_248 {strides = array<i32>} : memref<32x512xf32, #tpu.memory_space<vmem>>, vector<16xf32>,
      %swap3A_275 = arith.constant 5 : i32
      %swap3A_276 = arith.index_cast %swap3A_275 : i32 to index
      %swap3A_277 = arith.index_cast %mul3A_155 : i32 to index
      %swap3A_278 = tpu.vector_load %arg19[%swap3A_276, %swap3A_277] {strides = array<i32>} : memref<32x512xf32, #tpu.memory_space<vmem>>, vector<16xf32>,
      tpu.vector_store %arg19[%swap3A_276, %swap3A_277], %sub3A_250 {strides = array<i32>} : memref<32x512xf32, #tpu.memory_space<vmem>>, vector<16xf32>,
      %swap3A_279 = arith.constant 6 : i32
      %swap3A_280 = arith.index_cast %swap3A_279 : i32 to index
      %swap3A_281 = arith.index_cast %mul3A_155 : i32 to index
      %swap3A_282 = tpu.vector_load %arg19[%swap3A_280, %swap3A_281] {strides = array<i32>} : memref<32x512xf32, #tpu.memory_space<vmem>>, vector<16xf32>,
      tpu.vector_store %arg19[%swap3A_280, %swap3A_281], %sub3A_252 {strides = array<i32>} : memref<32x512xf32, #tpu.memory_space<vmem>>, vector<16xf32>,
      %swap3A_283 = arith.constant 7 : i32
      %swap3A_284 = arith.index_cast %swap3A_283 : i32 to index
      %swap3A_285 = arith.index_cast %mul3A_155 : i32 to index
      %swap3A_286 = tpu.vector_load %arg19[%swap3A_284, %swap3A_285] {strides = array<i32>} : memref<32x512xf32, #tpu.memory_space<vmem>>, vector<16xf32>,
      tpu.vector_store %arg19[%swap3A_284, %swap3A_285], %sub3A_254 {strides = array<i32>} : memref<32x512xf32, #tpu.memory_space<vmem>>, vector<16xf32>,
      %gather3A_287 = tpu.vector_load_idx %arg8[%get3A_164] : memref<4096xf32, #tpu.memory_space<vmem>>[vector<16xi32>], vector<16xf32>,
      %sub3A_288 = arith.subf %gather3A_287, %get3A_160 : vector<16xf32>
      %gather3A_289 = tpu.vector_load_idx %arg8[%get3A_168] : memref<4096xf32, #tpu.memory_space<vmem>>[vector<16xi32>], vector<16xf32>,
      %sub3A_290 = arith.subf %gather3A_289, %get3A_160 : vector<16xf32>
      %gather3A_291 = tpu.vector_load_idx %arg8[%get3A_172] : memref<4096xf32, #tpu.memory_space<vmem>>[vector<16xi32>], vector<16xf32>,
      %sub3A_292 = arith.subf %gather3A_291, %get3A_160 : vector<16xf32>
      %gather3A_293 = tpu.vector_load_idx %arg8[%get3A_176] : memref<4096xf32, #tpu.memory_space<vmem>>[vector<16xi32>], vector<16xf32>,
      %sub3A_294 = arith.subf %gather3A_293, %get3A_160 : vector<16xf32>
      %gather3A_295 = tpu.vector_load_idx %arg8[%get3A_180] : memref<4096xf32, #tpu.memory_space<vmem>>[vector<16xi32>], vector<16xf32>,
      %sub3A_296 = arith.subf %gather3A_295, %get3A_160 : vector<16xf32>
      %gather3A_297 = tpu.vector_load_idx %arg8[%get3A_184] : memref<4096xf32, #tpu.memory_space<vmem>>[vector<16xi32>], vector<16xf32>,
      %sub3A_298 = arith.subf %gather3A_297, %get3A_160 : vector<16xf32>
      %gather3A_299 = tpu.vector_load_idx %arg8[%get3A_188] : memref<4096xf32, #tpu.memory_space<vmem>>[vector<16xi32>], vector<16xf32>,
      %sub3A_300 = arith.subf %gather3A_299, %get3A_160 : vector<16xf32>
      %gather3A_301 = tpu.vector_load_idx %arg8[%get3A_192] : memref<4096xf32, #tpu.memory_space<vmem>>[vector<16xi32>], vector<16xf32>,
      %sub3A_302 = arith.subf %gather3A_301, %get3A_160 : vector<16xf32>
      %swap3A_303 = arith.constant 0 : i32
      %swap3A_304 = arith.index_cast %swap3A_303 : i32 to index
      %swap3A_305 = arith.index_cast %mul3A_155 : i32 to index
      %swap3A_306 = tpu.vector_load %arg20[%swap3A_304, %swap3A_305] {strides = array<i32>} : memref<32x512xf32, #tpu.memory_space<vmem>>, vector<16xf32>,
      tpu.vector_store %arg20[%swap3A_304, %swap3A_305], %sub3A_288 {strides = array<i32>} : memref<32x512xf32, #tpu.memory_space<vmem>>, vector<16xf32>,
      %swap3A_307 = arith.constant 1 : i32
      %swap3A_308 = arith.index_cast %swap3A_307 : i32 to index
      %swap3A_309 = arith.index_cast %mul3A_155 : i32 to index
      %swap3A_310 = tpu.vector_load %arg20[%swap3A_308, %swap3A_309] {strides = array<i32>} : memref<32x512xf32, #tpu.memory_space<vmem>>, vector<16xf32>,
      tpu.vector_store %arg20[%swap3A_308, %swap3A_309], %sub3A_290 {strides = array<i32>} : memref<32x512xf32, #tpu.memory_space<vmem>>, vector<16xf32>,
      %swap3A_311 = arith.constant 2 : i32
      %swap3A_312 = arith.index_cast %swap3A_311 : i32 to index
      %swap3A_313 = arith.index_cast %mul3A_155 : i32 to index
      %swap3A_314 = tpu.vector_load %arg20[%swap3A_312, %swap3A_313] {strides = array<i32>} : memref<32x512xf32, #tpu.memory_space<vmem>>, vector<16xf32>,
      tpu.vector_store %arg20[%swap3A_312, %swap3A_313], %sub3A_292 {strides = array<i32>} : memref<32x512xf32, #tpu.memory_space<vmem>>, vector<16xf32>,
      %swap3A_315 = arith.constant 3 : i32
      %swap3A_316 = arith.index_cast %swap3A_315 : i32 to index
      %swap3A_317 = arith.index_cast %mul3A_155 : i32 to index
      %swap3A_318 = tpu.vector_load %arg20[%swap3A_316, %swap3A_317] {strides = array<i32>} : memref<32x512xf32, #tpu.memory_space<vmem>>, vector<16xf32>,
      tpu.vector_store %arg20[%swap3A_316, %swap3A_317], %sub3A_294 {strides = array<i32>} : memref<32x512xf32, #tpu.memory_space<vmem>>, vector<16xf32>,
      %swap3A_319 = arith.constant 4 : i32
      %swap3A_320 = arith.index_cast %swap3A_319 : i32 to index
      %swap3A_321 = arith.index_cast %mul3A_155 : i32 to index
      %swap3A_322 = tpu.vector_load %arg20[%swap3A_320, %swap3A_321] {strides = array<i32>} : memref<32x512xf32, #tpu.memory_space<vmem>>, vector<16xf32>,
      tpu.vector_store %arg20[%swap3A_320, %swap3A_321], %sub3A_296 {strides = array<i32>} : memref<32x512xf32, #tpu.memory_space<vmem>>, vector<16xf32>,
      %swap3A_323 = arith.constant 5 : i32
      %swap3A_324 = arith.index_cast %swap3A_323 : i32 to index
      %swap3A_325 = arith.index_cast %mul3A_155 : i32 to index
      %swap3A_326 = tpu.vector_load %arg20[%swap3A_324, %swap3A_325] {strides = array<i32>} : memref<32x512xf32, #tpu.memory_space<vmem>>, vector<16xf32>,
      tpu.vector_store %arg20[%swap3A_324, %swap3A_325], %sub3A_298 {strides = array<i32>} : memref<32x512xf32, #tpu.memory_space<vmem>>, vector<16xf32>,
      %swap3A_327 = arith.constant 6 : i32
      %swap3A_328 = arith.index_cast %swap3A_327 : i32 to index
      %swap3A_329 = arith.index_cast %mul3A_155 : i32 to index
      %swap3A_330 = tpu.vector_load %arg20[%swap3A_328, %swap3A_329] {strides = array<i32>} : memref<32x512xf32, #tpu.memory_space<vmem>>, vector<16xf32>,
      tpu.vector_store %arg20[%swap3A_328, %swap3A_329], %sub3A_300 {strides = array<i32>} : memref<32x512xf32, #tpu.memory_space<vmem>>, vector<16xf32>,
      %swap3A_331 = arith.constant 7 : i32
      %swap3A_332 = arith.index_cast %swap3A_331 : i32 to index
      %swap3A_333 = arith.index_cast %mul3A_155 : i32 to index
      %swap3A_334 = tpu.vector_load %arg20[%swap3A_332, %swap3A_333] {strides = array<i32>} : memref<32x512xf32, #tpu.memory_space<vmem>>, vector<16xf32>,
      tpu.vector_store %arg20[%swap3A_332, %swap3A_333], %sub3A_302 {strides = array<i32>} : memref<32x512xf32, #tpu.memory_space<vmem>>, vector<16xf32>,
      %add3A_335 = arith.constant 4096 : i32
      %add3A_336 = arith.addi %add3A_335, %mul3A_155 : i32
      %get3A_337 = arith.index_cast %add3A_336 : i32 to index
      %get3A_338 = tpu.vector_load %arg13[%get3A_337] {strides = array<i32>} : memref<16384xi32, #tpu.memory_space<vmem>>, vector<16xi32>,
      %add3A_339 = arith.constant 4608 : i32
      %add3A_340 = arith.addi %add3A_339, %mul3A_155 : i32
      %get3A_341 = arith.index_cast %add3A_340 : i32 to index
      %get3A_342 = tpu.vector_load %arg13[%get3A_341] {strides = array<i32>} : memref<16384xi32, #tpu.memory_space<vmem>>, vector<16xi32>,
      %add3A_343 = arith.constant 5120 : i32
      %add3A_344 = arith.addi %add3A_343, %mul3A_155 : i32
      %get3A_345 = arith.index_cast %add3A_344 : i32 to index
      %get3A_346 = tpu.vector_load %arg13[%get3A_345] {strides = array<i32>} : memref<16384xi32, #tpu.memory_space<vmem>>, vector<16xi32>,
      %add3A_347 = arith.constant 5632 : i32
      %add3A_348 = arith.addi %add3A_347, %mul3A_155 : i32
      %get3A_349 = arith.index_cast %add3A_348 : i32 to index
      %get3A_350 = tpu.vector_load %arg13[%get3A_349] {strides = array<i32>} : memref<16384xi32, #tpu.memory_space<vmem>>, vector<16xi32>,
      %add3A_351 = arith.constant 6144 : i32
      %add3A_352 = arith.addi %add3A_351, %mul3A_155 : i32
      %get3A_353 = arith.index_cast %add3A_352 : i32 to index
      %get3A_354 = tpu.vector_load %arg13[%get3A_353] {strides = array<i32>} : memref<16384xi32, #tpu.memory_space<vmem>>, vector<16xi32>,
      %add3A_355 = arith.constant 6656 : i32
      %add3A_356 = arith.addi %add3A_355, %mul3A_155 : i32
      %get3A_357 = arith.index_cast %add3A_356 : i32 to index
      %get3A_358 = tpu.vector_load %arg13[%get3A_357] {strides = array<i32>} : memref<16384xi32, #tpu.memory_space<vmem>>, vector<16xi32>,
      %add3A_359 = arith.constant 7168 : i32
      %add3A_360 = arith.addi %add3A_359, %mul3A_155 : i32
      %get3A_361 = arith.index_cast %add3A_360 : i32 to index
      %get3A_362 = tpu.vector_load %arg13[%get3A_361] {strides = array<i32>} : memref<16384xi32, #tpu.memory_space<vmem>>, vector<16xi32>,
      %add3A_363 = arith.constant 7680 : i32
      %add3A_364 = arith.addi %add3A_363, %mul3A_155 : i32
      %get3A_365 = arith.index_cast %add3A_364 : i32 to index
      %get3A_366 = tpu.vector_load %arg13[%get3A_365] {strides = array<i32>} : memref<16384xi32, #tpu.memory_space<vmem>>, vector<16xi32>,
      %gather3A_367 = tpu.vector_load_idx %arg6[%get3A_338] : memref<4096xf32, #tpu.memory_space<vmem>>[vector<16xi32>], vector<16xf32>,
      %sub3A_368 = arith.subf %gather3A_367, %get3A_156 : vector<16xf32>
      %gather3A_369 = tpu.vector_load_idx %arg6[%get3A_342] : memref<4096xf32, #tpu.memory_space<vmem>>[vector<16xi32>], vector<16xf32>,
      %sub3A_370 = arith.subf %gather3A_369, %get3A_156 : vector<16xf32>
      %gather3A_371 = tpu.vector_load_idx %arg6[%get3A_346] : memref<4096xf32, #tpu.memory_space<vmem>>[vector<16xi32>], vector<16xf32>,
      %sub3A_372 = arith.subf %gather3A_371, %get3A_156 : vector<16xf32>
      %gather3A_373 = tpu.vector_load_idx %arg6[%get3A_350] : memref<4096xf32, #tpu.memory_space<vmem>>[vector<16xi32>], vector<16xf32>,
      %sub3A_374 = arith.subf %gather3A_373, %get3A_156 : vector<16xf32>
      %gather3A_375 = tpu.vector_load_idx %arg6[%get3A_354] : memref<4096xf32, #tpu.memory_space<vmem>>[vector<16xi32>], vector<16xf32>,
      %sub3A_376 = arith.subf %gather3A_375, %get3A_156 : vector<16xf32>
      %gather3A_377 = tpu.vector_load_idx %arg6[%get3A_358] : memref<4096xf32, #tpu.memory_space<vmem>>[vector<16xi32>], vector<16xf32>,
      %sub3A_378 = arith.subf %gather3A_377, %get3A_156 : vector<16xf32>
      %gather3A_379 = tpu.vector_load_idx %arg6[%get3A_362] : memref<4096xf32, #tpu.memory_space<vmem>>[vector<16xi32>], vector<16xf32>,
      %sub3A_380 = arith.subf %gather3A_379, %get3A_156 : vector<16xf32>
      %gather3A_381 = tpu.vector_load_idx %arg6[%get3A_366] : memref<4096xf32, #tpu.memory_space<vmem>>[vector<16xi32>], vector<16xf32>,
      %sub3A_382 = arith.subf %gather3A_381, %get3A_156 : vector<16xf32>
      %swap3A_383 = arith.constant 8 : i32
      %swap3A_384 = arith.index_cast %swap3A_383 : i32 to index
      %swap3A_385 = arith.index_cast %mul3A_155 : i32 to index
      %swap3A_386 = tpu.vector_load %arg18[%swap3A_384, %swap3A_385] {strides = array<i32>} : memref<32x512xf32, #tpu.memory_space<vmem>>, vector<16xf32>,
      tpu.vector_store %arg18[%swap3A_384, %swap3A_385], %sub3A_368 {strides = array<i32>} : memref<32x512xf32, #tpu.memory_space<vmem>>, vector<16xf32>,
      %swap3A_387 = arith.constant 9 : i32
      %swap3A_388 = arith.index_cast %swap3A_387 : i32 to index
      %swap3A_389 = arith.index_cast %mul3A_155 : i32 to index
      %swap3A_390 = tpu.vector_load %arg18[%swap3A_388, %swap3A_389] {strides = array<i32>} : memref<32x512xf32, #tpu.memory_space<vmem>>, vector<16xf32>,
      tpu.vector_store %arg18[%swap3A_388, %swap3A_389], %sub3A_370 {strides = array<i32>} : memref<32x512xf32, #tpu.memory_space<vmem>>, vector<16xf32>,
      %swap3A_391 = arith.constant 10 : i32
      %swap3A_392 = arith.index_cast %swap3A_391 : i32 to index
      %swap3A_393 = arith.index_cast %mul3A_155 : i32 to index
      %swap3A_394 = tpu.vector_load %arg18[%swap3A_392, %swap3A_393] {strides = array<i32>} : memref<32x512xf32, #tpu.memory_space<vmem>>, vector<16xf32>,
      tpu.vector_store %arg18[%swap3A_392, %swap3A_393], %sub3A_372 {strides = array<i32>} : memref<32x512xf32, #tpu.memory_space<vmem>>, vector<16xf32>,
      %swap3A_395 = arith.constant 11 : i32
      %swap3A_396 = arith.index_cast %swap3A_395 : i32 to index
      %swap3A_397 = arith.index_cast %mul3A_155 : i32 to index
      %swap3A_398 = tpu.vector_load %arg18[%swap3A_396, %swap3A_397] {strides = array<i32>} : memref<32x512xf32, #tpu.memory_space<vmem>>, vector<16xf32>,
      tpu.vector_store %arg18[%swap3A_396, %swap3A_397], %sub3A_374 {strides = array<i32>} : memref<32x512xf32, #tpu.memory_space<vmem>>, vector<16xf32>,
      %swap3A_399 = arith.constant 12 : i32
      %swap3A_400 = arith.index_cast %swap3A_399 : i32 to index
      %swap3A_401 = arith.index_cast %mul3A_155 : i32 to index
      %swap3A_402 = tpu.vector_load %arg18[%swap3A_400, %swap3A_401] {strides = array<i32>} : memref<32x512xf32, #tpu.memory_space<vmem>>, vector<16xf32>,
      tpu.vector_store %arg18[%swap3A_400, %swap3A_401], %sub3A_376 {strides = array<i32>} : memref<32x512xf32, #tpu.memory_space<vmem>>, vector<16xf32>,
      %swap3A_403 = arith.constant 13 : i32
      %swap3A_404 = arith.index_cast %swap3A_403 : i32 to index
      %swap3A_405 = arith.index_cast %mul3A_155 : i32 to index
      %swap3A_406 = tpu.vector_load %arg18[%swap3A_404, %swap3A_405] {strides = array<i32>} : memref<32x512xf32, #tpu.memory_space<vmem>>, vector<16xf32>,
      tpu.vector_store %arg18[%swap3A_404, %swap3A_405], %sub3A_378 {strides = array<i32>} : memref<32x512xf32, #tpu.memory_space<vmem>>, vector<16xf32>,
      %swap3A_407 = arith.constant 14 : i32
      %swap3A_408 = arith.index_cast %swap3A_407 : i32 to index
      %swap3A_409 = arith.index_cast %mul3A_155 : i32 to index
      %swap3A_410 = tpu.vector_load %arg18[%swap3A_408, %swap3A_409] {strides = array<i32>} : memref<32x512xf32, #tpu.memory_space<vmem>>, vector<16xf32>,
      tpu.vector_store %arg18[%swap3A_408, %swap3A_409], %sub3A_380 {strides = array<i32>} : memref<32x512xf32, #tpu.memory_space<vmem>>, vector<16xf32>,
      %swap3A_411 = arith.constant 15 : i32
      %swap3A_412 = arith.index_cast %swap3A_411 : i32 to index
      %swap3A_413 = arith.index_cast %mul3A_155 : i32 to index
      %swap3A_414 = tpu.vector_load %arg18[%swap3A_412, %swap3A_413] {strides = array<i32>} : memref<32x512xf32, #tpu.memory_space<vmem>>, vector<16xf32>,
      tpu.vector_store %arg18[%swap3A_412, %swap3A_413], %sub3A_382 {strides = array<i32>} : memref<32x512xf32, #tpu.memory_space<vmem>>, vector<16xf32>,
      %gather3A_415 = tpu.vector_load_idx %arg7[%get3A_338] : memref<4096xf32, #tpu.memory_space<vmem>>[vector<16xi32>], vector<16xf32>,
      %sub3A_416 = arith.subf %gather3A_415, %get3A_158 : vector<16xf32>
      %gather3A_417 = tpu.vector_load_idx %arg7[%get3A_342] : memref<4096xf32, #tpu.memory_space<vmem>>[vector<16xi32>], vector<16xf32>,
      %sub3A_418 = arith.subf %gather3A_417, %get3A_158 : vector<16xf32>
      %gather3A_419 = tpu.vector_load_idx %arg7[%get3A_346] : memref<4096xf32, #tpu.memory_space<vmem>>[vector<16xi32>], vector<16xf32>,
      %sub3A_420 = arith.subf %gather3A_419, %get3A_158 : vector<16xf32>
      %gather3A_421 = tpu.vector_load_idx %arg7[%get3A_350] : memref<4096xf32, #tpu.memory_space<vmem>>[vector<16xi32>], vector<16xf32>,
      %sub3A_422 = arith.subf %gather3A_421, %get3A_158 : vector<16xf32>
      %gather3A_423 = tpu.vector_load_idx %arg7[%get3A_354] : memref<4096xf32, #tpu.memory_space<vmem>>[vector<16xi32>], vector<16xf32>,
      %sub3A_424 = arith.subf %gather3A_423, %get3A_158 : vector<16xf32>
      %gather3A_425 = tpu.vector_load_idx %arg7[%get3A_358] : memref<4096xf32, #tpu.memory_space<vmem>>[vector<16xi32>], vector<16xf32>,
      %sub3A_426 = arith.subf %gather3A_425, %get3A_158 : vector<16xf32>
      %gather3A_427 = tpu.vector_load_idx %arg7[%get3A_362] : memref<4096xf32, #tpu.memory_space<vmem>>[vector<16xi32>], vector<16xf32>,
      %sub3A_428 = arith.subf %gather3A_427, %get3A_158 : vector<16xf32>
      %gather3A_429 = tpu.vector_load_idx %arg7[%get3A_366] : memref<4096xf32, #tpu.memory_space<vmem>>[vector<16xi32>], vector<16xf32>,
      %sub3A_430 = arith.subf %gather3A_429, %get3A_158 : vector<16xf32>
      %swap3A_431 = arith.constant 8 : i32
      %swap3A_432 = arith.index_cast %swap3A_431 : i32 to index
      %swap3A_433 = arith.index_cast %mul3A_155 : i32 to index
      %swap3A_434 = tpu.vector_load %arg19[%swap3A_432, %swap3A_433] {strides = array<i32>} : memref<32x512xf32, #tpu.memory_space<vmem>>, vector<16xf32>,
      tpu.vector_store %arg19[%swap3A_432, %swap3A_433], %sub3A_416 {strides = array<i32>} : memref<32x512xf32, #tpu.memory_space<vmem>>, vector<16xf32>,
      %swap3A_435 = arith.constant 9 : i32
      %swap3A_436 = arith.index_cast %swap3A_435 : i32 to index
      %swap3A_437 = arith.index_cast %mul3A_155 : i32 to index
      %swap3A_438 = tpu.vector_load %arg19[%swap3A_436, %swap3A_437] {strides = array<i32>} : memref<32x512xf32, #tpu.memory_space<vmem>>, vector<16xf32>,
      tpu.vector_store %arg19[%swap3A_436, %swap3A_437], %sub3A_418 {strides = array<i32>} : memref<32x512xf32, #tpu.memory_space<vmem>>, vector<16xf32>,
      %swap3A_439 = arith.constant 10 : i32
      %swap3A_440 = arith.index_cast %swap3A_439 : i32 to index
      %swap3A_441 = arith.index_cast %mul3A_155 : i32 to index
      %swap3A_442 = tpu.vector_load %arg19[%swap3A_440, %swap3A_441] {strides = array<i32>} : memref<32x512xf32, #tpu.memory_space<vmem>>, vector<16xf32>,
      tpu.vector_store %arg19[%swap3A_440, %swap3A_441], %sub3A_420 {strides = array<i32>} : memref<32x512xf32, #tpu.memory_space<vmem>>, vector<16xf32>,
      %swap3A_443 = arith.constant 11 : i32
      %swap3A_444 = arith.index_cast %swap3A_443 : i32 to index
      %swap3A_445 = arith.index_cast %mul3A_155 : i32 to index
      %swap3A_446 = tpu.vector_load %arg19[%swap3A_444, %swap3A_445] {strides = array<i32>} : memref<32x512xf32, #tpu.memory_space<vmem>>, vector<16xf32>,
      tpu.vector_store %arg19[%swap3A_444, %swap3A_445], %sub3A_422 {strides = array<i32>} : memref<32x512xf32, #tpu.memory_space<vmem>>, vector<16xf32>,
      %swap3A_447 = arith.constant 12 : i32
      %swap3A_448 = arith.index_cast %swap3A_447 : i32 to index
      %swap3A_449 = arith.index_cast %mul3A_155 : i32 to index
      %swap3A_450 = tpu.vector_load %arg19[%swap3A_448, %swap3A_449] {strides = array<i32>} : memref<32x512xf32, #tpu.memory_space<vmem>>, vector<16xf32>,
      tpu.vector_store %arg19[%swap3A_448, %swap3A_449], %sub3A_424 {strides = array<i32>} : memref<32x512xf32, #tpu.memory_space<vmem>>, vector<16xf32>,
      %swap3A_451 = arith.constant 13 : i32
      %swap3A_452 = arith.index_cast %swap3A_451 : i32 to index
      %swap3A_453 = arith.index_cast %mul3A_155 : i32 to index
      %swap3A_454 = tpu.vector_load %arg19[%swap3A_452, %swap3A_453] {strides = array<i32>} : memref<32x512xf32, #tpu.memory_space<vmem>>, vector<16xf32>,
      tpu.vector_store %arg19[%swap3A_452, %swap3A_453], %sub3A_426 {strides = array<i32>} : memref<32x512xf32, #tpu.memory_space<vmem>>, vector<16xf32>,
      %swap3A_455 = arith.constant 14 : i32
      %swap3A_456 = arith.index_cast %swap3A_455 : i32 to index
      %swap3A_457 = arith.index_cast %mul3A_155 : i32 to index
      %swap3A_458 = tpu.vector_load %arg19[%swap3A_456, %swap3A_457] {strides = array<i32>} : memref<32x512xf32, #tpu.memory_space<vmem>>, vector<16xf32>,
      tpu.vector_store %arg19[%swap3A_456, %swap3A_457], %sub3A_428 {strides = array<i32>} : memref<32x512xf32, #tpu.memory_space<vmem>>, vector<16xf32>,
      %swap3A_459 = arith.constant 15 : i32
      %swap3A_460 = arith.index_cast %swap3A_459 : i32 to index
      %swap3A_461 = arith.index_cast %mul3A_155 : i32 to index
      %swap3A_462 = tpu.vector_load %arg19[%swap3A_460, %swap3A_461] {strides = array<i32>} : memref<32x512xf32, #tpu.memory_space<vmem>>, vector<16xf32>,
      tpu.vector_store %arg19[%swap3A_460, %swap3A_461], %sub3A_430 {strides = array<i32>} : memref<32x512xf32, #tpu.memory_space<vmem>>, vector<16xf32>,
      %gather3A_463 = tpu.vector_load_idx %arg8[%get3A_338] : memref<4096xf32, #tpu.memory_space<vmem>>[vector<16xi32>], vector<16xf32>,
      %sub3A_464 = arith.subf %gather3A_463, %get3A_160 : vector<16xf32>
      %gather3A_465 = tpu.vector_load_idx %arg8[%get3A_342] : memref<4096xf32, #tpu.memory_space<vmem>>[vector<16xi32>], vector<16xf32>,
      %sub3A_466 = arith.subf %gather3A_465, %get3A_160 : vector<16xf32>
      %gather3A_467 = tpu.vector_load_idx %arg8[%get3A_346] : memref<4096xf32, #tpu.memory_space<vmem>>[vector<16xi32>], vector<16xf32>,
      %sub3A_468 = arith.subf %gather3A_467, %get3A_160 : vector<16xf32>
      %gather3A_469 = tpu.vector_load_idx %arg8[%get3A_350] : memref<4096xf32, #tpu.memory_space<vmem>>[vector<16xi32>], vector<16xf32>,
      %sub3A_470 = arith.subf %gather3A_469, %get3A_160 : vector<16xf32>
      %gather3A_471 = tpu.vector_load_idx %arg8[%get3A_354] : memref<4096xf32, #tpu.memory_space<vmem>>[vector<16xi32>], vector<16xf32>,
      %sub3A_472 = arith.subf %gather3A_471, %get3A_160 : vector<16xf32>
      %gather3A_473 = tpu.vector_load_idx %arg8[%get3A_358] : memref<4096xf32, #tpu.memory_space<vmem>>[vector<16xi32>], vector<16xf32>,
      %sub3A_474 = arith.subf %gather3A_473, %get3A_160 : vector<16xf32>
      %gather3A_475 = tpu.vector_load_idx %arg8[%get3A_362] : memref<4096xf32, #tpu.memory_space<vmem>>[vector<16xi32>], vector<16xf32>,
      %sub3A_476 = arith.subf %gather3A_475, %get3A_160 : vector<16xf32>
      %gather3A_477 = tpu.vector_load_idx %arg8[%get3A_366] : memref<4096xf32, #tpu.memory_space<vmem>>[vector<16xi32>], vector<16xf32>,
      %sub3A_478 = arith.subf %gather3A_477, %get3A_160 : vector<16xf32>
      %swap3A_479 = arith.constant 8 : i32
      %swap3A_480 = arith.index_cast %swap3A_479 : i32 to index
      %swap3A_481 = arith.index_cast %mul3A_155 : i32 to index
      %swap3A_482 = tpu.vector_load %arg20[%swap3A_480, %swap3A_481] {strides = array<i32>} : memref<32x512xf32, #tpu.memory_space<vmem>>, vector<16xf32>,
      tpu.vector_store %arg20[%swap3A_480, %swap3A_481], %sub3A_464 {strides = array<i32>} : memref<32x512xf32, #tpu.memory_space<vmem>>, vector<16xf32>,
      %swap3A_483 = arith.constant 9 : i32
      %swap3A_484 = arith.index_cast %swap3A_483 : i32 to index
      %swap3A_485 = arith.index_cast %mul3A_155 : i32 to index
      %swap3A_486 = tpu.vector_load %arg20[%swap3A_484, %swap3A_485] {strides = array<i32>} : memref<32x512xf32, #tpu.memory_space<vmem>>, vector<16xf32>,
      tpu.vector_store %arg20[%swap3A_484, %swap3A_485], %sub3A_466 {strides = array<i32>} : memref<32x512xf32, #tpu.memory_space<vmem>>, vector<16xf32>,
      %swap3A_487 = arith.constant 10 : i32
      %swap3A_488 = arith.index_cast %swap3A_487 : i32 to index
      %swap3A_489 = arith.index_cast %mul3A_155 : i32 to index
      %swap3A_490 = tpu.vector_load %arg20[%swap3A_488, %swap3A_489] {strides = array<i32>} : memref<32x512xf32, #tpu.memory_space<vmem>>, vector<16xf32>,
      tpu.vector_store %arg20[%swap3A_488, %swap3A_489], %sub3A_468 {strides = array<i32>} : memref<32x512xf32, #tpu.memory_space<vmem>>, vector<16xf32>,
      %swap3A_491 = arith.constant 11 : i32
      %swap3A_492 = arith.index_cast %swap3A_491 : i32 to index
      %swap3A_493 = arith.index_cast %mul3A_155 : i32 to index
      %swap3A_494 = tpu.vector_load %arg20[%swap3A_492, %swap3A_493] {strides = array<i32>} : memref<32x512xf32, #tpu.memory_space<vmem>>, vector<16xf32>,
      tpu.vector_store %arg20[%swap3A_492, %swap3A_493], %sub3A_470 {strides = array<i32>} : memref<32x512xf32, #tpu.memory_space<vmem>>, vector<16xf32>,
      %swap3A_495 = arith.constant 12 : i32
      %swap3A_496 = arith.index_cast %swap3A_495 : i32 to index
      %swap3A_497 = arith.index_cast %mul3A_155 : i32 to index
      %swap3A_498 = tpu.vector_load %arg20[%swap3A_496, %swap3A_497] {strides = array<i32>} : memref<32x512xf32, #tpu.memory_space<vmem>>, vector<16xf32>,
      tpu.vector_store %arg20[%swap3A_496, %swap3A_497], %sub3A_472 {strides = array<i32>} : memref<32x512xf32, #tpu.memory_space<vmem>>, vector<16xf32>,
      %swap3A_499 = arith.constant 13 : i32
      %swap3A_500 = arith.index_cast %swap3A_499 : i32 to index
      %swap3A_501 = arith.index_cast %mul3A_155 : i32 to index
      %swap3A_502 = tpu.vector_load %arg20[%swap3A_500, %swap3A_501] {strides = array<i32>} : memref<32x512xf32, #tpu.memory_space<vmem>>, vector<16xf32>,
      tpu.vector_store %arg20[%swap3A_500, %swap3A_501], %sub3A_474 {strides = array<i32>} : memref<32x512xf32, #tpu.memory_space<vmem>>, vector<16xf32>,
      %swap3A_503 = arith.constant 14 : i32
      %swap3A_504 = arith.index_cast %swap3A_503 : i32 to index
      %swap3A_505 = arith.index_cast %mul3A_155 : i32 to index
      %swap3A_506 = tpu.vector_load %arg20[%swap3A_504, %swap3A_505] {strides = array<i32>} : memref<32x512xf32, #tpu.memory_space<vmem>>, vector<16xf32>,
      tpu.vector_store %arg20[%swap3A_504, %swap3A_505], %sub3A_476 {strides = array<i32>} : memref<32x512xf32, #tpu.memory_space<vmem>>, vector<16xf32>,
      %swap3A_507 = arith.constant 15 : i32
      %swap3A_508 = arith.index_cast %swap3A_507 : i32 to index
      %swap3A_509 = arith.index_cast %mul3A_155 : i32 to index
      %swap3A_510 = tpu.vector_load %arg20[%swap3A_508, %swap3A_509] {strides = array<i32>} : memref<32x512xf32, #tpu.memory_space<vmem>>, vector<16xf32>,
      tpu.vector_store %arg20[%swap3A_508, %swap3A_509], %sub3A_478 {strides = array<i32>} : memref<32x512xf32, #tpu.memory_space<vmem>>, vector<16xf32>,
      %add3A_511 = arith.constant 8192 : i32
      %add3A_512 = arith.addi %add3A_511, %mul3A_155 : i32
      %get3A_513 = arith.index_cast %add3A_512 : i32 to index
      %get3A_514 = tpu.vector_load %arg13[%get3A_513] {strides = array<i32>} : memref<16384xi32, #tpu.memory_space<vmem>>, vector<16xi32>,
      %add3A_515 = arith.constant 8704 : i32
      %add3A_516 = arith.addi %add3A_515, %mul3A_155 : i32
      %get3A_517 = arith.index_cast %add3A_516 : i32 to index
      %get3A_518 = tpu.vector_load %arg13[%get3A_517] {strides = array<i32>} : memref<16384xi32, #tpu.memory_space<vmem>>, vector<16xi32>,
      %add3A_519 = arith.constant 9216 : i32
      %add3A_520 = arith.addi %add3A_519, %mul3A_155 : i32
      %get3A_521 = arith.index_cast %add3A_520 : i32 to index
      %get3A_522 = tpu.vector_load %arg13[%get3A_521] {strides = array<i32>} : memref<16384xi32, #tpu.memory_space<vmem>>, vector<16xi32>,
      %add3A_523 = arith.constant 9728 : i32
      %add3A_524 = arith.addi %add3A_523, %mul3A_155 : i32
      %get3A_525 = arith.index_cast %add3A_524 : i32 to index
      %get3A_526 = tpu.vector_load %arg13[%get3A_525] {strides = array<i32>} : memref<16384xi32, #tpu.memory_space<vmem>>, vector<16xi32>,
      %add3A_527 = arith.constant 10240 : i32
      %add3A_528 = arith.addi %add3A_527, %mul3A_155 : i32
      %get3A_529 = arith.index_cast %add3A_528 : i32 to index
      %get3A_530 = tpu.vector_load %arg13[%get3A_529] {strides = array<i32>} : memref<16384xi32, #tpu.memory_space<vmem>>, vector<16xi32>,
      %add3A_531 = arith.constant 10752 : i32
      %add3A_532 = arith.addi %add3A_531, %mul3A_155 : i32
      %get3A_533 = arith.index_cast %add3A_532 : i32 to index
      %get3A_534 = tpu.vector_load %arg13[%get3A_533] {strides = array<i32>} : memref<16384xi32, #tpu.memory_space<vmem>>, vector<16xi32>,
      %add3A_535 = arith.constant 11264 : i32
      %add3A_536 = arith.addi %add3A_535, %mul3A_155 : i32
      %get3A_537 = arith.index_cast %add3A_536 : i32 to index
      %get3A_538 = tpu.vector_load %arg13[%get3A_537] {strides = array<i32>} : memref<16384xi32, #tpu.memory_space<vmem>>, vector<16xi32>,
      %add3A_539 = arith.constant 11776 : i32
      %add3A_540 = arith.addi %add3A_539, %mul3A_155 : i32
      %get3A_541 = arith.index_cast %add3A_540 : i32 to index
      %get3A_542 = tpu.vector_load %arg13[%get3A_541] {strides = array<i32>} : memref<16384xi32, #tpu.memory_space<vmem>>, vector<16xi32>,
      %gather3A_543 = tpu.vector_load_idx %arg6[%get3A_514] : memref<4096xf32, #tpu.memory_space<vmem>>[vector<16xi32>], vector<16xf32>,
      %sub3A_544 = arith.subf %gather3A_543, %get3A_156 : vector<16xf32>
      %gather3A_545 = tpu.vector_load_idx %arg6[%get3A_518] : memref<4096xf32, #tpu.memory_space<vmem>>[vector<16xi32>], vector<16xf32>,
      %sub3A_546 = arith.subf %gather3A_545, %get3A_156 : vector<16xf32>
      %gather3A_547 = tpu.vector_load_idx %arg6[%get3A_522] : memref<4096xf32, #tpu.memory_space<vmem>>[vector<16xi32>], vector<16xf32>,
      %sub3A_548 = arith.subf %gather3A_547, %get3A_156 : vector<16xf32>
      %gather3A_549 = tpu.vector_load_idx %arg6[%get3A_526] : memref<4096xf32, #tpu.memory_space<vmem>>[vector<16xi32>], vector<16xf32>,
      %sub3A_550 = arith.subf %gather3A_549, %get3A_156 : vector<16xf32>
      %gather3A_551 = tpu.vector_load_idx %arg6[%get3A_530] : memref<4096xf32, #tpu.memory_space<vmem>>[vector<16xi32>], vector<16xf32>,
      %sub3A_552 = arith.subf %gather3A_551, %get3A_156 : vector<16xf32>
      %gather3A_553 = tpu.vector_load_idx %arg6[%get3A_534] : memref<4096xf32, #tpu.memory_space<vmem>>[vector<16xi32>], vector<16xf32>,
      %sub3A_554 = arith.subf %gather3A_553, %get3A_156 : vector<16xf32>
      %gather3A_555 = tpu.vector_load_idx %arg6[%get3A_538] : memref<4096xf32, #tpu.memory_space<vmem>>[vector<16xi32>], vector<16xf32>,
      %sub3A_556 = arith.subf %gather3A_555, %get3A_156 : vector<16xf32>
      %gather3A_557 = tpu.vector_load_idx %arg6[%get3A_542] : memref<4096xf32, #tpu.memory_space<vmem>>[vector<16xi32>], vector<16xf32>,
      %sub3A_558 = arith.subf %gather3A_557, %get3A_156 : vector<16xf32>
      %swap3A_559 = arith.constant 16 : i32
      %swap3A_560 = arith.index_cast %swap3A_559 : i32 to index
      %swap3A_561 = arith.index_cast %mul3A_155 : i32 to index
      %swap3A_562 = tpu.vector_load %arg18[%swap3A_560, %swap3A_561] {strides = array<i32>} : memref<32x512xf32, #tpu.memory_space<vmem>>, vector<16xf32>,
      tpu.vector_store %arg18[%swap3A_560, %swap3A_561], %sub3A_544 {strides = array<i32>} : memref<32x512xf32, #tpu.memory_space<vmem>>, vector<16xf32>,
      %swap3A_563 = arith.constant 17 : i32
      %swap3A_564 = arith.index_cast %swap3A_563 : i32 to index
      %swap3A_565 = arith.index_cast %mul3A_155 : i32 to index
      %swap3A_566 = tpu.vector_load %arg18[%swap3A_564, %swap3A_565] {strides = array<i32>} : memref<32x512xf32, #tpu.memory_space<vmem>>, vector<16xf32>,
      tpu.vector_store %arg18[%swap3A_564, %swap3A_565], %sub3A_546 {strides = array<i32>} : memref<32x512xf32, #tpu.memory_space<vmem>>, vector<16xf32>,
      %swap3A_567 = arith.constant 18 : i32
      %swap3A_568 = arith.index_cast %swap3A_567 : i32 to index
      %swap3A_569 = arith.index_cast %mul3A_155 : i32 to index
      %swap3A_570 = tpu.vector_load %arg18[%swap3A_568, %swap3A_569] {strides = array<i32>} : memref<32x512xf32, #tpu.memory_space<vmem>>, vector<16xf32>,
      tpu.vector_store %arg18[%swap3A_568, %swap3A_569], %sub3A_548 {strides = array<i32>} : memref<32x512xf32, #tpu.memory_space<vmem>>, vector<16xf32>,
      %swap3A_571 = arith.constant 19 : i32
      %swap3A_572 = arith.index_cast %swap3A_571 : i32 to index
      %swap3A_573 = arith.index_cast %mul3A_155 : i32 to index
      %swap3A_574 = tpu.vector_load %arg18[%swap3A_572, %swap3A_573] {strides = array<i32>} : memref<32x512xf32, #tpu.memory_space<vmem>>, vector<16xf32>,
      tpu.vector_store %arg18[%swap3A_572, %swap3A_573], %sub3A_550 {strides = array<i32>} : memref<32x512xf32, #tpu.memory_space<vmem>>, vector<16xf32>,
      %swap3A_575 = arith.constant 20 : i32
      %swap3A_576 = arith.index_cast %swap3A_575 : i32 to index
      %swap3A_577 = arith.index_cast %mul3A_155 : i32 to index
      %swap3A_578 = tpu.vector_load %arg18[%swap3A_576, %swap3A_577] {strides = array<i32>} : memref<32x512xf32, #tpu.memory_space<vmem>>, vector<16xf32>,
      tpu.vector_store %arg18[%swap3A_576, %swap3A_577], %sub3A_552 {strides = array<i32>} : memref<32x512xf32, #tpu.memory_space<vmem>>, vector<16xf32>,
      %swap3A_579 = arith.constant 21 : i32
      %swap3A_580 = arith.index_cast %swap3A_579 : i32 to index
      %swap3A_581 = arith.index_cast %mul3A_155 : i32 to index
      %swap3A_582 = tpu.vector_load %arg18[%swap3A_580, %swap3A_581] {strides = array<i32>} : memref<32x512xf32, #tpu.memory_space<vmem>>, vector<16xf32>,
      tpu.vector_store %arg18[%swap3A_580, %swap3A_581], %sub3A_554 {strides = array<i32>} : memref<32x512xf32, #tpu.memory_space<vmem>>, vector<16xf32>,
      %swap3A_583 = arith.constant 22 : i32
      %swap3A_584 = arith.index_cast %swap3A_583 : i32 to index
      %swap3A_585 = arith.index_cast %mul3A_155 : i32 to index
      %swap3A_586 = tpu.vector_load %arg18[%swap3A_584, %swap3A_585] {strides = array<i32>} : memref<32x512xf32, #tpu.memory_space<vmem>>, vector<16xf32>,
      tpu.vector_store %arg18[%swap3A_584, %swap3A_585], %sub3A_556 {strides = array<i32>} : memref<32x512xf32, #tpu.memory_space<vmem>>, vector<16xf32>,
      %swap3A_587 = arith.constant 23 : i32
      %swap3A_588 = arith.index_cast %swap3A_587 : i32 to index
      %swap3A_589 = arith.index_cast %mul3A_155 : i32 to index
      %swap3A_590 = tpu.vector_load %arg18[%swap3A_588, %swap3A_589] {strides = array<i32>} : memref<32x512xf32, #tpu.memory_space<vmem>>, vector<16xf32>,
      tpu.vector_store %arg18[%swap3A_588, %swap3A_589], %sub3A_558 {strides = array<i32>} : memref<32x512xf32, #tpu.memory_space<vmem>>, vector<16xf32>,
      %gather3A_591 = tpu.vector_load_idx %arg7[%get3A_514] : memref<4096xf32, #tpu.memory_space<vmem>>[vector<16xi32>], vector<16xf32>,
      %sub3A_592 = arith.subf %gather3A_591, %get3A_158 : vector<16xf32>
      %gather3A_593 = tpu.vector_load_idx %arg7[%get3A_518] : memref<4096xf32, #tpu.memory_space<vmem>>[vector<16xi32>], vector<16xf32>,
      %sub3A_594 = arith.subf %gather3A_593, %get3A_158 : vector<16xf32>
      %gather3A_595 = tpu.vector_load_idx %arg7[%get3A_522] : memref<4096xf32, #tpu.memory_space<vmem>>[vector<16xi32>], vector<16xf32>,
      %sub3A_596 = arith.subf %gather3A_595, %get3A_158 : vector<16xf32>
      %gather3A_597 = tpu.vector_load_idx %arg7[%get3A_526] : memref<4096xf32, #tpu.memory_space<vmem>>[vector<16xi32>], vector<16xf32>,
      %sub3A_598 = arith.subf %gather3A_597, %get3A_158 : vector<16xf32>
      %gather3A_599 = tpu.vector_load_idx %arg7[%get3A_530] : memref<4096xf32, #tpu.memory_space<vmem>>[vector<16xi32>], vector<16xf32>,
      %sub3A_600 = arith.subf %gather3A_599, %get3A_158 : vector<16xf32>
      %gather3A_601 = tpu.vector_load_idx %arg7[%get3A_534] : memref<4096xf32, #tpu.memory_space<vmem>>[vector<16xi32>], vector<16xf32>,
      %sub3A_602 = arith.subf %gather3A_601, %get3A_158 : vector<16xf32>
      %gather3A_603 = tpu.vector_load_idx %arg7[%get3A_538] : memref<4096xf32, #tpu.memory_space<vmem>>[vector<16xi32>], vector<16xf32>,
      %sub3A_604 = arith.subf %gather3A_603, %get3A_158 : vector<16xf32>
      %gather3A_605 = tpu.vector_load_idx %arg7[%get3A_542] : memref<4096xf32, #tpu.memory_space<vmem>>[vector<16xi32>], vector<16xf32>,
      %sub3A_606 = arith.subf %gather3A_605, %get3A_158 : vector<16xf32>
      %swap3A_607 = arith.constant 16 : i32
      %swap3A_608 = arith.index_cast %swap3A_607 : i32 to index
      %swap3A_609 = arith.index_cast %mul3A_155 : i32 to index
      %swap3A_610 = tpu.vector_load %arg19[%swap3A_608, %swap3A_609] {strides = array<i32>} : memref<32x512xf32, #tpu.memory_space<vmem>>, vector<16xf32>,
      tpu.vector_store %arg19[%swap3A_608, %swap3A_609], %sub3A_592 {strides = array<i32>} : memref<32x512xf32, #tpu.memory_space<vmem>>, vector<16xf32>,
      %swap3A_611 = arith.constant 17 : i32
      %swap3A_612 = arith.index_cast %swap3A_611 : i32 to index
      %swap3A_613 = arith.index_cast %mul3A_155 : i32 to index
      %swap3A_614 = tpu.vector_load %arg19[%swap3A_612, %swap3A_613] {strides = array<i32>} : memref<32x512xf32, #tpu.memory_space<vmem>>, vector<16xf32>,
      tpu.vector_store %arg19[%swap3A_612, %swap3A_613], %sub3A_594 {strides = array<i32>} : memref<32x512xf32, #tpu.memory_space<vmem>>, vector<16xf32>,
      %swap3A_615 = arith.constant 18 : i32
      %swap3A_616 = arith.index_cast %swap3A_615 : i32 to index
      %swap3A_617 = arith.index_cast %mul3A_155 : i32 to index
      %swap3A_618 = tpu.vector_load %arg19[%swap3A_616, %swap3A_617] {strides = array<i32>} : memref<32x512xf32, #tpu.memory_space<vmem>>, vector<16xf32>,
      tpu.vector_store %arg19[%swap3A_616, %swap3A_617], %sub3A_596 {strides = array<i32>} : memref<32x512xf32, #tpu.memory_space<vmem>>, vector<16xf32>,
      %swap3A_619 = arith.constant 19 : i32
      %swap3A_620 = arith.index_cast %swap3A_619 : i32 to index
      %swap3A_621 = arith.index_cast %mul3A_155 : i32 to index
      %swap3A_622 = tpu.vector_load %arg19[%swap3A_620, %swap3A_621] {strides = array<i32>} : memref<32x512xf32, #tpu.memory_space<vmem>>, vector<16xf32>,
      tpu.vector_store %arg19[%swap3A_620, %swap3A_621], %sub3A_598 {strides = array<i32>} : memref<32x512xf32, #tpu.memory_space<vmem>>, vector<16xf32>,
      %swap3A_623 = arith.constant 20 : i32
      %swap3A_624 = arith.index_cast %swap3A_623 : i32 to index
      %swap3A_625 = arith.index_cast %mul3A_155 : i32 to index
      %swap3A_626 = tpu.vector_load %arg19[%swap3A_624, %swap3A_625] {strides = array<i32>} : memref<32x512xf32, #tpu.memory_space<vmem>>, vector<16xf32>,
      tpu.vector_store %arg19[%swap3A_624, %swap3A_625], %sub3A_600 {strides = array<i32>} : memref<32x512xf32, #tpu.memory_space<vmem>>, vector<16xf32>,
      %swap3A_627 = arith.constant 21 : i32
      %swap3A_628 = arith.index_cast %swap3A_627 : i32 to index
      %swap3A_629 = arith.index_cast %mul3A_155 : i32 to index
      %swap3A_630 = tpu.vector_load %arg19[%swap3A_628, %swap3A_629] {strides = array<i32>} : memref<32x512xf32, #tpu.memory_space<vmem>>, vector<16xf32>,
      tpu.vector_store %arg19[%swap3A_628, %swap3A_629], %sub3A_602 {strides = array<i32>} : memref<32x512xf32, #tpu.memory_space<vmem>>, vector<16xf32>,
      %swap3A_631 = arith.constant 22 : i32
      %swap3A_632 = arith.index_cast %swap3A_631 : i32 to index
      %swap3A_633 = arith.index_cast %mul3A_155 : i32 to index
      %swap3A_634 = tpu.vector_load %arg19[%swap3A_632, %swap3A_633] {strides = array<i32>} : memref<32x512xf32, #tpu.memory_space<vmem>>, vector<16xf32>,
      tpu.vector_store %arg19[%swap3A_632, %swap3A_633], %sub3A_604 {strides = array<i32>} : memref<32x512xf32, #tpu.memory_space<vmem>>, vector<16xf32>,
      %swap3A_635 = arith.constant 23 : i32
      %swap3A_636 = arith.index_cast %swap3A_635 : i32 to index
      %swap3A_637 = arith.index_cast %mul3A_155 : i32 to index
      %swap3A_638 = tpu.vector_load %arg19[%swap3A_636, %swap3A_637] {strides = array<i32>} : memref<32x512xf32, #tpu.memory_space<vmem>>, vector<16xf32>,
      tpu.vector_store %arg19[%swap3A_636, %swap3A_637], %sub3A_606 {strides = array<i32>} : memref<32x512xf32, #tpu.memory_space<vmem>>, vector<16xf32>,
      %gather3A_639 = tpu.vector_load_idx %arg8[%get3A_514] : memref<4096xf32, #tpu.memory_space<vmem>>[vector<16xi32>], vector<16xf32>,
      %sub3A_640 = arith.subf %gather3A_639, %get3A_160 : vector<16xf32>
      %gather3A_641 = tpu.vector_load_idx %arg8[%get3A_518] : memref<4096xf32, #tpu.memory_space<vmem>>[vector<16xi32>], vector<16xf32>,
      %sub3A_642 = arith.subf %gather3A_641, %get3A_160 : vector<16xf32>
      %gather3A_643 = tpu.vector_load_idx %arg8[%get3A_522] : memref<4096xf32, #tpu.memory_space<vmem>>[vector<16xi32>], vector<16xf32>,
      %sub3A_644 = arith.subf %gather3A_643, %get3A_160 : vector<16xf32>
      %gather3A_645 = tpu.vector_load_idx %arg8[%get3A_526] : memref<4096xf32, #tpu.memory_space<vmem>>[vector<16xi32>], vector<16xf32>,
      %sub3A_646 = arith.subf %gather3A_645, %get3A_160 : vector<16xf32>
      %gather3A_647 = tpu.vector_load_idx %arg8[%get3A_530] : memref<4096xf32, #tpu.memory_space<vmem>>[vector<16xi32>], vector<16xf32>,
      %sub3A_648 = arith.subf %gather3A_647, %get3A_160 : vector<16xf32>
      %gather3A_649 = tpu.vector_load_idx %arg8[%get3A_534] : memref<4096xf32, #tpu.memory_space<vmem>>[vector<16xi32>], vector<16xf32>,
      %sub3A_650 = arith.subf %gather3A_649, %get3A_160 : vector<16xf32>
      %gather3A_651 = tpu.vector_load_idx %arg8[%get3A_538] : memref<4096xf32, #tpu.memory_space<vmem>>[vector<16xi32>], vector<16xf32>,
      %sub3A_652 = arith.subf %gather3A_651, %get3A_160 : vector<16xf32>
      %gather3A_653 = tpu.vector_load_idx %arg8[%get3A_542] : memref<4096xf32, #tpu.memory_space<vmem>>[vector<16xi32>], vector<16xf32>,
      %sub3A_654 = arith.subf %gather3A_653, %get3A_160 : vector<16xf32>
      %swap3A_655 = arith.constant 16 : i32
      %swap3A_656 = arith.index_cast %swap3A_655 : i32 to index
      %swap3A_657 = arith.index_cast %mul3A_155 : i32 to index
      %swap3A_658 = tpu.vector_load %arg20[%swap3A_656, %swap3A_657] {strides = array<i32>} : memref<32x512xf32, #tpu.memory_space<vmem>>, vector<16xf32>,
      tpu.vector_store %arg20[%swap3A_656, %swap3A_657], %sub3A_640 {strides = array<i32>} : memref<32x512xf32, #tpu.memory_space<vmem>>, vector<16xf32>,
      %swap3A_659 = arith.constant 17 : i32
      %swap3A_660 = arith.index_cast %swap3A_659 : i32 to index
      %swap3A_661 = arith.index_cast %mul3A_155 : i32 to index
      %swap3A_662 = tpu.vector_load %arg20[%swap3A_660, %swap3A_661] {strides = array<i32>} : memref<32x512xf32, #tpu.memory_space<vmem>>, vector<16xf32>,
      tpu.vector_store %arg20[%swap3A_660, %swap3A_661], %sub3A_642 {strides = array<i32>} : memref<32x512xf32, #tpu.memory_space<vmem>>, vector<16xf32>,
      %swap3A_663 = arith.constant 18 : i32
      %swap3A_664 = arith.index_cast %swap3A_663 : i32 to index
      %swap3A_665 = arith.index_cast %mul3A_155 : i32 to index
      %swap3A_666 = tpu.vector_load %arg20[%swap3A_664, %swap3A_665] {strides = array<i32>} : memref<32x512xf32, #tpu.memory_space<vmem>>, vector<16xf32>,
      tpu.vector_store %arg20[%swap3A_664, %swap3A_665], %sub3A_644 {strides = array<i32>} : memref<32x512xf32, #tpu.memory_space<vmem>>, vector<16xf32>,
      %swap3A_667 = arith.constant 19 : i32
      %swap3A_668 = arith.index_cast %swap3A_667 : i32 to index
      %swap3A_669 = arith.index_cast %mul3A_155 : i32 to index
      %swap3A_670 = tpu.vector_load %arg20[%swap3A_668, %swap3A_669] {strides = array<i32>} : memref<32x512xf32, #tpu.memory_space<vmem>>, vector<16xf32>,
      tpu.vector_store %arg20[%swap3A_668, %swap3A_669], %sub3A_646 {strides = array<i32>} : memref<32x512xf32, #tpu.memory_space<vmem>>, vector<16xf32>,
      %swap3A_671 = arith.constant 20 : i32
      %swap3A_672 = arith.index_cast %swap3A_671 : i32 to index
      %swap3A_673 = arith.index_cast %mul3A_155 : i32 to index
      %swap3A_674 = tpu.vector_load %arg20[%swap3A_672, %swap3A_673] {strides = array<i32>} : memref<32x512xf32, #tpu.memory_space<vmem>>, vector<16xf32>,
      tpu.vector_store %arg20[%swap3A_672, %swap3A_673], %sub3A_648 {strides = array<i32>} : memref<32x512xf32, #tpu.memory_space<vmem>>, vector<16xf32>,
      %swap3A_675 = arith.constant 21 : i32
      %swap3A_676 = arith.index_cast %swap3A_675 : i32 to index
      %swap3A_677 = arith.index_cast %mul3A_155 : i32 to index
      %swap3A_678 = tpu.vector_load %arg20[%swap3A_676, %swap3A_677] {strides = array<i32>} : memref<32x512xf32, #tpu.memory_space<vmem>>, vector<16xf32>,
      tpu.vector_store %arg20[%swap3A_676, %swap3A_677], %sub3A_650 {strides = array<i32>} : memref<32x512xf32, #tpu.memory_space<vmem>>, vector<16xf32>,
      %swap3A_679 = arith.constant 22 : i32
      %swap3A_680 = arith.index_cast %swap3A_679 : i32 to index
      %swap3A_681 = arith.index_cast %mul3A_155 : i32 to index
      %swap3A_682 = tpu.vector_load %arg20[%swap3A_680, %swap3A_681] {strides = array<i32>} : memref<32x512xf32, #tpu.memory_space<vmem>>, vector<16xf32>,
      tpu.vector_store %arg20[%swap3A_680, %swap3A_681], %sub3A_652 {strides = array<i32>} : memref<32x512xf32, #tpu.memory_space<vmem>>, vector<16xf32>,
      %swap3A_683 = arith.constant 23 : i32
      %swap3A_684 = arith.index_cast %swap3A_683 : i32 to index
      %swap3A_685 = arith.index_cast %mul3A_155 : i32 to index
      %swap3A_686 = tpu.vector_load %arg20[%swap3A_684, %swap3A_685] {strides = array<i32>} : memref<32x512xf32, #tpu.memory_space<vmem>>, vector<16xf32>,
      tpu.vector_store %arg20[%swap3A_684, %swap3A_685], %sub3A_654 {strides = array<i32>} : memref<32x512xf32, #tpu.memory_space<vmem>>, vector<16xf32>,
      %add3A_687 = arith.constant 12288 : i32
      %add3A_688 = arith.addi %add3A_687, %mul3A_155 : i32
      %get3A_689 = arith.index_cast %add3A_688 : i32 to index
      %get3A_690 = tpu.vector_load %arg13[%get3A_689] {strides = array<i32>} : memref<16384xi32, #tpu.memory_space<vmem>>, vector<16xi32>,
      %add3A_691 = arith.constant 12800 : i32
      %add3A_692 = arith.addi %add3A_691, %mul3A_155 : i32
      %get3A_693 = arith.index_cast %add3A_692 : i32 to index
      %get3A_694 = tpu.vector_load %arg13[%get3A_693] {strides = array<i32>} : memref<16384xi32, #tpu.memory_space<vmem>>, vector<16xi32>,
      %add3A_695 = arith.constant 13312 : i32
      %add3A_696 = arith.addi %add3A_695, %mul3A_155 : i32
      %get3A_697 = arith.index_cast %add3A_696 : i32 to index
      %get3A_698 = tpu.vector_load %arg13[%get3A_697] {strides = array<i32>} : memref<16384xi32, #tpu.memory_space<vmem>>, vector<16xi32>,
      %add3A_699 = arith.constant 13824 : i32
      %add3A_700 = arith.addi %add3A_699, %mul3A_155 : i32
      %get3A_701 = arith.index_cast %add3A_700 : i32 to index
      %get3A_702 = tpu.vector_load %arg13[%get3A_701] {strides = array<i32>} : memref<16384xi32, #tpu.memory_space<vmem>>, vector<16xi32>,
      %add3A_703 = arith.constant 14336 : i32
      %add3A_704 = arith.addi %add3A_703, %mul3A_155 : i32
      %get3A_705 = arith.index_cast %add3A_704 : i32 to index
      %get3A_706 = tpu.vector_load %arg13[%get3A_705] {strides = array<i32>} : memref<16384xi32, #tpu.memory_space<vmem>>, vector<16xi32>,
      %add3A_707 = arith.constant 14848 : i32
      %add3A_708 = arith.addi %add3A_707, %mul3A_155 : i32
      %get3A_709 = arith.index_cast %add3A_708 : i32 to index
      %get3A_710 = tpu.vector_load %arg13[%get3A_709] {strides = array<i32>} : memref<16384xi32, #tpu.memory_space<vmem>>, vector<16xi32>,
      %add3A_711 = arith.constant 15360 : i32
      %add3A_712 = arith.addi %add3A_711, %mul3A_155 : i32
      %get3A_713 = arith.index_cast %add3A_712 : i32 to index
      %get3A_714 = tpu.vector_load %arg13[%get3A_713] {strides = array<i32>} : memref<16384xi32, #tpu.memory_space<vmem>>, vector<16xi32>,
      %add3A_715 = arith.constant 15872 : i32
      %add3A_716 = arith.addi %add3A_715, %mul3A_155 : i32
      %get3A_717 = arith.index_cast %add3A_716 : i32 to index
      %get3A_718 = tpu.vector_load %arg13[%get3A_717] {strides = array<i32>} : memref<16384xi32, #tpu.memory_space<vmem>>, vector<16xi32>,
      %gather3A_719 = tpu.vector_load_idx %arg6[%get3A_690] : memref<4096xf32, #tpu.memory_space<vmem>>[vector<16xi32>], vector<16xf32>,
      %sub3A_720 = arith.subf %gather3A_719, %get3A_156 : vector<16xf32>
      %gather3A_721 = tpu.vector_load_idx %arg6[%get3A_694] : memref<4096xf32, #tpu.memory_space<vmem>>[vector<16xi32>], vector<16xf32>,
      %sub3A_722 = arith.subf %gather3A_721, %get3A_156 : vector<16xf32>
      %gather3A_723 = tpu.vector_load_idx %arg6[%get3A_698] : memref<4096xf32, #tpu.memory_space<vmem>>[vector<16xi32>], vector<16xf32>,
      %sub3A_724 = arith.subf %gather3A_723, %get3A_156 : vector<16xf32>
      %gather3A_725 = tpu.vector_load_idx %arg6[%get3A_702] : memref<4096xf32, #tpu.memory_space<vmem>>[vector<16xi32>], vector<16xf32>,
      %sub3A_726 = arith.subf %gather3A_725, %get3A_156 : vector<16xf32>
      %gather3A_727 = tpu.vector_load_idx %arg6[%get3A_706] : memref<4096xf32, #tpu.memory_space<vmem>>[vector<16xi32>], vector<16xf32>,
      %sub3A_728 = arith.subf %gather3A_727, %get3A_156 : vector<16xf32>
      %gather3A_729 = tpu.vector_load_idx %arg6[%get3A_710] : memref<4096xf32, #tpu.memory_space<vmem>>[vector<16xi32>], vector<16xf32>,
      %sub3A_730 = arith.subf %gather3A_729, %get3A_156 : vector<16xf32>
      %gather3A_731 = tpu.vector_load_idx %arg6[%get3A_714] : memref<4096xf32, #tpu.memory_space<vmem>>[vector<16xi32>], vector<16xf32>,
      %sub3A_732 = arith.subf %gather3A_731, %get3A_156 : vector<16xf32>
      %gather3A_733 = tpu.vector_load_idx %arg6[%get3A_718] : memref<4096xf32, #tpu.memory_space<vmem>>[vector<16xi32>], vector<16xf32>,
      %sub3A_734 = arith.subf %gather3A_733, %get3A_156 : vector<16xf32>
      %swap3A_735 = arith.constant 24 : i32
      %swap3A_736 = arith.index_cast %swap3A_735 : i32 to index
      %swap3A_737 = arith.index_cast %mul3A_155 : i32 to index
      %swap3A_738 = tpu.vector_load %arg18[%swap3A_736, %swap3A_737] {strides = array<i32>} : memref<32x512xf32, #tpu.memory_space<vmem>>, vector<16xf32>,
      tpu.vector_store %arg18[%swap3A_736, %swap3A_737], %sub3A_720 {strides = array<i32>} : memref<32x512xf32, #tpu.memory_space<vmem>>, vector<16xf32>,
      %swap3A_739 = arith.constant 25 : i32
      %swap3A_740 = arith.index_cast %swap3A_739 : i32 to index
      %swap3A_741 = arith.index_cast %mul3A_155 : i32 to index
      %swap3A_742 = tpu.vector_load %arg18[%swap3A_740, %swap3A_741] {strides = array<i32>} : memref<32x512xf32, #tpu.memory_space<vmem>>, vector<16xf32>,
      tpu.vector_store %arg18[%swap3A_740, %swap3A_741], %sub3A_722 {strides = array<i32>} : memref<32x512xf32, #tpu.memory_space<vmem>>, vector<16xf32>,
      %swap3A_743 = arith.constant 26 : i32
      %swap3A_744 = arith.index_cast %swap3A_743 : i32 to index
      %swap3A_745 = arith.index_cast %mul3A_155 : i32 to index
      %swap3A_746 = tpu.vector_load %arg18[%swap3A_744, %swap3A_745] {strides = array<i32>} : memref<32x512xf32, #tpu.memory_space<vmem>>, vector<16xf32>,
      tpu.vector_store %arg18[%swap3A_744, %swap3A_745], %sub3A_724 {strides = array<i32>} : memref<32x512xf32, #tpu.memory_space<vmem>>, vector<16xf32>,
      %swap3A_747 = arith.constant 27 : i32
      %swap3A_748 = arith.index_cast %swap3A_747 : i32 to index
      %swap3A_749 = arith.index_cast %mul3A_155 : i32 to index
      %swap3A_750 = tpu.vector_load %arg18[%swap3A_748, %swap3A_749] {strides = array<i32>} : memref<32x512xf32, #tpu.memory_space<vmem>>, vector<16xf32>,
      tpu.vector_store %arg18[%swap3A_748, %swap3A_749], %sub3A_726 {strides = array<i32>} : memref<32x512xf32, #tpu.memory_space<vmem>>, vector<16xf32>,
      %swap3A_751 = arith.constant 28 : i32
      %swap3A_752 = arith.index_cast %swap3A_751 : i32 to index
      %swap3A_753 = arith.index_cast %mul3A_155 : i32 to index
      %swap3A_754 = tpu.vector_load %arg18[%swap3A_752, %swap3A_753] {strides = array<i32>} : memref<32x512xf32, #tpu.memory_space<vmem>>, vector<16xf32>,
      tpu.vector_store %arg18[%swap3A_752, %swap3A_753], %sub3A_728 {strides = array<i32>} : memref<32x512xf32, #tpu.memory_space<vmem>>, vector<16xf32>,
      %swap3A_755 = arith.constant 29 : i32
      %swap3A_756 = arith.index_cast %swap3A_755 : i32 to index
      %swap3A_757 = arith.index_cast %mul3A_155 : i32 to index
      %swap3A_758 = tpu.vector_load %arg18[%swap3A_756, %swap3A_757] {strides = array<i32>} : memref<32x512xf32, #tpu.memory_space<vmem>>, vector<16xf32>,
      tpu.vector_store %arg18[%swap3A_756, %swap3A_757], %sub3A_730 {strides = array<i32>} : memref<32x512xf32, #tpu.memory_space<vmem>>, vector<16xf32>,
      %swap3A_759 = arith.constant 30 : i32
      %swap3A_760 = arith.index_cast %swap3A_759 : i32 to index
      %swap3A_761 = arith.index_cast %mul3A_155 : i32 to index
      %swap3A_762 = tpu.vector_load %arg18[%swap3A_760, %swap3A_761] {strides = array<i32>} : memref<32x512xf32, #tpu.memory_space<vmem>>, vector<16xf32>,
      tpu.vector_store %arg18[%swap3A_760, %swap3A_761], %sub3A_732 {strides = array<i32>} : memref<32x512xf32, #tpu.memory_space<vmem>>, vector<16xf32>,
      %swap3A_763 = arith.constant 31 : i32
      %swap3A_764 = arith.index_cast %swap3A_763 : i32 to index
      %swap3A_765 = arith.index_cast %mul3A_155 : i32 to index
      %swap3A_766 = tpu.vector_load %arg18[%swap3A_764, %swap3A_765] {strides = array<i32>} : memref<32x512xf32, #tpu.memory_space<vmem>>, vector<16xf32>,
      tpu.vector_store %arg18[%swap3A_764, %swap3A_765], %sub3A_734 {strides = array<i32>} : memref<32x512xf32, #tpu.memory_space<vmem>>, vector<16xf32>,
      %gather3A_767 = tpu.vector_load_idx %arg7[%get3A_690] : memref<4096xf32, #tpu.memory_space<vmem>>[vector<16xi32>], vector<16xf32>,
      %sub3A_768 = arith.subf %gather3A_767, %get3A_158 : vector<16xf32>
      %gather3A_769 = tpu.vector_load_idx %arg7[%get3A_694] : memref<4096xf32, #tpu.memory_space<vmem>>[vector<16xi32>], vector<16xf32>,
      %sub3A_770 = arith.subf %gather3A_769, %get3A_158 : vector<16xf32>
      %gather3A_771 = tpu.vector_load_idx %arg7[%get3A_698] : memref<4096xf32, #tpu.memory_space<vmem>>[vector<16xi32>], vector<16xf32>,
      %sub3A_772 = arith.subf %gather3A_771, %get3A_158 : vector<16xf32>
      %gather3A_773 = tpu.vector_load_idx %arg7[%get3A_702] : memref<4096xf32, #tpu.memory_space<vmem>>[vector<16xi32>], vector<16xf32>,
      %sub3A_774 = arith.subf %gather3A_773, %get3A_158 : vector<16xf32>
      %gather3A_775 = tpu.vector_load_idx %arg7[%get3A_706] : memref<4096xf32, #tpu.memory_space<vmem>>[vector<16xi32>], vector<16xf32>,
      %sub3A_776 = arith.subf %gather3A_775, %get3A_158 : vector<16xf32>
      %gather3A_777 = tpu.vector_load_idx %arg7[%get3A_710] : memref<4096xf32, #tpu.memory_space<vmem>>[vector<16xi32>], vector<16xf32>,
      %sub3A_778 = arith.subf %gather3A_777, %get3A_158 : vector<16xf32>
      %gather3A_779 = tpu.vector_load_idx %arg7[%get3A_714] : memref<4096xf32, #tpu.memory_space<vmem>>[vector<16xi32>], vector<16xf32>,
      %sub3A_780 = arith.subf %gather3A_779, %get3A_158 : vector<16xf32>
      %gather3A_781 = tpu.vector_load_idx %arg7[%get3A_718] : memref<4096xf32, #tpu.memory_space<vmem>>[vector<16xi32>], vector<16xf32>,
      %sub3A_782 = arith.subf %gather3A_781, %get3A_158 : vector<16xf32>
      %swap3A_783 = arith.constant 24 : i32
      %swap3A_784 = arith.index_cast %swap3A_783 : i32 to index
      %swap3A_785 = arith.index_cast %mul3A_155 : i32 to index
      %swap3A_786 = tpu.vector_load %arg19[%swap3A_784, %swap3A_785] {strides = array<i32>} : memref<32x512xf32, #tpu.memory_space<vmem>>, vector<16xf32>,
      tpu.vector_store %arg19[%swap3A_784, %swap3A_785], %sub3A_768 {strides = array<i32>} : memref<32x512xf32, #tpu.memory_space<vmem>>, vector<16xf32>,
      %swap3A_787 = arith.constant 25 : i32
      %swap3A_788 = arith.index_cast %swap3A_787 : i32 to index
      %swap3A_789 = arith.index_cast %mul3A_155 : i32 to index
      %swap3A_790 = tpu.vector_load %arg19[%swap3A_788, %swap3A_789] {strides = array<i32>} : memref<32x512xf32, #tpu.memory_space<vmem>>, vector<16xf32>,
      tpu.vector_store %arg19[%swap3A_788, %swap3A_789], %sub3A_770 {strides = array<i32>} : memref<32x512xf32, #tpu.memory_space<vmem>>, vector<16xf32>,
      %swap3A_791 = arith.constant 26 : i32
      %swap3A_792 = arith.index_cast %swap3A_791 : i32 to index
      %swap3A_793 = arith.index_cast %mul3A_155 : i32 to index
      %swap3A_794 = tpu.vector_load %arg19[%swap3A_792, %swap3A_793] {strides = array<i32>} : memref<32x512xf32, #tpu.memory_space<vmem>>, vector<16xf32>,
      tpu.vector_store %arg19[%swap3A_792, %swap3A_793], %sub3A_772 {strides = array<i32>} : memref<32x512xf32, #tpu.memory_space<vmem>>, vector<16xf32>,
      %swap3A_795 = arith.constant 27 : i32
      %swap3A_796 = arith.index_cast %swap3A_795 : i32 to index
      %swap3A_797 = arith.index_cast %mul3A_155 : i32 to index
      %swap3A_798 = tpu.vector_load %arg19[%swap3A_796, %swap3A_797] {strides = array<i32>} : memref<32x512xf32, #tpu.memory_space<vmem>>, vector<16xf32>,
      tpu.vector_store %arg19[%swap3A_796, %swap3A_797], %sub3A_774 {strides = array<i32>} : memref<32x512xf32, #tpu.memory_space<vmem>>, vector<16xf32>,
      %swap3A_799 = arith.constant 28 : i32
      %swap3A_800 = arith.index_cast %swap3A_799 : i32 to index
      %swap3A_801 = arith.index_cast %mul3A_155 : i32 to index
      %swap3A_802 = tpu.vector_load %arg19[%swap3A_800, %swap3A_801] {strides = array<i32>} : memref<32x512xf32, #tpu.memory_space<vmem>>, vector<16xf32>,
      tpu.vector_store %arg19[%swap3A_800, %swap3A_801], %sub3A_776 {strides = array<i32>} : memref<32x512xf32, #tpu.memory_space<vmem>>, vector<16xf32>,
      %swap3A_803 = arith.constant 29 : i32
      %swap3A_804 = arith.index_cast %swap3A_803 : i32 to index
      %swap3A_805 = arith.index_cast %mul3A_155 : i32 to index
      %swap3A_806 = tpu.vector_load %arg19[%swap3A_804, %swap3A_805] {strides = array<i32>} : memref<32x512xf32, #tpu.memory_space<vmem>>, vector<16xf32>,
      tpu.vector_store %arg19[%swap3A_804, %swap3A_805], %sub3A_778 {strides = array<i32>} : memref<32x512xf32, #tpu.memory_space<vmem>>, vector<16xf32>,
      %swap3A_807 = arith.constant 30 : i32
      %swap3A_808 = arith.index_cast %swap3A_807 : i32 to index
      %swap3A_809 = arith.index_cast %mul3A_155 : i32 to index
      %swap3A_810 = tpu.vector_load %arg19[%swap3A_808, %swap3A_809] {strides = array<i32>} : memref<32x512xf32, #tpu.memory_space<vmem>>, vector<16xf32>,
      tpu.vector_store %arg19[%swap3A_808, %swap3A_809], %sub3A_780 {strides = array<i32>} : memref<32x512xf32, #tpu.memory_space<vmem>>, vector<16xf32>,
      %swap3A_811 = arith.constant 31 : i32
      %swap3A_812 = arith.index_cast %swap3A_811 : i32 to index
      %swap3A_813 = arith.index_cast %mul3A_155 : i32 to index
      %swap3A_814 = tpu.vector_load %arg19[%swap3A_812, %swap3A_813] {strides = array<i32>} : memref<32x512xf32, #tpu.memory_space<vmem>>, vector<16xf32>,
      tpu.vector_store %arg19[%swap3A_812, %swap3A_813], %sub3A_782 {strides = array<i32>} : memref<32x512xf32, #tpu.memory_space<vmem>>, vector<16xf32>,
      %gather3A_815 = tpu.vector_load_idx %arg8[%get3A_690] : memref<4096xf32, #tpu.memory_space<vmem>>[vector<16xi32>], vector<16xf32>,
      %sub3A_816 = arith.subf %gather3A_815, %get3A_160 : vector<16xf32>
      %gather3A_817 = tpu.vector_load_idx %arg8[%get3A_694] : memref<4096xf32, #tpu.memory_space<vmem>>[vector<16xi32>], vector<16xf32>,
      %sub3A_818 = arith.subf %gather3A_817, %get3A_160 : vector<16xf32>
      %gather3A_819 = tpu.vector_load_idx %arg8[%get3A_698] : memref<4096xf32, #tpu.memory_space<vmem>>[vector<16xi32>], vector<16xf32>,
      %sub3A_820 = arith.subf %gather3A_819, %get3A_160 : vector<16xf32>
      %gather3A_821 = tpu.vector_load_idx %arg8[%get3A_702] : memref<4096xf32, #tpu.memory_space<vmem>>[vector<16xi32>], vector<16xf32>,
      %sub3A_822 = arith.subf %gather3A_821, %get3A_160 : vector<16xf32>
      %gather3A_823 = tpu.vector_load_idx %arg8[%get3A_706] : memref<4096xf32, #tpu.memory_space<vmem>>[vector<16xi32>], vector<16xf32>,
      %sub3A_824 = arith.subf %gather3A_823, %get3A_160 : vector<16xf32>
      %gather3A_825 = tpu.vector_load_idx %arg8[%get3A_710] : memref<4096xf32, #tpu.memory_space<vmem>>[vector<16xi32>], vector<16xf32>,
      %sub3A_826 = arith.subf %gather3A_825, %get3A_160 : vector<16xf32>
      %gather3A_827 = tpu.vector_load_idx %arg8[%get3A_714] : memref<4096xf32, #tpu.memory_space<vmem>>[vector<16xi32>], vector<16xf32>,
      %sub3A_828 = arith.subf %gather3A_827, %get3A_160 : vector<16xf32>
      %gather3A_829 = tpu.vector_load_idx %arg8[%get3A_718] : memref<4096xf32, #tpu.memory_space<vmem>>[vector<16xi32>], vector<16xf32>,
      %sub3A_830 = arith.subf %gather3A_829, %get3A_160 : vector<16xf32>
      %swap3A_831 = arith.constant 24 : i32
      %swap3A_832 = arith.index_cast %swap3A_831 : i32 to index
      %swap3A_833 = arith.index_cast %mul3A_155 : i32 to index
      %swap3A_834 = tpu.vector_load %arg20[%swap3A_832, %swap3A_833] {strides = array<i32>} : memref<32x512xf32, #tpu.memory_space<vmem>>, vector<16xf32>,
      tpu.vector_store %arg20[%swap3A_832, %swap3A_833], %sub3A_816 {strides = array<i32>} : memref<32x512xf32, #tpu.memory_space<vmem>>, vector<16xf32>,
      %swap3A_835 = arith.constant 25 : i32
      %swap3A_836 = arith.index_cast %swap3A_835 : i32 to index
      %swap3A_837 = arith.index_cast %mul3A_155 : i32 to index
      %swap3A_838 = tpu.vector_load %arg20[%swap3A_836, %swap3A_837] {strides = array<i32>} : memref<32x512xf32, #tpu.memory_space<vmem>>, vector<16xf32>,
      tpu.vector_store %arg20[%swap3A_836, %swap3A_837], %sub3A_818 {strides = array<i32>} : memref<32x512xf32, #tpu.memory_space<vmem>>, vector<16xf32>,
      %swap3A_839 = arith.constant 26 : i32
      %swap3A_840 = arith.index_cast %swap3A_839 : i32 to index
      %swap3A_841 = arith.index_cast %mul3A_155 : i32 to index
      %swap3A_842 = tpu.vector_load %arg20[%swap3A_840, %swap3A_841] {strides = array<i32>} : memref<32x512xf32, #tpu.memory_space<vmem>>, vector<16xf32>,
      tpu.vector_store %arg20[%swap3A_840, %swap3A_841], %sub3A_820 {strides = array<i32>} : memref<32x512xf32, #tpu.memory_space<vmem>>, vector<16xf32>,
      %swap3A_843 = arith.constant 27 : i32
      %swap3A_844 = arith.index_cast %swap3A_843 : i32 to index
      %swap3A_845 = arith.index_cast %mul3A_155 : i32 to index
      %swap3A_846 = tpu.vector_load %arg20[%swap3A_844, %swap3A_845] {strides = array<i32>} : memref<32x512xf32, #tpu.memory_space<vmem>>, vector<16xf32>,
      tpu.vector_store %arg20[%swap3A_844, %swap3A_845], %sub3A_822 {strides = array<i32>} : memref<32x512xf32, #tpu.memory_space<vmem>>, vector<16xf32>,
      %swap3A_847 = arith.constant 28 : i32
      %swap3A_848 = arith.index_cast %swap3A_847 : i32 to index
      %swap3A_849 = arith.index_cast %mul3A_155 : i32 to index
      %swap3A_850 = tpu.vector_load %arg20[%swap3A_848, %swap3A_849] {strides = array<i32>} : memref<32x512xf32, #tpu.memory_space<vmem>>, vector<16xf32>,
      tpu.vector_store %arg20[%swap3A_848, %swap3A_849], %sub3A_824 {strides = array<i32>} : memref<32x512xf32, #tpu.memory_space<vmem>>, vector<16xf32>,
      %swap3A_851 = arith.constant 29 : i32
      %swap3A_852 = arith.index_cast %swap3A_851 : i32 to index
      %swap3A_853 = arith.index_cast %mul3A_155 : i32 to index
      %swap3A_854 = tpu.vector_load %arg20[%swap3A_852, %swap3A_853] {strides = array<i32>} : memref<32x512xf32, #tpu.memory_space<vmem>>, vector<16xf32>,
      tpu.vector_store %arg20[%swap3A_852, %swap3A_853], %sub3A_826 {strides = array<i32>} : memref<32x512xf32, #tpu.memory_space<vmem>>, vector<16xf32>,
      %swap3A_855 = arith.constant 30 : i32
      %swap3A_856 = arith.index_cast %swap3A_855 : i32 to index
      %swap3A_857 = arith.index_cast %mul3A_155 : i32 to index
      %swap3A_858 = tpu.vector_load %arg20[%swap3A_856, %swap3A_857] {strides = array<i32>} : memref<32x512xf32, #tpu.memory_space<vmem>>, vector<16xf32>,
      tpu.vector_store %arg20[%swap3A_856, %swap3A_857], %sub3A_828 {strides = array<i32>} : memref<32x512xf32, #tpu.memory_space<vmem>>, vector<16xf32>,
      %swap3A_859 = arith.constant 31 : i32
      %swap3A_860 = arith.index_cast %swap3A_859 : i32 to index
      %swap3A_861 = arith.index_cast %mul3A_155 : i32 to index
      %swap3A_862 = tpu.vector_load %arg20[%swap3A_860, %swap3A_861] {strides = array<i32>} : memref<32x512xf32, #tpu.memory_space<vmem>>, vector<16xf32>,
      tpu.vector_store %arg20[%swap3A_860, %swap3A_861], %sub3A_830 {strides = array<i32>} : memref<32x512xf32, #tpu.memory_space<vmem>>, vector<16xf32>,
      %scan3A_863 = arith.constant 0 : i32
      scf.yield %scan3A_863 : i32
    }
    %scan3A_149 = arith.constant 32 : i32
    %run_scoped3A = arith.constant 128 : i32
    "tpu.region"() ({
      %run_scoped3A_152 = tpu.sem_alloc : memref<!tpu.dma_semaphore, #tpu.memory_space<semaphore_mem>>
      %dma_start3A_153 = arith.constant 0 : i32
      %dma_start3A_154 = tpu.memref_slice %arg5[%select_n3A, %run_scoped3A, %dma_start3A_153, %mul3A_32] : memref<16x131x32x1024xf32, #tpu.memory_space<hbm>> -> memref<1x1x32x512xf32, #tpu.memory_space<hbm>>
      %dma_start3A_155 = tpu.memref_squeeze %dma_start3A_154 : memref<1x1x32x512xf32, #tpu.memory_space<hbm>> -> memref<32x512xf32, #tpu.memory_space<hbm>>
      %dma_start3A_156 = arith.constant 0 : i32
      %dma_start3A_157 = tpu.memref_slice %arg5[%select_n3A, %run_scoped3A, %dma_start3A_156, %mul3A_32] : memref<16x131x32x1024xf32, #tpu.memory_space<hbm>> -> memref<1x1x32x512xf32, #tpu.memory_space<hbm>>
      %dma_start3A_158 = tpu.memref_squeeze %dma_start3A_157 : memref<1x1x32x512xf32, #tpu.memory_space<hbm>> -> memref<32x512xf32, #tpu.memory_space<hbm>>
      tpu.enqueue_dma source(%arg18 : memref<32x512xf32, #tpu.memory_space<vmem>>) target(%dma_start3A_158 : memref<32x512xf32, #tpu.memory_space<hbm>>) target_semaphore(%run_scoped3A_152 : memref<!tpu.dma_semaphore, #tpu.memory_space<semaphore_mem>>)
      %dma_wait3A_159 = arith.constant 0 : i32
      %dma_wait3A_160 = tpu.memref_slice %arg5[%select_n3A, %run_scoped3A, %dma_wait3A_159, %mul3A_32] : memref<16x131x32x1024xf32, #tpu.memory_space<hbm>> -> memref<1x1x32x512xf32, #tpu.memory_space<hbm>>
      %dma_wait3A_161 = tpu.memref_squeeze %dma_wait3A_160 : memref<1x1x32x512xf32, #tpu.memory_space<hbm>> -> memref<32x512xf32, #tpu.memory_space<hbm>>
      %dma_wait3A_162 = arith.constant 0 : i32
      %dma_wait3A_163 = tpu.memref_slice %arg5[%select_n3A, %run_scoped3A, %dma_wait3A_162, %mul3A_32] : memref<16x131x32x1024xf32, #tpu.memory_space<hbm>> -> memref<1x1x32x512xf32, #tpu.memory_space<hbm>>
      %dma_wait3A_164 = tpu.memref_squeeze %dma_wait3A_163 : memref<1x1x32x512xf32, #tpu.memory_space<hbm>> -> memref<32x512xf32, #tpu.memory_space<hbm>>
      tpu.wait_dma2 semaphore(%run_scoped3A_152 : memref<!tpu.dma_semaphore, #tpu.memory_space<semaphore_mem>>) src(%arg18 : memref<32x512xf32, #tpu.memory_space<vmem>>) dst(%dma_wait3A_164 : memref<32x512xf32, #tpu.memory_space<hbm>>)
      tpu.yield
    }) : () -> ()
    %run_scoped3A_150 = arith.constant 129 : i32
    "tpu.region"() ({
      %run_scoped3A_152 = tpu.sem_alloc : memref<!tpu.dma_semaphore, #tpu.memory_space<semaphore_mem>>
      %dma_start3A_153 = arith.constant 0 : i32
      %dma_start3A_154 = tpu.memref_slice %arg5[%select_n3A, %run_scoped3A_150, %dma_start3A_153, %mul3A_32] : memref<16x131x32x1024xf32, #tpu.memory_space<hbm>> -> memref<1x1x32x512xf32, #tpu.memory_space<hbm>>
      %dma_start3A_155 = tpu.memref_squeeze %dma_start3A_154 : memref<1x1x32x512xf32, #tpu.memory_space<hbm>> -> memref<32x512xf32, #tpu.memory_space<hbm>>
      %dma_start3A_156 = arith.constant 0 : i32
      %dma_start3A_157 = tpu.memref_slice %arg5[%select_n3A, %run_scoped3A_150, %dma_start3A_156, %mul3A_32] : memref<16x131x32x1024xf32, #tpu.memory_space<hbm>> -> memref<1x1x32x512xf32, #tpu.memory_space<hbm>>
      %dma_start3A_158 = tpu.memref_squeeze %dma_start3A_157 : memref<1x1x32x512xf32, #tpu.memory_space<hbm>> -> memref<32x512xf32, #tpu.memory_space<hbm>>
      tpu.enqueue_dma source(%arg19 : memref<32x512xf32, #tpu.memory_space<vmem>>) target(%dma_start3A_158 : memref<32x512xf32, #tpu.memory_space<hbm>>) target_semaphore(%run_scoped3A_152 : memref<!tpu.dma_semaphore, #tpu.memory_space<semaphore_mem>>)
      %dma_wait3A_159 = arith.constant 0 : i32
      %dma_wait3A_160 = tpu.memref_slice %arg5[%select_n3A, %run_scoped3A_150, %dma_wait3A_159, %mul3A_32] : memref<16x131x32x1024xf32, #tpu.memory_space<hbm>> -> memref<1x1x32x512xf32, #tpu.memory_space<hbm>>
      %dma_wait3A_161 = tpu.memref_squeeze %dma_wait3A_160 : memref<1x1x32x512xf32, #tpu.memory_space<hbm>> -> memref<32x512xf32, #tpu.memory_space<hbm>>
      %dma_wait3A_162 = arith.constant 0 : i32
      %dma_wait3A_163 = tpu.memref_slice %arg5[%select_n3A, %run_scoped3A_150, %dma_wait3A_162, %mul3A_32] : memref<16x131x32x1024xf32, #tpu.memory_space<hbm>> -> memref<1x1x32x512xf32, #tpu.memory_space<hbm>>
      %dma_wait3A_164 = tpu.memref_squeeze %dma_wait3A_163 : memref<1x1x32x512xf32, #tpu.memory_space<hbm>> -> memref<32x512xf32, #tpu.memory_space<hbm>>
      tpu.wait_dma2 semaphore(%run_scoped3A_152 : memref<!tpu.dma_semaphore, #tpu.memory_space<semaphore_mem>>) src(%arg19 : memref<32x512xf32, #tpu.memory_space<vmem>>) dst(%dma_wait3A_164 : memref<32x512xf32, #tpu.memory_space<hbm>>)
      tpu.yield
    }) : () -> ()
    %run_scoped3A_151 = arith.constant 130 : i32
    "tpu.region"() ({
      %run_scoped3A_152 = tpu.sem_alloc : memref<!tpu.dma_semaphore, #tpu.memory_space<semaphore_mem>>
      %dma_start3A_153 = arith.constant 0 : i32
      %dma_start3A_154 = tpu.memref_slice %arg5[%select_n3A, %run_scoped3A_151, %dma_start3A_153, %mul3A_32] : memref<16x131x32x1024xf32, #tpu.memory_space<hbm>> -> memref<1x1x32x512xf32, #tpu.memory_space<hbm>>
      %dma_start3A_155 = tpu.memref_squeeze %dma_start3A_154 : memref<1x1x32x512xf32, #tpu.memory_space<hbm>> -> memref<32x512xf32, #tpu.memory_space<hbm>>
      %dma_start3A_156 = arith.constant 0 : i32
      %dma_start3A_157 = tpu.memref_slice %arg5[%select_n3A, %run_scoped3A_151, %dma_start3A_156, %mul3A_32] : memref<16x131x32x1024xf32, #tpu.memory_space<hbm>> -> memref<1x1x32x512xf32, #tpu.memory_space<hbm>>
      %dma_start3A_158 = tpu.memref_squeeze %dma_start3A_157 : memref<1x1x32x512xf32, #tpu.memory_space<hbm>> -> memref<32x512xf32, #tpu.memory_space<hbm>>
      tpu.enqueue_dma source(%arg20 : memref<32x512xf32, #tpu.memory_space<vmem>>) target(%dma_start3A_158 : memref<32x512xf32, #tpu.memory_space<hbm>>) target_semaphore(%run_scoped3A_152 : memref<!tpu.dma_semaphore, #tpu.memory_space<semaphore_mem>>)
      %dma_wait3A_159 = arith.constant 0 : i32
      %dma_wait3A_160 = tpu.memref_slice %arg5[%select_n3A, %run_scoped3A_151, %dma_wait3A_159, %mul3A_32] : memref<16x131x32x1024xf32, #tpu.memory_space<hbm>> -> memref<1x1x32x512xf32, #tpu.memory_space<hbm>>
      %dma_wait3A_161 = tpu.memref_squeeze %dma_wait3A_160 : memref<1x1x32x512xf32, #tpu.memory_space<hbm>> -> memref<32x512xf32, #tpu.memory_space<hbm>>
      %dma_wait3A_162 = arith.constant 0 : i32
      %dma_wait3A_163 = tpu.memref_slice %arg5[%select_n3A, %run_scoped3A_151, %dma_wait3A_162, %mul3A_32] : memref<16x131x32x1024xf32, #tpu.memory_space<hbm>> -> memref<1x1x32x512xf32, #tpu.memory_space<hbm>>
      %dma_wait3A_164 = tpu.memref_squeeze %dma_wait3A_163 : memref<1x1x32x512xf32, #tpu.memory_space<hbm>> -> memref<32x512xf32, #tpu.memory_space<hbm>>
      tpu.wait_dma2 semaphore(%run_scoped3A_152 : memref<!tpu.dma_semaphore, #tpu.memory_space<semaphore_mem>>) src(%arg20 : memref<32x512xf32, #tpu.memory_space<vmem>>) dst(%dma_wait3A_164 : memref<32x512xf32, #tpu.memory_space<hbm>>)
      tpu.yield
    }) : () -> ()
    return
  }
}

</mosaic_0001>

<sc_bundles>
// kernel: kernel.3.cloned.1.call-start
scs
__scs_entry_jumppad:
0x0: {  	(pc) =	sbr.rel $0x88, $3  }
0x1: {  	(tag) =	ssettag $0x0;
	lr =	simm.s32 $0x1  }
0x2: {  	[smem:$0x3F9E] =	sst lr;
	_ =	strace $0xD0000000  }
0x3: {  	_ = 	snop  }
0x4: {  	_ = 	snop  }
0x5: {  	_ = 	snop  }
0x6: {  	_ = 	snop  }
0x7: {  	_ = 	snop  }
__scs_overlays_trampoline_lowered:
0x8: {  	[smem:$0x3FAD] =	sst s0  }
0x9: {  	[smem:$0x3FAE] =	sst s1  }
0xa: {  	[smem:$0x3FAF] =	sst s2  }
0xb: {  	[smem:$0x3FB0] =	sst s3  }
0xc: {  	[smem:$0x3FB1] =	sst s4  }
0xd: {  	[smem:$0x3FB2] =	sst s5  }
0xe: {  	[smem:$0x3FB3] =	sst s6  }
0xf: {  	[smem:$0x3FB4] =	sst s7  }
0x10: {  	[smem:$0x3FB5] =	sst s8  }
0x11: {  	[smem:$0x3FB6] =	sst s9;
	s0 =	simm.s32 @!p0 $0x0  }
0x12: {  	s1 =	sld [smem:$0x3F9C];
	s0 =	simm.s32 @p0 $0x1  }
0x13: {  	[smem:$0x3FB7] =	sst s0;
	s0 =	simm.s32 @!p1 $0x0  }
0x14: {  	s2 =	sld [smem:$0x3F9B];
	s0 =	simm.s32 @p1 $0x1  }
0x15: {  	[smem:$0x3FB8] =	sst s0;
	s0 =	simm.s32 @!p2 $0x0  }
0x16: {  	s3 =	sld [smem:$0x3FDB];
	s0 =	simm.s32 @p2 $0x1  }
0x17: {  	s4 =	simm.s32 $0x1BF5;
	[smem:$0x3FBA] =	sst s0  }
0x18: {  	s0 =	sld [smem:$0x3F9D];
	_ =	swait.ge [sflag:s4], $0x0  }
0x19: {  	s7 =	sld [smem:$0x3F9E]  }
0x1a: {  	s8 =	sadd.s32 $0xFFFFE003, lr  }
0x1b: {  	s9 =	sadd.s32 $0xFFFFFEF7, lr;
	s5 =	simm.s32 $0xFFFFFFFF;
	p2 =	slt.u32 s8, $0xFFFFF086  }
0x1c: {  	p1 =	slt.u32 s9, $0xF7A;
	s5 =	simm.s32 @!p2 $0x0  }
0x1d: {  	s5 =	simm.s32 @p1 $0x1;
	p0 =	seq.s32 s7, s2  }
0x1e: {  	s7 =	smul.u32 @!p0 $0xF7A, s2;
	p2 =	seq.s32 @!p0 s5, $0x0  }
0x1f: {  	s9 =	smul.u32 $0xF7A, s1;
	s8 =	simm.s32 @!p0 $0x1BF5;
	p2 =	por !p2, p0  }
0x20: {  	[sflag:s8] =	ssyncset.s32 @!p0 $0xFFFFF086;
	s6 =	sadd.s32 @!p0 s3, s7;
	s7 =	simm.s32 @!p0 $0x108  }
0x21: {  	s3 =	sadd.s32 s3, s9;
	s6 =	sadd.s32 @!p0 $0x88, s6;
	s7 =	simm.s32 @p2 $0x1082  }
0x22: {  	[simem:s7], [sflag:s8] =	dma.local @!p0 [hbm:s6], $0xF7A  }
0x23: {  	s9 =	sor.u32 $0xD0000000, s2;
	s6 =	simm.s32 $0x108;
	_ =	swait.ge @!p0 [sflag:s8], $0x0  }
0x24: {  	s3 =	sadd.s32 $0x88, s3;
	s6 =	simm.s32 @!p1 $0x1082;
	[sflag:s4] =	ssyncset.s32 $0xFFFFF086  }
0x25: {  	[simem:s6], [sflag:s4] =	dma.local [hbm:s3], $0xF7A  }
0x26: {  	[smem:$0x3F9E] =	sst s1;
	(tag) =	ssettag s2;
	_ =	strace s9  }
0x27: {  	s1 =	sld [smem:$0x3FAE]  }
0x28: {  	s2 =	sld [smem:$0x3FAF]  }
0x29: {  	s4 =	sld [smem:$0x3FB1]  }
0x2a: {  	p0 =	seq.s32 s5, $0x0;
	s5 =	sld [smem:$0x3FB2]  }
0x2b: {  	s6 =	sld [smem:$0x3FB3]  }
0x2c: {  	s7 =	sld [smem:$0x3FB4]  }
0x2d: {  	s3 =	simm.s32 $0x108;
	s8 =	sld [smem:$0x3FB5]  }
0x2e: {  	s3 =	simm.s32 @!p0 $0x1082;
	s9 =	sld [smem:$0x3FB6]  }
0x2f: {  	lr =	sadd.s32 s0, s3;
	s0 =	sld [smem:$0x3FAD]  }
0x30: {  	s3 =	sld [smem:$0x3FB0]  }
0x31: {  	[smem:$0x3FB9] =	sst s10  }
0x32: {  	s10 =	sld [smem:$0x3FB7];
	_ =	sdelay $0x3  }
0x33: {  	p0 =	seq.s32 s10, $0x1;
	s10 =	sld [smem:$0x3FB9];
	_ =	sdelay $0x3  }
0x34: {  	[smem:$0x3FB9] =	sst s10  }
0x35: {  	s10 =	sld [smem:$0x3FB8];
	_ =	sdelay $0x3  }
0x36: {  	p1 =	seq.s32 s10, $0x1;
	s10 =	sld [smem:$0x3FB9];
	_ =	sdelay $0x3  }
0x37: {  	[smem:$0x3FB9] =	sst s10  }
0x38: {  	s10 =	sld [smem:$0x3FBA]  }
0x39: {  	_ = 	snop;
	(pc) =	sbr.ind lr, $3  }
0x3a: {  	_ = 	snop  }
0x3b: {  	_ = 	snop  }
0x3c: {  	p2 =	seq.s32 s10, $0x1;
	s10 =	sld [smem:$0x3FB9]  }
0x3d: {  	_ =	shalt  }
0x3e: {  	_ =	shalt  }
0x3f: {  	_ =	shalt  }
0x40: {  	_ =	shalt  }
0x41: {  	_ =	shalt  }
0x42: {  	_ =	shalt  }
0x43: {  	_ =	shalt  }
0x44: {  	_ =	shalt  }
0x45: {  	_ =	shalt  }
0x46: {  	_ =	shalt  }
0x47: {  	_ =	shalt  }
0x48: {  	_ =	shalt  }
0x49: {  	_ =	shalt  }
0x4a: {  	_ =	shalt  }
0x4b: {  	_ =	shalt  }
0x4c: {  	_ =	shalt  }
0x4d: {  	_ =	shalt  }
0x4e: {  	_ =	shalt  }
0x4f: {  	_ =	shalt  }
0x50: {  	_ =	shalt  }
0x51: {  	_ =	shalt  }
0x52: {  	_ =	shalt  }
0x53: {  	_ =	shalt  }
0x54: {  	_ =	shalt  }
0x55: {  	_ =	shalt  }
0x56: {  	_ =	shalt  }
0x57: {  	_ =	shalt  }
0x58: {  	_ =	shalt  }
0x59: {  	_ =	shalt  }
0x5a: {  	_ =	shalt  }
0x5b: {  	_ =	shalt  }
0x5c: {  	_ =	shalt  }
0x5d: {  	_ =	shalt  }
0x5e: {  	_ =	shalt  }
0x5f: {  	_ =	shalt  }
0x60: {  	_ =	shalt  }
0x61: {  	_ =	shalt  }
0x62: {  	_ =	shalt  }
0x63: {  	_ =	shalt  }
0x64: {  	_ =	shalt  }
0x65: {  	_ =	shalt  }
0x66: {  	_ =	shalt  }
0x67: {  	_ =	shalt  }
0x68: {  	_ =	shalt  }
0x69: {  	_ =	shalt  }
0x6a: {  	_ =	shalt  }
0x6b: {  	_ =	shalt  }
0x6c: {  	_ =	shalt  }
0x6d: {  	_ =	shalt  }
0x6e: {  	_ =	shalt  }
0x6f: {  	_ =	shalt  }
0x70: {  	_ =	shalt  }
0x71: {  	_ =	shalt  }
0x72: {  	_ =	shalt  }
0x73: {  	_ =	shalt  }
0x74: {  	_ =	shalt  }
0x75: {  	_ =	shalt  }
0x76: {  	_ =	shalt  }
0x77: {  	_ =	shalt  }
0x78: {  	_ =	shalt  }
0x79: {  	_ =	shalt  }
0x7a: {  	_ =	shalt  }
0x7b: {  	_ =	shalt  }
0x7c: {  	_ =	shalt  }
0x7d: {  	_ =	shalt  }
0x7e: {  	_ =	shalt  }
0x7f: {  	_ =	shalt  }
0x80: {  	_ =	shalt  }
0x81: {  	_ =	shalt  }
0x82: {  	_ =	shalt  }
0x83: {  	_ =	shalt  }
0x84: {  	_ =	shalt  }
0x85: {  	_ =	shalt  }
0x86: {  	_ =	shalt  }
0x87: {  	_ =	shalt  }
.Lfunc_end0:
.L_simem_size_0:
called_computation.1_lowered:
.L_overlay_start_0:
0x88: {  	s2 =	sld [smem:$0x3FD9]  }
0x89: {  	s3 =	sld [smem:$0x3FFE];
	_ =	sdelay $0x1  }
0x8a: {  	s1 =	srdreg.scid  }
0x8b: {  	s0 =	sand.u32 $0x1, s1  }
0x8c: {  	s17 =	sshll.u32 s0, $0xA;
	s2 =	sadd.s32 s3, s2  }
0x8d: {  	s2 =	sadd.s32 s2, s17  }
0x8e: {  	[smem:$0x3FC5] =	sst s2  }
0x8f: {  	_ = 	snop  }
0x90: {  	s2 =	sld [smem:$0x3FD0];
	(tm) =	ssettm $0x1  }
0x91: {  	s18 =	sld [smem:$0x3FFB];
	_ =	sdelay $0x3  }
0x92: {  	_ =	strace s18  }
0x93: {  	s3 =	sld [smem:$0x3FFC];
	_ =	sdelay $0x3  }
0x94: {  	_ =	strace s3  }
0x95: {  	s3 =	sld [smem:$0x3FFD];
	_ =	sdelay $0x3  }
0x96: {  	_ =	strace s3  }
0x97: {  	_ =	strace $0x8FFFFFFF  }
0x98: {  	s19 =	sld [smem:$0x3FDB];
	_ =	sdelay $0x1  }
0x99: {  	s4 =	simm.s32 $_scs_section_size  }
0x9a: {  	s5 =	simm.s32 $_size__tile_overlayer_lowered;
	s6 =	simm.s32 $_tile_overlayer_lowered  }
0x9b: {  	s22 =	simm.s32 $0x1BFF;
	s21 =	sshll.u32 s6, $0x1;
	s3 =	sadd.s32 s4, s19  }
0x9c: {  	s7 =	simm.s32 $0x0;
	s20 =	sshll.u32 s5, $0x1;
	s5 =	sadd.s32 s21, s3  }
0x9d: {  	[timem:s7], [sflag:s22] =	dma.local [hbm:s5], s20  }
0x9e: {  	_ =	swait.ge [sflag:s22], s20  }
0x9f: {  	s4 =	ssub.s32 $0x0, s20;
	[sflag:s22] =	ssyncset.done $0x0  }
0xa0: {  	[sflag:s22] =	ssyncadd.s32 s4;
	_ =	sdelay $0x1  }
0xa1: {  	s23 =	simm.s32 $0x1B8B  }
0xa2: {  	_ =	swait.ge [sflag:s23], $0x1  }
0xa3: {  	[sflag:s23] =	ssyncset.done $0x0  }
0xa4: {  	s25 =	simm.s32 $0x1B8E;
	s24 =	sld [smem:$0x3FFE];
	[sflag:s23] =	ssyncadd.s32 $0xFFFFFFFF  }
0xa5: {  	s26 =	simm.s32 $execute0_lowered;
	[smem:$0x3FD2] =	sst s25  }
0xa6: {  	s5 =	sshll.u32 s26, $0x1;
	_ =	strace $0x80000049;
	[dreg:$0x1] =	wrdreg $0xFFFFFFFF  }
0xa7: {  	s28 =	simm.s32 $_size_execute0_lowered;
	s3 =	sadd.s32 s3, s5;
	[dreg:$0x0] =	wrdreg $0x0  }
0xa8: {  	s5 =	sshll.u32 s28, $0x1;
	[dreg:$0x2] =	wrdreg s3  }
0xa9: {  	[dreg:$0x3] =	wrdreg s5  }
0xaa: {  	[dreg:$0x4] =	wrdreg $0xC0  }
0xab: {  	_ =	task [dreg:s7], $0x5FFFF  }
0xac: {  	[dreg:$0x1] =	wrdreg $0xFFFFFFFF  }
0xad: {  	[dreg:$0x0] =	wrdreg $0x60  }
0xae: {  	[dreg:$0x2] =	wrdreg s24  }
0xaf: {  	[dreg:$0x3] =	wrdreg s2  }
0xb0: {  	[dreg:$0x4] =	wrdreg $0x9  }
0xb1: {  	_ =	task.clear_ibuf [dreg:s7], $0x5FFFF;
	_ =	strace $0x90000049  }
0xb2: {  	s29 =	simm.s32 $0x9;
	_ =	strace $0x8000004B  }
0xb3: {  	_ =	swait.ge [sflag:s29], $0x1  }
0xb4: {  	[sflag:s29] =	ssyncadd.s32 $0xFFFFFFFF  }
0xb5: {  	_ =	strace $0x9000004B  }
0xb6: {  	_ =	sfence  }
0xb7: {  	s30 =	sld [smem:$0x0];
	_ =	sdelay $0x2  }
0xb8: {  	s31 =	sshll.u32 s1, $0xD;
	s1 =	sshrl.u32 s1, $0x2  }
0xb9: {  	s3 =	sand.u32 $0x4000, s31;
	s1 =	sadd.s32 s1, s30  }
0xba: {  	s0 =	sor.u32 s3, s0;
	s1 =	sshll.u32 s1, $0x11  }
0xbb: {  	s0 =	sor.u32 s1, s0  }
0xbc: {  	s0 =	sadd.s32 $0x8F2B, s0  }
0xbd: {  	[sflag:s0] =	ssyncadd.remote.s32 $0x1  }
0xbe: {  	_ =	sfence.sel $0xFFFF  }
0xbf: {  	[dreg:$0x0] =	wrdreg $0xFFFFFFFF;
	(pc) =	sbr.abs _section_cstart, $3  }
0xc0: {  	[dreg:$0x1] =	wrdreg $0xFFFFFFFF  }
0xc1: {  	_ =	task.clear_ibuf [dreg:s7], $0x2FFFF;
	_ =	strace $0x9FFFFFFF  }
0xc2: {  	(tm) =	ssettm $0x7FFFFFFF  }
0xc3: {  	_ =	shalt  }
tec
execute0_lowered:
.L_overlay_start_1:
0x0: {  	(tag) =	ssettag $0x1  }
0x1: {  	s2 =	rddreg [dreg:$0x0]  }
0x2: {  	s0 =	rddreg [dreg:$0x1];
	s1 =	simm.s32 $0x0;
	s3 =	srdreg.scid  }
0x3: {  	s9 =	stileid.u32;
	s29 =	simm.s32 $0x7680;
	s5 =	sand.u32 $0x1, s3  }
0x4: {  	s30 =	simm.s32 $0x8680;
	s31 =	simm.s32 $0x9680;
	s3 =	sor.u32 s5, s9  }
0x5: {  	[smem:$0x7FF] =	sst s1;
	p1 =	seq.s32 s5, $0x1;
	p0 =	seq.s32 s3, $0x0  }
0x6: {  	s6 =	sadd.s32 $0x102400, s2;
	s7 =	sadd.s32 $0x100C00, s2;
	p0 =	por !p0, !p1  }
0x7: {  	_ =	strace $0x8000004A;
	s3 =	simm.s32 $0x1;
	p0 =	por !p0, !p0  }
0x8: {  	s4 =	ssub.s32 $0x2, s5;
	s10 =	sshll.u32 s5, $0x9;
	s3 =	simm.s32 @!p0 $0x0  }
0x9: {  	s5 =	sshll.u32 s5, $0xC;
	s8 =	sshrl.u32 s4, $0x1;
	s9 =	ssub.s32 s9, s3  }
0xa: {  	s3 =	sadd.s32 $0xC00, s2;
	s23 =	sshll.u32 s9, $0x10;
	s11 =	smul.u32 $0x3, s9  }
0xb: {  	s2 =	ssub.s32 s4, s8;
	s25 =	smul.u32 $0x3000, s9;
	s8 =	sand.u32 $0x1FFF0000, s23  }
0xc: {  	s4 =	simm.s32 $0x1;
	s16 =	smul.u32 $0xC00, s9;
	s13 =	sadd.s32 s3, s8  }
0xd: {  	v0 =	vimm.f32 $1.000000000e+00;
	s8 =	sshll.u32 s9, $0x7;
	s26 =	sadd.s32 $0x1, s11;
	s11 =	sadd.s32 $0x2, s11  }
0xe: {  	(xrf0) =	vmax.scan.msk.f32 $0xffff, v0;
	s12 =	sadd.s32 $0x200, s13;
	s24 =	sadd.s32 $0x400, s13;
	[dreg:$0x3] =	wrdreg s13  }
0xf: {  	s13 =	sadd.s32 $0x600, s13;
	s14 =	sshll.u32 s26, $0x9;
	[dreg:$0x4] =	wrdreg s12  }
0x10: {  	s15 =	sshll.u32 s11, $0x9;
	s11 =	sshll.u32 s11, $0xA;
	[dreg:$0x5] =	wrdreg s24  }
0x11: {  	s20 =	sor.u32 $0x4, s8;
	[dreg:$0x6] =	wrdreg s13;
	s12 =	sshrl.u32 s25, $0x3  }
0x12: {  	s14 =	sand.u32 $0x1FFFFE00, s14;
	s15 =	sand.u32 $0x1FFFFE00, s15;
	s11 =	sor.u32 s10, s11  }
0x13: {  	[dreg:$0xd] =	wrdreg s20;
	s24 =	sor.u32 $0x5, s8;
	s25 =	sor.u32 $0x6, s8  }
0x14: {  	v0, _, _ =	vpop (xrf0);
	s13 =	simm.s32 $0x2;
	s12 =	sadd.s32 s6, s12;
	[dreg:$0x11] =	wrdreg s24  }
0x15: {  	(v2sf) =	vpush v0, $0xF;
	s14 =	sadd.s32 s6, s14;
	s6 =	sadd.s32 s6, s15;
	[dreg:$0x12] =	wrdreg s25  }
0x16: {  	s15 =	sor.u32 s10, s16;
	s16 =	sshll.u32 s26, $0xA;
	[dreg:$0x7] =	wrdreg s12  }
0x17: {  	s11 =	sshrl.u32 s11, $0x3;
	s24 =	sor.u32 $0x7, s8;
	[dreg:$0x8] =	wrdreg s14  }
0x18: {  	s26 =	smax.u32 s2, $0x1;
	s25 =	simm.s32 $0x0;
	[dreg:$0x9] =	wrdreg s6  }
0x19: {  	s6 =	sshrl.u32 s15, $0x3;
	s12 =	sor.u32 s10, s16;
	s18 =	sadd.s32 s7, s11  }
0x1a: {  	s15 =	smul.u32 $0x418000, s9;
	s16 =	sadd.s32 s0, s10;
	[dreg:$0x13] =	wrdreg s26  }
0x1b: {  	s11 =	simm.s32 $0x3600;
	s6 =	sadd.s32 s7, s6;
	[dreg:$0xc] =	wrdreg s18  }
0x1c: {  	s17 =	sshrl.u32 s12, $0x3;
	s12 =	simm.s32 $0x3680;
	[dreg:$0xa] =	wrdreg s6  }
0x1d: {  	s6 =	sadd.s32 s7, s17;
	s17 =	sadd.s32 $0x8000, s15;
	s5 =	sor.u32 s5, s15  }
0x1e: {  	s26 =	sadd.s32 $0x10000, s15;
	s28 =	sadd.s32 $0x18000, s15;
	[dreg:$0xb] =	wrdreg s6  }
0x1f: {  	s21 =	sadd.s32 $0x400000, s5;
	s22 =	sadd.s32 $0x408000, s5;
	s5 =	sadd.s32 $0x410000, s5  }
0x20: {  	s6 =	simm.s32 $0x1000;
	s7 =	sshrl.u32 s21, $0x3;
	s9 =	sshrl.u32 s22, $0x3  }
0x21: {  	s5 =	sshrl.u32 s5, $0x3;
	s21 =	simm.s32 $0x3000;
	s7 =	sadd.s32 s0, s7  }
0x22: {  	v0 =	vlaneseq.u32;
	s22 =	simm.s32 $0x3200;
	s23 =	sadd.s32 s0, s9;
	[dreg:$0xe] =	wrdreg s7  }
0x23: {  	v1 =	vmul.u32 $0x200, v0;
	s0 =	sadd.s32 s0, s5;
	s5 =	simm.s32 $0x5;
	[dreg:$0xf] =	wrdreg s23  }
0x24: {  	v2 =	vimm.s32 $0x0;
	[dreg:$0x10] =	wrdreg s0;
	s0 =	simm.s32 $0xA680;
	s19 =	spop (v2sf)  }
0x25: {  	v3 =	vimm.f32 $0.0e+00;
	v4 =	vor.u32 $0x10, v0;
	v5 =	vor.u32 $0x2000, v1;
	s7 =	simm.s32 $0x2000;
	s23 =	simm.s32 $0x3400;
	p0 =	sgt.f32 s19, $0.0e+00  }
.LBB2_1:
0x26: {  	s2 =	rddreg [dreg:$0x3]  }
0x27: {  	[tilespmem:s29], [sflag:$0x1] =	stream.linear.gather [hbm4b:s2+s1], $0x1000, $0x38;
	[tilespmem:$0x1B680] =	vst v63  }
0x28: {  	s19 =	rddreg [dreg:$0x4]  }
0x29: {  	[tilespmem:s30], [sflag:$0x1] =	stream.linear.gather [hbm4b:s19+s1], $0x1000, $0x38;
	[tilespmem:$0x1B680] =	vst v63  }
0x2a: {  	s20 =	rddreg [dreg:$0x5]  }
0x2b: {  	[tilespmem:s31], [sflag:$0x2] =	stream.linear.gather [hbm4b:s20+s1], $0x1000, $0x38;
	[tilespmem:$0x1B680] =	vst v63  }
0x2c: {  	s8 =	rddreg [dreg:$0x6]  }
0x2d: {  	[tilespmem:s0], [sflag:$0x2] =	stream.linear.gather [hbm4b:s8+s1], $0x1000, $0x38;
	[tilespmem:$0x1B680] =	vst v63  }
0x2e: {  	s9 =	rddreg [dreg:$0x7]  }
0x2f: {  	[tilespmem:s1], [sflag:$0x5] =	stream.linear.gather [hbm4b:s9+s1], $0x1000, $0x38;
	[tilespmem:$0x1B680] =	vst v63  }
0x30: {  	_ =	swait.ge [sflag:s5], $0x1000  }
0x31: {  	[sflag:s5] =	ssyncset.done $0x0  }
0x32: {  	s10 =	rddreg [dreg:$0x8];
	[sflag:s5] =	ssyncadd.s32 $0xFFFFF000  }
0x33: {  	[tilespmem:s6], [sflag:$0x5] =	stream.linear.gather [hbm4b:s10+s1], $0x1000, $0x38;
	[tilespmem:$0x1B680] =	vst v63  }
0x34: {  	_ =	swait.ge [sflag:s5], $0x1000  }
0x35: {  	[sflag:s5] =	ssyncset.done $0x0  }
0x36: {  	s14 =	rddreg [dreg:$0x9];
	[sflag:s5] =	ssyncadd.s32 $0xFFFFF000  }
0x37: {  	[tilespmem:s7], [sflag:$0x5] =	stream.linear.gather [hbm4b:s14+s1], $0x1000, $0x38;
	[tilespmem:$0x1B680] =	vst v63  }
0x38: {  	_ =	swait.ge [sflag:s5], $0x1000  }
0x39: {  	[sflag:s5] =	ssyncset.done $0x0  }
0x3a: {  	s18 =	rddreg [dreg:$0xa];
	[sflag:s5] =	ssyncadd.s32 $0xFFFFF000  }
0x3b: {  	[tilespmem:s21], [sflag:$0x5] =	stream.linear.gather [hbm4b:s18+s1], $0x200, $0x38;
	[tilespmem:$0x1B680] =	vst v63  }
0x3c: {  	_ =	swait.ge [sflag:s5], $0x200  }
0x3d: {  	[sflag:s5] =	ssyncset.done $0x0  }
0x3e: {  	s19 =	rddreg [dreg:$0xb];
	[sflag:s5] =	ssyncadd.s32 $0xFFFFFE00  }
0x3f: {  	[tilespmem:s22], [sflag:$0x5] =	stream.linear.gather [hbm4b:s19+s1], $0x200, $0x38;
	[tilespmem:$0x1B680] =	vst v63  }
0x40: {  	_ =	swait.ge [sflag:s5], $0x200  }
0x41: {  	[sflag:s5] =	ssyncset.done $0x0  }
.Ltmp0:
0x42: {  	s20 =	rddreg [dreg:$0xc];
	[sflag:s5] =	ssyncadd.s32 $0xFFFFFE00;
	(pc) =	sbr.rel .LBB2_2-.Ltmp0, $4  }
0x43: {  	[tilespmem:s23], [sflag:$0x5] =	stream.linear.gather [hbm4b:s20+s1], $0x200, $0x38;
	[tilespmem:$0x1B680] =	vst v63  }
0x44: {  	_ =	swait.ge [sflag:s5], $0x200  }
0x45: {  	[sflag:s5] =	ssyncset.done $0x0  }
0x46: {  	s2 =	simm.s32 $0x0;
	[sflag:s5] =	ssyncadd.s32 $0xFFFFFE00  }
.LBB2_5:
0x47: {  	v7 =	vpsel p1, v7, v7  }
.LBB2_6:
0x48: {  	v8 =	vld.msk [tilespmem:s11+$0x0], $0xffff  }
0x49: {  	v9 =	vld [tilespmem:$0x3600]  }
0x4a: {  	v10 =	vld [tilespmem:$0x3610];
	v11 =	vor.u32 v1, v6;
	s2 =	sadd.s32 $0x1, s2  }
0x4b: {  	v6 =	vor.u32 v5, v6;
	p1 =	sne.s32 s2, $0x200  }
.Ltmp1:
0x4c: {  	vm0 =	vgt.s32 v7, $0x0;
	(pc) =	sbr.rel @!p1 .LBB2_7-.Ltmp1, $4  }
0x4d: {  	vm14 =	vgt.s32 v7, v0;
	v8 =	vnsel vm0, $0x0, v8  }
0x4e: {  	vm15 =	vgt.s32 v7, v4;
	v9 =	vsel vm14, v9, v8  }
0x4f: {  	v7 =	vsel vm15, v10, v8;
	[tilespmem:v11+s12+$0x0] =	vst.idx.msk $0xffff, v9  }
0x50: {  	s5 =	simm.s32 $0x0;
	[tilespmem:v6+s12+$0x0] =	vst.idx.msk $0xffff, v7  }
.LBB2_2:
.Ltmp2:
0x51: {  	(pc) =	sbr.rel @!p0 .LBB2_6-.Ltmp2, $2  }
0x52: {  	_ =	sdelay $0x2  }
0x53: {  	v6 =	vmov s2;
	v7 =	vimm.s32 $0x0  }
0x54: {  	_ =	sdelay $0x3  }
0x55: {  	v8 =	vld.idx.msk [tilespmem:v6+s21+$0x0], $0xffff  }
0x56: {  	v9 =	vld.idx.msk [tilespmem:v6+s22+$0x0], $0xffff;
	s14 =	simm.s32 $0x0;
	s5 =	simm.s32 $0x70  }
0x57: {  	v10 =	vld.idx.msk [tilespmem:v6+s23+$0x0], $0xffff;
	s8 =	simm.s32 $0x40;
	s9 =	simm.s32 $0x1040;
	s10 =	simm.s32 $0x2040  }
.LBB2_4:
0x58: {  	v11 =	vld [tilespmem:s8+$0xFFFFFFC0]  }
0x59: {  	v12 =	vld [tilespmem:s9+$0xFFFFFFC0]  }
0x5a: {  	v13 =	vld [tilespmem:s8+$0xFFFFFFD0]  }
0x5b: {  	v14 =	vld [tilespmem:s9+$0xFFFFFFD0]  }
0x5c: {  	v15 =	vld [tilespmem:s10+$0xFFFFFFC0]  }
0x5d: {  	v16 =	vld [tilespmem:s10+$0xFFFFFFD0]  }
0x5e: {  	v18 =	vld [tilespmem:s9+$0xFFFFFFE0]  }
0x5f: {  	v19 =	vld [tilespmem:s8+$0xFFFFFFF0]  }
0x60: {  	v20 =	vld [tilespmem:s9+$0x0]  }
0x61: {  	v21 =	vld [tilespmem:s10+$0x0]  }
0x62: {  	v58 =	vld [tilespmem:s10+$0x10];
	v11 =	vsub.f32 v8, v11;
	v12 =	vsub.f32 v9, v12  }
0x63: {  	v61 =	vld [tilespmem:s9+$0x20];
	v13 =	vsub.f32 v8, v13;
	v14 =	vsub.f32 v9, v14  }
0x64: {  	v62 =	vld [tilespmem:s8+$0x30];
	v15 =	vsub.f32 v10, v15;
	v16 =	vsub.f32 v10, v16  }
0x65: {  	v47 =	vld [tilespmem:s9+$0xFFFFFFF0];
	v51 =	vsub.f32 v9, v18;
	v19 =	vsub.f32 v8, v19  }
0x66: {  	v49 =	vld [tilespmem:s10+$0xFFFFFFE0];
	v57 =	vsub.f32 v9, v20;
	v60 =	vsub.f32 v10, v21  }
0x67: {  	v20 =	vsub.f32 v10, v58;
	v11 =	vmul.f32 v11, v11;
	v12 =	vmul.f32 v12, v12  }
0x68: {  	v50 =	vld [tilespmem:s10+$0xFFFFFFF0];
	v34 =	vsub.f32 v9, v61;
	v13 =	vmul.f32 v13, v13;
	v14 =	vmul.f32 v14, v14  }
0x69: {  	v17 =	vld [tilespmem:s8+$0xFFFFFFE0];
	v35 =	vsub.f32 v8, v62;
	v46 =	vmul.f32 v15, v15;
	v48 =	vmul.f32 v16, v16  }
0x6a: {  	v15 =	vsub.f32 v9, v47;
	v19 =	vmul.f32 v19, v19;
	v11 =	vadd.f32 v12, v11  }
0x6b: {  	v52 =	vld [tilespmem:s8+$0x0];
	v16 =	vsub.f32 v10, v49;
	v20 =	vmul.f32 v20, v20;
	v21 =	vmul.f32 v35, v35  }
0x6c: {  	v54 =	vld [tilespmem:s9+$0x10];
	v13 =	vadd.f32 v14, v13;
	v14 =	vmul.f32 v51, v51;
	v11 =	vadd.f32 v46, v11  }
0x6d: {  	v12 =	vsub.f32 v10, v50;
	v15 =	vmul.f32 v15, v15;
	v55 =	vmul.f32 v16, v16  }
0x6e: {  	v13 =	vadd.f32 v48, v13;
	vm0 =	vlt.f32 v11, $6.250000000e-02;
	v11 =	vsub.f32 v8, v17  }
0x6f: {  	v22 =	vld [tilespmem:s8+$0x10];
	v15 =	vadd.f32 v15, v19;
	v12 =	vmul.f32 v12, v12;
	v19 =	vmul.f32 v57, v57  }
0x70: {  	v31 =	vld [tilespmem:s10+$0x20];
	vm1 =	vlt.f32 v13, $6.250000000e-02;
	v17 =	vsub.f32 v8, v52;
	v11 =	vmul.f32 v11, v11  }
0x71: {  	v59 =	vld [tilespmem:s8+$0x20];
	v12 =	vadd.f32 v12, v15;
	v13 =	vsub.f32 v9, v54;
	v15 =	vmul.f32 v60, v60  }
0x72: {  	v63 =	vld [tilespmem:s9+$0x30];
	v53 =	vsel vm0, $0x1, v2;
	v23 =	vmpcnt.ones.xlane vm0;
	v11 =	vadd.f32 v14, v11  }
0x73: {  	v56 =	vsel vm1, $0x1, v2;
	v24 =	vmpcnt.ones.xlane vm1;
	v17 =	vmul.f32 v17, v17  }
0x74: {  	vm3 =	vlt.f32 v12, $6.250000000e-02;
	v30 =	vmul.f32 v13, v13;
	v11 =	vadd.f32 v55, v11  }
0x75: {  	v32 =	vld [tilespmem:s10+$0x30];
	v13 =	vsub.f32 v10, v31;
	v27 =	vsel vm3, $0x1, v2;
	v17 =	vadd.f32 v19, v17  }
0x76: {  	v14 =	vsub.f32 v8, v59;
	vm2 =	vlt.f32 v11, $6.250000000e-02;
	v11 =	vsub.f32 v8, v22  }
0x77: {  	v33 =	vmpcnt.ones.xlane vm3;
	v19 =	vsub.f32 v9, v63;
	v15 =	vadd.f32 v15, v17  }
0x78: {  	v37 =	vadd.s32 v7, v23;
	v14 =	vmul.f32 v14, v14;
	v11 =	vmul.f32 v11, v11  }
0x79: {  	v19 =	vmul.f32 v19, v19;
	vm4 =	vlt.f32 v15, $6.250000000e-02;
	v15 =	vmul.f32 v34, v34  }
0x7a: {  	v13 =	vmul.f32 v13, v13;
	v17 =	vsub.f32 v10, v32;
	v11 =	vadd.f32 v30, v11  }
0x7b: {  	(xrf0) =	vadd.scan.msk.s32 $0xffff, v53;
	v39 =	vadd.s32 v37, v24;
	v36 =	vadd.f32 v19, v21;
	v14 =	vadd.f32 v15, v14  }
0x7c: {  	v17 =	vmul.f32 v17, v17;
	v26 =	vmpcnt.ones.xlane vm2;
	v11 =	vadd.f32 v20, v11  }
0x7d: {  	v25 =	vsel vm2, $0x1, v2;
	v38 =	vmpcnt.ones.xlane vm4;
	v13 =	vadd.f32 v13, v14  }
0x7e: {  	v40 =	vadd.s32 v39, v26;
	vm7 =	vlt.f32 v11, $6.250000000e-02;
	v11 =	vadd.f32 v17, v36  }
0x7f: {  	(xrf0) =	vadd.scan.msk.s32 $0xffff, v56;
	v12 =	vadd.s32 v40, v33;
	vm6 =	vlt.f32 v13, $6.250000000e-02;
	v41 =	vmpcnt.ones.xlane vm7  }
0x80: {  	(xrf0) =	vadd.scan.msk.s32 $0xffff, v25;
	v13 =	vmpcnt.ones.xlane vm6;
	vm5 =	vlt.f32 v11, $6.250000000e-02;
	v11 =	vadd.s32 v12, v38  }
0x81: {  	v42, _, _ =	vpop (xrf0);
	v43 =	vsel vm4, $0x1, v2;
	(xrf0) =	vadd.scan.msk.s32 $0xffff, v27;
	v44 =	vmpcnt.ones.xlane vm5;
	v16 =	vadd.s32 v11, v41  }
0x82: {  	(xrf0) =	vadd.scan.msk.s32 $0xffff, v43;
	v45 =	vsel vm7, $0x1, v2;
	v13 =	vadd.s32 v16, v13  }
0x83: {  	v46 =	vsel vm6, $0x1, v2;
	v17 =	vadd.s32 v42, v7;
	(xrf0) =	vadd.scan.msk.s32 $0xffff, v45;
	v7 =	vadd.s32 v13, v44  }
0x84: {  	(xrf0) =	vadd.scan.msk.s32 $0xffff, v46;
	v47 =	vsel vm5, $0x1, v2;
	vm8 =	vlt.s32 v7, $0x20  }
0x85: {  	v48, _, _ =	vpop (xrf0);
	(xrf0) =	vadd.scan.msk.s32 $0xffff, v47;
	v49 =	vsel vm8, $0x3F800000, v3  }
0x86: {  	v50, _, _ =	vpop (xrf0);
	(xrf0) =	vmax.scan.msk.f32 $0xffff, v49  }
0x87: {  	v51, _, _ =	vpop (xrf0)  }
0x88: {  	v52, _, _ =	vpop (xrf0)  }
0x89: {  	v53, _, _ =	vpop (xrf0)  }
0x8a: {  	v54, _, _ =	vpop (xrf0)  }
0x8b: {  	v55, _, _ =	vpop (xrf0)  }
0x8c: {  	v56, _, _ =	vpop (xrf0)  }
0x8d: {  	(v2sf) =	vpush v56, $0xF;
	_ =	sdelay $0x4  }
0x8e: {  	s18 =	sadd.s32 $0xFFFFFF90, s5;
	v18 =	vadd.s32 v48, v37  }
0x8f: {  	s19 =	sadd.s32 $0xFFFFFFB0, s5;
	v57 =	vor.u32 s18, v0;
	v18 =	vadd.s32 $0xFFFFFFFF, v18  }
0x90: {  	v59 =	vor.u32 s19, v0;
	vm15 =	vlt.s32 v18, $0x20;
	v17 =	vadd.s32 $0xFFFFFFFF, v17  }
0x91: {  	vm1 =	vmand vm1, vm15;
	v14 =	vadd.s32 v50, v39;
	vm14 =	vlt.s32 v17, $0x20  }
0x92: {  	v14 =	vadd.s32 $0xFFFFFFFF, v14;
	v15 =	vadd.s32 v51, v40;
	vm0 =	vmand vm0, vm14  }
0x93: {  	vm12 =	vlt.s32 v14, $0x20;
	v15 =	vadd.s32 $0xFFFFFFFF, v15;
	v12 =	vadd.s32 v52, v12  }
0x94: {  	vm2 =	vmand vm2, vm12;
	vm13 =	vlt.s32 v15, $0x20;
	v12 =	vadd.s32 $0xFFFFFFFF, v12  }
0x95: {  	vm3 =	vmand vm3, vm13;
	vm14 =	vlt.s32 v12, $0x20;
	v11 =	vadd.s32 v53, v11  }
0x96: {  	vm4 =	vmand vm4, vm14;
	v11 =	vadd.s32 $0xFFFFFFFF, v11;
	v16 =	vadd.s32 v54, v16  }
0x97: {  	vm15 =	vlt.s32 v11, $0x20;
	v16 =	vadd.s32 $0xFFFFFFFF, v16;
	v13 =	vadd.s32 v55, v13  }
0x98: {  	s20 =	sadd.s32 $0xFFFFFFA0, s5;
	p1 =	sgt.u32 s14, $0x1E;
	vm7 =	vmand vm7, vm15;
	vm12 =	vlt.s32 v16, $0x20;
	v13 =	vadd.s32 $0xFFFFFFFF, v13;
	s19 =	spop (v2sf)  }
0x99: {  	v58 =	vor.u32 s20, v0;
	[tilespmem:v17+s11+$0x0] =	vst.idx.msk vm0, v57;
	vm13 =	vmand vm6, vm12;
	vm14 =	vlt.s32 v13, $0x20;
	p2 =	sgt.f32 @!p1 s19, $0.0e+00  }
0x9a: {  	s18 =	sadd.s32 $0xFFFFFFC0, s5;
	[tilespmem:v18+s11+$0x0] =	vst.idx.msk vm1, v58;
	vm15 =	vmand vm5, vm14  }
0x9b: {  	s20 =	sadd.s32 $0xFFFFFFD0, s5;
	v60 =	vor.u32 s18, v0;
	[tilespmem:v14+s11+$0x0] =	vst.idx.msk vm2, v59;
	p2 =	por p1, !p2  }
.Ltmp3:
0x9c: {  	v61 =	vor.u32 s20, v0;
	s18 =	sadd.s32 $0xFFFFFFE0, s5;
	[tilespmem:v15+s11+$0x0] =	vst.idx.msk vm3, v60;
	(pc) =	sbr.rel @!p2 .LBB2_4-.Ltmp3, $4  }
0x9d: {  	s20 =	sadd.s32 $0xFFFFFFF0, s5;
	v62 =	vor.u32 s18, v0;
	[tilespmem:v12+s11+$0x0] =	vst.idx.msk vm4, v61  }
0x9e: {  	[tilespmem:v11+s11+$0x0] =	vst.idx.msk vm7, v62;
	v11 =	vor.u32 s20, v0  }
0x9f: {  	s14 =	sadd.s32 $0x1, s14;
	s8 =	sadd.s32 $0x80, s8;
	v63 =	vor.u32 s5, v0;
	[tilespmem:v16+s11+$0x0] =	vst.idx.msk vm13, v11  }
0xa0: {  	s9 =	sadd.s32 $0x80, s9;
	s10 =	sadd.s32 $0x80, s10;
	s5 =	sadd.s32 $0x80, s5;
	[tilespmem:v13+s11+$0x0] =	vst.idx.msk vm15, v63  }
.Ltmp4:
0xa1: {  	_ = 	snop;
	(pc) =	sbr.rel .LBB2_5-.Ltmp4, $1  }
0xa2: {  	_ =	sdelay $0x3  }
.LBB2_7:
0xa3: {  	[dreg:$0x14] =	wrdreg s25  }
.LBB2_8:
0xa4: {  	_ =	swait.ge [sflag:s4], $0x1000  }
0xa5: {  	[sflag:s4] =	ssyncset.done $0x0  }
0xa6: {  	[sflag:s4] =	ssyncadd.s32 $0xFFFFF000  }
0xa7: {  	_ =	swait.ge [sflag:s4], $0x1000  }
0xa8: {  	[sflag:s4] =	ssyncset.done $0x0  }
0xa9: {  	[sflag:s4] =	ssyncadd.s32 $0xFFFFF000  }
0xaa: {  	_ =	swait.ge [sflag:s13], $0x1000  }
0xab: {  	[sflag:s13] =	ssyncset.done $0x0  }
0xac: {  	[sflag:s13] =	ssyncadd.s32 $0xFFFFF000  }
0xad: {  	_ =	swait.ge [sflag:s13], $0x1000  }
0xae: {  	p1 =	seq.s32 s5, $0x0;
	[sflag:s13] =	ssyncset.done $0x0  }
0xaf: {  	s2 =	simm.s32 @!p1 $0x3;
	[sflag:s13] =	ssyncadd.s32 $0xFFFFF000  }
0xb0: {  	_ =	swait.ge @!p1 [sflag:s2], $0x4000  }
0xb1: {  	[sflag:s2] =	ssyncset.done @!p1 $0x0  }
0xb2: {  	[sflag:s2] =	ssyncadd.s32 @!p1 $0xFFFFC000  }
0xb3: {  	_ =	swait.ge @!p1 [sflag:s2], $0x4000  }
0xb4: {  	[sflag:s2] =	ssyncset.done @!p1 $0x0  }
0xb5: {  	[sflag:s2] =	ssyncadd.s32 @!p1 $0xFFFFC000;
	s2 =	simm.s32 @!p1 $0x4  }
0xb6: {  	_ =	swait.ge @!p1 [sflag:s2], $0x4000  }
0xb7: {  	[sflag:s2] =	ssyncset.done @!p1 $0x0  }
0xb8: {  	[sflag:s2] =	ssyncadd.s32 @!p1 $0xFFFFC000  }
0xb9: {  	_ =	swait.ge @!p1 [sflag:s2], $0x4000  }
0xba: {  	s25 =	sshll.u32 s5, $0x2;
	s8 =	simm.s32 $0x0;
	[sflag:s2] =	ssyncset.done @!p1 $0x0  }
0xbb: {  	s9 =	simm.s32 $0x0;
	[sflag:s2] =	ssyncadd.s32 @!p1 $0xFFFFC000;
	s2 =	simm.s32 $0x3680  }
.LBB2_9:
0xbc: {  	v6 =	vld [tilespmem:s2+$0x0];
	s14 =	sand.u32 $0x1F0, s9  }
0xbd: {  	v7 =	vld [tilespmem:s14+$0x3880]  }
0xbe: {  	v8 =	vld [tilespmem:s14+$0x3A80]  }
0xbf: {  	v9 =	vld [tilespmem:s14+$0x3C80]  }
0xc0: {  	v10 =	vld [tilespmem:s14+$0x3E80]  }
0xc1: {  	v11 =	vld [tilespmem:s14+$0x4080]  }
0xc2: {  	v12 =	vld [tilespmem:s14+$0x4280]  }
0xc3: {  	v13 =	vld [tilespmem:s14+$0x4480]  }
0xc4: {  	v14 =	vld [tilespmem:s14+$0x4680]  }
0xc5: {  	v15 =	vld [tilespmem:s14+$0x4880]  }
0xc6: {  	v16 =	vld [tilespmem:s14+$0x4A80]  }
0xc7: {  	v17 =	vld [tilespmem:s14+$0x4C80]  }
0xc8: {  	v18 =	vld [tilespmem:s14+$0x4E80]  }
0xc9: {  	v19 =	vld [tilespmem:s14+$0x5080]  }
0xca: {  	v20 =	vld [tilespmem:s14+$0x5280]  }
0xcb: {  	v21 =	vld [tilespmem:s14+$0x5480]  }
0xcc: {  	v22 =	vld.idx.msk [tilespmem:v6+s29+$0x0], $0xffff  }
0xcd: {  	v23 =	vld.idx.msk [tilespmem:v7+s29+$0x0], $0xffff  }
0xce: {  	v24 =	vld.idx.msk [tilespmem:v8+s29+$0x0], $0xffff  }
0xcf: {  	v25 =	vld.idx.msk [tilespmem:v9+s29+$0x0], $0xffff  }
0xd0: {  	v26 =	vld.idx.msk [tilespmem:v10+s29+$0x0], $0xffff  }
0xd1: {  	v27 =	vld.idx.msk [tilespmem:v11+s29+$0x0], $0xffff  }
0xd2: {  	v28 =	vld.idx.msk [tilespmem:v12+s29+$0x0], $0xffff  }
0xd3: {  	v29 =	vld.idx.msk [tilespmem:v13+s29+$0x0], $0xffff  }
0xd4: {  	v30 =	vld.idx.msk [tilespmem:v14+s29+$0x0], $0xffff  }
0xd5: {  	v31 =	vld.idx.msk [tilespmem:v15+s29+$0x0], $0xffff  }
0xd6: {  	v32 =	vld.idx.msk [tilespmem:v16+s29+$0x0], $0xffff  }
0xd7: {  	v33 =	vld.idx.msk [tilespmem:v17+s29+$0x0], $0xffff  }
0xd8: {  	v34 =	vld.idx.msk [tilespmem:v18+s29+$0x0], $0xffff  }
0xd9: {  	s10 =	sand.u32 $0x70, s9;
	s18 =	sand.u32 $0xC00, s8;
	v35 =	vld.idx.msk [tilespmem:v19+s29+$0x0], $0xffff  }
0xda: {  	s10 =	sor.u32 s10, s18;
	v36 =	vld.idx.msk [tilespmem:v20+s29+$0x0], $0xffff  }
0xdb: {  	s21 =	sand.u32 $0xFFFFFC00, s8;
	v37 =	vld.idx.msk [tilespmem:v21+s29+$0x0], $0xffff;
	[tilespmem:s10+$0xB680] =	vst v22  }
0xdc: {  	s19 =	sadd.s32 s21, s9;
	[tilespmem:s10+$0xB700] =	vst v23  }
0xdd: {  	s21 =	sor.u32 $0x180, s19;
	[tilespmem:s10+$0xB780] =	vst v24  }
0xde: {  	[tilespmem:s21+$0xB680] =	vst v25  }
0xdf: {  	[tilespmem:s10+$0xB880] =	vst v26  }
0xe0: {  	s20 =	sor.u32 s9, s8;
	[tilespmem:s10+$0xB900] =	vst v27  }
0xe1: {  	s18 =	sor.u32 $0x380, s20;
	[tilespmem:s10+$0xB980] =	vst v28  }
0xe2: {  	[tilespmem:s18+$0xB680] =	vst v29  }
0xe3: {  	[tilespmem:s10+$0xC680] =	vst v30  }
0xe4: {  	[tilespmem:s10+$0xC700] =	vst v31  }
0xe5: {  	s22 =	sor.u32 $0x1180, s19;
	[tilespmem:s10+$0xC780] =	vst v32  }
0xe6: {  	[tilespmem:s22+$0xB680] =	vst v33  }
0xe7: {  	[tilespmem:s10+$0xC880] =	vst v34  }
0xe8: {  	[tilespmem:s10+$0xC900] =	vst v35  }
0xe9: {  	s23 =	sor.u32 $0x1380, s20;
	[tilespmem:s10+$0xC980] =	vst v36  }
0xea: {  	[tilespmem:s23+$0xB680] =	vst v37  }
0xeb: {  	v22 =	vld.idx.msk [tilespmem:v6+s30+$0x0], $0xffff  }
0xec: {  	v23 =	vld.idx.msk [tilespmem:v7+s30+$0x0], $0xffff  }
0xed: {  	v24 =	vld.idx.msk [tilespmem:v8+s30+$0x0], $0xffff  }
0xee: {  	v25 =	vld.idx.msk [tilespmem:v9+s30+$0x0], $0xffff  }
0xef: {  	v26 =	vld.idx.msk [tilespmem:v10+s30+$0x0], $0xffff  }
0xf0: {  	v27 =	vld.idx.msk [tilespmem:v11+s30+$0x0], $0xffff  }
0xf1: {  	v28 =	vld.idx.msk [tilespmem:v12+s30+$0x0], $0xffff  }
0xf2: {  	v29 =	vld.idx.msk [tilespmem:v13+s30+$0x0], $0xffff  }
0xf3: {  	v30 =	vld.idx.msk [tilespmem:v14+s30+$0x0], $0xffff  }
0xf4: {  	v31 =	vld.idx.msk [tilespmem:v15+s30+$0x0], $0xffff  }
0xf5: {  	v32 =	vld.idx.msk [tilespmem:v16+s30+$0x0], $0xffff  }
0xf6: {  	v33 =	vld.idx.msk [tilespmem:v17+s30+$0x0], $0xffff  }
0xf7: {  	v34 =	vld.idx.msk [tilespmem:v18+s30+$0x0], $0xffff  }
0xf8: {  	v35 =	vld.idx.msk [tilespmem:v19+s30+$0x0], $0xffff  }
0xf9: {  	v36 =	vld.idx.msk [tilespmem:v20+s30+$0x0], $0xffff  }
0xfa: {  	v37 =	vld.idx.msk [tilespmem:v21+s30+$0x0], $0xffff;
	[tilespmem:s10+$0xF680] =	vst v22  }
0xfb: {  	[tilespmem:s10+$0xF700] =	vst v23  }
0xfc: {  	[tilespmem:s10+$0xF780] =	vst v24  }
0xfd: {  	[tilespmem:s21+$0xF680] =	vst v25  }
0xfe: {  	[tilespmem:s10+$0xF880] =	vst v26  }
0xff: {  	[tilespmem:s10+$0xF900] =	vst v27  }
0x100: {  	[tilespmem:s10+$0xF980] =	vst v28  }
0x101: {  	[tilespmem:s18+$0xF680] =	vst v29  }
0x102: {  	[tilespmem:s10+$0x10680] =	vst v30  }
0x103: {  	[tilespmem:s10+$0x10700] =	vst v31  }
0x104: {  	[tilespmem:s10+$0x10780] =	vst v32  }
0x105: {  	[tilespmem:s22+$0xF680] =	vst v33  }
0x106: {  	[tilespmem:s10+$0x10880] =	vst v34  }
0x107: {  	[tilespmem:s10+$0x10900] =	vst v35  }
0x108: {  	[tilespmem:s10+$0x10980] =	vst v36  }
0x109: {  	[tilespmem:s23+$0xF680] =	vst v37  }
0x10a: {  	v22 =	vld.idx.msk [tilespmem:v6+s31+$0x0], $0xffff  }
0x10b: {  	v23 =	vld.idx.msk [tilespmem:v7+s31+$0x0], $0xffff  }
0x10c: {  	v24 =	vld.idx.msk [tilespmem:v8+s31+$0x0], $0xffff  }
0x10d: {  	v25 =	vld.idx.msk [tilespmem:v9+s31+$0x0], $0xffff  }
0x10e: {  	v26 =	vld.idx.msk [tilespmem:v10+s31+$0x0], $0xffff  }
0x10f: {  	v27 =	vld.idx.msk [tilespmem:v11+s31+$0x0], $0xffff  }
0x110: {  	v28 =	vld.idx.msk [tilespmem:v12+s31+$0x0], $0xffff  }
0x111: {  	v29 =	vld.idx.msk [tilespmem:v13+s31+$0x0], $0xffff  }
0x112: {  	v30 =	vld.idx.msk [tilespmem:v14+s31+$0x0], $0xffff  }
0x113: {  	v31 =	vld.idx.msk [tilespmem:v15+s31+$0x0], $0xffff  }
0x114: {  	v32 =	vld.idx.msk [tilespmem:v16+s31+$0x0], $0xffff  }
0x115: {  	v33 =	vld.idx.msk [tilespmem:v17+s31+$0x0], $0xffff  }
0x116: {  	v34 =	vld.idx.msk [tilespmem:v18+s31+$0x0], $0xffff  }
0x117: {  	v35 =	vld.idx.msk [tilespmem:v19+s31+$0x0], $0xffff  }
0x118: {  	v36 =	vld.idx.msk [tilespmem:v20+s31+$0x0], $0xffff  }
0x119: {  	v37 =	vld.idx.msk [tilespmem:v21+s31+$0x0], $0xffff;
	[tilespmem:s10+$0x13680] =	vst v22  }
0x11a: {  	[tilespmem:s10+$0x13700] =	vst v23  }
0x11b: {  	[tilespmem:s10+$0x13780] =	vst v24  }
0x11c: {  	[tilespmem:s21+$0x13680] =	vst v25  }
0x11d: {  	[tilespmem:s10+$0x13880] =	vst v26  }
0x11e: {  	[tilespmem:s10+$0x13900] =	vst v27  }
0x11f: {  	[tilespmem:s10+$0x13980] =	vst v28  }
0x120: {  	[tilespmem:s18+$0x13680] =	vst v29  }
0x121: {  	[tilespmem:s10+$0x14680] =	vst v30  }
0x122: {  	[tilespmem:s10+$0x14700] =	vst v31  }
0x123: {  	[tilespmem:s10+$0x14780] =	vst v32  }
0x124: {  	[tilespmem:s22+$0x13680] =	vst v33  }
0x125: {  	[tilespmem:s10+$0x14880] =	vst v34  }
0x126: {  	[tilespmem:s10+$0x14900] =	vst v35  }
0x127: {  	[tilespmem:s10+$0x14980] =	vst v36  }
0x128: {  	[tilespmem:s23+$0x13680] =	vst v37  }
0x129: {  	v6 =	vld.idx.msk [tilespmem:v6+s0+$0x0], $0xffff  }
0x12a: {  	v7 =	vld.idx.msk [tilespmem:v7+s0+$0x0], $0xffff  }
0x12b: {  	v8 =	vld.idx.msk [tilespmem:v8+s0+$0x0], $0xffff  }
0x12c: {  	v9 =	vld.idx.msk [tilespmem:v9+s0+$0x0], $0xffff  }
0x12d: {  	v10 =	vld.idx.msk [tilespmem:v10+s0+$0x0], $0xffff  }
0x12e: {  	v11 =	vld.idx.msk [tilespmem:v11+s0+$0x0], $0xffff  }
0x12f: {  	v12 =	vld.idx.msk [tilespmem:v12+s0+$0x0], $0xffff  }
0x130: {  	v13 =	vld.idx.msk [tilespmem:v13+s0+$0x0], $0xffff  }
0x131: {  	v14 =	vld.idx.msk [tilespmem:v14+s0+$0x0], $0xffff  }
0x132: {  	v15 =	vld.idx.msk [tilespmem:v15+s0+$0x0], $0xffff  }
0x133: {  	v16 =	vld.idx.msk [tilespmem:v16+s0+$0x0], $0xffff  }
0x134: {  	v17 =	vld.idx.msk [tilespmem:v17+s0+$0x0], $0xffff  }
0x135: {  	v18 =	vld.idx.msk [tilespmem:v18+s0+$0x0], $0xffff  }
0x136: {  	v19 =	vld.idx.msk [tilespmem:v19+s0+$0x0], $0xffff  }
0x137: {  	v20 =	vld.idx.msk [tilespmem:v20+s0+$0x0], $0xffff  }
0x138: {  	v21 =	vld.idx.msk [tilespmem:v21+s0+$0x0], $0xffff;
	[tilespmem:s10+$0x17680] =	vst v6  }
0x139: {  	[tilespmem:s10+$0x17700] =	vst v7  }
0x13a: {  	[tilespmem:s10+$0x17780] =	vst v8  }
0x13b: {  	[tilespmem:s21+$0x17680] =	vst v9  }
0x13c: {  	[tilespmem:s10+$0x17880] =	vst v10  }
0x13d: {  	[tilespmem:s10+$0x17900] =	vst v11  }
0x13e: {  	[tilespmem:s10+$0x17980] =	vst v12  }
0x13f: {  	[tilespmem:s18+$0x17680] =	vst v13  }
0x140: {  	[tilespmem:s10+$0x18680] =	vst v14  }
0x141: {  	[tilespmem:s10+$0x18700] =	vst v15  }
0x142: {  	[tilespmem:s10+$0x18780] =	vst v16  }
0x143: {  	[tilespmem:s22+$0x17680] =	vst v17  }
0x144: {  	[tilespmem:s10+$0x18880] =	vst v18  }
0x145: {  	[tilespmem:s10+$0x18900] =	vst v19  }
0x146: {  	[tilespmem:s10+$0x18980] =	vst v20  }
0x147: {  	[tilespmem:s23+$0x17680] =	vst v21  }
0x148: {  	v6 =	vld [tilespmem:s14+$0x5680]  }
0x149: {  	v7 =	vld [tilespmem:s14+$0x5880]  }
0x14a: {  	v8 =	vld [tilespmem:s14+$0x5A80]  }
0x14b: {  	v9 =	vld [tilespmem:s14+$0x5C80]  }
0x14c: {  	v10 =	vld [tilespmem:s14+$0x5E80]  }
0x14d: {  	v11 =	vld [tilespmem:s14+$0x6080]  }
0x14e: {  	v12 =	vld [tilespmem:s14+$0x6280]  }
0x14f: {  	v13 =	vld [tilespmem:s14+$0x6480]  }
0x150: {  	v14 =	vld [tilespmem:s14+$0x6680]  }
0x151: {  	v15 =	vld [tilespmem:s14+$0x6880]  }
0x152: {  	v16 =	vld [tilespmem:s14+$0x6A80]  }
0x153: {  	v17 =	vld [tilespmem:s14+$0x6C80]  }
0x154: {  	v18 =	vld [tilespmem:s14+$0x6E80]  }
0x155: {  	v19 =	vld [tilespmem:s14+$0x7080]  }
0x156: {  	v20 =	vld [tilespmem:s14+$0x7280]  }
0x157: {  	v21 =	vld [tilespmem:s14+$0x7480]  }
0x158: {  	v22 =	vld.idx.msk [tilespmem:v6+s29+$0x0], $0xffff  }
0x159: {  	v23 =	vld.idx.msk [tilespmem:v7+s29+$0x0], $0xffff  }
0x15a: {  	v24 =	vld.idx.msk [tilespmem:v8+s29+$0x0], $0xffff  }
0x15b: {  	v25 =	vld.idx.msk [tilespmem:v9+s29+$0x0], $0xffff  }
0x15c: {  	v26 =	vld.idx.msk [tilespmem:v10+s29+$0x0], $0xffff  }
0x15d: {  	v27 =	vld.idx.msk [tilespmem:v11+s29+$0x0], $0xffff  }
0x15e: {  	v28 =	vld.idx.msk [tilespmem:v12+s29+$0x0], $0xffff  }
0x15f: {  	v29 =	vld.idx.msk [tilespmem:v13+s29+$0x0], $0xffff  }
0x160: {  	v30 =	vld.idx.msk [tilespmem:v14+s29+$0x0], $0xffff  }
0x161: {  	v31 =	vld.idx.msk [tilespmem:v15+s29+$0x0], $0xffff  }
0x162: {  	v32 =	vld.idx.msk [tilespmem:v16+s29+$0x0], $0xffff  }
0x163: {  	v33 =	vld.idx.msk [tilespmem:v17+s29+$0x0], $0xffff  }
0x164: {  	v34 =	vld.idx.msk [tilespmem:v18+s29+$0x0], $0xffff  }
0x165: {  	v35 =	vld.idx.msk [tilespmem:v19+s29+$0x0], $0xffff  }
0x166: {  	v36 =	vld.idx.msk [tilespmem:v20+s29+$0x0], $0xffff  }
0x167: {  	v37 =	vld.idx.msk [tilespmem:v21+s29+$0x0], $0xffff;
	[tilespmem:s10+$0xD680] =	vst v22  }
0x168: {  	[tilespmem:s10+$0xD700] =	vst v23  }
0x169: {  	s22 =	sor.u32 $0x2180, s19;
	[tilespmem:s10+$0xD780] =	vst v24  }
0x16a: {  	[tilespmem:s22+$0xB680] =	vst v25  }
0x16b: {  	[tilespmem:s10+$0xD880] =	vst v26  }
0x16c: {  	[tilespmem:s10+$0xD900] =	vst v27  }
0x16d: {  	s23 =	sor.u32 $0x2380, s20;
	[tilespmem:s10+$0xD980] =	vst v28  }
0x16e: {  	[tilespmem:s23+$0xB680] =	vst v29  }
0x16f: {  	[tilespmem:s10+$0xE680] =	vst v30  }
0x170: {  	[tilespmem:s10+$0xE700] =	vst v31  }
0x171: {  	s19 =	sor.u32 $0x3180, s19;
	[tilespmem:s10+$0xE780] =	vst v32  }
0x172: {  	[tilespmem:s19+$0xB680] =	vst v33  }
0x173: {  	[tilespmem:s10+$0xE880] =	vst v34  }
0x174: {  	[tilespmem:s10+$0xE900] =	vst v35  }
0x175: {  	s20 =	sor.u32 $0x3380, s20;
	[tilespmem:s10+$0xE980] =	vst v36  }
0x176: {  	[tilespmem:s20+$0xB680] =	vst v37  }
0x177: {  	v22 =	vld.idx.msk [tilespmem:v6+s30+$0x0], $0xffff  }
0x178: {  	v23 =	vld.idx.msk [tilespmem:v7+s30+$0x0], $0xffff  }
0x179: {  	v24 =	vld.idx.msk [tilespmem:v8+s30+$0x0], $0xffff  }
0x17a: {  	v25 =	vld.idx.msk [tilespmem:v9+s30+$0x0], $0xffff  }
0x17b: {  	v26 =	vld.idx.msk [tilespmem:v10+s30+$0x0], $0xffff  }
0x17c: {  	v27 =	vld.idx.msk [tilespmem:v11+s30+$0x0], $0xffff  }
0x17d: {  	v28 =	vld.idx.msk [tilespmem:v12+s30+$0x0], $0xffff  }
0x17e: {  	v29 =	vld.idx.msk [tilespmem:v13+s30+$0x0], $0xffff  }
0x17f: {  	v30 =	vld.idx.msk [tilespmem:v14+s30+$0x0], $0xffff  }
0x180: {  	v31 =	vld.idx.msk [tilespmem:v15+s30+$0x0], $0xffff  }
0x181: {  	v32 =	vld.idx.msk [tilespmem:v16+s30+$0x0], $0xffff  }
0x182: {  	v33 =	vld.idx.msk [tilespmem:v17+s30+$0x0], $0xffff  }
0x183: {  	v34 =	vld.idx.msk [tilespmem:v18+s30+$0x0], $0xffff  }
0x184: {  	v35 =	vld.idx.msk [tilespmem:v19+s30+$0x0], $0xffff  }
0x185: {  	v36 =	vld.idx.msk [tilespmem:v20+s30+$0x0], $0xffff  }
0x186: {  	v37 =	vld.idx.msk [tilespmem:v21+s30+$0x0], $0xffff;
	[tilespmem:s10+$0x11680] =	vst v22  }
0x187: {  	[tilespmem:s10+$0x11700] =	vst v23  }
0x188: {  	[tilespmem:s10+$0x11780] =	vst v24  }
0x189: {  	[tilespmem:s22+$0xF680] =	vst v25  }
0x18a: {  	[tilespmem:s10+$0x11880] =	vst v26  }
0x18b: {  	[tilespmem:s10+$0x11900] =	vst v27  }
0x18c: {  	[tilespmem:s10+$0x11980] =	vst v28  }
0x18d: {  	[tilespmem:s23+$0xF680] =	vst v29  }
0x18e: {  	[tilespmem:s10+$0x12680] =	vst v30  }
0x18f: {  	[tilespmem:s10+$0x12700] =	vst v31  }
0x190: {  	[tilespmem:s10+$0x12780] =	vst v32  }
0x191: {  	[tilespmem:s19+$0xF680] =	vst v33  }
0x192: {  	[tilespmem:s10+$0x12880] =	vst v34  }
0x193: {  	[tilespmem:s10+$0x12900] =	vst v35  }
0x194: {  	[tilespmem:s10+$0x12980] =	vst v36  }
0x195: {  	[tilespmem:s20+$0xF680] =	vst v37  }
0x196: {  	v22 =	vld.idx.msk [tilespmem:v6+s31+$0x0], $0xffff  }
0x197: {  	v23 =	vld.idx.msk [tilespmem:v7+s31+$0x0], $0xffff  }
0x198: {  	v24 =	vld.idx.msk [tilespmem:v8+s31+$0x0], $0xffff  }
0x199: {  	v25 =	vld.idx.msk [tilespmem:v9+s31+$0x0], $0xffff  }
0x19a: {  	v26 =	vld.idx.msk [tilespmem:v10+s31+$0x0], $0xffff  }
0x19b: {  	v27 =	vld.idx.msk [tilespmem:v11+s31+$0x0], $0xffff  }
0x19c: {  	v28 =	vld.idx.msk [tilespmem:v12+s31+$0x0], $0xffff  }
0x19d: {  	v29 =	vld.idx.msk [tilespmem:v13+s31+$0x0], $0xffff  }
0x19e: {  	v30 =	vld.idx.msk [tilespmem:v14+s31+$0x0], $0xffff  }
0x19f: {  	v31 =	vld.idx.msk [tilespmem:v15+s31+$0x0], $0xffff  }
0x1a0: {  	v32 =	vld.idx.msk [tilespmem:v16+s31+$0x0], $0xffff  }
0x1a1: {  	v33 =	vld.idx.msk [tilespmem:v17+s31+$0x0], $0xffff  }
0x1a2: {  	v34 =	vld.idx.msk [tilespmem:v18+s31+$0x0], $0xffff  }
0x1a3: {  	v35 =	vld.idx.msk [tilespmem:v19+s31+$0x0], $0xffff  }
0x1a4: {  	v36 =	vld.idx.msk [tilespmem:v20+s31+$0x0], $0xffff  }
0x1a5: {  	v37 =	vld.idx.msk [tilespmem:v21+s31+$0x0], $0xffff;
	[tilespmem:s10+$0x15680] =	vst v22  }
0x1a6: {  	[tilespmem:s10+$0x15700] =	vst v23  }
0x1a7: {  	[tilespmem:s10+$0x15780] =	vst v24  }
0x1a8: {  	[tilespmem:s22+$0x13680] =	vst v25  }
0x1a9: {  	[tilespmem:s10+$0x15880] =	vst v26  }
0x1aa: {  	[tilespmem:s10+$0x15900] =	vst v27  }
0x1ab: {  	[tilespmem:s10+$0x15980] =	vst v28  }
0x1ac: {  	[tilespmem:s23+$0x13680] =	vst v29  }
0x1ad: {  	[tilespmem:s10+$0x16680] =	vst v30  }
0x1ae: {  	[tilespmem:s10+$0x16700] =	vst v31  }
0x1af: {  	[tilespmem:s10+$0x16780] =	vst v32  }
0x1b0: {  	[tilespmem:s19+$0x13680] =	vst v33  }
0x1b1: {  	[tilespmem:s10+$0x16880] =	vst v34  }
0x1b2: {  	[tilespmem:s10+$0x16900] =	vst v35  }
0x1b3: {  	[tilespmem:s10+$0x16980] =	vst v36  }
0x1b4: {  	[tilespmem:s20+$0x13680] =	vst v37  }
0x1b5: {  	v6 =	vld.idx.msk [tilespmem:v6+s0+$0x0], $0xffff  }
0x1b6: {  	v7 =	vld.idx.msk [tilespmem:v7+s0+$0x0], $0xffff  }
0x1b7: {  	v8 =	vld.idx.msk [tilespmem:v8+s0+$0x0], $0xffff  }
0x1b8: {  	v9 =	vld.idx.msk [tilespmem:v9+s0+$0x0], $0xffff  }
0x1b9: {  	v10 =	vld.idx.msk [tilespmem:v10+s0+$0x0], $0xffff  }
0x1ba: {  	v11 =	vld.idx.msk [tilespmem:v11+s0+$0x0], $0xffff  }
0x1bb: {  	v12 =	vld.idx.msk [tilespmem:v12+s0+$0x0], $0xffff  }
0x1bc: {  	v13 =	vld.idx.msk [tilespmem:v13+s0+$0x0], $0xffff  }
0x1bd: {  	v14 =	vld.idx.msk [tilespmem:v14+s0+$0x0], $0xffff  }
0x1be: {  	v15 =	vld.idx.msk [tilespmem:v15+s0+$0x0], $0xffff  }
0x1bf: {  	v16 =	vld.idx.msk [tilespmem:v16+s0+$0x0], $0xffff  }
0x1c0: {  	v17 =	vld.idx.msk [tilespmem:v17+s0+$0x0], $0xffff  }
0x1c1: {  	v18 =	vld.idx.msk [tilespmem:v18+s0+$0x0], $0xffff  }
0x1c2: {  	v19 =	vld.idx.msk [tilespmem:v19+s0+$0x0], $0xffff  }
0x1c3: {  	v20 =	vld.idx.msk [tilespmem:v20+s0+$0x0], $0xffff  }
0x1c4: {  	v21 =	vld.idx.msk [tilespmem:v21+s0+$0x0], $0xffff;
	[tilespmem:s10+$0x19680] =	vst v6  }
0x1c5: {  	[tilespmem:s10+$0x19700] =	vst v7  }
0x1c6: {  	[tilespmem:s10+$0x19780] =	vst v8  }
0x1c7: {  	[tilespmem:s22+$0x17680] =	vst v9  }
0x1c8: {  	[tilespmem:s10+$0x19880] =	vst v10  }
0x1c9: {  	[tilespmem:s10+$0x19900] =	vst v11  }
0x1ca: {  	[tilespmem:s10+$0x19980] =	vst v12  }
0x1cb: {  	[tilespmem:s23+$0x17680] =	vst v13  }
0x1cc: {  	[tilespmem:s10+$0x1A680] =	vst v14  }
0x1cd: {  	[tilespmem:s10+$0x1A700] =	vst v15  }
0x1ce: {  	p1 =	sne.s32 s9, $0x1F0;
	[tilespmem:s10+$0x1A780] =	vst v16  }
.Ltmp5:
0x1cf: {  	[tilespmem:s19+$0x17680] =	vst v17;
	(pc) =	sbr.rel @p1 .LBB2_9-.Ltmp5, $4  }
0x1d0: {  	[tilespmem:s10+$0x1A880] =	vst v18  }
0x1d1: {  	[tilespmem:s10+$0x1A900] =	vst v19  }
0x1d2: {  	[tilespmem:s10+$0x1A980] =	vst v20  }
0x1d3: {  	s8 =	sadd.s32 $0x80, s8;
	s2 =	sadd.s32 $0x10, s2;
	s9 =	sadd.s32 $0x10, s9;
	[tilespmem:s20+$0x17680] =	vst v21  }
0x1d4: {  	s2 =	sshll.u32 s5, $0x11  }
0x1d5: {  	s8 =	sadd.s32 s15, s2  }
0x1d6: {  	s8 =	sshrl.u32 s8, $0x3  }
0x1d7: {  	s9 =	simm.s32 $0xB680;
	s19 =	sadd.s32 s2, s17;
	s8 =	sadd.s32 s8, s16  }
0x1d8: {  	[hbm4b:s8+s6] =	stream.strided.scatter [tilespmem:s9], [sflag:$0x3], $0x4000, s7, s6, $0x38;
	[tilespmem:$0x1B680] =	vst v63  }
0x1d9: {  	s20 =	simm.s32 $0xF680;
	s8 =	sshrl.u32 s19, $0x3  }
0x1da: {  	p1 =	seq.s32 s5, $0x1F;
	s21 =	sadd.s32 s2, s26;
	s8 =	sadd.s32 s8, s16  }
0x1db: {  	[hbm4b:s8+s6] =	stream.strided.scatter [tilespmem:s20], [sflag:$0x3], $0x4000, s7, s6, $0x38;
	[tilespmem:$0x1B680] =	vst v63  }
.Ltmp6:
0x1dc: {  	s2 =	sadd.s32 s2, s28;
	s8 =	sshrl.u32 s21, $0x3;
	(pc) =	sbr.rel @p1 .LBB2_12-.Ltmp6, $4  }
0x1dd: {  	s22 =	simm.s32 $0x13680;
	s2 =	sshrl.u32 s2, $0x3;
	s8 =	sadd.s32 s8, s16  }
0x1de: {  	[hbm4b:s8+s6] =	stream.strided.scatter [tilespmem:s22], [sflag:$0x4], $0x4000, s7, s6, $0x38;
	[tilespmem:$0x1B680] =	vst v63  }
0x1df: {  	s23 =	simm.s32 $0x17680;
	s2 =	sadd.s32 s2, s16  }
0x1e0: {  	[hbm4b:s2+s6] =	stream.strided.scatter [tilespmem:s23], [sflag:$0x4], $0x4000, s7, s6, $0x38;
	[tilespmem:$0x1B680] =	vst v63  }
0x1e1: {  	s2 =	rddreg [dreg:$0xd]  }
0x1e2: {  	s2 =	sadd.s32 s25, s2  }
0x1e3: {  	s2 =	sshll.u32 s2, $0x9  }
0x1e4: {  	s2 =	sand.u32 $0x1FFFF800, s2  }
0x1e5: {  	s22 =	rddreg [dreg:$0x11];
	s2 =	sadd.s32 s3, s2  }
0x1e6: {  	[tilespmem:s29], [sflag:$0x1] =	stream.linear.gather [hbm4b:s2+s1], $0x1000, $0x38;
	[tilespmem:$0x1B680] =	vst v63  }
0x1e7: {  	s2 =	sadd.s32 s25, s22  }
0x1e8: {  	s2 =	sshll.u32 s2, $0x9  }
0x1e9: {  	s2 =	sand.u32 $0x1FFFFA00, s2  }
0x1ea: {  	s23 =	rddreg [dreg:$0x12];
	s2 =	sadd.s32 s3, s2  }
0x1eb: {  	[tilespmem:s30], [sflag:$0x1] =	stream.linear.gather [hbm4b:s2+s1], $0x1000, $0x38;
	[tilespmem:$0x1B680] =	vst v63  }
0x1ec: {  	s2 =	sadd.s32 s25, s23  }
0x1ed: {  	s2 =	sshll.u32 s2, $0x9  }
0x1ee: {  	s2 =	sand.u32 $0x1FFFFC00, s2  }
0x1ef: {  	s2 =	sadd.s32 s3, s2  }
0x1f0: {  	[tilespmem:s31], [sflag:$0x2] =	stream.linear.gather [hbm4b:s2+s1], $0x1000, $0x38;
	[tilespmem:$0x1B680] =	vst v63  }
.Ltmp7:
0x1f1: {  	s25 =	sadd.s32 s25, s24;
	(pc) =	sbr.rel .LBB2_8-.Ltmp7, $4  }
0x1f2: {  	s2 =	sshll.u32 s25, $0x9  }
0x1f3: {  	s2 =	sand.u32 $0x1FFFFE00, s2  }
0x1f4: {  	s5 =	sadd.s32 $0x1, s5;
	s2 =	sadd.s32 s3, s2  }
0x1f5: {  	[tilespmem:s0], [sflag:$0x2] =	stream.linear.gather [hbm4b:s2+s1], $0x1000, $0x38;
	[tilespmem:$0x1B680] =	vst v63  }
.LBB2_12:
0x1f6: {  	s2 =	simm.s32 $0x3  }
0x1f7: {  	_ =	swait.ge [sflag:s2], $0x4000  }
0x1f8: {  	[sflag:s2] =	ssyncset.done $0x0  }
0x1f9: {  	[sflag:s2] =	ssyncadd.s32 $0xFFFFC000  }
0x1fa: {  	_ =	swait.ge [sflag:s2], $0x4000  }
0x1fb: {  	[sflag:s2] =	ssyncset.done $0x0  }
0x1fc: {  	s25 =	simm.s32 $0x4;
	[sflag:s2] =	ssyncadd.s32 $0xFFFFC000  }
0x1fd: {  	_ =	swait.ge [sflag:s25], $0x4000  }
0x1fe: {  	[sflag:s25] =	ssyncset.done $0x0  }
0x1ff: {  	s5 =	simm.s32 $0x0;
	[sflag:s25] =	ssyncadd.s32 $0xFFFFC000  }
0x200: {  	s8 =	simm.s32 $0x3200;
	s9 =	simm.s32 $0x3400;
	_ =	swait.ge [sflag:s25], $0x4000  }
0x201: {  	s10 =	simm.s32 $0x3680;
	s23 =	simm.s32 $0x3400;
	[sflag:s25] =	ssyncset.done $0x0  }
0x202: {  	s2 =	simm.s32 $0x0;
	[sflag:s25] =	ssyncadd.s32 $0xFFFFC000;
	s25 =	simm.s32 $0x3000  }
.LBB2_13:
0x203: {  	v8 =	vld [tilespmem:s25+$0x0]  }
0x204: {  	v7 =	vld [tilespmem:s8+$0x0]  }
0x205: {  	v6 =	vld [tilespmem:s9+$0x0]  }
0x206: {  	v9 =	vld [tilespmem:s10+$0x0];
	s14 =	sand.u32 $0x1F0, s2  }
0x207: {  	v10 =	vld [tilespmem:s14+$0x3880]  }
0x208: {  	v11 =	vld [tilespmem:s14+$0x3A80]  }
0x209: {  	v12 =	vld [tilespmem:s14+$0x3C80]  }
0x20a: {  	v13 =	vld [tilespmem:s14+$0x3E80]  }
0x20b: {  	v14 =	vld [tilespmem:s14+$0x4080]  }
0x20c: {  	v15 =	vld [tilespmem:s14+$0x4280]  }
0x20d: {  	v16 =	vld [tilespmem:s14+$0x4480]  }
0x20e: {  	v17 =	vld.idx.msk [tilespmem:v9+s1+$0x0], $0xffff  }
0x20f: {  	v18 =	vld.idx.msk [tilespmem:v10+s1+$0x0], $0xffff  }
0x210: {  	v19 =	vld.idx.msk [tilespmem:v11+s1+$0x0], $0xffff  }
0x211: {  	v20 =	vld.idx.msk [tilespmem:v12+s1+$0x0], $0xffff  }
0x212: {  	v21 =	vld.idx.msk [tilespmem:v13+s1+$0x0], $0xffff  }
0x213: {  	s18 =	sand.u32 $0x70, s2;
	s19 =	sand.u32 $0xC00, s5;
	v22 =	vld.idx.msk [tilespmem:v14+s1+$0x0], $0xffff;
	v17 =	vsub.f32 v17, v8  }
0x214: {  	s21 =	sor.u32 s18, s19;
	v23 =	vld.idx.msk [tilespmem:v15+s1+$0x0], $0xffff;
	v18 =	vsub.f32 v18, v8  }
0x215: {  	s22 =	sand.u32 $0xFFFFFC00, s5;
	v24 =	vld.idx.msk [tilespmem:v16+s1+$0x0], $0xffff;
	v19 =	vsub.f32 v19, v8;
	[tilespmem:s21+$0xB680] =	vst v17  }
0x216: {  	s19 =	sadd.s32 s22, s2;
	v33 =	vsub.f32 v20, v8;
	[tilespmem:s21+$0xB700] =	vst v18  }
0x217: {  	s18 =	sor.u32 $0x180, s19;
	v34 =	vsub.f32 v21, v8;
	[tilespmem:s21+$0xB780] =	vst v19  }
0x218: {  	v35 =	vsub.f32 v22, v8;
	[tilespmem:s18+$0xB680] =	vst v33  }
0x219: {  	v36 =	vsub.f32 v23, v8;
	[tilespmem:s21+$0xB880] =	vst v34  }
0x21a: {  	s20 =	sor.u32 s2, s5;
	v37 =	vsub.f32 v24, v8;
	[tilespmem:s21+$0xB900] =	vst v35  }
0x21b: {  	s22 =	sor.u32 $0x380, s20;
	[tilespmem:s21+$0xB980] =	vst v36  }
0x21c: {  	[tilespmem:s22+$0xB680] =	vst v37  }
0x21d: {  	v17 =	vld.idx.msk [tilespmem:v9+s6+$0x0], $0xffff  }
0x21e: {  	v18 =	vld.idx.msk [tilespmem:v10+s6+$0x0], $0xffff  }
0x21f: {  	v19 =	vld.idx.msk [tilespmem:v11+s6+$0x0], $0xffff  }
0x220: {  	v38 =	vld.idx.msk [tilespmem:v12+s6+$0x0], $0xffff  }
0x221: {  	v39 =	vld.idx.msk [tilespmem:v13+s6+$0x0], $0xffff  }
0x222: {  	v40 =	vld.idx.msk [tilespmem:v14+s6+$0x0], $0xffff;
	v17 =	vsub.f32 v17, v7  }
0x223: {  	v41 =	vld.idx.msk [tilespmem:v15+s6+$0x0], $0xffff;
	v18 =	vsub.f32 v18, v7  }
0x224: {  	v42 =	vld.idx.msk [tilespmem:v16+s6+$0x0], $0xffff;
	v19 =	vsub.f32 v19, v7;
	[tilespmem:s21+$0xF680] =	vst v17  }
0x225: {  	v43 =	vsub.f32 v38, v7;
	[tilespmem:s21+$0xF700] =	vst v18  }
0x226: {  	v44 =	vsub.f32 v39, v7;
	[tilespmem:s21+$0xF780] =	vst v19  }
0x227: {  	v45 =	vsub.f32 v40, v7;
	[tilespmem:s18+$0xF680] =	vst v43  }
0x228: {  	v46 =	vsub.f32 v41, v7;
	[tilespmem:s21+$0xF880] =	vst v44  }
0x229: {  	v47 =	vsub.f32 v42, v7;
	[tilespmem:s21+$0xF900] =	vst v45  }
0x22a: {  	[tilespmem:s21+$0xF980] =	vst v46  }
0x22b: {  	[tilespmem:s22+$0xF680] =	vst v47  }
0x22c: {  	v9 =	vld.idx.msk [tilespmem:v9+s7+$0x0], $0xffff  }
0x22d: {  	v10 =	vld.idx.msk [tilespmem:v10+s7+$0x0], $0xffff  }
0x22e: {  	v11 =	vld.idx.msk [tilespmem:v11+s7+$0x0], $0xffff  }
0x22f: {  	v12 =	vld.idx.msk [tilespmem:v12+s7+$0x0], $0xffff  }
0x230: {  	v13 =	vld.idx.msk [tilespmem:v13+s7+$0x0], $0xffff  }
0x231: {  	v14 =	vld.idx.msk [tilespmem:v14+s7+$0x0], $0xffff;
	v9 =	vsub.f32 v9, v6  }
0x232: {  	v15 =	vld.idx.msk [tilespmem:v15+s7+$0x0], $0xffff;
	v10 =	vsub.f32 v10, v6  }
0x233: {  	v16 =	vld.idx.msk [tilespmem:v16+s7+$0x0], $0xffff;
	v11 =	vsub.f32 v11, v6;
	[tilespmem:s21+$0x13680] =	vst v9  }
0x234: {  	v48 =	vsub.f32 v12, v6;
	[tilespmem:s21+$0x13700] =	vst v10  }
0x235: {  	v49 =	vsub.f32 v13, v6;
	[tilespmem:s21+$0x13780] =	vst v11  }
0x236: {  	v50 =	vsub.f32 v14, v6;
	[tilespmem:s18+$0x13680] =	vst v48  }
0x237: {  	v51 =	vsub.f32 v15, v6;
	[tilespmem:s21+$0x13880] =	vst v49  }
0x238: {  	v52 =	vsub.f32 v16, v6;
	[tilespmem:s21+$0x13900] =	vst v50  }
0x239: {  	[tilespmem:s21+$0x13980] =	vst v51  }
0x23a: {  	[tilespmem:s22+$0x13680] =	vst v52  }
0x23b: {  	v9 =	vld [tilespmem:s14+$0x4680]  }
0x23c: {  	v10 =	vld [tilespmem:s14+$0x4880]  }
0x23d: {  	v11 =	vld [tilespmem:s14+$0x4A80]  }
0x23e: {  	v53 =	vld [tilespmem:s14+$0x4C80]  }
0x23f: {  	v54 =	vld [tilespmem:s14+$0x4E80]  }
0x240: {  	v55 =	vld [tilespmem:s14+$0x5080]  }
0x241: {  	v56 =	vld [tilespmem:s14+$0x5280]  }
0x242: {  	v57 =	vld [tilespmem:s14+$0x5480]  }
0x243: {  	v17 =	vld.idx.msk [tilespmem:v9+s1+$0x0], $0xffff  }
0x244: {  	v18 =	vld.idx.msk [tilespmem:v10+s1+$0x0], $0xffff  }
0x245: {  	v19 =	vld.idx.msk [tilespmem:v11+s1+$0x0], $0xffff  }
0x246: {  	v58 =	vld.idx.msk [tilespmem:v53+s1+$0x0], $0xffff  }
0x247: {  	v59 =	vld.idx.msk [tilespmem:v54+s1+$0x0], $0xffff  }
0x248: {  	v60 =	vld.idx.msk [tilespmem:v55+s1+$0x0], $0xffff;
	v17 =	vsub.f32 v17, v8  }
0x249: {  	v61 =	vld.idx.msk [tilespmem:v56+s1+$0x0], $0xffff;
	v18 =	vsub.f32 v18, v8  }
0x24a: {  	v62 =	vld.idx.msk [tilespmem:v57+s1+$0x0], $0xffff;
	v19 =	vsub.f32 v19, v8;
	[tilespmem:s21+$0xC680] =	vst v17  }
0x24b: {  	v63 =	vsub.f32 v58, v8;
	[tilespmem:s21+$0xC700] =	vst v18  }
0x24c: {  	s18 =	sor.u32 $0x1180, s19;
	v21 =	vsub.f32 v59, v8;
	[tilespmem:s21+$0xC780] =	vst v19  }
0x24d: {  	v25 =	vsub.f32 v60, v8;
	[tilespmem:s18+$0xB680] =	vst v63  }
0x24e: {  	v26 =	vsub.f32 v61, v8;
	[tilespmem:s21+$0xC880] =	vst v21  }
0x24f: {  	v27 =	vsub.f32 v62, v8;
	[tilespmem:s21+$0xC900] =	vst v25  }
0x250: {  	s22 =	sor.u32 $0x1380, s20;
	[tilespmem:s21+$0xC980] =	vst v26  }
0x251: {  	[tilespmem:s22+$0xB680] =	vst v27  }
0x252: {  	v17 =	vld.idx.msk [tilespmem:v9+s6+$0x0], $0xffff  }
0x253: {  	v18 =	vld.idx.msk [tilespmem:v10+s6+$0x0], $0xffff  }
0x254: {  	v19 =	vld.idx.msk [tilespmem:v11+s6+$0x0], $0xffff  }
0x255: {  	v28 =	vld.idx.msk [tilespmem:v53+s6+$0x0], $0xffff  }
0x256: {  	v29 =	vld.idx.msk [tilespmem:v54+s6+$0x0], $0xffff  }
0x257: {  	v30 =	vld.idx.msk [tilespmem:v55+s6+$0x0], $0xffff;
	v17 =	vsub.f32 v17, v7  }
0x258: {  	v31 =	vld.idx.msk [tilespmem:v56+s6+$0x0], $0xffff;
	v18 =	vsub.f32 v18, v7  }
0x259: {  	v32 =	vld.idx.msk [tilespmem:v57+s6+$0x0], $0xffff;
	v19 =	vsub.f32 v19, v7;
	[tilespmem:s21+$0x10680] =	vst v17  }
0x25a: {  	v33 =	vsub.f32 v28, v7;
	[tilespmem:s21+$0x10700] =	vst v18  }
0x25b: {  	v34 =	vsub.f32 v29, v7;
	[tilespmem:s21+$0x10780] =	vst v19  }
0x25c: {  	v35 =	vsub.f32 v30, v7;
	[tilespmem:s18+$0xF680] =	vst v33  }
0x25d: {  	v36 =	vsub.f32 v31, v7;
	[tilespmem:s21+$0x10880] =	vst v34  }
0x25e: {  	v37 =	vsub.f32 v32, v7;
	[tilespmem:s21+$0x10900] =	vst v35  }
0x25f: {  	[tilespmem:s21+$0x10980] =	vst v36  }
0x260: {  	[tilespmem:s22+$0xF680] =	vst v37  }
0x261: {  	v9 =	vld.idx.msk [tilespmem:v9+s7+$0x0], $0xffff  }
0x262: {  	v10 =	vld.idx.msk [tilespmem:v10+s7+$0x0], $0xffff  }
0x263: {  	v11 =	vld.idx.msk [tilespmem:v11+s7+$0x0], $0xffff  }
0x264: {  	v12 =	vld.idx.msk [tilespmem:v53+s7+$0x0], $0xffff  }
0x265: {  	v13 =	vld.idx.msk [tilespmem:v54+s7+$0x0], $0xffff  }
0x266: {  	v14 =	vld.idx.msk [tilespmem:v55+s7+$0x0], $0xffff;
	v9 =	vsub.f32 v9, v6  }
0x267: {  	v15 =	vld.idx.msk [tilespmem:v56+s7+$0x0], $0xffff;
	v10 =	vsub.f32 v10, v6  }
0x268: {  	v16 =	vld.idx.msk [tilespmem:v57+s7+$0x0], $0xffff;
	v11 =	vsub.f32 v11, v6;
	[tilespmem:s21+$0x14680] =	vst v9  }
0x269: {  	v38 =	vsub.f32 v12, v6;
	[tilespmem:s21+$0x14700] =	vst v10  }
0x26a: {  	v39 =	vsub.f32 v13, v6;
	[tilespmem:s21+$0x14780] =	vst v11  }
0x26b: {  	v40 =	vsub.f32 v14, v6;
	[tilespmem:s18+$0x13680] =	vst v38  }
0x26c: {  	v41 =	vsub.f32 v15, v6;
	[tilespmem:s21+$0x14880] =	vst v39  }
0x26d: {  	v42 =	vsub.f32 v16, v6;
	[tilespmem:s21+$0x14900] =	vst v40  }
0x26e: {  	[tilespmem:s21+$0x14980] =	vst v41  }
0x26f: {  	[tilespmem:s22+$0x13680] =	vst v42  }
0x270: {  	v9 =	vld [tilespmem:s14+$0x5680]  }
0x271: {  	v10 =	vld [tilespmem:s14+$0x5880]  }
0x272: {  	v11 =	vld [tilespmem:s14+$0x5A80]  }
0x273: {  	v43 =	vld [tilespmem:s14+$0x5C80]  }
0x274: {  	v44 =	vld [tilespmem:s14+$0x5E80]  }
0x275: {  	v45 =	vld [tilespmem:s14+$0x6080]  }
0x276: {  	v46 =	vld [tilespmem:s14+$0x6280]  }
0x277: {  	v47 =	vld [tilespmem:s14+$0x6480]  }
0x278: {  	v17 =	vld.idx.msk [tilespmem:v9+s1+$0x0], $0xffff  }
0x279: {  	v18 =	vld.idx.msk [tilespmem:v10+s1+$0x0], $0xffff  }
0x27a: {  	v19 =	vld.idx.msk [tilespmem:v11+s1+$0x0], $0xffff  }
0x27b: {  	v48 =	vld.idx.msk [tilespmem:v43+s1+$0x0], $0xffff  }
0x27c: {  	v49 =	vld.idx.msk [tilespmem:v44+s1+$0x0], $0xffff  }
0x27d: {  	v50 =	vld.idx.msk [tilespmem:v45+s1+$0x0], $0xffff;
	v17 =	vsub.f32 v17, v8  }
0x27e: {  	v51 =	vld.idx.msk [tilespmem:v46+s1+$0x0], $0xffff;
	v18 =	vsub.f32 v18, v8  }
0x27f: {  	v52 =	vld.idx.msk [tilespmem:v47+s1+$0x0], $0xffff;
	v19 =	vsub.f32 v19, v8;
	[tilespmem:s21+$0xD680] =	vst v17  }
0x280: {  	v53 =	vsub.f32 v48, v8;
	[tilespmem:s21+$0xD700] =	vst v18  }
0x281: {  	s18 =	sor.u32 $0x2180, s19;
	v54 =	vsub.f32 v49, v8;
	[tilespmem:s21+$0xD780] =	vst v19  }
0x282: {  	v55 =	vsub.f32 v50, v8;
	[tilespmem:s18+$0xB680] =	vst v53  }
0x283: {  	v56 =	vsub.f32 v51, v8;
	[tilespmem:s21+$0xD880] =	vst v54  }
0x284: {  	v57 =	vsub.f32 v52, v8;
	[tilespmem:s21+$0xD900] =	vst v55  }
0x285: {  	s22 =	sor.u32 $0x2380, s20;
	[tilespmem:s21+$0xD980] =	vst v56  }
0x286: {  	[tilespmem:s22+$0xB680] =	vst v57  }
0x287: {  	v17 =	vld.idx.msk [tilespmem:v9+s6+$0x0], $0xffff  }
0x288: {  	v18 =	vld.idx.msk [tilespmem:v10+s6+$0x0], $0xffff  }
0x289: {  	v19 =	vld.idx.msk [tilespmem:v11+s6+$0x0], $0xffff  }
0x28a: {  	v58 =	vld.idx.msk [tilespmem:v43+s6+$0x0], $0xffff  }
0x28b: {  	v59 =	vld.idx.msk [tilespmem:v44+s6+$0x0], $0xffff  }
0x28c: {  	v60 =	vld.idx.msk [tilespmem:v45+s6+$0x0], $0xffff;
	v17 =	vsub.f32 v17, v7  }
0x28d: {  	v61 =	vld.idx.msk [tilespmem:v46+s6+$0x0], $0xffff;
	v18 =	vsub.f32 v18, v7  }
0x28e: {  	v62 =	vld.idx.msk [tilespmem:v47+s6+$0x0], $0xffff;
	v19 =	vsub.f32 v19, v7;
	[tilespmem:s21+$0x11680] =	vst v17  }
0x28f: {  	v63 =	vsub.f32 v58, v7;
	[tilespmem:s21+$0x11700] =	vst v18  }
0x290: {  	v25 =	vsub.f32 v59, v7;
	[tilespmem:s21+$0x11780] =	vst v19  }
0x291: {  	v26 =	vsub.f32 v60, v7;
	[tilespmem:s18+$0xF680] =	vst v63  }
0x292: {  	v27 =	vsub.f32 v61, v7;
	[tilespmem:s21+$0x11880] =	vst v25  }
0x293: {  	v28 =	vsub.f32 v62, v7;
	[tilespmem:s21+$0x11900] =	vst v26  }
0x294: {  	[tilespmem:s21+$0x11980] =	vst v27  }
0x295: {  	[tilespmem:s22+$0xF680] =	vst v28  }
0x296: {  	v9 =	vld.idx.msk [tilespmem:v9+s7+$0x0], $0xffff  }
0x297: {  	v10 =	vld.idx.msk [tilespmem:v10+s7+$0x0], $0xffff  }
0x298: {  	v11 =	vld.idx.msk [tilespmem:v11+s7+$0x0], $0xffff  }
0x299: {  	v12 =	vld.idx.msk [tilespmem:v43+s7+$0x0], $0xffff  }
0x29a: {  	v13 =	vld.idx.msk [tilespmem:v44+s7+$0x0], $0xffff  }
0x29b: {  	v14 =	vld.idx.msk [tilespmem:v45+s7+$0x0], $0xffff;
	v9 =	vsub.f32 v9, v6  }
0x29c: {  	v15 =	vld.idx.msk [tilespmem:v46+s7+$0x0], $0xffff;
	v10 =	vsub.f32 v10, v6  }
0x29d: {  	v16 =	vld.idx.msk [tilespmem:v47+s7+$0x0], $0xffff;
	v11 =	vsub.f32 v11, v6;
	[tilespmem:s21+$0x15680] =	vst v9  }
0x29e: {  	v29 =	vsub.f32 v12, v6;
	[tilespmem:s21+$0x15700] =	vst v10  }
0x29f: {  	v30 =	vsub.f32 v13, v6;
	[tilespmem:s21+$0x15780] =	vst v11  }
0x2a0: {  	v31 =	vsub.f32 v14, v6;
	[tilespmem:s18+$0x13680] =	vst v29  }
0x2a1: {  	v32 =	vsub.f32 v15, v6;
	[tilespmem:s21+$0x15880] =	vst v30  }
0x2a2: {  	v33 =	vsub.f32 v16, v6;
	[tilespmem:s21+$0x15900] =	vst v31  }
0x2a3: {  	[tilespmem:s21+$0x15980] =	vst v32  }
0x2a4: {  	[tilespmem:s22+$0x13680] =	vst v33  }
0x2a5: {  	v9 =	vld [tilespmem:s14+$0x6680]  }
0x2a6: {  	v10 =	vld [tilespmem:s14+$0x6880]  }
0x2a7: {  	v11 =	vld [tilespmem:s14+$0x6A80]  }
0x2a8: {  	v34 =	vld [tilespmem:s14+$0x6C80]  }
0x2a9: {  	v35 =	vld [tilespmem:s14+$0x6E80]  }
0x2aa: {  	v36 =	vld [tilespmem:s14+$0x7080]  }
0x2ab: {  	v37 =	vld [tilespmem:s14+$0x7280]  }
0x2ac: {  	v38 =	vld [tilespmem:s14+$0x7480]  }
0x2ad: {  	v17 =	vld.idx.msk [tilespmem:v9+s1+$0x0], $0xffff  }
0x2ae: {  	v18 =	vld.idx.msk [tilespmem:v10+s1+$0x0], $0xffff  }
0x2af: {  	v19 =	vld.idx.msk [tilespmem:v11+s1+$0x0], $0xffff  }
0x2b0: {  	v39 =	vld.idx.msk [tilespmem:v34+s1+$0x0], $0xffff  }
0x2b1: {  	v40 =	vld.idx.msk [tilespmem:v35+s1+$0x0], $0xffff  }
0x2b2: {  	v41 =	vld.idx.msk [tilespmem:v36+s1+$0x0], $0xffff;
	v17 =	vsub.f32 v17, v8  }
0x2b3: {  	v42 =	vld.idx.msk [tilespmem:v37+s1+$0x0], $0xffff;
	v18 =	vsub.f32 v18, v8  }
0x2b4: {  	v43 =	vld.idx.msk [tilespmem:v38+s1+$0x0], $0xffff;
	v19 =	vsub.f32 v19, v8;
	[tilespmem:s21+$0xE680] =	vst v17  }
0x2b5: {  	v44 =	vsub.f32 v39, v8;
	[tilespmem:s21+$0xE700] =	vst v18  }
0x2b6: {  	s19 =	sor.u32 $0x3180, s19;
	v45 =	vsub.f32 v40, v8;
	[tilespmem:s21+$0xE780] =	vst v19  }
0x2b7: {  	v46 =	vsub.f32 v41, v8;
	[tilespmem:s19+$0xB680] =	vst v44  }
0x2b8: {  	v47 =	vsub.f32 v42, v8;
	[tilespmem:s21+$0xE880] =	vst v45  }
0x2b9: {  	v8 =	vsub.f32 v43, v8;
	[tilespmem:s21+$0xE900] =	vst v46  }
0x2ba: {  	s22 =	sor.u32 $0x3380, s20;
	[tilespmem:s21+$0xE980] =	vst v47  }
0x2bb: {  	[tilespmem:s22+$0xB680] =	vst v8  }
0x2bc: {  	v8 =	vld.idx.msk [tilespmem:v9+s6+$0x0], $0xffff  }
0x2bd: {  	v17 =	vld.idx.msk [tilespmem:v10+s6+$0x0], $0xffff  }
0x2be: {  	v18 =	vld.idx.msk [tilespmem:v11+s6+$0x0], $0xffff  }
0x2bf: {  	v19 =	vld.idx.msk [tilespmem:v34+s6+$0x0], $0xffff  }
0x2c0: {  	v48 =	vld.idx.msk [tilespmem:v35+s6+$0x0], $0xffff  }
0x2c1: {  	v49 =	vld.idx.msk [tilespmem:v36+s6+$0x0], $0xffff;
	v8 =	vsub.f32 v8, v7  }
0x2c2: {  	v50 =	vld.idx.msk [tilespmem:v37+s6+$0x0], $0xffff;
	v17 =	vsub.f32 v17, v7  }
0x2c3: {  	v51 =	vld.idx.msk [tilespmem:v38+s6+$0x0], $0xffff;
	v18 =	vsub.f32 v18, v7;
	[tilespmem:s21+$0x12680] =	vst v8  }
0x2c4: {  	v52 =	vsub.f32 v19, v7;
	[tilespmem:s21+$0x12700] =	vst v17  }
0x2c5: {  	v53 =	vsub.f32 v48, v7;
	[tilespmem:s21+$0x12780] =	vst v18  }
0x2c6: {  	v54 =	vsub.f32 v49, v7;
	[tilespmem:s19+$0xF680] =	vst v52  }
0x2c7: {  	v55 =	vsub.f32 v50, v7;
	[tilespmem:s21+$0x12880] =	vst v53  }
0x2c8: {  	v7 =	vsub.f32 v51, v7;
	[tilespmem:s21+$0x12900] =	vst v54  }
0x2c9: {  	[tilespmem:s21+$0x12980] =	vst v55  }
0x2ca: {  	[tilespmem:s22+$0xF680] =	vst v7  }
0x2cb: {  	v7 =	vld.idx.msk [tilespmem:v9+s7+$0x0], $0xffff  }
0x2cc: {  	v8 =	vld.idx.msk [tilespmem:v10+s7+$0x0], $0xffff  }
0x2cd: {  	v56 =	vld.idx.msk [tilespmem:v11+s7+$0x0], $0xffff  }
0x2ce: {  	v57 =	vld.idx.msk [tilespmem:v34+s7+$0x0], $0xffff  }
0x2cf: {  	v58 =	vld.idx.msk [tilespmem:v35+s7+$0x0], $0xffff  }
0x2d0: {  	v59 =	vld.idx.msk [tilespmem:v36+s7+$0x0], $0xffff;
	v7 =	vsub.f32 v7, v6  }
0x2d1: {  	v60 =	vld.idx.msk [tilespmem:v37+s7+$0x0], $0xffff;
	v8 =	vsub.f32 v8, v6  }
0x2d2: {  	v61 =	vld.idx.msk [tilespmem:v38+s7+$0x0], $0xffff;
	v9 =	vsub.f32 v56, v6;
	[tilespmem:s21+$0x16680] =	vst v7  }
0x2d3: {  	v7 =	vsub.f32 v57, v6;
	[tilespmem:s21+$0x16700] =	vst v8  }
0x2d4: {  	p1 =	sne.s32 s2, $0x1F0;
	v62 =	vsub.f32 v58, v6;
	[tilespmem:s21+$0x16780] =	vst v9  }
.Ltmp8:
0x2d5: {  	v63 =	vsub.f32 v59, v6;
	[tilespmem:s19+$0x13680] =	vst v7;
	(pc) =	sbr.rel @p1 .LBB2_13-.Ltmp8, $4  }
0x2d6: {  	v7 =	vsub.f32 v60, v6;
	[tilespmem:s21+$0x16880] =	vst v62  }
0x2d7: {  	v6 =	vsub.f32 v61, v6;
	[tilespmem:s21+$0x16900] =	vst v63  }
0x2d8: {  	s5 =	sadd.s32 $0x80, s5;
	s25 =	sadd.s32 $0x10, s25;
	s8 =	sadd.s32 $0x10, s8;
	[tilespmem:s21+$0x16980] =	vst v7  }
0x2d9: {  	s9 =	sadd.s32 $0x10, s9;
	s10 =	sadd.s32 $0x10, s10;
	s2 =	sadd.s32 $0x10, s2;
	[tilespmem:s22+$0x13680] =	vst v6  }
0x2da: {  	s2 =	rddreg [dreg:$0xe];
	s5 =	simm.s32 $0xB680  }
0x2db: {  	[hbm4b:s2+s6] =	stream.strided.scatter [tilespmem:s5], [sflag:$0x5], $0x4000, s7, s6, $0x38;
	[tilespmem:$0x1B680] =	vst v63  }
0x2dc: {  	s5 =	simm.s32 $0x5  }
0x2dd: {  	_ =	swait.ge [sflag:s5], $0x4000  }
0x2de: {  	[sflag:s5] =	ssyncset.done $0x0  }
0x2df: {  	s8 =	simm.s32 $0xF680;
	s19 =	rddreg [dreg:$0xf];
	[sflag:s5] =	ssyncadd.s32 $0xFFFFC000  }
0x2e0: {  	[hbm4b:s19+s6] =	stream.strided.scatter [tilespmem:s8], [sflag:$0x5], $0x4000, s7, s6, $0x38;
	[tilespmem:$0x1B680] =	vst v63  }
0x2e1: {  	_ =	swait.ge [sflag:s5], $0x4000  }
0x2e2: {  	[sflag:s5] =	ssyncset.done $0x0  }
0x2e3: {  	s21 =	simm.s32 $0x13680;
	s20 =	rddreg [dreg:$0x10];
	[sflag:s5] =	ssyncadd.s32 $0xFFFFC000  }
0x2e4: {  	[hbm4b:s20+s6] =	stream.strided.scatter [tilespmem:s21], [sflag:$0x5], $0x4000, s7, s6, $0x38;
	[tilespmem:$0x1B680] =	vst v63  }
0x2e5: {  	_ =	swait.ge [sflag:s5], $0x4000  }
0x2e6: {  	s25 =	rddreg [dreg:$0x14]  }
0x2e7: {  	s22 =	rddreg [dreg:$0x13];
	s25 =	sadd.s32 $0x1, s25  }
0x2e8: {  	p1 =	sne.s32 s25, s22  }
.Ltmp9:
0x2e9: {  	_ = 	snop;
	(pc) =	sbr.rel @p1 .LBB2_1-.Ltmp9, $3  }
0x2ea: {  	_ =	sdelay $0x1  }
0x2eb: {  	[sflag:s5] =	ssyncset.done $0x0  }
0x2ec: {  	s21 =	simm.s32 $0x3000;
	[sflag:s5] =	ssyncadd.s32 $0xFFFFC000;
	s22 =	simm.s32 $0x3200  }
0x2ed: {  	_ =	sfence.sel $0x180000  }
0x2ee: {  	[bflag:$0x0] =	sbarrier.arrive $0xFFFF  }
0x2ef: {  	_ =	strace $0x9000004A  }
0x2f0: {  	s0 =	stileid.u32;
	[bflag:$0x2] =	sbarrier.arrive $0xFFFF  }
0x2f1: {  	p0 =	sne.s32 s0, $0x0;
	s0 =	rddreg [dreg:$0x2]  }
0x2f2: {  	s0 =	sadd.s32 @!p0 $0x100000, s0  }
0x2f3: {  	[sflag:s0] =	ssyncadd.tile.s32 @!p0 $0x1;
	_ =	shalt  }
.Lfunc_end2:
_tile_overlayer_lowered:
.L_overlay_start_2:
0x2f4: {  	(tag) =	ssettag $0x2  }
0x2f5: {  	s0 =	rddreg [dreg:$0x0];
	s2 =	stileid.u32  }
0x2f6: {  	s1 =	rddreg [dreg:$0x1];
	p0 =	sne.s32 s2, $0x0  }
0x2f7: {  	s3 =	rddreg [dreg:$0x2];
	[bflag:$0x3] =	sbarrier.arrive $0xFFFF;
	s2 =	simm.s32 @!p0 $0x1C05  }
0x2f8: {  	[timem:s3], [sflag:s2] =	dma.local @!p0 [hbm:s0], s1  }
0x2f9: {  	s0 =	simm.s32 @!p0 $0x5  }
0x2fa: {  	_ =	swait.ge @!p0 [sflag:s0], s1  }
0x2fb: {  	s1 =	ssub.s32 @!p0 $0x0, s1;
	[sflag:s0] =	ssyncset.done @!p0 $0x0  }
0x2fc: {  	[sflag:s0] =	ssyncadd.s32 @!p0 s1  }
0x2fd: {  	[bflag:$0x3] =	sbarrier.arrive $0xFFFF  }
0x2fe: {  	_ =	shalt  }

// kernel: sparse-core-data-format-call.cloned.1.call-start
scs
called_computation_lowered:
.L_overlay_start_0:
0x0: {  	s2 =	sld [smem:$0x3FD9]  }
0x1: {  	s3 =	sld [smem:$0x3FFE];
	_ =	sdelay $0x1  }
0x2: {  	s1 =	srdreg.scid  }
0x3: {  	s0 =	sand.u32 $0x1, s1  }
0x4: {  	s18 =	sshll.u32 s0, $0xA;
	s2 =	sadd.s32 s3, s2  }
0x5: {  	s2 =	sadd.s32 s2, s18  }
0x6: {  	[smem:$0x3FC5] =	sst s2  }
0x7: {  	_ = 	snop  }
0x8: {  	s2 =	sld [smem:$0x3FC7];
	(tm) =	ssettm $0x1  }
0x9: {  	s19 =	sld [smem:$0x3FFB];
	_ =	sdelay $0x3  }
0xa: {  	_ =	strace s19  }
0xb: {  	s3 =	sld [smem:$0x3FFC];
	_ =	sdelay $0x3  }
0xc: {  	_ =	strace s3  }
0xd: {  	s3 =	sld [smem:$0x3FFD];
	_ =	sdelay $0x3  }
0xe: {  	_ =	strace s3  }
0xf: {  	_ =	strace $0x8FFFFFFF  }
0x10: {  	s20 =	sld [smem:$0x3FDB];
	_ =	sdelay $0x1  }
0x11: {  	s4 =	simm.s32 $_scs_section_size  }
0x12: {  	s5 =	simm.s32 $_size__tile_overlayer_lowered;
	s6 =	simm.s32 $_tile_overlayer_lowered  }
0x13: {  	s23 =	simm.s32 $0x1BFF;
	s22 =	sshll.u32 s6, $0x1;
	s3 =	sadd.s32 s4, s20  }
0x14: {  	s7 =	simm.s32 $0x0;
	s21 =	sshll.u32 s5, $0x1;
	s5 =	sadd.s32 s22, s3  }
0x15: {  	[timem:s7], [sflag:s23] =	dma.local [hbm:s5], s21  }
0x16: {  	_ =	swait.ge [sflag:s23], s21  }
0x17: {  	s4 =	ssub.s32 $0x0, s21;
	[sflag:s23] =	ssyncset.done $0x0  }
0x18: {  	[sflag:s23] =	ssyncadd.s32 s4;
	_ =	sdelay $0x1  }
0x19: {  	s24 =	simm.s32 $0x1B8B  }
0x1a: {  	_ =	swait.ge [sflag:s24], $0x1  }
0x1b: {  	[sflag:s24] =	ssyncset.done $0x0  }
0x1c: {  	s26 =	simm.s32 $0x1B8E;
	s25 =	sld [smem:$0x3FFE];
	[sflag:s24] =	ssyncadd.s32 $0xFFFFFFFF  }
0x1d: {  	s27 =	simm.s32 $execute0_lowered;
	[smem:$0x3FD2] =	sst s26  }
0x1e: {  	s5 =	sshll.u32 s27, $0x1;
	_ =	strace $0x80000046;
	[dreg:$0x1] =	wrdreg $0xFFFFFFFF  }
0x1f: {  	s28 =	simm.s32 $_size_execute0_lowered;
	s3 =	sadd.s32 s3, s5;
	[dreg:$0x0] =	wrdreg $0x0  }
0x20: {  	s5 =	sshll.u32 s28, $0x1;
	[dreg:$0x2] =	wrdreg s3  }
0x21: {  	[dreg:$0x3] =	wrdreg s5  }
0x22: {  	[dreg:$0x4] =	wrdreg $0xC0  }
0x23: {  	_ =	task [dreg:s7], $0x5FFFF  }
0x24: {  	[dreg:$0x1] =	wrdreg $0xFFFFFFFF  }
0x25: {  	[dreg:$0x0] =	wrdreg $0x60  }
0x26: {  	[dreg:$0x2] =	wrdreg s2  }
0x27: {  	[dreg:$0x3] =	wrdreg s25  }
0x28: {  	[dreg:$0x4] =	wrdreg $0x9  }
0x29: {  	_ =	task.clear_ibuf [dreg:s7], $0x5FFFF;
	_ =	strace $0x90000046  }
0x2a: {  	s29 =	simm.s32 $0x9;
	_ =	strace $0x80000048  }
0x2b: {  	_ =	swait.ge [sflag:s29], $0x1  }
0x2c: {  	[sflag:s29] =	ssyncadd.s32 $0xFFFFFFFF  }
0x2d: {  	_ =	strace $0x90000048  }
0x2e: {  	_ =	sfence  }
0x2f: {  	s30 =	sld [smem:$0x0];
	_ =	sdelay $0x2  }
0x30: {  	s31 =	sshll.u32 s1, $0xD;
	s1 =	sshrl.u32 s1, $0x2  }
0x31: {  	s3 =	sand.u32 $0x4000, s31;
	s1 =	sadd.s32 s1, s30  }
0x32: {  	s0 =	sor.u32 s3, s0;
	s1 =	sshll.u32 s1, $0x11  }
0x33: {  	s0 =	sor.u32 s1, s0  }
0x34: {  	s0 =	sadd.s32 $0x8F2B, s0  }
0x35: {  	[sflag:s0] =	ssyncadd.remote.s32 $0x1  }
0x36: {  	_ =	sfence.sel $0xFFFF  }
0x37: {  	[dreg:$0x0] =	wrdreg $0xFFFFFFFF;
	(pc) =	sbr.abs _section_cstart, $3  }
0x38: {  	[dreg:$0x1] =	wrdreg $0xFFFFFFFF  }
0x39: {  	_ =	task.clear_ibuf [dreg:s7], $0x2FFFF;
	_ =	strace $0x9FFFFFFF  }
0x3a: {  	(tm) =	ssettm $0x7FFFFFFF  }
0x3b: {  	_ =	shalt  }
tec
execute0_lowered:
.L_overlay_start_1:
0x0: {  	(tag) =	ssettag $0x1  }
0x1: {  	s2 =	rddreg [dreg:$0x0]  }
0x2: {  	s1 =	rddreg [dreg:$0x1]  }
0x3: {  	s0 =	rddreg [dreg:$0x2];
	_ =	strace $0x80000047;
	s4 =	srdreg.scid  }
0x4: {  	s6 =	simm.s32 $0x2;
	s11 =	simm.s32 $0x0;
	p0 =	por $0x0, $0x0  }
.Ltmp0:
0x5: {  	s7 =	simm.s32 $0x1000;
	s12 =	simm.s32 $0x0;
	(pc) =	sbr.rel .LBB1_1-.Ltmp0, $4  }
0x6: {  	s9 =	simm.s32 $0x0;
	s3 =	sadd.s32 $0xC00, s1;
	s5 =	sshll.u32 s4, $0x4  }
0x7: {  	s1 =	stileid.u32;
	s4 =	simm.s32 $0x1;
	s5 =	sand.u32 $0x10, s5  }
0x8: {  	s8 =	simm.s32 $0x0;
	[sflag:s4] =	ssyncpa.u1 $0x0;
	s5 =	sor.u32 s1, s5  }
0x9: {  	[sflag:s6] =	ssyncpa.u1 $0x0;
	s6 =	simm.s32 $0x800;
	s10 =	smov.u32 s5  }
.LBB1_7:
0xa: {  	s13 =	sadd.s32 $0x10, s9  }
0xb: {  	s11 =	sadd.s32 $0x20, s10;
	s15 =	smov.u32 s10;
	p2 =	sgt.s32 s13, $0x1F  }
0xc: {  	p1 =	slt.u32 s8, $0x2;
	s15 =	smov.u32 @p2 s11  }
0xd: {  	s8 =	sadd.s32 $0x1, s8;
	s13 =	simm.s32 @p2 $0x0;
	p2 =	sgt.s32 s15, $0xFF  }
0xe: {  	s15 =	smov.u32 @p2 s5;
	p2 =	sne.s32 s8, $0x12  }
.Ltmp1:
0xf: {  	_ = 	snop;
	(pc) =	sbr.rel @!p2 .LBB1_8-.Ltmp1, $4  }
0x10: {  	s14 =	simm.s32 @!p1 $0x2  }
0x11: {  	s12 =	smov.u32 s10;
	_ =	swait.ge @!p1 [sflag:s14], $0x4000  }
0x12: {  	p0 =	por !p0, !p0;
	s11 =	smov.u32 s9;
	[sflag:s14] =	ssyncset.done @!p1 $0x0  }
0x13: {  	s9 =	smov.u32 s13;
	[sflag:s14] =	ssyncadd.s32 @!p1 $0xFFFFC000;
	s10 =	smov.u32 s15  }
.LBB1_1:
0x14: {  	p1 =	sgt.u32 s8, $0xF  }
0x15: {  	s13 =	sxor.u32 @!p1 $0xFFFFFFFF, s8;
	s14 =	sshll.u32 @!p1 s10, $0xC  }
0x16: {  	s15 =	sshll.u32 @!p1 s9, $0x7;
	s13 =	sshll.u32 @!p1 s13, $0xE;
	s14 =	sadd.s32 @!p1 s2, s14  }
0x17: {  	s13 =	sand.u32 @!p1 $0x4000, s13;
	s14 =	sadd.s32 @!p1 s15, s14;
	s15 =	simm.s32 @!p1 $0x0  }
0x18: {  	[tilespmem:s13], [sflag:$0x1] =	stream.linear.gather @!p1 [hbm4b:s14+s15], $0x4000, $0x38;
	[tilespmem:$0x10000] =	vst v63  }
0x19: {  	p1 =	seq.s32 s8, $0x0  }
0x1a: {  	p2 =	seq.s32 @!p1 s8, $0x11  }
0x1b: {  	p1 =	por p1, p2  }
.Ltmp2:
0x1c: {  	_ = 	snop;
	(pc) =	sbr.rel @p1 .LBB1_7-.Ltmp2, $1  }
0x1d: {  	_ =	sdelay $0x3  }
0x1e: {  	s13 =	simm.s32 $0x1;
	_ =	swait.ge [sflag:s4], $0x4000;
	s16 =	sshll.u32 s8, $0xE  }
0x1f: {  	s13 =	simm.s32 @!p0 $0x0;
	[sflag:s4] =	ssyncset.done $0x0;
	s31 =	sand.u32 $0x4000, s16  }
0x20: {  	s16 =	simm.s32 $0x0;
	s14 =	sshll.u32 s13, $0xE;
	[sflag:s4] =	ssyncadd.s32 $0xFFFFC000  }
0x21: {  	s13 =	sor.u32 $0x8040, s14;
	s15 =	sor.u32 $0x40, s14;
	s14 =	sor.u32 $0x8000, s31  }
.LBB1_3:
0x22: {  	v0 =	vmov s15;
	_ =	sdelay $0x3  }
0x23: {  	s18 =	simm.s32 $0x0  }
0x24: {  	v6 =	vld.idx.msk [tilespmem:v0+s18+$0x30 ss:$0x1], $0xffff  }
0x25: {  	v7 =	vld.idx.msk [tilespmem:v0+s18+$0xFFFFFFC0 ss:$0x1], $0xffff  }
0x26: {  	v5 =	vld.idx.msk [tilespmem:v0+s18+$0xFFFFFFD0 ss:$0x1], $0xffff  }
0x27: {  	v4 =	vld.idx.msk [tilespmem:v0+s18+$0xFFFFFFE0 ss:$0x1], $0xffff  }
0x28: {  	v3 =	vld.idx.msk [tilespmem:v0+s18+$0xFFFFFFF0 ss:$0x1], $0xffff  }
0x29: {  	v1 =	vld.idx.msk [tilespmem:v0+s18+$0x0 ss:$0x1], $0xffff  }
0x2a: {  	v2 =	vld.idx.msk [tilespmem:v0+s18+$0x10 ss:$0x1], $0xffff;
	[tilespmem:s13+$0x30] =	vst v6  }
0x2b: {  	s17 =	simm.s32 $0x80;
	s19 =	simm.s32 $0x400;
	[tilespmem:s13+$0xFFFFFFC0] =	vst v7;
	v6 =	vld.idx.msk [tilespmem:v0+s18+$0x20 ss:$0x1], $0xffff;
	s18 =	smov.u32 s13  }
.LBB1_4:
0x2c: {  	p1 =	sne.s32 s19, $0xE00;
	v7 =	vld.idx.msk [tilespmem:v0+s17+$0x30 ss:$0x1], $0xffff;
	[tilespmem:s18+$0xFFFFFFD0] =	vst v5  }
0x2d: {  	v8 =	vld.idx.msk [tilespmem:v0+s17+$0xFFFFFFC0 ss:$0x1], $0xffff;
	[tilespmem:s18+$0xFFFFFFE0] =	vst v4  }
0x2e: {  	v5 =	vld.idx.msk [tilespmem:v0+s17+$0xFFFFFFD0 ss:$0x1], $0xffff;
	[tilespmem:s18+$0xFFFFFFF0] =	vst v3  }
.Ltmp3:
0x2f: {  	v4 =	vld.idx.msk [tilespmem:v0+s17+$0xFFFFFFE0 ss:$0x1], $0xffff;
	[tilespmem:s18+$0x0] =	vst v1;
	(pc) =	sbr.rel @p1 .LBB1_4-.Ltmp3, $4  }
0x30: {  	v3 =	vld.idx.msk [tilespmem:v0+s17+$0xFFFFFFF0 ss:$0x1], $0xffff;
	[tilespmem:s18+$0x10] =	vst v2  }
0x31: {  	v1 =	vld.idx.msk [tilespmem:v0+s17+$0x0 ss:$0x1], $0xffff;
	[tilespmem:s18+$0x20] =	vst v6;
	s18 =	sadd.s32 $0x800, s18  }
0x32: {  	v2 =	vld.idx.msk [tilespmem:v0+s17+$0x10 ss:$0x1], $0xffff;
	[tilespmem:s18+$0x30] =	vst v7  }
0x33: {  	[tilespmem:s18+$0xFFFFFFC0] =	vst v8;
	v6 =	vld.idx.msk [tilespmem:v0+s17+$0x20 ss:$0x1], $0xffff;
	s17 =	sshra.s32 s19, $0x2;
	s19 =	sadd.s32 $0x200, s19  }
0x34: {  	_ =	sdelay $0x2  }
0x35: {  	[tilespmem:s18+$0xFFFFFFD0] =	vst v5  }
0x36: {  	v56 =	vld.idx.msk [tilespmem:v0+s17+$0x30 ss:$0x1], $0xffff;
	[tilespmem:s18+$0xFFFFFFE0] =	vst v4  }
0x37: {  	v57 =	vld.idx.msk [tilespmem:v0+s17+$0xFFFFFFC0 ss:$0x1], $0xffff;
	[tilespmem:s18+$0xFFFFFFF0] =	vst v3  }
0x38: {  	v58 =	vld.idx.msk [tilespmem:v0+s17+$0xFFFFFFD0 ss:$0x1], $0xffff;
	[tilespmem:s18+$0x0] =	vst v1  }
0x39: {  	v59 =	vld.idx.msk [tilespmem:v0+s17+$0xFFFFFFE0 ss:$0x1], $0xffff;
	[tilespmem:s18+$0x10] =	vst v2  }
0x3a: {  	v60 =	vld.idx.msk [tilespmem:v0+s17+$0xFFFFFFF0 ss:$0x1], $0xffff;
	s31 =	sadd.s32 $0x800, s18;
	[tilespmem:s18+$0x20] =	vst v6  }
0x3b: {  	v61 =	vld.idx.msk [tilespmem:v0+s17+$0x0 ss:$0x1], $0xffff;
	[tilespmem:s31+$0x30] =	vst v56  }
0x3c: {  	v62 =	vld.idx.msk [tilespmem:v0+s17+$0x10 ss:$0x1], $0xffff;
	s16 =	sadd.s32 $0x1, s16;
	[tilespmem:s31+$0xFFFFFFC0] =	vst v57  }
0x3d: {  	v63 =	vld.idx.msk [tilespmem:v0+s17+$0x20 ss:$0x1], $0xffff;
	p1 =	sne.s32 s16, $0x10;
	[tilespmem:s31+$0xFFFFFFD0] =	vst v58  }
.Ltmp4:
0x3e: {  	[tilespmem:s31+$0xFFFFFFE0] =	vst v59;
	(pc) =	sbr.rel @p1 .LBB1_3-.Ltmp4, $4  }
0x3f: {  	[tilespmem:s31+$0xFFFFFFF0] =	vst v60  }
0x40: {  	[tilespmem:s31+$0x0] =	vst v61  }
0x41: {  	[tilespmem:s31+$0x10] =	vst v62  }
0x42: {  	s13 =	sadd.s32 $0x80, s13;
	s15 =	sadd.s32 $0x400, s15;
	[tilespmem:s31+$0x20] =	vst v63  }
.Ltmp5:
0x43: {  	(pc) =	sbr.rel .LBB1_7-.Ltmp5, $4  }
0x44: {  	s12 =	sshll.u32 s12, $0xC;
	s11 =	sshll.u32 s11, $0x4  }
0x45: {  	s11 =	sand.u32 $0x1F0, s11;
	s12 =	sadd.s32 s3, s12  }
0x46: {  	s11 =	sadd.s32 s11, s12  }
0x47: {  	[hbm4b:s11+s6] =	stream.strided.scatter [tilespmem:s14], [sflag:$0x2], $0x4000, s7, s6, $0x38;
	[tilespmem:$0x10000] =	vst v63  }
.LBB1_8:
0x48: {  	_ =	sfence.sel $0x180000  }
0x49: {  	s2 =	simm.s32 $0x1;
	[bflag:$0x0] =	sbarrier.arrive $0xFFFF  }
0x4a: {  	s31 =	simm.s32 $0x2;
	[sflag:s2] =	ssyncpa.u1 $0x1  }
0x4b: {  	[sflag:s31] =	ssyncpa.u1 $0x1  }
0x4c: {  	p0 =	sne.s32 s1, $0x0;
	_ =	strace $0x90000047  }
0x4d: {  	s0 =	sadd.s32 @!p0 $0x100000, s0;
	[bflag:$0x2] =	sbarrier.arrive $0xFFFF  }
0x4e: {  	[sflag:s0] =	ssyncadd.tile.s32 @!p0 $0x1;
	_ =	shalt  }
.Lfunc_end1:
_tile_overlayer_lowered:
.L_overlay_start_2:
0x4f: {  	(tag) =	ssettag $0x2  }
0x50: {  	s0 =	rddreg [dreg:$0x0];
	s2 =	stileid.u32  }
0x51: {  	s1 =	rddreg [dreg:$0x1];
	p0 =	sne.s32 s2, $0x0  }
0x52: {  	s3 =	rddreg [dreg:$0x2];
	[bflag:$0x3] =	sbarrier.arrive $0xFFFF;
	s2 =	simm.s32 @!p0 $0x1C01  }
0x53: {  	[timem:s3], [sflag:s2] =	dma.local @!p0 [hbm:s0], s1  }
0x54: {  	s0 =	simm.s32 @!p0 $0x1  }
0x55: {  	_ =	swait.ge @!p0 [sflag:s0], s1  }
0x56: {  	s1 =	ssub.s32 @!p0 $0x0, s1;
	[sflag:s0] =	ssyncset.done @!p0 $0x0  }
0x57: {  	[sflag:s0] =	ssyncadd.s32 @!p0 s1  }
0x58: {  	[bflag:$0x3] =	sbarrier.arrive $0xFFFF  }
0x59: {  	_ =	shalt  }

</sc_bundles>
